<compile_context>
chip_gen: v7x
topology: tpu7x:2x2x1
jax: 0.10.2.dev20260603
libtpu: 0.0.44.dev20260713+nightly
codegen_flags: <defaults>
</compile_context>

<pallas_src>
import functools

import jax
import jax.numpy as jnp
from jax import lax
from jax.experimental import pallas as pl
from jax.experimental.pallas import tpu as pltpu
from jax.experimental.pallas import tpu_sc as plsc

N = 10000
E = 320000
D = 128
H1 = 8
HID = 32
F1 = H1 * HID
C = 40
NEG = 0.2
SHIFT = 8.0
EPS = 1e-16

NC = 2
NS = 16
K = 64

E2 = E + N
E2P = 335872
EPT1 = E2P // NS
NCH1 = EPT1 // K
EPT2 = E2P // (NS * NC)
NCH2 = EPT2 // K
NACC = 10112
STRIPE = NACC // NS

BN = 1000
GRID = N // BN


def _tc_matmul1(x, w1ext):
    def body(x_ref, w_ref, o_ref):
        o_ref[...] = jnp.dot(x_ref[...], w_ref[...],
                             preferred_element_type=jnp.float32)

    return pl.pallas_call(
        body,
        grid=(GRID,),
        in_specs=[
            pl.BlockSpec((BN, D), lambda i: (i, 0)),
            pl.BlockSpec((D, 384), lambda i: (0, 0)),
        ],
        out_specs=pl.BlockSpec((BN, 384), lambda i: (i, 0)),
        out_shape=jax.ShapeDtypeStruct((N, 384), jnp.float32),
    )(x, w1ext)


def _tc_mid(acc0, acc1, b1, w2ext):
    def body(a0_ref, a1_ref, b_ref, w_ref, o_ref):
        a0 = a0_ref[...]
        a1 = a1_ref[...]
        parts = []
        for a in (a0, a1):
            for k in range(4):
                num = a[:, 32 * k:32 * (k + 1)]
                den = a[:, 128 + k:129 + k] + EPS
                parts.append(num / den)
        h2 = jnp.concatenate(parts, axis=1) + b_ref[...]
        h2 = jnp.where(h2 > 0, h2, jnp.exp(h2) - 1.0)
        m = jnp.dot(h2, w_ref[...], preferred_element_type=jnp.float32)
        cols = lax.broadcasted_iota(jnp.int32, m.shape, 1)
        o_ref[...] = jnp.where(cols == C, 1.0, m)

    return pl.pallas_call(
        body,
        grid=(GRID,),
        in_specs=[
            pl.BlockSpec((BN, 144), lambda i: (i, 0)),
            pl.BlockSpec((BN, 144), lambda i: (i, 0)),
            pl.BlockSpec((1, F1), lambda i: (0, 0)),
            pl.BlockSpec((F1, 128), lambda i: (0, 0)),
        ],
        out_specs=pl.BlockSpec((BN, 128), lambda i: (i, 0)),
        out_shape=jax.ShapeDtypeStruct((N, 128), jnp.float32),
    )(acc0, acc1, b1, w2ext)


def _tc_final(acc0, acc1, b2):
    def body(a0_ref, a1_ref, b_ref, o_ref):
        s = a0_ref[...] + a1_ref[...]
        z = s[:, :C] / (s[:, C:C + 1] + EPS) + b_ref[...]
        m = jnp.max(z, axis=1, keepdims=True)
        e = z - m
        o_ref[...] = e - jnp.log(jnp.sum(jnp.exp(e), axis=1, keepdims=True))

    return pl.pallas_call(
        body,
        grid=(GRID,),
        in_specs=[
            pl.BlockSpec((BN, 48), lambda i: (i, 0)),
            pl.BlockSpec((BN, 48), lambda i: (i, 0)),
            pl.BlockSpec((1, C), lambda i: (0, 0)),
        ],
        out_specs=pl.BlockSpec((BN, C), lambda i: (i, 0)),
        out_shape=jax.ShapeDtypeStruct((N, C), jnp.float32),
    )(acc0, acc1, b2)


def _sc_edge_kernel(table, dtable, srcp, dstp, zrows, width, nch,
                    split_edges, adjust, edge_body, row_spec):
    mesh = plsc.VectorSubcoreMesh(core_axis_name="c", subcore_axis_name="s")

    @functools.partial(
        pl.kernel, mesh=mesh,
        compiler_params=pltpu.CompilerParams(use_tc_tiling_on_sc=False, needs_layout_passes=False),
        out_type=jax.ShapeDtypeStruct((NC * NACC, width), jnp.float32),
        scratch_types=[
            pltpu.VMEM_SHARED((NACC, width), jnp.float32),
            [pltpu.VMEM((K,), jnp.int32)] * 4,
            [pltpu.VMEM((K,), jnp.int32)] * 4,
            [pltpu.VMEM((K,), jnp.int32)] * 4,
            [pltpu.VMEM(*row_spec)] * 2,
            [pltpu.VMEM((K, 16), jnp.float32)] * 2,
            [pltpu.VMEM((K, width), jnp.float32)] * 2,
            [pltpu.SemaphoreType.DMA] * 4,
            [pltpu.SemaphoreType.DMA] * 2,
            [pltpu.SemaphoreType.DMA] * 2,
            [pltpu.SemaphoreType.DMA] * 2,
        ],
    )
    def k(ta_h, td_h, src_h, dst_h, z_h, out_h,
          acc, sidx, didxr, didxa, rows, adrows, msg, isem, gsem, asem, ssem):
        c = lax.axis_index("c")
        s = lax.axis_index("s")
        pltpu.sync_copy(z_h, acc.at[pl.ds(s * STRIPE, STRIPE)])
        plsc.subcore_barrier()

        ept = E2P // (NS * NC) if split_edges else E2P // NS
        base = (c * (E2P // 2) + s * ept) if split_edges else s * ept
        cn = c * N
        consts = (lax.iota(jnp.int32, 16), c)

        def idx_start(ci, r):
            off = base + ci * K
            pltpu.async_copy(src_h.at[pl.ds(off, K)], sidx[r], isem[r])
            pltpu.async_copy(dst_h.at[pl.ds(off, K)], didxr[r], isem[r])

        def idx_finish(ci, r):
            pltpu.make_async_copy(src_h.at[pl.ds(0, K)], sidx[r],
                                  isem[r]).wait()
            pltpu.make_async_copy(dst_h.at[pl.ds(0, K)], didxr[r],
                                  isem[r]).wait()
            if adjust:
                for j in range(K // 16):
                    sl = pl.ds(16 * j, 16)
                    sidx[r][sl] = sidx[r][sl] + cn
                    didxa[r][sl] = didxr[r][sl] + cn

        def gather_start(r, b):
            dref = didxa[r] if adjust else didxr[r]
            pltpu.async_copy(ta_h.at[sidx[r]], rows[b], gsem[b])
            pltpu.async_copy(td_h.at[dref], adrows[b], asem[b])

        def gather_finish(r, b):
            dref = didxa[r] if adjust else didxr[r]
            pltpu.make_async_copy(ta_h.at[sidx[r]], rows[b], gsem[b]).wait()
            pltpu.make_async_copy(td_h.at[dref], adrows[b], asem[b]).wait()

        def compute(b):
            edge_body(rows[b], adrows[b], msg[b], consts)

        def scatter_wait(r, b):
            pltpu.make_async_copy(msg[b], acc.at[didxr[r]], ssem[b]).wait()

        idx_start(0, 0)
        idx_start(1, 1)
        idx_finish(0, 0)
        gather_start(0, 0)

        def step(g, carry):
            for j in range(4):
                ci = 4 * g + j
                b = j % 2
                nb = 1 - b

                @pl.when(ci >= 2)
                def _():
                    scatter_wait((j - 2) % 4, b)

                @pl.when(ci + 2 < nch)
                def _():
                    idx_start(ci + 2, (j + 2) % 4)

                @pl.when(ci + 1 < nch)
                def _():
                    idx_finish(ci + 1, (j + 1) % 4)
                    gather_start((j + 1) % 4, nb)

                gather_finish(j, b)
                compute(b)
                pltpu.async_copy(msg[b], acc.at[didxr[j]], ssem[b],
                                 add=True)
            return carry

        lax.fori_loop(0, nch // 4, step, 0)
        scatter_wait((nch - 2) % 4, 0)
        scatter_wait((nch - 1) % 4, 1)
        plsc.subcore_barrier()
        pltpu.sync_copy(acc.at[pl.ds(s * STRIPE, STRIPE)],
                        out_h.at[pl.ds(c * NACC + s * STRIPE, STRIPE)])

    return k(table, dtable, srcp, dstp, zrows)


def _edge_body1(rows, adrows, msg, consts):
    @plsc.parallel_loop(0, K, unroll=4)
    def _(e):
        asx = plsc.bitcast(rows[e, pl.ds(128, 32)], jnp.float32)
        u = asx + adrows[e, pl.ds(0, 16)]
        lk = jnp.where(u > 0, u, NEG * u) - SHIFT
        w = jnp.exp(lk)
        msg[e, pl.ds(128, 16)] = w
        ws = [jnp.full((16,), w[j], jnp.float32) for j in range(4)]
        for g in range(4):
            lo, hi = plsc.unpack(rows[e, pl.ds(32 * g, 32)],
                                 format=plsc.PackFormat.INTERLEAVED,
                                 preferred_element_type=jnp.float32)
            msg[e, pl.ds(32 * g, 16)] = lo * ws[g]
            msg[e, pl.ds(32 * g + 16, 16)] = hi * ws[g]


def _edge_body2(rows, adrows, msg, consts):
    @plsc.parallel_loop(0, K, unroll=4)
    def _(e):
        r2 = rows[e, pl.ds(32, 16)]
        adx = adrows[e, pl.ds(0, 16)]
        qv = jnp.full((16,), r2[9] + adx[0], jnp.float32)
        lk = jnp.where(qv > 0, qv, NEG * qv) - SHIFT
        wv = jnp.exp(lk)
        msg[e, pl.ds(0, 16)] = rows[e, pl.ds(0, 16)] * wv
        msg[e, pl.ds(16, 16)] = rows[e, pl.ds(16, 16)] * wv
        msg[e, pl.ds(32, 16)] = r2 * wv


def kernel(x, edge_index, W1, a_src1, a_dst1, b1, W2, a_src2, a_dst2, b2):
    f32 = jnp.float32
    loop = jnp.arange(N, dtype=edge_index.dtype)
    src = jnp.concatenate([edge_index[0], loop])
    dst = jnp.concatenate([edge_index[1], loop])
    npad = E2P - E2
    srcp = jnp.concatenate([src, jnp.zeros((npad,), jnp.int32)])
    dstp = jnp.concatenate([dst, jnp.full((npad,), N, jnp.int32)])

    As = jnp.zeros((F1, H1), f32)
    Ad = jnp.zeros((F1, H1), f32)
    for k in range(H1):
        As = As.at[32 * k:32 * (k + 1), k].set(a_src1[k])
        Ad = Ad.at[32 * k:32 * (k + 1), k].set(a_dst1[k])
    w1ext = jnp.concatenate(
        [W1, W1 @ As, W1 @ Ad, jnp.zeros((D, 384 - F1 - 16), f32)], axis=1)

    hext = _tc_matmul1(x, w1ext)
    h = hext[:, :F1]
    as1 = hext[:, F1:F1 + 8]
    ad1 = hext[:, F1 + 8:F1 + 16]

    zN12 = jnp.zeros((N, 12), f32)

    def _half_rows(hh, ass):
        hs = hh.astype(jnp.bfloat16).reshape(N, 4, 2, 16)
        hs = hs.transpose(0, 1, 3, 2).reshape(N, 128)
        ab = jax.lax.bitcast_convert_type(
            jnp.concatenate([ass, zN12], axis=1), jnp.bfloat16)
        return jnp.concatenate([hs, ab.reshape(N, 32)], axis=1)

    ta = jnp.concatenate([
        _half_rows(h[:, :128], as1[:, :4]),
        _half_rows(h[:, 128:], as1[:, 4:]),
    ], axis=0)
    td = jnp.concatenate([
        jnp.concatenate([ad1[:, :4], zN12], axis=1),
        jnp.concatenate([ad1[:, 4:], zN12], axis=1),
        jnp.zeros((NACC - N + 16, 16), f32),
    ], axis=0)

    z144 = jnp.zeros((STRIPE, 144), f32)
    acc1 = _sc_edge_kernel(ta, td, srcp, dstp, z144, 144, NCH1,
                           split_edges=False, adjust=True,
                           edge_body=_edge_body1,
                           row_spec=((K, 160), jnp.bfloat16))

    w2ext = jnp.concatenate([
        W2, jnp.zeros((F1, 1), f32),
        (W2 @ a_src2[0])[:, None], (W2 @ a_dst2[0])[:, None],
        jnp.zeros((F1, 128 - C - 3), f32)], axis=1)
    zext = _tc_mid(acc1[:N], acc1[NACC:NACC + N], b1[None, :], w2ext)

    tb = zext[:, :48]
    tdb = jnp.concatenate([
        jnp.concatenate([zext[:, C + 2:C + 3], jnp.zeros((N, 15), f32)],
                        axis=1),
        jnp.zeros((NACC - N + 16, 16), f32),
    ], axis=0)

    z48 = jnp.zeros((STRIPE, 48), f32)
    acc2 = _sc_edge_kernel(tb, tdb, srcp, dstp, z48, 48, NCH2,
                           split_edges=True, adjust=False,
                           edge_body=_edge_body2,
                           row_spec=((K, 48), jnp.float32))

    return _tc_final(acc2[:N], acc2[NACC:NACC + N], b2[None, :])

# --- scband reference (transcript-rebuilt; emitter-appended) ---
"""Pipeline reference for scband-gat-77129022701601 (READ-ONLY COPY).

The authoritative reference and input builder live on the scoring server;
editing this copy changes nothing except your own understanding.
"""

import jax, jax.numpy as jnp
import numpy as np

N = 10000
E = 320000
D = 128
H1 = 8
HID = 32
H2 = 1
C = 40
NEG_SLOPE = 0.2


def setup_inputs(seed: int = 0) -> dict:
    key = jax.random.key(seed)
    ks = jax.random.split(key, 12)
    x = jax.random.normal(ks[0], (N, D), dtype=jnp.float32)
    edge_index = jax.random.randint(ks[1], (2, E), 0, N, dtype=jnp.int32)
    s1 = 1.0 / np.sqrt(D)
    W1 = jax.random.normal(ks[2], (D, H1 * HID), dtype=jnp.float32) * s1
    a_src1 = jax.random.normal(ks[3], (H1, HID), dtype=jnp.float32) * s1
    a_dst1 = jax.random.normal(ks[4], (H1, HID), dtype=jnp.float32) * s1
    b1 = jnp.zeros((H1 * HID,), dtype=jnp.float32)
    s2 = 1.0 / np.sqrt(H1 * HID)
    W2 = jax.random.normal(ks[5], (H1 * HID, H2 * C), dtype=jnp.float32) * s2
    a_src2 = jax.random.normal(ks[6], (H2, C), dtype=jnp.float32) * s2
    a_dst2 = jax.random.normal(ks[7], (H2, C), dtype=jnp.float32) * s2
    b2 = jnp.zeros((C,), dtype=jnp.float32)
    return {"x": x, "edge_index": edge_index, "W1": W1, "a_src1": a_src1,
            "a_dst1": a_dst1, "b1": b1, "W2": W2, "a_src2": a_src2,
            "a_dst2": a_dst2, "b2": b2}


def gat_conv(x, src, dst, W, a_src, a_dst, heads, out_ch):
    n = x.shape[0]
    h = (x @ W).reshape(n, heads, out_ch)
    alpha_s = (h * a_src[None, :, :]).sum(-1)  # [n, heads]
    alpha_d = (h * a_dst[None, :, :]).sum(-1)  # [n, heads]
    alpha = alpha_s[src] + alpha_d[dst]  # [e, heads]
    alpha = jnp.where(alpha > 0, alpha, NEG_SLOPE * alpha)  # leaky_relu
    amax = jax.ops.segment_max(alpha, dst, num_segments=n)
    amax = jnp.where(jnp.isfinite(amax), amax, 0.0)
    alpha = jnp.exp(alpha - jax.lax.stop_gradient(amax)[dst])
    denom = jax.ops.segment_sum(alpha, dst, num_segments=n)
    alpha = alpha / (denom[dst] + 1e-16)
    msg = h[src] * alpha[:, :, None]  # [e, heads, out_ch]
    out = jax.ops.segment_sum(msg, dst, num_segments=n)  # [n, heads, out_ch]
    return out


def reference(x, edge_index, W1, a_src1, a_dst1, b1, W2, a_src2, a_dst2, b2):
    # eval mode: F.dropout is identity; GATConv attention dropout also identity
    loop = jnp.arange(N, dtype=edge_index.dtype)
    ei = jnp.concatenate([edge_index, jnp.stack([loop, loop], axis=0)], axis=1)
    src, dst = ei[0], ei[1]
    h = gat_conv(x, src, dst, W1, a_src1, a_dst1, H1, HID).reshape(N, H1 * HID) + b1
    h = jax.nn.elu(h)
    out = gat_conv(h, src, dst, W2, a_src2, a_dst2, H2, C).reshape(N, C) + b2
    return jax.nn.log_softmax(out, axis=1)

if __name__ == "__main__":
    import jax
    _d = setup_inputs()
    print(jax.jit(kernel)(*tuple(_d.values())))

</pallas_src>

<mosaic_0001>
#map = affine_map<(d0, d1) -> (0, 0)>
#map1 = affine_map<(d0, d1) -> (0)>
module attributes {stable_mosaic.version = 14 : i64} {
  func.func @k(%arg0: i32, %arg1: i32, %arg2: memref<10000x48xf32, #tpu.memory_space<hbm>>, %arg3: memref<10128x16xf32, #tpu.memory_space<hbm>>, %arg4: memref<335872xi32, #tpu.memory_space<hbm>>, %arg5: memref<335872xi32, #tpu.memory_space<hbm>>, %arg6: memref<632x48xf32, #tpu.memory_space<hbm>>, %arg7: memref<20224x48xf32, #tpu.memory_space<hbm>>, %arg8: memref<10112x48xf32, #tpu.memory_space<vmem_shared>>, %arg9: memref<64xi32, #tpu.memory_space<vmem>>, %arg10: memref<64xi32, #tpu.memory_space<vmem>>, %arg11: memref<64xi32, #tpu.memory_space<vmem>>, %arg12: memref<64xi32, #tpu.memory_space<vmem>>, %arg13: memref<64xi32, #tpu.memory_space<vmem>>, %arg14: memref<64xi32, #tpu.memory_space<vmem>>, %arg15: memref<64xi32, #tpu.memory_space<vmem>>, %arg16: memref<64xi32, #tpu.memory_space<vmem>>, %arg17: memref<64xi32, #tpu.memory_space<vmem>>, %arg18: memref<64xi32, #tpu.memory_space<vmem>>, %arg19: memref<64xi32, #tpu.memory_space<vmem>>, %arg20: memref<64xi32, #tpu.memory_space<vmem>>, %arg21: memref<64x48xf32, #tpu.memory_space<vmem>>, %arg22: memref<64x48xf32, #tpu.memory_space<vmem>>, %arg23: memref<64x16xf32, #tpu.memory_space<vmem>>, %arg24: memref<64x16xf32, #tpu.memory_space<vmem>>, %arg25: memref<64x48xf32, #tpu.memory_space<vmem>>, %arg26: memref<64x48xf32, #tpu.memory_space<vmem>>, %arg27: memref<!tpu.dma_semaphore, #tpu.memory_space<semaphore_mem>>, %arg28: memref<!tpu.dma_semaphore, #tpu.memory_space<semaphore_mem>>, %arg29: memref<!tpu.dma_semaphore, #tpu.memory_space<semaphore_mem>>, %arg30: memref<!tpu.dma_semaphore, #tpu.memory_space<semaphore_mem>>, %arg31: memref<!tpu.dma_semaphore, #tpu.memory_space<semaphore_mem>>, %arg32: memref<!tpu.dma_semaphore, #tpu.memory_space<semaphore_mem>>, %arg33: memref<!tpu.dma_semaphore, #tpu.memory_space<semaphore_mem>>, %arg34: memref<!tpu.dma_semaphore, #tpu.memory_space<semaphore_mem>>, %arg35: memref<!tpu.dma_semaphore, #tpu.memory_space<semaphore_mem>>, %arg36: memref<!tpu.dma_semaphore, #tpu.memory_space<semaphore_mem>>) attributes {dimension_semantics = [#tpu.dimension_semantics<core_parallel>, #tpu.dimension_semantics<subcore_parallel>], iteration_bounds = array<i64: 2, 16>, scalar_prefetch = 0 : i64, scratch_operands = 29 : i64, tpu.core_type = #tpu.core_type<sc_vector_subcore>, window_params = [{transform_indices = #map}, {transform_indices = #map}, {transform_indices = #map1}, {transform_indices = #map1}, {transform_indices = #map}, {transform_indices = #map}]} {
    %mul3A = arith.constant 632 : i32
    %mul3A_0 = arith.muli %arg1, %mul3A : i32
    "tpu.region"() ({
      %run_scoped3A = tpu.sem_alloc : memref<!tpu.dma_semaphore, #tpu.memory_space<semaphore_mem>>
      %dma_start3A_50 = arith.constant 0 : i32
      %dma_start3A_51 = tpu.memref_slice %arg8[%mul3A_0, %dma_start3A_50] : memref<10112x48xf32, #tpu.memory_space<vmem_shared>> -> memref<632x48xf32, #tpu.memory_space<vmem_shared>>
      tpu.enqueue_dma source(%arg6 : memref<632x48xf32, #tpu.memory_space<hbm>>) target(%dma_start3A_51 : memref<632x48xf32, #tpu.memory_space<vmem_shared>>) target_semaphore(%run_scoped3A : memref<!tpu.dma_semaphore, #tpu.memory_space<semaphore_mem>>)
      %dma_wait3A_52 = arith.constant 0 : i32
      %dma_wait3A_53 = tpu.memref_slice %arg8[%mul3A_0, %dma_wait3A_52] : memref<10112x48xf32, #tpu.memory_space<vmem_shared>> -> memref<632x48xf32, #tpu.memory_space<vmem_shared>>
      tpu.wait_dma2 semaphore(%run_scoped3A : memref<!tpu.dma_semaphore, #tpu.memory_space<semaphore_mem>>) src(%arg6 : memref<632x48xf32, #tpu.memory_space<hbm>>) dst(%dma_wait3A_53 : memref<632x48xf32, #tpu.memory_space<vmem_shared>>)
      tpu.yield
    }) : () -> ()
    %barrier3A = arith.constant 0 : index
    tpu.barrier barrier_id(%barrier3A)
    %mul3A_1 = arith.constant 167936 : i32
    %mul3A_2 = arith.muli %arg0, %mul3A_1 : i32
    %mul3A_3 = arith.constant 10496 : i32
    %mul3A_4 = arith.muli %arg1, %mul3A_3 : i32
    %add3A = arith.addi %mul3A_2, %mul3A_4 : i32
    %mul3A_5 = arith.constant 10000 : i32
    %mul3A_6 = arith.muli %arg0, %mul3A_5 : i32
    %iota3A = tpu.iota {dimensions = array<i32: 0>} : vector<16xi32>
    %add3A_7 = arith.constant 0 : i32
    %add3A_8 = arith.addi %add3A, %add3A_7 : i32
    %dma_start3A = tpu.memref_slice %arg4[%add3A_8] : memref<335872xi32, #tpu.memory_space<hbm>> -> memref<64xi32, #tpu.memory_space<hbm>>
    %dma_start3A_9 = tpu.memref_slice %arg4[%add3A_8] : memref<335872xi32, #tpu.memory_space<hbm>> -> memref<64xi32, #tpu.memory_space<hbm>>
    tpu.enqueue_dma source(%dma_start3A_9 : memref<64xi32, #tpu.memory_space<hbm>>) target(%arg9 : memref<64xi32, #tpu.memory_space<vmem>>) target_semaphore(%arg27 : memref<!tpu.dma_semaphore, #tpu.memory_space<semaphore_mem>>)
    %dma_start3A_10 = tpu.memref_slice %arg5[%add3A_8] : memref<335872xi32, #tpu.memory_space<hbm>> -> memref<64xi32, #tpu.memory_space<hbm>>
    %dma_start3A_11 = tpu.memref_slice %arg5[%add3A_8] : memref<335872xi32, #tpu.memory_space<hbm>> -> memref<64xi32, #tpu.memory_space<hbm>>
    tpu.enqueue_dma source(%dma_start3A_11 : memref<64xi32, #tpu.memory_space<hbm>>) target(%arg13 : memref<64xi32, #tpu.memory_space<vmem>>) target_semaphore(%arg27 : memref<!tpu.dma_semaphore, #tpu.memory_space<semaphore_mem>>)
    %add3A_12 = arith.constant 64 : i32
    %add3A_13 = arith.addi %add3A, %add3A_12 : i32
    %dma_start3A_14 = tpu.memref_slice %arg4[%add3A_13] : memref<335872xi32, #tpu.memory_space<hbm>> -> memref<64xi32, #tpu.memory_space<hbm>>
    %dma_start3A_15 = tpu.memref_slice %arg4[%add3A_13] : memref<335872xi32, #tpu.memory_space<hbm>> -> memref<64xi32, #tpu.memory_space<hbm>>
    tpu.enqueue_dma source(%dma_start3A_15 : memref<64xi32, #tpu.memory_space<hbm>>) target(%arg10 : memref<64xi32, #tpu.memory_space<vmem>>) target_semaphore(%arg28 : memref<!tpu.dma_semaphore, #tpu.memory_space<semaphore_mem>>)
    %dma_start3A_16 = tpu.memref_slice %arg5[%add3A_13] : memref<335872xi32, #tpu.memory_space<hbm>> -> memref<64xi32, #tpu.memory_space<hbm>>
    %dma_start3A_17 = tpu.memref_slice %arg5[%add3A_13] : memref<335872xi32, #tpu.memory_space<hbm>> -> memref<64xi32, #tpu.memory_space<hbm>>
    tpu.enqueue_dma source(%dma_start3A_17 : memref<64xi32, #tpu.memory_space<hbm>>) target(%arg14 : memref<64xi32, #tpu.memory_space<vmem>>) target_semaphore(%arg28 : memref<!tpu.dma_semaphore, #tpu.memory_space<semaphore_mem>>)
    %dma_wait3A = arith.constant 0 : i32
    %dma_wait3A_18 = tpu.memref_slice %arg4[%dma_wait3A] : memref<335872xi32, #tpu.memory_space<hbm>> -> memref<64xi32, #tpu.memory_space<hbm>>
    %dma_wait3A_19 = arith.constant 0 : i32
    %dma_wait3A_20 = tpu.memref_slice %arg4[%dma_wait3A_19] : memref<335872xi32, #tpu.memory_space<hbm>> -> memref<64xi32, #tpu.memory_space<hbm>>
    tpu.wait_dma2 semaphore(%arg27 : memref<!tpu.dma_semaphore, #tpu.memory_space<semaphore_mem>>) src(%dma_wait3A_20 : memref<64xi32, #tpu.memory_space<hbm>>) dst(%arg9 : memref<64xi32, #tpu.memory_space<vmem>>)
    %dma_wait3A_21 = arith.constant 0 : i32
    %dma_wait3A_22 = tpu.memref_slice %arg5[%dma_wait3A_21] : memref<335872xi32, #tpu.memory_space<hbm>> -> memref<64xi32, #tpu.memory_space<hbm>>
    %dma_wait3A_23 = arith.constant 0 : i32
    %dma_wait3A_24 = tpu.memref_slice %arg5[%dma_wait3A_23] : memref<335872xi32, #tpu.memory_space<hbm>> -> memref<64xi32, #tpu.memory_space<hbm>>
    tpu.wait_dma2 semaphore(%arg27 : memref<!tpu.dma_semaphore, #tpu.memory_space<semaphore_mem>>) src(%dma_wait3A_24 : memref<64xi32, #tpu.memory_space<hbm>>) dst(%arg13 : memref<64xi32, #tpu.memory_space<vmem>>)
    %dma_start3A_25 = arith.constant 0 : i32
    %dma_start3A_26 = arith.constant 0 : i32
    %dma_start3A_27 = tpu.memref_slice %arg2[%dma_start3A_25, %dma_start3A_26] : memref<10000x48xf32, #tpu.memory_space<hbm>> -> memref<10000x48xf32, #tpu.memory_space<hbm>>
    tpu.enqueue_indirect_dma source(%dma_start3A_27 : memref<10000x48xf32, #tpu.memory_space<hbm>>) target(%arg21 : memref<64x48xf32, #tpu.memory_space<vmem>>) offsets(%arg9 : memref<64xi32, #tpu.memory_space<vmem>>) semaphore(%arg31 : memref<!tpu.dma_semaphore, #tpu.memory_space<semaphore_mem>>)
    %dma_start3A_28 = arith.constant 0 : i32
    %dma_start3A_29 = arith.constant 0 : i32
    %dma_start3A_30 = tpu.memref_slice %arg3[%dma_start3A_28, %dma_start3A_29] : memref<10128x16xf32, #tpu.memory_space<hbm>> -> memref<10128x16xf32, #tpu.memory_space<hbm>>
    tpu.enqueue_indirect_dma source(%dma_start3A_30 : memref<10128x16xf32, #tpu.memory_space<hbm>>) target(%arg23 : memref<64x16xf32, #tpu.memory_space<vmem>>) offsets(%arg13 : memref<64xi32, #tpu.memory_space<vmem>>) semaphore(%arg33 : memref<!tpu.dma_semaphore, #tpu.memory_space<semaphore_mem>>)
    %scan3A = arith.constant 0 : i32
    %scan3A_31 = arith.constant 0 : i32
    %scan3A_32 = arith.constant 41 : i32
    %scan3A_33 = arith.addi %scan3A_31, %scan3A_32 : i32
    %scan3A_34 = arith.constant 1 : i32
    scf.for %scan3A_50 = %scan3A_31 to %scan3A_33 step %scan3A_34  : i32 {
      %mul3A_51 = arith.constant 4 : i32
      %mul3A_52 = arith.muli %mul3A_51, %scan3A_50 : i32
      %add3A_53 = arith.constant 0 : i32
      %add3A_54 = arith.addi %mul3A_52, %add3A_53 : i32
      %ge3A = arith.constant 2 : i32
      %ge3A_55 = arith.cmpi sge, %add3A_54, %ge3A : i32
      %convert_element_type3A = arith.extui %ge3A_55 : i1 to i32
      %cond3A = arith.constant 0 : i32
      %cond3A_56 = arith.cmpi ne, %convert_element_type3A, %cond3A : i32
      scf.if %cond3A_56 {
        %dma_wait3A_186 = arith.constant 0 : i32
        %dma_wait3A_187 = arith.constant 0 : i32
        %dma_wait3A_188 = tpu.memref_slice %arg8[%dma_wait3A_186, %dma_wait3A_187] : memref<10112x48xf32, #tpu.memory_space<vmem_shared>> -> memref<10112x48xf32, #tpu.memory_space<vmem_shared>>
        tpu.wait_indirect_dma semaphore(%arg35 : memref<!tpu.dma_semaphore, #tpu.memory_space<semaphore_mem>>) src(%arg25 : memref<64x48xf32, #tpu.memory_space<vmem>>) dst(%dma_wait3A_188 : memref<10112x48xf32, #tpu.memory_space<vmem_shared>>)
      } else {
      }
      %add3A_57 = arith.constant 2 : i32
      %add3A_58 = arith.addi %add3A_54, %add3A_57 : i32
      %lt3A = arith.constant 164 : i32
      %lt3A_59 = arith.cmpi slt, %add3A_58, %lt3A : i32
      %convert_element_type3A_60 = arith.extui %lt3A_59 : i1 to i32
      %cond3A_61 = arith.constant 0 : i32
      %cond3A_62 = arith.cmpi ne, %convert_element_type3A_60, %cond3A_61 : i32
      scf.if %cond3A_62 {
        %add3A_186 = arith.constant 2 : i32
        %add3A_187 = arith.addi %add3A_54, %add3A_186 : i32
        %mul3A_188 = arith.constant 64 : i32
        %mul3A_189 = arith.muli %add3A_187, %mul3A_188 : i32
        %add3A_190 = arith.addi %add3A, %mul3A_189 : i32
        %dma_start3A_191 = tpu.memref_slice %arg4[%add3A_190] : memref<335872xi32, #tpu.memory_space<hbm>> -> memref<64xi32, #tpu.memory_space<hbm>>
        %dma_start3A_192 = tpu.memref_slice %arg4[%add3A_190] : memref<335872xi32, #tpu.memory_space<hbm>> -> memref<64xi32, #tpu.memory_space<hbm>>
        tpu.enqueue_dma source(%dma_start3A_192 : memref<64xi32, #tpu.memory_space<hbm>>) target(%arg11 : memref<64xi32, #tpu.memory_space<vmem>>) target_semaphore(%arg29 : memref<!tpu.dma_semaphore, #tpu.memory_space<semaphore_mem>>)
        %dma_start3A_193 = tpu.memref_slice %arg5[%add3A_190] : memref<335872xi32, #tpu.memory_space<hbm>> -> memref<64xi32, #tpu.memory_space<hbm>>
        %dma_start3A_194 = tpu.memref_slice %arg5[%add3A_190] : memref<335872xi32, #tpu.memory_space<hbm>> -> memref<64xi32, #tpu.memory_space<hbm>>
        tpu.enqueue_dma source(%dma_start3A_194 : memref<64xi32, #tpu.memory_space<hbm>>) target(%arg15 : memref<64xi32, #tpu.memory_space<vmem>>) target_semaphore(%arg29 : memref<!tpu.dma_semaphore, #tpu.memory_space<semaphore_mem>>)
      } else {
      }
      %add3A_63 = arith.constant 1 : i32
      %add3A_64 = arith.addi %add3A_54, %add3A_63 : i32
      %lt3A_65 = arith.constant 164 : i32
      %lt3A_66 = arith.cmpi slt, %add3A_64, %lt3A_65 : i32
      %convert_element_type3A_67 = arith.extui %lt3A_66 : i1 to i32
      %cond3A_68 = arith.constant 0 : i32
      %cond3A_69 = arith.cmpi ne, %convert_element_type3A_67, %cond3A_68 : i32
      scf.if %cond3A_69 {
        %add3A_186 = arith.constant 1 : i32
        %add3A_187 = arith.addi %add3A_54, %add3A_186 : i32
        %dma_wait3A_188 = arith.constant 0 : i32
        %dma_wait3A_189 = tpu.memref_slice %arg4[%dma_wait3A_188] : memref<335872xi32, #tpu.memory_space<hbm>> -> memref<64xi32, #tpu.memory_space<hbm>>
        %dma_wait3A_190 = arith.constant 0 : i32
        %dma_wait3A_191 = tpu.memref_slice %arg4[%dma_wait3A_190] : memref<335872xi32, #tpu.memory_space<hbm>> -> memref<64xi32, #tpu.memory_space<hbm>>
        tpu.wait_dma2 semaphore(%arg28 : memref<!tpu.dma_semaphore, #tpu.memory_space<semaphore_mem>>) src(%dma_wait3A_191 : memref<64xi32, #tpu.memory_space<hbm>>) dst(%arg10 : memref<64xi32, #tpu.memory_space<vmem>>)
        %dma_wait3A_192 = arith.constant 0 : i32
        %dma_wait3A_193 = tpu.memref_slice %arg5[%dma_wait3A_192] : memref<335872xi32, #tpu.memory_space<hbm>> -> memref<64xi32, #tpu.memory_space<hbm>>
        %dma_wait3A_194 = arith.constant 0 : i32
        %dma_wait3A_195 = tpu.memref_slice %arg5[%dma_wait3A_194] : memref<335872xi32, #tpu.memory_space<hbm>> -> memref<64xi32, #tpu.memory_space<hbm>>
        tpu.wait_dma2 semaphore(%arg28 : memref<!tpu.dma_semaphore, #tpu.memory_space<semaphore_mem>>) src(%dma_wait3A_195 : memref<64xi32, #tpu.memory_space<hbm>>) dst(%arg14 : memref<64xi32, #tpu.memory_space<vmem>>)
        %dma_start3A_196 = arith.constant 0 : i32
        %dma_start3A_197 = arith.constant 0 : i32
        %dma_start3A_198 = tpu.memref_slice %arg2[%dma_start3A_196, %dma_start3A_197] : memref<10000x48xf32, #tpu.memory_space<hbm>> -> memref<10000x48xf32, #tpu.memory_space<hbm>>
        tpu.enqueue_indirect_dma source(%dma_start3A_198 : memref<10000x48xf32, #tpu.memory_space<hbm>>) target(%arg22 : memref<64x48xf32, #tpu.memory_space<vmem>>) offsets(%arg10 : memref<64xi32, #tpu.memory_space<vmem>>) semaphore(%arg32 : memref<!tpu.dma_semaphore, #tpu.memory_space<semaphore_mem>>)
        %dma_start3A_199 = arith.constant 0 : i32
        %dma_start3A_200 = arith.constant 0 : i32
        %dma_start3A_201 = tpu.memref_slice %arg3[%dma_start3A_199, %dma_start3A_200] : memref<10128x16xf32, #tpu.memory_space<hbm>> -> memref<10128x16xf32, #tpu.memory_space<hbm>>
        tpu.enqueue_indirect_dma source(%dma_start3A_201 : memref<10128x16xf32, #tpu.memory_space<hbm>>) target(%arg24 : memref<64x16xf32, #tpu.memory_space<vmem>>) offsets(%arg14 : memref<64xi32, #tpu.memory_space<vmem>>) semaphore(%arg34 : memref<!tpu.dma_semaphore, #tpu.memory_space<semaphore_mem>>)
      } else {
      }
      %dma_wait3A_70 = arith.constant 0 : i32
      %dma_wait3A_71 = arith.constant 0 : i32
      %dma_wait3A_72 = tpu.memref_slice %arg2[%dma_wait3A_70, %dma_wait3A_71] : memref<10000x48xf32, #tpu.memory_space<hbm>> -> memref<10000x48xf32, #tpu.memory_space<hbm>>
      tpu.wait_indirect_dma semaphore(%arg31 : memref<!tpu.dma_semaphore, #tpu.memory_space<semaphore_mem>>) src(%dma_wait3A_72 : memref<10000x48xf32, #tpu.memory_space<hbm>>) dst(%arg21 : memref<64x48xf32, #tpu.memory_space<vmem>>)
      %dma_wait3A_73 = arith.constant 0 : i32
      %dma_wait3A_74 = arith.constant 0 : i32
      %dma_wait3A_75 = tpu.memref_slice %arg3[%dma_wait3A_73, %dma_wait3A_74] : memref<10128x16xf32, #tpu.memory_space<hbm>> -> memref<10128x16xf32, #tpu.memory_space<hbm>>
      tpu.wait_indirect_dma semaphore(%arg33 : memref<!tpu.dma_semaphore, #tpu.memory_space<semaphore_mem>>) src(%dma_wait3A_75 : memref<10128x16xf32, #tpu.memory_space<hbm>>) dst(%arg23 : memref<64x16xf32, #tpu.memory_space<vmem>>)
      %parallel_loop3A = arith.constant 0 : i32
      %parallel_loop3A_76 = arith.constant 64 : i32
      %parallel_loop3A_77 = arith.constant 1 : i32
      scf.for %parallel_loop3A_186 = %parallel_loop3A to %parallel_loop3A_76 step %parallel_loop3A_77  : i32 {
        %parallel_loop3A_187 = arith.index_cast %parallel_loop3A_186 : i32 to index
        %parallel_loop3A_188 = arith.constant 32 : index
        %parallel_loop3A_189 = tpu.vector_load %arg21[%parallel_loop3A_187, %parallel_loop3A_188] {strides = array<i32>} : memref<64x48xf32, #tpu.memory_space<vmem>>, vector<16xf32>,
        %parallel_loop3A_190 = arith.index_cast %parallel_loop3A_186 : i32 to index
        %parallel_loop3A_191 = arith.constant 0 : index
        %parallel_loop3A_192 = tpu.vector_load %arg23[%parallel_loop3A_190, %parallel_loop3A_191] {strides = array<i32>} : memref<64x16xf32, #tpu.memory_space<vmem>>, vector<16xf32>,
        %parallel_loop3A_193 = vector.extract_strided_slice %parallel_loop3A_189 {offsets = [9], sizes = [1], strides = [1]} : vector<16xf32> to vector<1xf32>
        %parallel_loop3A_194 = vector.extract %parallel_loop3A_193[0] : f32 from vector<1xf32>
        %parallel_loop3A_195 = vector.extract_strided_slice %parallel_loop3A_192 {offsets = [0], sizes = [1], strides = [1]} : vector<16xf32> to vector<1xf32>
        %parallel_loop3A_196 = vector.extract %parallel_loop3A_195[0] : f32 from vector<1xf32>
        %parallel_loop3A_197 = arith.addf %parallel_loop3A_194, %parallel_loop3A_196 : f32
        %parallel_loop3A_198 = vector.broadcast %parallel_loop3A_197 : f32 to vector<16xf32>
        %parallel_loop3A_199 = arith.constant 0.000000e+00 : f32
        %parallel_loop3A_200 = vector.broadcast %parallel_loop3A_199 : f32 to vector<16xf32>
        %parallel_loop3A_201 = arith.cmpf ogt, %parallel_loop3A_198, %parallel_loop3A_200 : vector<16xf32>
        %parallel_loop3A_202 = arith.constant 2.000000e-01 : f32
        %parallel_loop3A_203 = vector.broadcast %parallel_loop3A_202 : f32 to vector<16xf32>
        %parallel_loop3A_204 = arith.mulf %parallel_loop3A_203, %parallel_loop3A_198 : vector<16xf32>
        %parallel_loop3A_205 = arith.select %parallel_loop3A_201, %parallel_loop3A_198, %parallel_loop3A_204 : vector<16xi1>, vector<16xf32>
        %parallel_loop3A_206 = arith.constant 8.000000e+00 : f32
        %parallel_loop3A_207 = vector.broadcast %parallel_loop3A_206 : f32 to vector<16xf32>
        %parallel_loop3A_208 = arith.subf %parallel_loop3A_205, %parallel_loop3A_207 : vector<16xf32>
        %parallel_loop3A_209 = math.exp %parallel_loop3A_208 : vector<16xf32>
        %parallel_loop3A_210 = arith.index_cast %parallel_loop3A_186 : i32 to index
        %parallel_loop3A_211 = arith.constant 0 : index
        %parallel_loop3A_212 = tpu.vector_load %arg21[%parallel_loop3A_210, %parallel_loop3A_211] {strides = array<i32>} : memref<64x48xf32, #tpu.memory_space<vmem>>, vector<16xf32>,
        %parallel_loop3A_213 = arith.mulf %parallel_loop3A_212, %parallel_loop3A_209 : vector<16xf32>
        %parallel_loop3A_214 = arith.index_cast %parallel_loop3A_186 : i32 to index
        %parallel_loop3A_215 = arith.constant 0 : index
        %parallel_loop3A_216 = tpu.vector_load %arg25[%parallel_loop3A_214, %parallel_loop3A_215] {strides = array<i32>} : memref<64x48xf32, #tpu.memory_space<vmem>>, vector<16xf32>,
        tpu.vector_store %arg25[%parallel_loop3A_214, %parallel_loop3A_215], %parallel_loop3A_213 {strides = array<i32>} : memref<64x48xf32, #tpu.memory_space<vmem>>, vector<16xf32>,
        %parallel_loop3A_217 = arith.index_cast %parallel_loop3A_186 : i32 to index
        %parallel_loop3A_218 = arith.constant 16 : index
        %parallel_loop3A_219 = tpu.vector_load %arg21[%parallel_loop3A_217, %parallel_loop3A_218] {strides = array<i32>} : memref<64x48xf32, #tpu.memory_space<vmem>>, vector<16xf32>,
        %parallel_loop3A_220 = arith.mulf %parallel_loop3A_219, %parallel_loop3A_209 : vector<16xf32>
        %parallel_loop3A_221 = arith.index_cast %parallel_loop3A_186 : i32 to index
        %parallel_loop3A_222 = arith.constant 16 : index
        %parallel_loop3A_223 = tpu.vector_load %arg25[%parallel_loop3A_221, %parallel_loop3A_222] {strides = array<i32>} : memref<64x48xf32, #tpu.memory_space<vmem>>, vector<16xf32>,
        tpu.vector_store %arg25[%parallel_loop3A_221, %parallel_loop3A_222], %parallel_loop3A_220 {strides = array<i32>} : memref<64x48xf32, #tpu.memory_space<vmem>>, vector<16xf32>,
        %parallel_loop3A_224 = arith.mulf %parallel_loop3A_189, %parallel_loop3A_209 : vector<16xf32>
        %parallel_loop3A_225 = arith.index_cast %parallel_loop3A_186 : i32 to index
        %parallel_loop3A_226 = arith.constant 32 : index
        %parallel_loop3A_227 = tpu.vector_load %arg25[%parallel_loop3A_225, %parallel_loop3A_226] {strides = array<i32>} : memref<64x48xf32, #tpu.memory_space<vmem>>, vector<16xf32>,
        tpu.vector_store %arg25[%parallel_loop3A_225, %parallel_loop3A_226], %parallel_loop3A_224 {strides = array<i32>} : memref<64x48xf32, #tpu.memory_space<vmem>>, vector<16xf32>,
      } {sc.loop_unroll_factor = 4 : i64, sc.parallel_access}
      %dma_start3A_78 = arith.constant 0 : i32
      %dma_start3A_79 = arith.constant 0 : i32
      %dma_start3A_80 = tpu.memref_slice %arg8[%dma_start3A_78, %dma_start3A_79] : memref<10112x48xf32, #tpu.memory_space<vmem_shared>> -> memref<10112x48xf32, #tpu.memory_space<vmem_shared>>
      tpu.enqueue_indirect_dma source(%arg25 : memref<64x48xf32, #tpu.memory_space<vmem>>) target(%dma_start3A_80 : memref<10112x48xf32, #tpu.memory_space<vmem_shared>>) offsets(%arg13 : memref<64xi32, #tpu.memory_space<vmem>>) semaphore(%arg35 : memref<!tpu.dma_semaphore, #tpu.memory_space<semaphore_mem>>) {add = true}
      %mul3A_81 = arith.constant 4 : i32
      %mul3A_82 = arith.muli %mul3A_81, %scan3A_50 : i32
      %add3A_83 = arith.constant 1 : i32
      %add3A_84 = arith.addi %mul3A_82, %add3A_83 : i32
      %ge3A_85 = arith.constant 2 : i32
      %ge3A_86 = arith.cmpi sge, %add3A_84, %ge3A_85 : i32
      %convert_element_type3A_87 = arith.extui %ge3A_86 : i1 to i32
      %cond3A_88 = arith.constant 0 : i32
      %cond3A_89 = arith.cmpi ne, %convert_element_type3A_87, %cond3A_88 : i32
      scf.if %cond3A_89 {
        %dma_wait3A_186 = arith.constant 0 : i32
        %dma_wait3A_187 = arith.constant 0 : i32
        %dma_wait3A_188 = tpu.memref_slice %arg8[%dma_wait3A_186, %dma_wait3A_187] : memref<10112x48xf32, #tpu.memory_space<vmem_shared>> -> memref<10112x48xf32, #tpu.memory_space<vmem_shared>>
        tpu.wait_indirect_dma semaphore(%arg36 : memref<!tpu.dma_semaphore, #tpu.memory_space<semaphore_mem>>) src(%arg26 : memref<64x48xf32, #tpu.memory_space<vmem>>) dst(%dma_wait3A_188 : memref<10112x48xf32, #tpu.memory_space<vmem_shared>>)
      } else {
      }
      %add3A_90 = arith.constant 2 : i32
      %add3A_91 = arith.addi %add3A_84, %add3A_90 : i32
      %lt3A_92 = arith.constant 164 : i32
      %lt3A_93 = arith.cmpi slt, %add3A_91, %lt3A_92 : i32
      %convert_element_type3A_94 = arith.extui %lt3A_93 : i1 to i32
      %cond3A_95 = arith.constant 0 : i32
      %cond3A_96 = arith.cmpi ne, %convert_element_type3A_94, %cond3A_95 : i32
      scf.if %cond3A_96 {
        %add3A_186 = arith.constant 2 : i32
        %add3A_187 = arith.addi %add3A_84, %add3A_186 : i32
        %mul3A_188 = arith.constant 64 : i32
        %mul3A_189 = arith.muli %add3A_187, %mul3A_188 : i32
        %add3A_190 = arith.addi %add3A, %mul3A_189 : i32
        %dma_start3A_191 = tpu.memref_slice %arg4[%add3A_190] : memref<335872xi32, #tpu.memory_space<hbm>> -> memref<64xi32, #tpu.memory_space<hbm>>
        %dma_start3A_192 = tpu.memref_slice %arg4[%add3A_190] : memref<335872xi32, #tpu.memory_space<hbm>> -> memref<64xi32, #tpu.memory_space<hbm>>
        tpu.enqueue_dma source(%dma_start3A_192 : memref<64xi32, #tpu.memory_space<hbm>>) target(%arg12 : memref<64xi32, #tpu.memory_space<vmem>>) target_semaphore(%arg30 : memref<!tpu.dma_semaphore, #tpu.memory_space<semaphore_mem>>)
        %dma_start3A_193 = tpu.memref_slice %arg5[%add3A_190] : memref<335872xi32, #tpu.memory_space<hbm>> -> memref<64xi32, #tpu.memory_space<hbm>>
        %dma_start3A_194 = tpu.memref_slice %arg5[%add3A_190] : memref<335872xi32, #tpu.memory_space<hbm>> -> memref<64xi32, #tpu.memory_space<hbm>>
        tpu.enqueue_dma source(%dma_start3A_194 : memref<64xi32, #tpu.memory_space<hbm>>) target(%arg16 : memref<64xi32, #tpu.memory_space<vmem>>) target_semaphore(%arg30 : memref<!tpu.dma_semaphore, #tpu.memory_space<semaphore_mem>>)
      } else {
      }
      %add3A_97 = arith.constant 1 : i32
      %add3A_98 = arith.addi %add3A_84, %add3A_97 : i32
      %lt3A_99 = arith.constant 164 : i32
      %lt3A_100 = arith.cmpi slt, %add3A_98, %lt3A_99 : i32
      %convert_element_type3A_101 = arith.extui %lt3A_100 : i1 to i32
      %cond3A_102 = arith.constant 0 : i32
      %cond3A_103 = arith.cmpi ne, %convert_element_type3A_101, %cond3A_102 : i32
      scf.if %cond3A_103 {
        %add3A_186 = arith.constant 1 : i32
        %add3A_187 = arith.addi %add3A_84, %add3A_186 : i32
        %dma_wait3A_188 = arith.constant 0 : i32
        %dma_wait3A_189 = tpu.memref_slice %arg4[%dma_wait3A_188] : memref<335872xi32, #tpu.memory_space<hbm>> -> memref<64xi32, #tpu.memory_space<hbm>>
        %dma_wait3A_190 = arith.constant 0 : i32
        %dma_wait3A_191 = tpu.memref_slice %arg4[%dma_wait3A_190] : memref<335872xi32, #tpu.memory_space<hbm>> -> memref<64xi32, #tpu.memory_space<hbm>>
        tpu.wait_dma2 semaphore(%arg29 : memref<!tpu.dma_semaphore, #tpu.memory_space<semaphore_mem>>) src(%dma_wait3A_191 : memref<64xi32, #tpu.memory_space<hbm>>) dst(%arg11 : memref<64xi32, #tpu.memory_space<vmem>>)
        %dma_wait3A_192 = arith.constant 0 : i32
        %dma_wait3A_193 = tpu.memref_slice %arg5[%dma_wait3A_192] : memref<335872xi32, #tpu.memory_space<hbm>> -> memref<64xi32, #tpu.memory_space<hbm>>
        %dma_wait3A_194 = arith.constant 0 : i32
        %dma_wait3A_195 = tpu.memref_slice %arg5[%dma_wait3A_194] : memref<335872xi32, #tpu.memory_space<hbm>> -> memref<64xi32, #tpu.memory_space<hbm>>
        tpu.wait_dma2 semaphore(%arg29 : memref<!tpu.dma_semaphore, #tpu.memory_space<semaphore_mem>>) src(%dma_wait3A_195 : memref<64xi32, #tpu.memory_space<hbm>>) dst(%arg15 : memref<64xi32, #tpu.memory_space<vmem>>)
        %dma_start3A_196 = arith.constant 0 : i32
        %dma_start3A_197 = arith.constant 0 : i32
        %dma_start3A_198 = tpu.memref_slice %arg2[%dma_start3A_196, %dma_start3A_197] : memref<10000x48xf32, #tpu.memory_space<hbm>> -> memref<10000x48xf32, #tpu.memory_space<hbm>>
        tpu.enqueue_indirect_dma source(%dma_start3A_198 : memref<10000x48xf32, #tpu.memory_space<hbm>>) target(%arg21 : memref<64x48xf32, #tpu.memory_space<vmem>>) offsets(%arg11 : memref<64xi32, #tpu.memory_space<vmem>>) semaphore(%arg31 : memref<!tpu.dma_semaphore, #tpu.memory_space<semaphore_mem>>)
        %dma_start3A_199 = arith.constant 0 : i32
        %dma_start3A_200 = arith.constant 0 : i32
        %dma_start3A_201 = tpu.memref_slice %arg3[%dma_start3A_199, %dma_start3A_200] : memref<10128x16xf32, #tpu.memory_space<hbm>> -> memref<10128x16xf32, #tpu.memory_space<hbm>>
        tpu.enqueue_indirect_dma source(%dma_start3A_201 : memref<10128x16xf32, #tpu.memory_space<hbm>>) target(%arg23 : memref<64x16xf32, #tpu.memory_space<vmem>>) offsets(%arg15 : memref<64xi32, #tpu.memory_space<vmem>>) semaphore(%arg33 : memref<!tpu.dma_semaphore, #tpu.memory_space<semaphore_mem>>)
      } else {
      }
      %dma_wait3A_104 = arith.constant 0 : i32
      %dma_wait3A_105 = arith.constant 0 : i32
      %dma_wait3A_106 = tpu.memref_slice %arg2[%dma_wait3A_104, %dma_wait3A_105] : memref<10000x48xf32, #tpu.memory_space<hbm>> -> memref<10000x48xf32, #tpu.memory_space<hbm>>
      tpu.wait_indirect_dma semaphore(%arg32 : memref<!tpu.dma_semaphore, #tpu.memory_space<semaphore_mem>>) src(%dma_wait3A_106 : memref<10000x48xf32, #tpu.memory_space<hbm>>) dst(%arg22 : memref<64x48xf32, #tpu.memory_space<vmem>>)
      %dma_wait3A_107 = arith.constant 0 : i32
      %dma_wait3A_108 = arith.constant 0 : i32
      %dma_wait3A_109 = tpu.memref_slice %arg3[%dma_wait3A_107, %dma_wait3A_108] : memref<10128x16xf32, #tpu.memory_space<hbm>> -> memref<10128x16xf32, #tpu.memory_space<hbm>>
      tpu.wait_indirect_dma semaphore(%arg34 : memref<!tpu.dma_semaphore, #tpu.memory_space<semaphore_mem>>) src(%dma_wait3A_109 : memref<10128x16xf32, #tpu.memory_space<hbm>>) dst(%arg24 : memref<64x16xf32, #tpu.memory_space<vmem>>)
      %parallel_loop3A_110 = arith.constant 0 : i32
      %parallel_loop3A_111 = arith.constant 64 : i32
      %parallel_loop3A_112 = arith.constant 1 : i32
      scf.for %parallel_loop3A_186 = %parallel_loop3A_110 to %parallel_loop3A_111 step %parallel_loop3A_112  : i32 {
        %parallel_loop3A_187 = arith.index_cast %parallel_loop3A_186 : i32 to index
        %parallel_loop3A_188 = arith.constant 32 : index
        %parallel_loop3A_189 = tpu.vector_load %arg22[%parallel_loop3A_187, %parallel_loop3A_188] {strides = array<i32>} : memref<64x48xf32, #tpu.memory_space<vmem>>, vector<16xf32>,
        %parallel_loop3A_190 = arith.index_cast %parallel_loop3A_186 : i32 to index
        %parallel_loop3A_191 = arith.constant 0 : index
        %parallel_loop3A_192 = tpu.vector_load %arg24[%parallel_loop3A_190, %parallel_loop3A_191] {strides = array<i32>} : memref<64x16xf32, #tpu.memory_space<vmem>>, vector<16xf32>,
        %parallel_loop3A_193 = vector.extract_strided_slice %parallel_loop3A_189 {offsets = [9], sizes = [1], strides = [1]} : vector<16xf32> to vector<1xf32>
        %parallel_loop3A_194 = vector.extract %parallel_loop3A_193[0] : f32 from vector<1xf32>
        %parallel_loop3A_195 = vector.extract_strided_slice %parallel_loop3A_192 {offsets = [0], sizes = [1], strides = [1]} : vector<16xf32> to vector<1xf32>
        %parallel_loop3A_196 = vector.extract %parallel_loop3A_195[0] : f32 from vector<1xf32>
        %parallel_loop3A_197 = arith.addf %parallel_loop3A_194, %parallel_loop3A_196 : f32
        %parallel_loop3A_198 = vector.broadcast %parallel_loop3A_197 : f32 to vector<16xf32>
        %parallel_loop3A_199 = arith.constant 0.000000e+00 : f32
        %parallel_loop3A_200 = vector.broadcast %parallel_loop3A_199 : f32 to vector<16xf32>
        %parallel_loop3A_201 = arith.cmpf ogt, %parallel_loop3A_198, %parallel_loop3A_200 : vector<16xf32>
        %parallel_loop3A_202 = arith.constant 2.000000e-01 : f32
        %parallel_loop3A_203 = vector.broadcast %parallel_loop3A_202 : f32 to vector<16xf32>
        %parallel_loop3A_204 = arith.mulf %parallel_loop3A_203, %parallel_loop3A_198 : vector<16xf32>
        %parallel_loop3A_205 = arith.select %parallel_loop3A_201, %parallel_loop3A_198, %parallel_loop3A_204 : vector<16xi1>, vector<16xf32>
        %parallel_loop3A_206 = arith.constant 8.000000e+00 : f32
        %parallel_loop3A_207 = vector.broadcast %parallel_loop3A_206 : f32 to vector<16xf32>
        %parallel_loop3A_208 = arith.subf %parallel_loop3A_205, %parallel_loop3A_207 : vector<16xf32>
        %parallel_loop3A_209 = math.exp %parallel_loop3A_208 : vector<16xf32>
        %parallel_loop3A_210 = arith.index_cast %parallel_loop3A_186 : i32 to index
        %parallel_loop3A_211 = arith.constant 0 : index
        %parallel_loop3A_212 = tpu.vector_load %arg22[%parallel_loop3A_210, %parallel_loop3A_211] {strides = array<i32>} : memref<64x48xf32, #tpu.memory_space<vmem>>, vector<16xf32>,
        %parallel_loop3A_213 = arith.mulf %parallel_loop3A_212, %parallel_loop3A_209 : vector<16xf32>
        %parallel_loop3A_214 = arith.index_cast %parallel_loop3A_186 : i32 to index
        %parallel_loop3A_215 = arith.constant 0 : index
        %parallel_loop3A_216 = tpu.vector_load %arg26[%parallel_loop3A_214, %parallel_loop3A_215] {strides = array<i32>} : memref<64x48xf32, #tpu.memory_space<vmem>>, vector<16xf32>,
        tpu.vector_store %arg26[%parallel_loop3A_214, %parallel_loop3A_215], %parallel_loop3A_213 {strides = array<i32>} : memref<64x48xf32, #tpu.memory_space<vmem>>, vector<16xf32>,
        %parallel_loop3A_217 = arith.index_cast %parallel_loop3A_186 : i32 to index
        %parallel_loop3A_218 = arith.constant 16 : index
        %parallel_loop3A_219 = tpu.vector_load %arg22[%parallel_loop3A_217, %parallel_loop3A_218] {strides = array<i32>} : memref<64x48xf32, #tpu.memory_space<vmem>>, vector<16xf32>,
        %parallel_loop3A_220 = arith.mulf %parallel_loop3A_219, %parallel_loop3A_209 : vector<16xf32>
        %parallel_loop3A_221 = arith.index_cast %parallel_loop3A_186 : i32 to index
        %parallel_loop3A_222 = arith.constant 16 : index
        %parallel_loop3A_223 = tpu.vector_load %arg26[%parallel_loop3A_221, %parallel_loop3A_222] {strides = array<i32>} : memref<64x48xf32, #tpu.memory_space<vmem>>, vector<16xf32>,
        tpu.vector_store %arg26[%parallel_loop3A_221, %parallel_loop3A_222], %parallel_loop3A_220 {strides = array<i32>} : memref<64x48xf32, #tpu.memory_space<vmem>>, vector<16xf32>,
        %parallel_loop3A_224 = arith.mulf %parallel_loop3A_189, %parallel_loop3A_209 : vector<16xf32>
        %parallel_loop3A_225 = arith.index_cast %parallel_loop3A_186 : i32 to index
        %parallel_loop3A_226 = arith.constant 32 : index
        %parallel_loop3A_227 = tpu.vector_load %arg26[%parallel_loop3A_225, %parallel_loop3A_226] {strides = array<i32>} : memref<64x48xf32, #tpu.memory_space<vmem>>, vector<16xf32>,
        tpu.vector_store %arg26[%parallel_loop3A_225, %parallel_loop3A_226], %parallel_loop3A_224 {strides = array<i32>} : memref<64x48xf32, #tpu.memory_space<vmem>>, vector<16xf32>,
      } {sc.loop_unroll_factor = 4 : i64, sc.parallel_access}
      %dma_start3A_113 = arith.constant 0 : i32
      %dma_start3A_114 = arith.constant 0 : i32
      %dma_start3A_115 = tpu.memref_slice %arg8[%dma_start3A_113, %dma_start3A_114] : memref<10112x48xf32, #tpu.memory_space<vmem_shared>> -> memref<10112x48xf32, #tpu.memory_space<vmem_shared>>
      tpu.enqueue_indirect_dma source(%arg26 : memref<64x48xf32, #tpu.memory_space<vmem>>) target(%dma_start3A_115 : memref<10112x48xf32, #tpu.memory_space<vmem_shared>>) offsets(%arg14 : memref<64xi32, #tpu.memory_space<vmem>>) semaphore(%arg36 : memref<!tpu.dma_semaphore, #tpu.memory_space<semaphore_mem>>) {add = true}
      %mul3A_116 = arith.constant 4 : i32
      %mul3A_117 = arith.muli %mul3A_116, %scan3A_50 : i32
      %add3A_118 = arith.constant 2 : i32
      %add3A_119 = arith.addi %mul3A_117, %add3A_118 : i32
      %ge3A_120 = arith.constant 2 : i32
      %ge3A_121 = arith.cmpi sge, %add3A_119, %ge3A_120 : i32
      %convert_element_type3A_122 = arith.extui %ge3A_121 : i1 to i32
      %cond3A_123 = arith.constant 0 : i32
      %cond3A_124 = arith.cmpi ne, %convert_element_type3A_122, %cond3A_123 : i32
      scf.if %cond3A_124 {
        %dma_wait3A_186 = arith.constant 0 : i32
        %dma_wait3A_187 = arith.constant 0 : i32
        %dma_wait3A_188 = tpu.memref_slice %arg8[%dma_wait3A_186, %dma_wait3A_187] : memref<10112x48xf32, #tpu.memory_space<vmem_shared>> -> memref<10112x48xf32, #tpu.memory_space<vmem_shared>>
        tpu.wait_indirect_dma semaphore(%arg35 : memref<!tpu.dma_semaphore, #tpu.memory_space<semaphore_mem>>) src(%arg25 : memref<64x48xf32, #tpu.memory_space<vmem>>) dst(%dma_wait3A_188 : memref<10112x48xf32, #tpu.memory_space<vmem_shared>>)
      } else {
      }
      %add3A_125 = arith.constant 2 : i32
      %add3A_126 = arith.addi %add3A_119, %add3A_125 : i32
      %lt3A_127 = arith.constant 164 : i32
      %lt3A_128 = arith.cmpi slt, %add3A_126, %lt3A_127 : i32
      %convert_element_type3A_129 = arith.extui %lt3A_128 : i1 to i32
      %cond3A_130 = arith.constant 0 : i32
      %cond3A_131 = arith.cmpi ne, %convert_element_type3A_129, %cond3A_130 : i32
      scf.if %cond3A_131 {
        %add3A_186 = arith.constant 2 : i32
        %add3A_187 = arith.addi %add3A_119, %add3A_186 : i32
        %mul3A_188 = arith.constant 64 : i32
        %mul3A_189 = arith.muli %add3A_187, %mul3A_188 : i32
        %add3A_190 = arith.addi %add3A, %mul3A_189 : i32
        %dma_start3A_191 = tpu.memref_slice %arg4[%add3A_190] : memref<335872xi32, #tpu.memory_space<hbm>> -> memref<64xi32, #tpu.memory_space<hbm>>
        %dma_start3A_192 = tpu.memref_slice %arg4[%add3A_190] : memref<335872xi32, #tpu.memory_space<hbm>> -> memref<64xi32, #tpu.memory_space<hbm>>
        tpu.enqueue_dma source(%dma_start3A_192 : memref<64xi32, #tpu.memory_space<hbm>>) target(%arg9 : memref<64xi32, #tpu.memory_space<vmem>>) target_semaphore(%arg27 : memref<!tpu.dma_semaphore, #tpu.memory_space<semaphore_mem>>)
        %dma_start3A_193 = tpu.memref_slice %arg5[%add3A_190] : memref<335872xi32, #tpu.memory_space<hbm>> -> memref<64xi32, #tpu.memory_space<hbm>>
        %dma_start3A_194 = tpu.memref_slice %arg5[%add3A_190] : memref<335872xi32, #tpu.memory_space<hbm>> -> memref<64xi32, #tpu.memory_space<hbm>>
        tpu.enqueue_dma source(%dma_start3A_194 : memref<64xi32, #tpu.memory_space<hbm>>) target(%arg13 : memref<64xi32, #tpu.memory_space<vmem>>) target_semaphore(%arg27 : memref<!tpu.dma_semaphore, #tpu.memory_space<semaphore_mem>>)
      } else {
      }
      %add3A_132 = arith.constant 1 : i32
      %add3A_133 = arith.addi %add3A_119, %add3A_132 : i32
      %lt3A_134 = arith.constant 164 : i32
      %lt3A_135 = arith.cmpi slt, %add3A_133, %lt3A_134 : i32
      %convert_element_type3A_136 = arith.extui %lt3A_135 : i1 to i32
      %cond3A_137 = arith.constant 0 : i32
      %cond3A_138 = arith.cmpi ne, %convert_element_type3A_136, %cond3A_137 : i32
      scf.if %cond3A_138 {
        %add3A_186 = arith.constant 1 : i32
        %add3A_187 = arith.addi %add3A_119, %add3A_186 : i32
        %dma_wait3A_188 = arith.constant 0 : i32
        %dma_wait3A_189 = tpu.memref_slice %arg4[%dma_wait3A_188] : memref<335872xi32, #tpu.memory_space<hbm>> -> memref<64xi32, #tpu.memory_space<hbm>>
        %dma_wait3A_190 = arith.constant 0 : i32
        %dma_wait3A_191 = tpu.memref_slice %arg4[%dma_wait3A_190] : memref<335872xi32, #tpu.memory_space<hbm>> -> memref<64xi32, #tpu.memory_space<hbm>>
        tpu.wait_dma2 semaphore(%arg30 : memref<!tpu.dma_semaphore, #tpu.memory_space<semaphore_mem>>) src(%dma_wait3A_191 : memref<64xi32, #tpu.memory_space<hbm>>) dst(%arg12 : memref<64xi32, #tpu.memory_space<vmem>>)
        %dma_wait3A_192 = arith.constant 0 : i32
        %dma_wait3A_193 = tpu.memref_slice %arg5[%dma_wait3A_192] : memref<335872xi32, #tpu.memory_space<hbm>> -> memref<64xi32, #tpu.memory_space<hbm>>
        %dma_wait3A_194 = arith.constant 0 : i32
        %dma_wait3A_195 = tpu.memref_slice %arg5[%dma_wait3A_194] : memref<335872xi32, #tpu.memory_space<hbm>> -> memref<64xi32, #tpu.memory_space<hbm>>
        tpu.wait_dma2 semaphore(%arg30 : memref<!tpu.dma_semaphore, #tpu.memory_space<semaphore_mem>>) src(%dma_wait3A_195 : memref<64xi32, #tpu.memory_space<hbm>>) dst(%arg16 : memref<64xi32, #tpu.memory_space<vmem>>)
        %dma_start3A_196 = arith.constant 0 : i32
        %dma_start3A_197 = arith.constant 0 : i32
        %dma_start3A_198 = tpu.memref_slice %arg2[%dma_start3A_196, %dma_start3A_197] : memref<10000x48xf32, #tpu.memory_space<hbm>> -> memref<10000x48xf32, #tpu.memory_space<hbm>>
        tpu.enqueue_indirect_dma source(%dma_start3A_198 : memref<10000x48xf32, #tpu.memory_space<hbm>>) target(%arg22 : memref<64x48xf32, #tpu.memory_space<vmem>>) offsets(%arg12 : memref<64xi32, #tpu.memory_space<vmem>>) semaphore(%arg32 : memref<!tpu.dma_semaphore, #tpu.memory_space<semaphore_mem>>)
        %dma_start3A_199 = arith.constant 0 : i32
        %dma_start3A_200 = arith.constant 0 : i32
        %dma_start3A_201 = tpu.memref_slice %arg3[%dma_start3A_199, %dma_start3A_200] : memref<10128x16xf32, #tpu.memory_space<hbm>> -> memref<10128x16xf32, #tpu.memory_space<hbm>>
        tpu.enqueue_indirect_dma source(%dma_start3A_201 : memref<10128x16xf32, #tpu.memory_space<hbm>>) target(%arg24 : memref<64x16xf32, #tpu.memory_space<vmem>>) offsets(%arg16 : memref<64xi32, #tpu.memory_space<vmem>>) semaphore(%arg34 : memref<!tpu.dma_semaphore, #tpu.memory_space<semaphore_mem>>)
      } else {
      }
      %dma_wait3A_139 = arith.constant 0 : i32
      %dma_wait3A_140 = arith.constant 0 : i32
      %dma_wait3A_141 = tpu.memref_slice %arg2[%dma_wait3A_139, %dma_wait3A_140] : memref<10000x48xf32, #tpu.memory_space<hbm>> -> memref<10000x48xf32, #tpu.memory_space<hbm>>
      tpu.wait_indirect_dma semaphore(%arg31 : memref<!tpu.dma_semaphore, #tpu.memory_space<semaphore_mem>>) src(%dma_wait3A_141 : memref<10000x48xf32, #tpu.memory_space<hbm>>) dst(%arg21 : memref<64x48xf32, #tpu.memory_space<vmem>>)
      %dma_wait3A_142 = arith.constant 0 : i32
      %dma_wait3A_143 = arith.constant 0 : i32
      %dma_wait3A_144 = tpu.memref_slice %arg3[%dma_wait3A_142, %dma_wait3A_143] : memref<10128x16xf32, #tpu.memory_space<hbm>> -> memref<10128x16xf32, #tpu.memory_space<hbm>>
      tpu.wait_indirect_dma semaphore(%arg33 : memref<!tpu.dma_semaphore, #tpu.memory_space<semaphore_mem>>) src(%dma_wait3A_144 : memref<10128x16xf32, #tpu.memory_space<hbm>>) dst(%arg23 : memref<64x16xf32, #tpu.memory_space<vmem>>)
      %parallel_loop3A_145 = arith.constant 0 : i32
      %parallel_loop3A_146 = arith.constant 64 : i32
      %parallel_loop3A_147 = arith.constant 1 : i32
      scf.for %parallel_loop3A_186 = %parallel_loop3A_145 to %parallel_loop3A_146 step %parallel_loop3A_147  : i32 {
        %parallel_loop3A_187 = arith.index_cast %parallel_loop3A_186 : i32 to index
        %parallel_loop3A_188 = arith.constant 32 : index
        %parallel_loop3A_189 = tpu.vector_load %arg21[%parallel_loop3A_187, %parallel_loop3A_188] {strides = array<i32>} : memref<64x48xf32, #tpu.memory_space<vmem>>, vector<16xf32>,
        %parallel_loop3A_190 = arith.index_cast %parallel_loop3A_186 : i32 to index
        %parallel_loop3A_191 = arith.constant 0 : index
        %parallel_loop3A_192 = tpu.vector_load %arg23[%parallel_loop3A_190, %parallel_loop3A_191] {strides = array<i32>} : memref<64x16xf32, #tpu.memory_space<vmem>>, vector<16xf32>,
        %parallel_loop3A_193 = vector.extract_strided_slice %parallel_loop3A_189 {offsets = [9], sizes = [1], strides = [1]} : vector<16xf32> to vector<1xf32>
        %parallel_loop3A_194 = vector.extract %parallel_loop3A_193[0] : f32 from vector<1xf32>
        %parallel_loop3A_195 = vector.extract_strided_slice %parallel_loop3A_192 {offsets = [0], sizes = [1], strides = [1]} : vector<16xf32> to vector<1xf32>
        %parallel_loop3A_196 = vector.extract %parallel_loop3A_195[0] : f32 from vector<1xf32>
        %parallel_loop3A_197 = arith.addf %parallel_loop3A_194, %parallel_loop3A_196 : f32
        %parallel_loop3A_198 = vector.broadcast %parallel_loop3A_197 : f32 to vector<16xf32>
        %parallel_loop3A_199 = arith.constant 0.000000e+00 : f32
        %parallel_loop3A_200 = vector.broadcast %parallel_loop3A_199 : f32 to vector<16xf32>
        %parallel_loop3A_201 = arith.cmpf ogt, %parallel_loop3A_198, %parallel_loop3A_200 : vector<16xf32>
        %parallel_loop3A_202 = arith.constant 2.000000e-01 : f32
        %parallel_loop3A_203 = vector.broadcast %parallel_loop3A_202 : f32 to vector<16xf32>
        %parallel_loop3A_204 = arith.mulf %parallel_loop3A_203, %parallel_loop3A_198 : vector<16xf32>
        %parallel_loop3A_205 = arith.select %parallel_loop3A_201, %parallel_loop3A_198, %parallel_loop3A_204 : vector<16xi1>, vector<16xf32>
        %parallel_loop3A_206 = arith.constant 8.000000e+00 : f32
        %parallel_loop3A_207 = vector.broadcast %parallel_loop3A_206 : f32 to vector<16xf32>
        %parallel_loop3A_208 = arith.subf %parallel_loop3A_205, %parallel_loop3A_207 : vector<16xf32>
        %parallel_loop3A_209 = math.exp %parallel_loop3A_208 : vector<16xf32>
        %parallel_loop3A_210 = arith.index_cast %parallel_loop3A_186 : i32 to index
        %parallel_loop3A_211 = arith.constant 0 : index
        %parallel_loop3A_212 = tpu.vector_load %arg21[%parallel_loop3A_210, %parallel_loop3A_211] {strides = array<i32>} : memref<64x48xf32, #tpu.memory_space<vmem>>, vector<16xf32>,
        %parallel_loop3A_213 = arith.mulf %parallel_loop3A_212, %parallel_loop3A_209 : vector<16xf32>
        %parallel_loop3A_214 = arith.index_cast %parallel_loop3A_186 : i32 to index
        %parallel_loop3A_215 = arith.constant 0 : index
        %parallel_loop3A_216 = tpu.vector_load %arg25[%parallel_loop3A_214, %parallel_loop3A_215] {strides = array<i32>} : memref<64x48xf32, #tpu.memory_space<vmem>>, vector<16xf32>,
        tpu.vector_store %arg25[%parallel_loop3A_214, %parallel_loop3A_215], %parallel_loop3A_213 {strides = array<i32>} : memref<64x48xf32, #tpu.memory_space<vmem>>, vector<16xf32>,
        %parallel_loop3A_217 = arith.index_cast %parallel_loop3A_186 : i32 to index
        %parallel_loop3A_218 = arith.constant 16 : index
        %parallel_loop3A_219 = tpu.vector_load %arg21[%parallel_loop3A_217, %parallel_loop3A_218] {strides = array<i32>} : memref<64x48xf32, #tpu.memory_space<vmem>>, vector<16xf32>,
        %parallel_loop3A_220 = arith.mulf %parallel_loop3A_219, %parallel_loop3A_209 : vector<16xf32>
        %parallel_loop3A_221 = arith.index_cast %parallel_loop3A_186 : i32 to index
        %parallel_loop3A_222 = arith.constant 16 : index
        %parallel_loop3A_223 = tpu.vector_load %arg25[%parallel_loop3A_221, %parallel_loop3A_222] {strides = array<i32>} : memref<64x48xf32, #tpu.memory_space<vmem>>, vector<16xf32>,
        tpu.vector_store %arg25[%parallel_loop3A_221, %parallel_loop3A_222], %parallel_loop3A_220 {strides = array<i32>} : memref<64x48xf32, #tpu.memory_space<vmem>>, vector<16xf32>,
        %parallel_loop3A_224 = arith.mulf %parallel_loop3A_189, %parallel_loop3A_209 : vector<16xf32>
        %parallel_loop3A_225 = arith.index_cast %parallel_loop3A_186 : i32 to index
        %parallel_loop3A_226 = arith.constant 32 : index
        %parallel_loop3A_227 = tpu.vector_load %arg25[%parallel_loop3A_225, %parallel_loop3A_226] {strides = array<i32>} : memref<64x48xf32, #tpu.memory_space<vmem>>, vector<16xf32>,
        tpu.vector_store %arg25[%parallel_loop3A_225, %parallel_loop3A_226], %parallel_loop3A_224 {strides = array<i32>} : memref<64x48xf32, #tpu.memory_space<vmem>>, vector<16xf32>,
      } {sc.loop_unroll_factor = 4 : i64, sc.parallel_access}
      %dma_start3A_148 = arith.constant 0 : i32
      %dma_start3A_149 = arith.constant 0 : i32
      %dma_start3A_150 = tpu.memref_slice %arg8[%dma_start3A_148, %dma_start3A_149] : memref<10112x48xf32, #tpu.memory_space<vmem_shared>> -> memref<10112x48xf32, #tpu.memory_space<vmem_shared>>
      tpu.enqueue_indirect_dma source(%arg25 : memref<64x48xf32, #tpu.memory_space<vmem>>) target(%dma_start3A_150 : memref<10112x48xf32, #tpu.memory_space<vmem_shared>>) offsets(%arg15 : memref<64xi32, #tpu.memory_space<vmem>>) semaphore(%arg35 : memref<!tpu.dma_semaphore, #tpu.memory_space<semaphore_mem>>) {add = true}
      %mul3A_151 = arith.constant 4 : i32
      %mul3A_152 = arith.muli %mul3A_151, %scan3A_50 : i32
      %add3A_153 = arith.constant 3 : i32
      %add3A_154 = arith.addi %mul3A_152, %add3A_153 : i32
      %ge3A_155 = arith.constant 2 : i32
      %ge3A_156 = arith.cmpi sge, %add3A_154, %ge3A_155 : i32
      %convert_element_type3A_157 = arith.extui %ge3A_156 : i1 to i32
      %cond3A_158 = arith.constant 0 : i32
      %cond3A_159 = arith.cmpi ne, %convert_element_type3A_157, %cond3A_158 : i32
      scf.if %cond3A_159 {
        %dma_wait3A_186 = arith.constant 0 : i32
        %dma_wait3A_187 = arith.constant 0 : i32
        %dma_wait3A_188 = tpu.memref_slice %arg8[%dma_wait3A_186, %dma_wait3A_187] : memref<10112x48xf32, #tpu.memory_space<vmem_shared>> -> memref<10112x48xf32, #tpu.memory_space<vmem_shared>>
        tpu.wait_indirect_dma semaphore(%arg36 : memref<!tpu.dma_semaphore, #tpu.memory_space<semaphore_mem>>) src(%arg26 : memref<64x48xf32, #tpu.memory_space<vmem>>) dst(%dma_wait3A_188 : memref<10112x48xf32, #tpu.memory_space<vmem_shared>>)
      } else {
      }
      %add3A_160 = arith.constant 2 : i32
      %add3A_161 = arith.addi %add3A_154, %add3A_160 : i32
      %lt3A_162 = arith.constant 164 : i32
      %lt3A_163 = arith.cmpi slt, %add3A_161, %lt3A_162 : i32
      %convert_element_type3A_164 = arith.extui %lt3A_163 : i1 to i32
      %cond3A_165 = arith.constant 0 : i32
      %cond3A_166 = arith.cmpi ne, %convert_element_type3A_164, %cond3A_165 : i32
      scf.if %cond3A_166 {
        %add3A_186 = arith.constant 2 : i32
        %add3A_187 = arith.addi %add3A_154, %add3A_186 : i32
        %mul3A_188 = arith.constant 64 : i32
        %mul3A_189 = arith.muli %add3A_187, %mul3A_188 : i32
        %add3A_190 = arith.addi %add3A, %mul3A_189 : i32
        %dma_start3A_191 = tpu.memref_slice %arg4[%add3A_190] : memref<335872xi32, #tpu.memory_space<hbm>> -> memref<64xi32, #tpu.memory_space<hbm>>
        %dma_start3A_192 = tpu.memref_slice %arg4[%add3A_190] : memref<335872xi32, #tpu.memory_space<hbm>> -> memref<64xi32, #tpu.memory_space<hbm>>
        tpu.enqueue_dma source(%dma_start3A_192 : memref<64xi32, #tpu.memory_space<hbm>>) target(%arg10 : memref<64xi32, #tpu.memory_space<vmem>>) target_semaphore(%arg28 : memref<!tpu.dma_semaphore, #tpu.memory_space<semaphore_mem>>)
        %dma_start3A_193 = tpu.memref_slice %arg5[%add3A_190] : memref<335872xi32, #tpu.memory_space<hbm>> -> memref<64xi32, #tpu.memory_space<hbm>>
        %dma_start3A_194 = tpu.memref_slice %arg5[%add3A_190] : memref<335872xi32, #tpu.memory_space<hbm>> -> memref<64xi32, #tpu.memory_space<hbm>>
        tpu.enqueue_dma source(%dma_start3A_194 : memref<64xi32, #tpu.memory_space<hbm>>) target(%arg14 : memref<64xi32, #tpu.memory_space<vmem>>) target_semaphore(%arg28 : memref<!tpu.dma_semaphore, #tpu.memory_space<semaphore_mem>>)
      } else {
      }
      %add3A_167 = arith.constant 1 : i32
      %add3A_168 = arith.addi %add3A_154, %add3A_167 : i32
      %lt3A_169 = arith.constant 164 : i32
      %lt3A_170 = arith.cmpi slt, %add3A_168, %lt3A_169 : i32
      %convert_element_type3A_171 = arith.extui %lt3A_170 : i1 to i32
      %cond3A_172 = arith.constant 0 : i32
      %cond3A_173 = arith.cmpi ne, %convert_element_type3A_171, %cond3A_172 : i32
      scf.if %cond3A_173 {
        %add3A_186 = arith.constant 1 : i32
        %add3A_187 = arith.addi %add3A_154, %add3A_186 : i32
        %dma_wait3A_188 = arith.constant 0 : i32
        %dma_wait3A_189 = tpu.memref_slice %arg4[%dma_wait3A_188] : memref<335872xi32, #tpu.memory_space<hbm>> -> memref<64xi32, #tpu.memory_space<hbm>>
        %dma_wait3A_190 = arith.constant 0 : i32
        %dma_wait3A_191 = tpu.memref_slice %arg4[%dma_wait3A_190] : memref<335872xi32, #tpu.memory_space<hbm>> -> memref<64xi32, #tpu.memory_space<hbm>>
        tpu.wait_dma2 semaphore(%arg27 : memref<!tpu.dma_semaphore, #tpu.memory_space<semaphore_mem>>) src(%dma_wait3A_191 : memref<64xi32, #tpu.memory_space<hbm>>) dst(%arg9 : memref<64xi32, #tpu.memory_space<vmem>>)
        %dma_wait3A_192 = arith.constant 0 : i32
        %dma_wait3A_193 = tpu.memref_slice %arg5[%dma_wait3A_192] : memref<335872xi32, #tpu.memory_space<hbm>> -> memref<64xi32, #tpu.memory_space<hbm>>
        %dma_wait3A_194 = arith.constant 0 : i32
        %dma_wait3A_195 = tpu.memref_slice %arg5[%dma_wait3A_194] : memref<335872xi32, #tpu.memory_space<hbm>> -> memref<64xi32, #tpu.memory_space<hbm>>
        tpu.wait_dma2 semaphore(%arg27 : memref<!tpu.dma_semaphore, #tpu.memory_space<semaphore_mem>>) src(%dma_wait3A_195 : memref<64xi32, #tpu.memory_space<hbm>>) dst(%arg13 : memref<64xi32, #tpu.memory_space<vmem>>)
        %dma_start3A_196 = arith.constant 0 : i32
        %dma_start3A_197 = arith.constant 0 : i32
        %dma_start3A_198 = tpu.memref_slice %arg2[%dma_start3A_196, %dma_start3A_197] : memref<10000x48xf32, #tpu.memory_space<hbm>> -> memref<10000x48xf32, #tpu.memory_space<hbm>>
        tpu.enqueue_indirect_dma source(%dma_start3A_198 : memref<10000x48xf32, #tpu.memory_space<hbm>>) target(%arg21 : memref<64x48xf32, #tpu.memory_space<vmem>>) offsets(%arg9 : memref<64xi32, #tpu.memory_space<vmem>>) semaphore(%arg31 : memref<!tpu.dma_semaphore, #tpu.memory_space<semaphore_mem>>)
        %dma_start3A_199 = arith.constant 0 : i32
        %dma_start3A_200 = arith.constant 0 : i32
        %dma_start3A_201 = tpu.memref_slice %arg3[%dma_start3A_199, %dma_start3A_200] : memref<10128x16xf32, #tpu.memory_space<hbm>> -> memref<10128x16xf32, #tpu.memory_space<hbm>>
        tpu.enqueue_indirect_dma source(%dma_start3A_201 : memref<10128x16xf32, #tpu.memory_space<hbm>>) target(%arg23 : memref<64x16xf32, #tpu.memory_space<vmem>>) offsets(%arg13 : memref<64xi32, #tpu.memory_space<vmem>>) semaphore(%arg33 : memref<!tpu.dma_semaphore, #tpu.memory_space<semaphore_mem>>)
      } else {
      }
      %dma_wait3A_174 = arith.constant 0 : i32
      %dma_wait3A_175 = arith.constant 0 : i32
      %dma_wait3A_176 = tpu.memref_slice %arg2[%dma_wait3A_174, %dma_wait3A_175] : memref<10000x48xf32, #tpu.memory_space<hbm>> -> memref<10000x48xf32, #tpu.memory_space<hbm>>
      tpu.wait_indirect_dma semaphore(%arg32 : memref<!tpu.dma_semaphore, #tpu.memory_space<semaphore_mem>>) src(%dma_wait3A_176 : memref<10000x48xf32, #tpu.memory_space<hbm>>) dst(%arg22 : memref<64x48xf32, #tpu.memory_space<vmem>>)
      %dma_wait3A_177 = arith.constant 0 : i32
      %dma_wait3A_178 = arith.constant 0 : i32
      %dma_wait3A_179 = tpu.memref_slice %arg3[%dma_wait3A_177, %dma_wait3A_178] : memref<10128x16xf32, #tpu.memory_space<hbm>> -> memref<10128x16xf32, #tpu.memory_space<hbm>>
      tpu.wait_indirect_dma semaphore(%arg34 : memref<!tpu.dma_semaphore, #tpu.memory_space<semaphore_mem>>) src(%dma_wait3A_179 : memref<10128x16xf32, #tpu.memory_space<hbm>>) dst(%arg24 : memref<64x16xf32, #tpu.memory_space<vmem>>)
      %parallel_loop3A_180 = arith.constant 0 : i32
      %parallel_loop3A_181 = arith.constant 64 : i32
      %parallel_loop3A_182 = arith.constant 1 : i32
      scf.for %parallel_loop3A_186 = %parallel_loop3A_180 to %parallel_loop3A_181 step %parallel_loop3A_182  : i32 {
        %parallel_loop3A_187 = arith.index_cast %parallel_loop3A_186 : i32 to index
        %parallel_loop3A_188 = arith.constant 32 : index
        %parallel_loop3A_189 = tpu.vector_load %arg22[%parallel_loop3A_187, %parallel_loop3A_188] {strides = array<i32>} : memref<64x48xf32, #tpu.memory_space<vmem>>, vector<16xf32>,
        %parallel_loop3A_190 = arith.index_cast %parallel_loop3A_186 : i32 to index
        %parallel_loop3A_191 = arith.constant 0 : index
        %parallel_loop3A_192 = tpu.vector_load %arg24[%parallel_loop3A_190, %parallel_loop3A_191] {strides = array<i32>} : memref<64x16xf32, #tpu.memory_space<vmem>>, vector<16xf32>,
        %parallel_loop3A_193 = vector.extract_strided_slice %parallel_loop3A_189 {offsets = [9], sizes = [1], strides = [1]} : vector<16xf32> to vector<1xf32>
        %parallel_loop3A_194 = vector.extract %parallel_loop3A_193[0] : f32 from vector<1xf32>
        %parallel_loop3A_195 = vector.extract_strided_slice %parallel_loop3A_192 {offsets = [0], sizes = [1], strides = [1]} : vector<16xf32> to vector<1xf32>
        %parallel_loop3A_196 = vector.extract %parallel_loop3A_195[0] : f32 from vector<1xf32>
        %parallel_loop3A_197 = arith.addf %parallel_loop3A_194, %parallel_loop3A_196 : f32
        %parallel_loop3A_198 = vector.broadcast %parallel_loop3A_197 : f32 to vector<16xf32>
        %parallel_loop3A_199 = arith.constant 0.000000e+00 : f32
        %parallel_loop3A_200 = vector.broadcast %parallel_loop3A_199 : f32 to vector<16xf32>
        %parallel_loop3A_201 = arith.cmpf ogt, %parallel_loop3A_198, %parallel_loop3A_200 : vector<16xf32>
        %parallel_loop3A_202 = arith.constant 2.000000e-01 : f32
        %parallel_loop3A_203 = vector.broadcast %parallel_loop3A_202 : f32 to vector<16xf32>
        %parallel_loop3A_204 = arith.mulf %parallel_loop3A_203, %parallel_loop3A_198 : vector<16xf32>
        %parallel_loop3A_205 = arith.select %parallel_loop3A_201, %parallel_loop3A_198, %parallel_loop3A_204 : vector<16xi1>, vector<16xf32>
        %parallel_loop3A_206 = arith.constant 8.000000e+00 : f32
        %parallel_loop3A_207 = vector.broadcast %parallel_loop3A_206 : f32 to vector<16xf32>
        %parallel_loop3A_208 = arith.subf %parallel_loop3A_205, %parallel_loop3A_207 : vector<16xf32>
        %parallel_loop3A_209 = math.exp %parallel_loop3A_208 : vector<16xf32>
        %parallel_loop3A_210 = arith.index_cast %parallel_loop3A_186 : i32 to index
        %parallel_loop3A_211 = arith.constant 0 : index
        %parallel_loop3A_212 = tpu.vector_load %arg22[%parallel_loop3A_210, %parallel_loop3A_211] {strides = array<i32>} : memref<64x48xf32, #tpu.memory_space<vmem>>, vector<16xf32>,
        %parallel_loop3A_213 = arith.mulf %parallel_loop3A_212, %parallel_loop3A_209 : vector<16xf32>
        %parallel_loop3A_214 = arith.index_cast %parallel_loop3A_186 : i32 to index
        %parallel_loop3A_215 = arith.constant 0 : index
        %parallel_loop3A_216 = tpu.vector_load %arg26[%parallel_loop3A_214, %parallel_loop3A_215] {strides = array<i32>} : memref<64x48xf32, #tpu.memory_space<vmem>>, vector<16xf32>,
        tpu.vector_store %arg26[%parallel_loop3A_214, %parallel_loop3A_215], %parallel_loop3A_213 {strides = array<i32>} : memref<64x48xf32, #tpu.memory_space<vmem>>, vector<16xf32>,
        %parallel_loop3A_217 = arith.index_cast %parallel_loop3A_186 : i32 to index
        %parallel_loop3A_218 = arith.constant 16 : index
        %parallel_loop3A_219 = tpu.vector_load %arg22[%parallel_loop3A_217, %parallel_loop3A_218] {strides = array<i32>} : memref<64x48xf32, #tpu.memory_space<vmem>>, vector<16xf32>,
        %parallel_loop3A_220 = arith.mulf %parallel_loop3A_219, %parallel_loop3A_209 : vector<16xf32>
        %parallel_loop3A_221 = arith.index_cast %parallel_loop3A_186 : i32 to index
        %parallel_loop3A_222 = arith.constant 16 : index
        %parallel_loop3A_223 = tpu.vector_load %arg26[%parallel_loop3A_221, %parallel_loop3A_222] {strides = array<i32>} : memref<64x48xf32, #tpu.memory_space<vmem>>, vector<16xf32>,
        tpu.vector_store %arg26[%parallel_loop3A_221, %parallel_loop3A_222], %parallel_loop3A_220 {strides = array<i32>} : memref<64x48xf32, #tpu.memory_space<vmem>>, vector<16xf32>,
        %parallel_loop3A_224 = arith.mulf %parallel_loop3A_189, %parallel_loop3A_209 : vector<16xf32>
        %parallel_loop3A_225 = arith.index_cast %parallel_loop3A_186 : i32 to index
        %parallel_loop3A_226 = arith.constant 32 : index
        %parallel_loop3A_227 = tpu.vector_load %arg26[%parallel_loop3A_225, %parallel_loop3A_226] {strides = array<i32>} : memref<64x48xf32, #tpu.memory_space<vmem>>, vector<16xf32>,
        tpu.vector_store %arg26[%parallel_loop3A_225, %parallel_loop3A_226], %parallel_loop3A_224 {strides = array<i32>} : memref<64x48xf32, #tpu.memory_space<vmem>>, vector<16xf32>,
      } {sc.loop_unroll_factor = 4 : i64, sc.parallel_access}
      %dma_start3A_183 = arith.constant 0 : i32
      %dma_start3A_184 = arith.constant 0 : i32
      %dma_start3A_185 = tpu.memref_slice %arg8[%dma_start3A_183, %dma_start3A_184] : memref<10112x48xf32, #tpu.memory_space<vmem_shared>> -> memref<10112x48xf32, #tpu.memory_space<vmem_shared>>
      tpu.enqueue_indirect_dma source(%arg26 : memref<64x48xf32, #tpu.memory_space<vmem>>) target(%dma_start3A_185 : memref<10112x48xf32, #tpu.memory_space<vmem_shared>>) offsets(%arg16 : memref<64xi32, #tpu.memory_space<vmem>>) semaphore(%arg36 : memref<!tpu.dma_semaphore, #tpu.memory_space<semaphore_mem>>) {add = true}
    }
    %scan3A_35 = arith.constant 41 : i32
    %dma_wait3A_36 = arith.constant 0 : i32
    %dma_wait3A_37 = arith.constant 0 : i32
    %dma_wait3A_38 = tpu.memref_slice %arg8[%dma_wait3A_36, %dma_wait3A_37] : memref<10112x48xf32, #tpu.memory_space<vmem_shared>> -> memref<10112x48xf32, #tpu.memory_space<vmem_shared>>
    tpu.wait_indirect_dma semaphore(%arg35 : memref<!tpu.dma_semaphore, #tpu.memory_space<semaphore_mem>>) src(%arg25 : memref<64x48xf32, #tpu.memory_space<vmem>>) dst(%dma_wait3A_38 : memref<10112x48xf32, #tpu.memory_space<vmem_shared>>)
    %dma_wait3A_39 = arith.constant 0 : i32
    %dma_wait3A_40 = arith.constant 0 : i32
    %dma_wait3A_41 = tpu.memref_slice %arg8[%dma_wait3A_39, %dma_wait3A_40] : memref<10112x48xf32, #tpu.memory_space<vmem_shared>> -> memref<10112x48xf32, #tpu.memory_space<vmem_shared>>
    tpu.wait_indirect_dma semaphore(%arg36 : memref<!tpu.dma_semaphore, #tpu.memory_space<semaphore_mem>>) src(%arg26 : memref<64x48xf32, #tpu.memory_space<vmem>>) dst(%dma_wait3A_41 : memref<10112x48xf32, #tpu.memory_space<vmem_shared>>)
    %barrier3A_42 = arith.constant 0 : index
    tpu.barrier barrier_id(%barrier3A_42)
    %mul3A_43 = arith.constant 632 : i32
    %mul3A_44 = arith.muli %arg1, %mul3A_43 : i32
    %mul3A_45 = arith.constant 10112 : i32
    %mul3A_46 = arith.muli %arg0, %mul3A_45 : i32
    %mul3A_47 = arith.constant 632 : i32
    %mul3A_48 = arith.muli %arg1, %mul3A_47 : i32
    %add3A_49 = arith.addi %mul3A_46, %mul3A_48 : i32
    "tpu.region"() ({
      %run_scoped3A = tpu.sem_alloc : memref<!tpu.dma_semaphore, #tpu.memory_space<semaphore_mem>>
      %dma_start3A_50 = arith.constant 0 : i32
      %dma_start3A_51 = tpu.memref_slice %arg7[%add3A_49, %dma_start3A_50] : memref<20224x48xf32, #tpu.memory_space<hbm>> -> memref<632x48xf32, #tpu.memory_space<hbm>>
      %dma_start3A_52 = arith.constant 0 : i32
      %dma_start3A_53 = tpu.memref_slice %arg8[%mul3A_44, %dma_start3A_52] : memref<10112x48xf32, #tpu.memory_space<vmem_shared>> -> memref<632x48xf32, #tpu.memory_space<vmem_shared>>
      tpu.enqueue_dma source(%dma_start3A_53 : memref<632x48xf32, #tpu.memory_space<vmem_shared>>) target(%dma_start3A_51 : memref<632x48xf32, #tpu.memory_space<hbm>>) target_semaphore(%run_scoped3A : memref<!tpu.dma_semaphore, #tpu.memory_space<semaphore_mem>>)
      %dma_wait3A_54 = arith.constant 0 : i32
      %dma_wait3A_55 = tpu.memref_slice %arg7[%add3A_49, %dma_wait3A_54] : memref<20224x48xf32, #tpu.memory_space<hbm>> -> memref<632x48xf32, #tpu.memory_space<hbm>>
      %dma_wait3A_56 = arith.constant 0 : i32
      %dma_wait3A_57 = tpu.memref_slice %arg8[%mul3A_44, %dma_wait3A_56] : memref<10112x48xf32, #tpu.memory_space<vmem_shared>> -> memref<632x48xf32, #tpu.memory_space<vmem_shared>>
      tpu.wait_dma2 semaphore(%run_scoped3A : memref<!tpu.dma_semaphore, #tpu.memory_space<semaphore_mem>>) src(%dma_wait3A_57 : memref<632x48xf32, #tpu.memory_space<vmem_shared>>) dst(%dma_wait3A_55 : memref<632x48xf32, #tpu.memory_space<hbm>>)
      tpu.yield
    }) : () -> ()
    return
  }
}

#map = affine_map<(d0, d1) -> (0, 0)>
#map1 = affine_map<(d0, d1) -> (0)>
module attributes {stable_mosaic.version = 14 : i64} {
  func.func @k(%arg0: i32, %arg1: i32, %arg2: memref<20000x160xbf16, #tpu.memory_space<hbm>>, %arg3: memref<20128x16xf32, #tpu.memory_space<hbm>>, %arg4: memref<335872xi32, #tpu.memory_space<hbm>>, %arg5: memref<335872xi32, #tpu.memory_space<hbm>>, %arg6: memref<632x144xf32, #tpu.memory_space<hbm>>, %arg7: memref<20224x144xf32, #tpu.memory_space<hbm>>, %arg8: memref<10112x144xf32, #tpu.memory_space<vmem_shared>>, %arg9: memref<64xi32, #tpu.memory_space<vmem>>, %arg10: memref<64xi32, #tpu.memory_space<vmem>>, %arg11: memref<64xi32, #tpu.memory_space<vmem>>, %arg12: memref<64xi32, #tpu.memory_space<vmem>>, %arg13: memref<64xi32, #tpu.memory_space<vmem>>, %arg14: memref<64xi32, #tpu.memory_space<vmem>>, %arg15: memref<64xi32, #tpu.memory_space<vmem>>, %arg16: memref<64xi32, #tpu.memory_space<vmem>>, %arg17: memref<64xi32, #tpu.memory_space<vmem>>, %arg18: memref<64xi32, #tpu.memory_space<vmem>>, %arg19: memref<64xi32, #tpu.memory_space<vmem>>, %arg20: memref<64xi32, #tpu.memory_space<vmem>>, %arg21: memref<64x160xbf16, #tpu.memory_space<vmem>>, %arg22: memref<64x160xbf16, #tpu.memory_space<vmem>>, %arg23: memref<64x16xf32, #tpu.memory_space<vmem>>, %arg24: memref<64x16xf32, #tpu.memory_space<vmem>>, %arg25: memref<64x144xf32, #tpu.memory_space<vmem>>, %arg26: memref<64x144xf32, #tpu.memory_space<vmem>>, %arg27: memref<!tpu.dma_semaphore, #tpu.memory_space<semaphore_mem>>, %arg28: memref<!tpu.dma_semaphore, #tpu.memory_space<semaphore_mem>>, %arg29: memref<!tpu.dma_semaphore, #tpu.memory_space<semaphore_mem>>, %arg30: memref<!tpu.dma_semaphore, #tpu.memory_space<semaphore_mem>>, %arg31: memref<!tpu.dma_semaphore, #tpu.memory_space<semaphore_mem>>, %arg32: memref<!tpu.dma_semaphore, #tpu.memory_space<semaphore_mem>>, %arg33: memref<!tpu.dma_semaphore, #tpu.memory_space<semaphore_mem>>, %arg34: memref<!tpu.dma_semaphore, #tpu.memory_space<semaphore_mem>>, %arg35: memref<!tpu.dma_semaphore, #tpu.memory_space<semaphore_mem>>, %arg36: memref<!tpu.dma_semaphore, #tpu.memory_space<semaphore_mem>>) attributes {dimension_semantics = [#tpu.dimension_semantics<core_parallel>, #tpu.dimension_semantics<subcore_parallel>], iteration_bounds = array<i64: 2, 16>, scalar_prefetch = 0 : i64, scratch_operands = 29 : i64, tpu.core_type = #tpu.core_type<sc_vector_subcore>, window_params = [{transform_indices = #map}, {transform_indices = #map}, {transform_indices = #map1}, {transform_indices = #map1}, {transform_indices = #map}, {transform_indices = #map}]} {
    %mul3A = arith.constant 632 : i32
    %mul3A_0 = arith.muli %arg1, %mul3A : i32
    "tpu.region"() ({
      %run_scoped3A = tpu.sem_alloc : memref<!tpu.dma_semaphore, #tpu.memory_space<semaphore_mem>>
      %dma_start3A_93 = arith.constant 0 : i32
      %dma_start3A_94 = tpu.memref_slice %arg8[%mul3A_0, %dma_start3A_93] : memref<10112x144xf32, #tpu.memory_space<vmem_shared>> -> memref<632x144xf32, #tpu.memory_space<vmem_shared>>
      tpu.enqueue_dma source(%arg6 : memref<632x144xf32, #tpu.memory_space<hbm>>) target(%dma_start3A_94 : memref<632x144xf32, #tpu.memory_space<vmem_shared>>) target_semaphore(%run_scoped3A : memref<!tpu.dma_semaphore, #tpu.memory_space<semaphore_mem>>)
      %dma_wait3A_95 = arith.constant 0 : i32
      %dma_wait3A_96 = tpu.memref_slice %arg8[%mul3A_0, %dma_wait3A_95] : memref<10112x144xf32, #tpu.memory_space<vmem_shared>> -> memref<632x144xf32, #tpu.memory_space<vmem_shared>>
      tpu.wait_dma2 semaphore(%run_scoped3A : memref<!tpu.dma_semaphore, #tpu.memory_space<semaphore_mem>>) src(%arg6 : memref<632x144xf32, #tpu.memory_space<hbm>>) dst(%dma_wait3A_96 : memref<632x144xf32, #tpu.memory_space<vmem_shared>>)
      tpu.yield
    }) : () -> ()
    %barrier3A = arith.constant 0 : index
    tpu.barrier barrier_id(%barrier3A)
    %mul3A_1 = arith.constant 20992 : i32
    %mul3A_2 = arith.muli %arg1, %mul3A_1 : i32
    %mul3A_3 = arith.constant 10000 : i32
    %mul3A_4 = arith.muli %arg0, %mul3A_3 : i32
    %iota3A = tpu.iota {dimensions = array<i32: 0>} : vector<16xi32>
    %add3A = arith.constant 0 : i32
    %add3A_5 = arith.addi %mul3A_2, %add3A : i32
    %dma_start3A = tpu.memref_slice %arg4[%add3A_5] : memref<335872xi32, #tpu.memory_space<hbm>> -> memref<64xi32, #tpu.memory_space<hbm>>
    %dma_start3A_6 = tpu.memref_slice %arg4[%add3A_5] : memref<335872xi32, #tpu.memory_space<hbm>> -> memref<64xi32, #tpu.memory_space<hbm>>
    tpu.enqueue_dma source(%dma_start3A_6 : memref<64xi32, #tpu.memory_space<hbm>>) target(%arg9 : memref<64xi32, #tpu.memory_space<vmem>>) target_semaphore(%arg27 : memref<!tpu.dma_semaphore, #tpu.memory_space<semaphore_mem>>)
    %dma_start3A_7 = tpu.memref_slice %arg5[%add3A_5] : memref<335872xi32, #tpu.memory_space<hbm>> -> memref<64xi32, #tpu.memory_space<hbm>>
    %dma_start3A_8 = tpu.memref_slice %arg5[%add3A_5] : memref<335872xi32, #tpu.memory_space<hbm>> -> memref<64xi32, #tpu.memory_space<hbm>>
    tpu.enqueue_dma source(%dma_start3A_8 : memref<64xi32, #tpu.memory_space<hbm>>) target(%arg13 : memref<64xi32, #tpu.memory_space<vmem>>) target_semaphore(%arg27 : memref<!tpu.dma_semaphore, #tpu.memory_space<semaphore_mem>>)
    %add3A_9 = arith.constant 64 : i32
    %add3A_10 = arith.addi %mul3A_2, %add3A_9 : i32
    %dma_start3A_11 = tpu.memref_slice %arg4[%add3A_10] : memref<335872xi32, #tpu.memory_space<hbm>> -> memref<64xi32, #tpu.memory_space<hbm>>
    %dma_start3A_12 = tpu.memref_slice %arg4[%add3A_10] : memref<335872xi32, #tpu.memory_space<hbm>> -> memref<64xi32, #tpu.memory_space<hbm>>
    tpu.enqueue_dma source(%dma_start3A_12 : memref<64xi32, #tpu.memory_space<hbm>>) target(%arg10 : memref<64xi32, #tpu.memory_space<vmem>>) target_semaphore(%arg28 : memref<!tpu.dma_semaphore, #tpu.memory_space<semaphore_mem>>)
    %dma_start3A_13 = tpu.memref_slice %arg5[%add3A_10] : memref<335872xi32, #tpu.memory_space<hbm>> -> memref<64xi32, #tpu.memory_space<hbm>>
    %dma_start3A_14 = tpu.memref_slice %arg5[%add3A_10] : memref<335872xi32, #tpu.memory_space<hbm>> -> memref<64xi32, #tpu.memory_space<hbm>>
    tpu.enqueue_dma source(%dma_start3A_14 : memref<64xi32, #tpu.memory_space<hbm>>) target(%arg14 : memref<64xi32, #tpu.memory_space<vmem>>) target_semaphore(%arg28 : memref<!tpu.dma_semaphore, #tpu.memory_space<semaphore_mem>>)
    %dma_wait3A = arith.constant 0 : i32
    %dma_wait3A_15 = tpu.memref_slice %arg4[%dma_wait3A] : memref<335872xi32, #tpu.memory_space<hbm>> -> memref<64xi32, #tpu.memory_space<hbm>>
    %dma_wait3A_16 = arith.constant 0 : i32
    %dma_wait3A_17 = tpu.memref_slice %arg4[%dma_wait3A_16] : memref<335872xi32, #tpu.memory_space<hbm>> -> memref<64xi32, #tpu.memory_space<hbm>>
    tpu.wait_dma2 semaphore(%arg27 : memref<!tpu.dma_semaphore, #tpu.memory_space<semaphore_mem>>) src(%dma_wait3A_17 : memref<64xi32, #tpu.memory_space<hbm>>) dst(%arg9 : memref<64xi32, #tpu.memory_space<vmem>>)
    %dma_wait3A_18 = arith.constant 0 : i32
    %dma_wait3A_19 = tpu.memref_slice %arg5[%dma_wait3A_18] : memref<335872xi32, #tpu.memory_space<hbm>> -> memref<64xi32, #tpu.memory_space<hbm>>
    %dma_wait3A_20 = arith.constant 0 : i32
    %dma_wait3A_21 = tpu.memref_slice %arg5[%dma_wait3A_20] : memref<335872xi32, #tpu.memory_space<hbm>> -> memref<64xi32, #tpu.memory_space<hbm>>
    tpu.wait_dma2 semaphore(%arg27 : memref<!tpu.dma_semaphore, #tpu.memory_space<semaphore_mem>>) src(%dma_wait3A_21 : memref<64xi32, #tpu.memory_space<hbm>>) dst(%arg13 : memref<64xi32, #tpu.memory_space<vmem>>)
    %get3A = arith.constant 0 : index
    %get3A_22 = tpu.vector_load %arg9[%get3A] {strides = array<i32>} : memref<64xi32, #tpu.memory_space<vmem>>, vector<16xi32>,
    %add3A_23 = vector.broadcast %mul3A_4 : i32 to vector<16xi32>
    %add3A_24 = arith.addi %get3A_22, %add3A_23 : vector<16xi32>
    %swap3A = arith.constant 0 : index
    %swap3A_25 = tpu.vector_load %arg9[%swap3A] {strides = array<i32>} : memref<64xi32, #tpu.memory_space<vmem>>, vector<16xi32>,
    tpu.vector_store %arg9[%swap3A], %add3A_24 {strides = array<i32>} : memref<64xi32, #tpu.memory_space<vmem>>, vector<16xi32>,
    %get3A_26 = arith.constant 0 : index
    %get3A_27 = tpu.vector_load %arg13[%get3A_26] {strides = array<i32>} : memref<64xi32, #tpu.memory_space<vmem>>, vector<16xi32>,
    %add3A_28 = vector.broadcast %mul3A_4 : i32 to vector<16xi32>
    %add3A_29 = arith.addi %get3A_27, %add3A_28 : vector<16xi32>
    %swap3A_30 = arith.constant 0 : index
    %swap3A_31 = tpu.vector_load %arg17[%swap3A_30] {strides = array<i32>} : memref<64xi32, #tpu.memory_space<vmem>>, vector<16xi32>,
    tpu.vector_store %arg17[%swap3A_30], %add3A_29 {strides = array<i32>} : memref<64xi32, #tpu.memory_space<vmem>>, vector<16xi32>,
    %get3A_32 = arith.constant 16 : index
    %get3A_33 = tpu.vector_load %arg9[%get3A_32] {strides = array<i32>} : memref<64xi32, #tpu.memory_space<vmem>>, vector<16xi32>,
    %add3A_34 = vector.broadcast %mul3A_4 : i32 to vector<16xi32>
    %add3A_35 = arith.addi %get3A_33, %add3A_34 : vector<16xi32>
    %swap3A_36 = arith.constant 16 : index
    %swap3A_37 = tpu.vector_load %arg9[%swap3A_36] {strides = array<i32>} : memref<64xi32, #tpu.memory_space<vmem>>, vector<16xi32>,
    tpu.vector_store %arg9[%swap3A_36], %add3A_35 {strides = array<i32>} : memref<64xi32, #tpu.memory_space<vmem>>, vector<16xi32>,
    %get3A_38 = arith.constant 16 : index
    %get3A_39 = tpu.vector_load %arg13[%get3A_38] {strides = array<i32>} : memref<64xi32, #tpu.memory_space<vmem>>, vector<16xi32>,
    %add3A_40 = vector.broadcast %mul3A_4 : i32 to vector<16xi32>
    %add3A_41 = arith.addi %get3A_39, %add3A_40 : vector<16xi32>
    %swap3A_42 = arith.constant 16 : index
    %swap3A_43 = tpu.vector_load %arg17[%swap3A_42] {strides = array<i32>} : memref<64xi32, #tpu.memory_space<vmem>>, vector<16xi32>,
    tpu.vector_store %arg17[%swap3A_42], %add3A_41 {strides = array<i32>} : memref<64xi32, #tpu.memory_space<vmem>>, vector<16xi32>,
    %get3A_44 = arith.constant 32 : index
    %get3A_45 = tpu.vector_load %arg9[%get3A_44] {strides = array<i32>} : memref<64xi32, #tpu.memory_space<vmem>>, vector<16xi32>,
    %add3A_46 = vector.broadcast %mul3A_4 : i32 to vector<16xi32>
    %add3A_47 = arith.addi %get3A_45, %add3A_46 : vector<16xi32>
    %swap3A_48 = arith.constant 32 : index
    %swap3A_49 = tpu.vector_load %arg9[%swap3A_48] {strides = array<i32>} : memref<64xi32, #tpu.memory_space<vmem>>, vector<16xi32>,
    tpu.vector_store %arg9[%swap3A_48], %add3A_47 {strides = array<i32>} : memref<64xi32, #tpu.memory_space<vmem>>, vector<16xi32>,
    %get3A_50 = arith.constant 32 : index
    %get3A_51 = tpu.vector_load %arg13[%get3A_50] {strides = array<i32>} : memref<64xi32, #tpu.memory_space<vmem>>, vector<16xi32>,
    %add3A_52 = vector.broadcast %mul3A_4 : i32 to vector<16xi32>
    %add3A_53 = arith.addi %get3A_51, %add3A_52 : vector<16xi32>
    %swap3A_54 = arith.constant 32 : index
    %swap3A_55 = tpu.vector_load %arg17[%swap3A_54] {strides = array<i32>} : memref<64xi32, #tpu.memory_space<vmem>>, vector<16xi32>,
    tpu.vector_store %arg17[%swap3A_54], %add3A_53 {strides = array<i32>} : memref<64xi32, #tpu.memory_space<vmem>>, vector<16xi32>,
    %get3A_56 = arith.constant 48 : index
    %get3A_57 = tpu.vector_load %arg9[%get3A_56] {strides = array<i32>} : memref<64xi32, #tpu.memory_space<vmem>>, vector<16xi32>,
    %add3A_58 = vector.broadcast %mul3A_4 : i32 to vector<16xi32>
    %add3A_59 = arith.addi %get3A_57, %add3A_58 : vector<16xi32>
    %swap3A_60 = arith.constant 48 : index
    %swap3A_61 = tpu.vector_load %arg9[%swap3A_60] {strides = array<i32>} : memref<64xi32, #tpu.memory_space<vmem>>, vector<16xi32>,
    tpu.vector_store %arg9[%swap3A_60], %add3A_59 {strides = array<i32>} : memref<64xi32, #tpu.memory_space<vmem>>, vector<16xi32>,
    %get3A_62 = arith.constant 48 : index
    %get3A_63 = tpu.vector_load %arg13[%get3A_62] {strides = array<i32>} : memref<64xi32, #tpu.memory_space<vmem>>, vector<16xi32>,
    %add3A_64 = vector.broadcast %mul3A_4 : i32 to vector<16xi32>
    %add3A_65 = arith.addi %get3A_63, %add3A_64 : vector<16xi32>
    %swap3A_66 = arith.constant 48 : index
    %swap3A_67 = tpu.vector_load %arg17[%swap3A_66] {strides = array<i32>} : memref<64xi32, #tpu.memory_space<vmem>>, vector<16xi32>,
    tpu.vector_store %arg17[%swap3A_66], %add3A_65 {strides = array<i32>} : memref<64xi32, #tpu.memory_space<vmem>>, vector<16xi32>,
    %dma_start3A_68 = arith.constant 0 : i32
    %dma_start3A_69 = arith.constant 0 : i32
    %dma_start3A_70 = tpu.memref_slice %arg2[%dma_start3A_68, %dma_start3A_69] : memref<20000x160xbf16, #tpu.memory_space<hbm>> -> memref<20000x160xbf16, #tpu.memory_space<hbm>>
    tpu.enqueue_indirect_dma source(%dma_start3A_70 : memref<20000x160xbf16, #tpu.memory_space<hbm>>) target(%arg21 : memref<64x160xbf16, #tpu.memory_space<vmem>>) offsets(%arg9 : memref<64xi32, #tpu.memory_space<vmem>>) semaphore(%arg31 : memref<!tpu.dma_semaphore, #tpu.memory_space<semaphore_mem>>)
    %dma_start3A_71 = arith.constant 0 : i32
    %dma_start3A_72 = arith.constant 0 : i32
    %dma_start3A_73 = tpu.memref_slice %arg3[%dma_start3A_71, %dma_start3A_72] : memref<20128x16xf32, #tpu.memory_space<hbm>> -> memref<20128x16xf32, #tpu.memory_space<hbm>>
    tpu.enqueue_indirect_dma source(%dma_start3A_73 : memref<20128x16xf32, #tpu.memory_space<hbm>>) target(%arg23 : memref<64x16xf32, #tpu.memory_space<vmem>>) offsets(%arg17 : memref<64xi32, #tpu.memory_space<vmem>>) semaphore(%arg33 : memref<!tpu.dma_semaphore, #tpu.memory_space<semaphore_mem>>)
    %scan3A = arith.constant 0 : i32
    %scan3A_74 = arith.constant 0 : i32
    %scan3A_75 = arith.constant 82 : i32
    %scan3A_76 = arith.addi %scan3A_74, %scan3A_75 : i32
    %scan3A_77 = arith.constant 1 : i32
    scf.for %scan3A_93 = %scan3A_74 to %scan3A_76 step %scan3A_77  : i32 {
      %mul3A_94 = arith.constant 4 : i32
      %mul3A_95 = arith.muli %mul3A_94, %scan3A_93 : i32
      %add3A_96 = arith.constant 0 : i32
      %add3A_97 = arith.addi %mul3A_95, %add3A_96 : i32
      %ge3A = arith.constant 2 : i32
      %ge3A_98 = arith.cmpi sge, %add3A_97, %ge3A : i32
      %convert_element_type3A = arith.extui %ge3A_98 : i1 to i32
      %cond3A = arith.constant 0 : i32
      %cond3A_99 = arith.cmpi ne, %convert_element_type3A, %cond3A : i32
      scf.if %cond3A_99 {
        %dma_wait3A_229 = arith.constant 0 : i32
        %dma_wait3A_230 = arith.constant 0 : i32
        %dma_wait3A_231 = tpu.memref_slice %arg8[%dma_wait3A_229, %dma_wait3A_230] : memref<10112x144xf32, #tpu.memory_space<vmem_shared>> -> memref<10112x144xf32, #tpu.memory_space<vmem_shared>>
        tpu.wait_indirect_dma semaphore(%arg35 : memref<!tpu.dma_semaphore, #tpu.memory_space<semaphore_mem>>) src(%arg25 : memref<64x144xf32, #tpu.memory_space<vmem>>) dst(%dma_wait3A_231 : memref<10112x144xf32, #tpu.memory_space<vmem_shared>>)
      } else {
      }
      %add3A_100 = arith.constant 2 : i32
      %add3A_101 = arith.addi %add3A_97, %add3A_100 : i32
      %lt3A = arith.constant 328 : i32
      %lt3A_102 = arith.cmpi slt, %add3A_101, %lt3A : i32
      %convert_element_type3A_103 = arith.extui %lt3A_102 : i1 to i32
      %cond3A_104 = arith.constant 0 : i32
      %cond3A_105 = arith.cmpi ne, %convert_element_type3A_103, %cond3A_104 : i32
      scf.if %cond3A_105 {
        %add3A_229 = arith.constant 2 : i32
        %add3A_230 = arith.addi %add3A_97, %add3A_229 : i32
        %mul3A_231 = arith.constant 64 : i32
        %mul3A_232 = arith.muli %add3A_230, %mul3A_231 : i32
        %add3A_233 = arith.addi %mul3A_2, %mul3A_232 : i32
        %dma_start3A_234 = tpu.memref_slice %arg4[%add3A_233] : memref<335872xi32, #tpu.memory_space<hbm>> -> memref<64xi32, #tpu.memory_space<hbm>>
        %dma_start3A_235 = tpu.memref_slice %arg4[%add3A_233] : memref<335872xi32, #tpu.memory_space<hbm>> -> memref<64xi32, #tpu.memory_space<hbm>>
        tpu.enqueue_dma source(%dma_start3A_235 : memref<64xi32, #tpu.memory_space<hbm>>) target(%arg11 : memref<64xi32, #tpu.memory_space<vmem>>) target_semaphore(%arg29 : memref<!tpu.dma_semaphore, #tpu.memory_space<semaphore_mem>>)
        %dma_start3A_236 = tpu.memref_slice %arg5[%add3A_233] : memref<335872xi32, #tpu.memory_space<hbm>> -> memref<64xi32, #tpu.memory_space<hbm>>
        %dma_start3A_237 = tpu.memref_slice %arg5[%add3A_233] : memref<335872xi32, #tpu.memory_space<hbm>> -> memref<64xi32, #tpu.memory_space<hbm>>
        tpu.enqueue_dma source(%dma_start3A_237 : memref<64xi32, #tpu.memory_space<hbm>>) target(%arg15 : memref<64xi32, #tpu.memory_space<vmem>>) target_semaphore(%arg29 : memref<!tpu.dma_semaphore, #tpu.memory_space<semaphore_mem>>)
      } else {
      }
      %add3A_106 = arith.constant 1 : i32
      %add3A_107 = arith.addi %add3A_97, %add3A_106 : i32
      %lt3A_108 = arith.constant 328 : i32
      %lt3A_109 = arith.cmpi slt, %add3A_107, %lt3A_108 : i32
      %convert_element_type3A_110 = arith.extui %lt3A_109 : i1 to i32
      %cond3A_111 = arith.constant 0 : i32
      %cond3A_112 = arith.cmpi ne, %convert_element_type3A_110, %cond3A_111 : i32
      scf.if %cond3A_112 {
        %add3A_229 = arith.constant 1 : i32
        %add3A_230 = arith.addi %add3A_97, %add3A_229 : i32
        %dma_wait3A_231 = arith.constant 0 : i32
        %dma_wait3A_232 = tpu.memref_slice %arg4[%dma_wait3A_231] : memref<335872xi32, #tpu.memory_space<hbm>> -> memref<64xi32, #tpu.memory_space<hbm>>
        %dma_wait3A_233 = arith.constant 0 : i32
        %dma_wait3A_234 = tpu.memref_slice %arg4[%dma_wait3A_233] : memref<335872xi32, #tpu.memory_space<hbm>> -> memref<64xi32, #tpu.memory_space<hbm>>
        tpu.wait_dma2 semaphore(%arg28 : memref<!tpu.dma_semaphore, #tpu.memory_space<semaphore_mem>>) src(%dma_wait3A_234 : memref<64xi32, #tpu.memory_space<hbm>>) dst(%arg10 : memref<64xi32, #tpu.memory_space<vmem>>)
        %dma_wait3A_235 = arith.constant 0 : i32
        %dma_wait3A_236 = tpu.memref_slice %arg5[%dma_wait3A_235] : memref<335872xi32, #tpu.memory_space<hbm>> -> memref<64xi32, #tpu.memory_space<hbm>>
        %dma_wait3A_237 = arith.constant 0 : i32
        %dma_wait3A_238 = tpu.memref_slice %arg5[%dma_wait3A_237] : memref<335872xi32, #tpu.memory_space<hbm>> -> memref<64xi32, #tpu.memory_space<hbm>>
        tpu.wait_dma2 semaphore(%arg28 : memref<!tpu.dma_semaphore, #tpu.memory_space<semaphore_mem>>) src(%dma_wait3A_238 : memref<64xi32, #tpu.memory_space<hbm>>) dst(%arg14 : memref<64xi32, #tpu.memory_space<vmem>>)
        %get3A_239 = arith.constant 0 : index
        %get3A_240 = tpu.vector_load %arg10[%get3A_239] {strides = array<i32>} : memref<64xi32, #tpu.memory_space<vmem>>, vector<16xi32>,
        %add3A_241 = vector.broadcast %mul3A_4 : i32 to vector<16xi32>
        %add3A_242 = arith.addi %get3A_240, %add3A_241 : vector<16xi32>
        %swap3A_243 = arith.constant 0 : index
        %swap3A_244 = tpu.vector_load %arg10[%swap3A_243] {strides = array<i32>} : memref<64xi32, #tpu.memory_space<vmem>>, vector<16xi32>,
        tpu.vector_store %arg10[%swap3A_243], %add3A_242 {strides = array<i32>} : memref<64xi32, #tpu.memory_space<vmem>>, vector<16xi32>,
        %get3A_245 = arith.constant 0 : index
        %get3A_246 = tpu.vector_load %arg14[%get3A_245] {strides = array<i32>} : memref<64xi32, #tpu.memory_space<vmem>>, vector<16xi32>,
        %add3A_247 = vector.broadcast %mul3A_4 : i32 to vector<16xi32>
        %add3A_248 = arith.addi %get3A_246, %add3A_247 : vector<16xi32>
        %swap3A_249 = arith.constant 0 : index
        %swap3A_250 = tpu.vector_load %arg18[%swap3A_249] {strides = array<i32>} : memref<64xi32, #tpu.memory_space<vmem>>, vector<16xi32>,
        tpu.vector_store %arg18[%swap3A_249], %add3A_248 {strides = array<i32>} : memref<64xi32, #tpu.memory_space<vmem>>, vector<16xi32>,
        %get3A_251 = arith.constant 16 : index
        %get3A_252 = tpu.vector_load %arg10[%get3A_251] {strides = array<i32>} : memref<64xi32, #tpu.memory_space<vmem>>, vector<16xi32>,
        %add3A_253 = vector.broadcast %mul3A_4 : i32 to vector<16xi32>
        %add3A_254 = arith.addi %get3A_252, %add3A_253 : vector<16xi32>
        %swap3A_255 = arith.constant 16 : index
        %swap3A_256 = tpu.vector_load %arg10[%swap3A_255] {strides = array<i32>} : memref<64xi32, #tpu.memory_space<vmem>>, vector<16xi32>,
        tpu.vector_store %arg10[%swap3A_255], %add3A_254 {strides = array<i32>} : memref<64xi32, #tpu.memory_space<vmem>>, vector<16xi32>,
        %get3A_257 = arith.constant 16 : index
        %get3A_258 = tpu.vector_load %arg14[%get3A_257] {strides = array<i32>} : memref<64xi32, #tpu.memory_space<vmem>>, vector<16xi32>,
        %add3A_259 = vector.broadcast %mul3A_4 : i32 to vector<16xi32>
        %add3A_260 = arith.addi %get3A_258, %add3A_259 : vector<16xi32>
        %swap3A_261 = arith.constant 16 : index
        %swap3A_262 = tpu.vector_load %arg18[%swap3A_261] {strides = array<i32>} : memref<64xi32, #tpu.memory_space<vmem>>, vector<16xi32>,
        tpu.vector_store %arg18[%swap3A_261], %add3A_260 {strides = array<i32>} : memref<64xi32, #tpu.memory_space<vmem>>, vector<16xi32>,
        %get3A_263 = arith.constant 32 : index
        %get3A_264 = tpu.vector_load %arg10[%get3A_263] {strides = array<i32>} : memref<64xi32, #tpu.memory_space<vmem>>, vector<16xi32>,
        %add3A_265 = vector.broadcast %mul3A_4 : i32 to vector<16xi32>
        %add3A_266 = arith.addi %get3A_264, %add3A_265 : vector<16xi32>
        %swap3A_267 = arith.constant 32 : index
        %swap3A_268 = tpu.vector_load %arg10[%swap3A_267] {strides = array<i32>} : memref<64xi32, #tpu.memory_space<vmem>>, vector<16xi32>,
        tpu.vector_store %arg10[%swap3A_267], %add3A_266 {strides = array<i32>} : memref<64xi32, #tpu.memory_space<vmem>>, vector<16xi32>,
        %get3A_269 = arith.constant 32 : index
        %get3A_270 = tpu.vector_load %arg14[%get3A_269] {strides = array<i32>} : memref<64xi32, #tpu.memory_space<vmem>>, vector<16xi32>,
        %add3A_271 = vector.broadcast %mul3A_4 : i32 to vector<16xi32>
        %add3A_272 = arith.addi %get3A_270, %add3A_271 : vector<16xi32>
        %swap3A_273 = arith.constant 32 : index
        %swap3A_274 = tpu.vector_load %arg18[%swap3A_273] {strides = array<i32>} : memref<64xi32, #tpu.memory_space<vmem>>, vector<16xi32>,
        tpu.vector_store %arg18[%swap3A_273], %add3A_272 {strides = array<i32>} : memref<64xi32, #tpu.memory_space<vmem>>, vector<16xi32>,
        %get3A_275 = arith.constant 48 : index
        %get3A_276 = tpu.vector_load %arg10[%get3A_275] {strides = array<i32>} : memref<64xi32, #tpu.memory_space<vmem>>, vector<16xi32>,
        %add3A_277 = vector.broadcast %mul3A_4 : i32 to vector<16xi32>
        %add3A_278 = arith.addi %get3A_276, %add3A_277 : vector<16xi32>
        %swap3A_279 = arith.constant 48 : index
        %swap3A_280 = tpu.vector_load %arg10[%swap3A_279] {strides = array<i32>} : memref<64xi32, #tpu.memory_space<vmem>>, vector<16xi32>,
        tpu.vector_store %arg10[%swap3A_279], %add3A_278 {strides = array<i32>} : memref<64xi32, #tpu.memory_space<vmem>>, vector<16xi32>,
        %get3A_281 = arith.constant 48 : index
        %get3A_282 = tpu.vector_load %arg14[%get3A_281] {strides = array<i32>} : memref<64xi32, #tpu.memory_space<vmem>>, vector<16xi32>,
        %add3A_283 = vector.broadcast %mul3A_4 : i32 to vector<16xi32>
        %add3A_284 = arith.addi %get3A_282, %add3A_283 : vector<16xi32>
        %swap3A_285 = arith.constant 48 : index
        %swap3A_286 = tpu.vector_load %arg18[%swap3A_285] {strides = array<i32>} : memref<64xi32, #tpu.memory_space<vmem>>, vector<16xi32>,
        tpu.vector_store %arg18[%swap3A_285], %add3A_284 {strides = array<i32>} : memref<64xi32, #tpu.memory_space<vmem>>, vector<16xi32>,
        %dma_start3A_287 = arith.constant 0 : i32
        %dma_start3A_288 = arith.constant 0 : i32
        %dma_start3A_289 = tpu.memref_slice %arg2[%dma_start3A_287, %dma_start3A_288] : memref<20000x160xbf16, #tpu.memory_space<hbm>> -> memref<20000x160xbf16, #tpu.memory_space<hbm>>
        tpu.enqueue_indirect_dma source(%dma_start3A_289 : memref<20000x160xbf16, #tpu.memory_space<hbm>>) target(%arg22 : memref<64x160xbf16, #tpu.memory_space<vmem>>) offsets(%arg10 : memref<64xi32, #tpu.memory_space<vmem>>) semaphore(%arg32 : memref<!tpu.dma_semaphore, #tpu.memory_space<semaphore_mem>>)
        %dma_start3A_290 = arith.constant 0 : i32
        %dma_start3A_291 = arith.constant 0 : i32
        %dma_start3A_292 = tpu.memref_slice %arg3[%dma_start3A_290, %dma_start3A_291] : memref<20128x16xf32, #tpu.memory_space<hbm>> -> memref<20128x16xf32, #tpu.memory_space<hbm>>
        tpu.enqueue_indirect_dma source(%dma_start3A_292 : memref<20128x16xf32, #tpu.memory_space<hbm>>) target(%arg24 : memref<64x16xf32, #tpu.memory_space<vmem>>) offsets(%arg18 : memref<64xi32, #tpu.memory_space<vmem>>) semaphore(%arg34 : memref<!tpu.dma_semaphore, #tpu.memory_space<semaphore_mem>>)
      } else {
      }
      %dma_wait3A_113 = arith.constant 0 : i32
      %dma_wait3A_114 = arith.constant 0 : i32
      %dma_wait3A_115 = tpu.memref_slice %arg2[%dma_wait3A_113, %dma_wait3A_114] : memref<20000x160xbf16, #tpu.memory_space<hbm>> -> memref<20000x160xbf16, #tpu.memory_space<hbm>>
      tpu.wait_indirect_dma semaphore(%arg31 : memref<!tpu.dma_semaphore, #tpu.memory_space<semaphore_mem>>) src(%dma_wait3A_115 : memref<20000x160xbf16, #tpu.memory_space<hbm>>) dst(%arg21 : memref<64x160xbf16, #tpu.memory_space<vmem>>)
      %dma_wait3A_116 = arith.constant 0 : i32
      %dma_wait3A_117 = arith.constant 0 : i32
      %dma_wait3A_118 = tpu.memref_slice %arg3[%dma_wait3A_116, %dma_wait3A_117] : memref<20128x16xf32, #tpu.memory_space<hbm>> -> memref<20128x16xf32, #tpu.memory_space<hbm>>
      tpu.wait_indirect_dma semaphore(%arg33 : memref<!tpu.dma_semaphore, #tpu.memory_space<semaphore_mem>>) src(%dma_wait3A_118 : memref<20128x16xf32, #tpu.memory_space<hbm>>) dst(%arg23 : memref<64x16xf32, #tpu.memory_space<vmem>>)
      %parallel_loop3A = arith.constant 0 : i32
      %parallel_loop3A_119 = arith.constant 64 : i32
      %parallel_loop3A_120 = arith.constant 1 : i32
      scf.for %parallel_loop3A_229 = %parallel_loop3A to %parallel_loop3A_119 step %parallel_loop3A_120  : i32 {
        %parallel_loop3A_230 = arith.index_cast %parallel_loop3A_229 : i32 to index
        %parallel_loop3A_231 = arith.constant 128 : index
        %parallel_loop3A_232 = tpu.vector_load %arg21[%parallel_loop3A_230, %parallel_loop3A_231] {strides = array<i32>} : memref<64x160xbf16, #tpu.memory_space<vmem>>, vector<32xbf16>,
        %parallel_loop3A_233 = vector.bitcast %parallel_loop3A_232 : vector<32xbf16> to vector<16xf32>
        %parallel_loop3A_234 = arith.index_cast %parallel_loop3A_229 : i32 to index
        %parallel_loop3A_235 = arith.constant 0 : index
        %parallel_loop3A_236 = tpu.vector_load %arg23[%parallel_loop3A_234, %parallel_loop3A_235] {strides = array<i32>} : memref<64x16xf32, #tpu.memory_space<vmem>>, vector<16xf32>,
        %parallel_loop3A_237 = arith.addf %parallel_loop3A_233, %parallel_loop3A_236 : vector<16xf32>
        %parallel_loop3A_238 = arith.constant 0.000000e+00 : f32
        %parallel_loop3A_239 = vector.broadcast %parallel_loop3A_238 : f32 to vector<16xf32>
        %parallel_loop3A_240 = arith.cmpf ogt, %parallel_loop3A_237, %parallel_loop3A_239 : vector<16xf32>
        %parallel_loop3A_241 = arith.constant 2.000000e-01 : f32
        %parallel_loop3A_242 = vector.broadcast %parallel_loop3A_241 : f32 to vector<16xf32>
        %parallel_loop3A_243 = arith.mulf %parallel_loop3A_242, %parallel_loop3A_237 : vector<16xf32>
        %parallel_loop3A_244 = arith.select %parallel_loop3A_240, %parallel_loop3A_237, %parallel_loop3A_243 : vector<16xi1>, vector<16xf32>
        %parallel_loop3A_245 = arith.constant 8.000000e+00 : f32
        %parallel_loop3A_246 = vector.broadcast %parallel_loop3A_245 : f32 to vector<16xf32>
        %parallel_loop3A_247 = arith.subf %parallel_loop3A_244, %parallel_loop3A_246 : vector<16xf32>
        %parallel_loop3A_248 = math.exp %parallel_loop3A_247 : vector<16xf32>
        %parallel_loop3A_249 = arith.index_cast %parallel_loop3A_229 : i32 to index
        %parallel_loop3A_250 = arith.constant 128 : index
        %parallel_loop3A_251 = tpu.vector_load %arg25[%parallel_loop3A_249, %parallel_loop3A_250] {strides = array<i32>} : memref<64x144xf32, #tpu.memory_space<vmem>>, vector<16xf32>,
        tpu.vector_store %arg25[%parallel_loop3A_249, %parallel_loop3A_250], %parallel_loop3A_248 {strides = array<i32>} : memref<64x144xf32, #tpu.memory_space<vmem>>, vector<16xf32>,
        %parallel_loop3A_252 = vector.extract_strided_slice %parallel_loop3A_248 {offsets = [0], sizes = [1], strides = [1]} : vector<16xf32> to vector<1xf32>
        %parallel_loop3A_253 = vector.extract %parallel_loop3A_252[0] : f32 from vector<1xf32>
        %parallel_loop3A_254 = vector.broadcast %parallel_loop3A_253 : f32 to vector<16xf32>
        %parallel_loop3A_255 = vector.extract_strided_slice %parallel_loop3A_248 {offsets = [1], sizes = [1], strides = [1]} : vector<16xf32> to vector<1xf32>
        %parallel_loop3A_256 = vector.extract %parallel_loop3A_255[0] : f32 from vector<1xf32>
        %parallel_loop3A_257 = vector.broadcast %parallel_loop3A_256 : f32 to vector<16xf32>
        %parallel_loop3A_258 = vector.extract_strided_slice %parallel_loop3A_248 {offsets = [2], sizes = [1], strides = [1]} : vector<16xf32> to vector<1xf32>
        %parallel_loop3A_259 = vector.extract %parallel_loop3A_258[0] : f32 from vector<1xf32>
        %parallel_loop3A_260 = vector.broadcast %parallel_loop3A_259 : f32 to vector<16xf32>
        %parallel_loop3A_261 = vector.extract_strided_slice %parallel_loop3A_248 {offsets = [3], sizes = [1], strides = [1]} : vector<16xf32> to vector<1xf32>
        %parallel_loop3A_262 = vector.extract %parallel_loop3A_261[0] : f32 from vector<1xf32>
        %parallel_loop3A_263 = vector.broadcast %parallel_loop3A_262 : f32 to vector<16xf32>
        %parallel_loop3A_264 = arith.index_cast %parallel_loop3A_229 : i32 to index
        %parallel_loop3A_265 = arith.constant 0 : index
        %parallel_loop3A_266 = tpu.vector_load %arg21[%parallel_loop3A_264, %parallel_loop3A_265] {strides = array<i32>} : memref<64x160xbf16, #tpu.memory_space<vmem>>, vector<32xbf16>,
        %parallel_loop3A_267 = tpu.unpack_subelements %parallel_loop3A_266, 0 {pack_format = #tpu.pack_format<interleaved>} : vector<32xbf16> -> vector<16xf32>
        %parallel_loop3A_268 = tpu.unpack_subelements %parallel_loop3A_266, 1 {pack_format = #tpu.pack_format<interleaved>} : vector<32xbf16> -> vector<16xf32>
        %parallel_loop3A_269 = arith.mulf %parallel_loop3A_267, %parallel_loop3A_254 : vector<16xf32>
        %parallel_loop3A_270 = arith.index_cast %parallel_loop3A_229 : i32 to index
        %parallel_loop3A_271 = arith.constant 0 : index
        %parallel_loop3A_272 = tpu.vector_load %arg25[%parallel_loop3A_270, %parallel_loop3A_271] {strides = array<i32>} : memref<64x144xf32, #tpu.memory_space<vmem>>, vector<16xf32>,
        tpu.vector_store %arg25[%parallel_loop3A_270, %parallel_loop3A_271], %parallel_loop3A_269 {strides = array<i32>} : memref<64x144xf32, #tpu.memory_space<vmem>>, vector<16xf32>,
        %parallel_loop3A_273 = arith.mulf %parallel_loop3A_268, %parallel_loop3A_254 : vector<16xf32>
        %parallel_loop3A_274 = arith.index_cast %parallel_loop3A_229 : i32 to index
        %parallel_loop3A_275 = arith.constant 16 : index
        %parallel_loop3A_276 = tpu.vector_load %arg25[%parallel_loop3A_274, %parallel_loop3A_275] {strides = array<i32>} : memref<64x144xf32, #tpu.memory_space<vmem>>, vector<16xf32>,
        tpu.vector_store %arg25[%parallel_loop3A_274, %parallel_loop3A_275], %parallel_loop3A_273 {strides = array<i32>} : memref<64x144xf32, #tpu.memory_space<vmem>>, vector<16xf32>,
        %parallel_loop3A_277 = arith.index_cast %parallel_loop3A_229 : i32 to index
        %parallel_loop3A_278 = arith.constant 32 : index
        %parallel_loop3A_279 = tpu.vector_load %arg21[%parallel_loop3A_277, %parallel_loop3A_278] {strides = array<i32>} : memref<64x160xbf16, #tpu.memory_space<vmem>>, vector<32xbf16>,
        %parallel_loop3A_280 = tpu.unpack_subelements %parallel_loop3A_279, 0 {pack_format = #tpu.pack_format<interleaved>} : vector<32xbf16> -> vector<16xf32>
        %parallel_loop3A_281 = tpu.unpack_subelements %parallel_loop3A_279, 1 {pack_format = #tpu.pack_format<interleaved>} : vector<32xbf16> -> vector<16xf32>
        %parallel_loop3A_282 = arith.mulf %parallel_loop3A_280, %parallel_loop3A_257 : vector<16xf32>
        %parallel_loop3A_283 = arith.index_cast %parallel_loop3A_229 : i32 to index
        %parallel_loop3A_284 = arith.constant 32 : index
        %parallel_loop3A_285 = tpu.vector_load %arg25[%parallel_loop3A_283, %parallel_loop3A_284] {strides = array<i32>} : memref<64x144xf32, #tpu.memory_space<vmem>>, vector<16xf32>,
        tpu.vector_store %arg25[%parallel_loop3A_283, %parallel_loop3A_284], %parallel_loop3A_282 {strides = array<i32>} : memref<64x144xf32, #tpu.memory_space<vmem>>, vector<16xf32>,
        %parallel_loop3A_286 = arith.mulf %parallel_loop3A_281, %parallel_loop3A_257 : vector<16xf32>
        %parallel_loop3A_287 = arith.index_cast %parallel_loop3A_229 : i32 to index
        %parallel_loop3A_288 = arith.constant 48 : index
        %parallel_loop3A_289 = tpu.vector_load %arg25[%parallel_loop3A_287, %parallel_loop3A_288] {strides = array<i32>} : memref<64x144xf32, #tpu.memory_space<vmem>>, vector<16xf32>,
        tpu.vector_store %arg25[%parallel_loop3A_287, %parallel_loop3A_288], %parallel_loop3A_286 {strides = array<i32>} : memref<64x144xf32, #tpu.memory_space<vmem>>, vector<16xf32>,
        %parallel_loop3A_290 = arith.index_cast %parallel_loop3A_229 : i32 to index
        %parallel_loop3A_291 = arith.constant 64 : index
        %parallel_loop3A_292 = tpu.vector_load %arg21[%parallel_loop3A_290, %parallel_loop3A_291] {strides = array<i32>} : memref<64x160xbf16, #tpu.memory_space<vmem>>, vector<32xbf16>,
        %parallel_loop3A_293 = tpu.unpack_subelements %parallel_loop3A_292, 0 {pack_format = #tpu.pack_format<interleaved>} : vector<32xbf16> -> vector<16xf32>
        %parallel_loop3A_294 = tpu.unpack_subelements %parallel_loop3A_292, 1 {pack_format = #tpu.pack_format<interleaved>} : vector<32xbf16> -> vector<16xf32>
        %parallel_loop3A_295 = arith.mulf %parallel_loop3A_293, %parallel_loop3A_260 : vector<16xf32>
        %parallel_loop3A_296 = arith.index_cast %parallel_loop3A_229 : i32 to index
        %parallel_loop3A_297 = arith.constant 64 : index
        %parallel_loop3A_298 = tpu.vector_load %arg25[%parallel_loop3A_296, %parallel_loop3A_297] {strides = array<i32>} : memref<64x144xf32, #tpu.memory_space<vmem>>, vector<16xf32>,
        tpu.vector_store %arg25[%parallel_loop3A_296, %parallel_loop3A_297], %parallel_loop3A_295 {strides = array<i32>} : memref<64x144xf32, #tpu.memory_space<vmem>>, vector<16xf32>,
        %parallel_loop3A_299 = arith.mulf %parallel_loop3A_294, %parallel_loop3A_260 : vector<16xf32>
        %parallel_loop3A_300 = arith.index_cast %parallel_loop3A_229 : i32 to index
        %parallel_loop3A_301 = arith.constant 80 : index
        %parallel_loop3A_302 = tpu.vector_load %arg25[%parallel_loop3A_300, %parallel_loop3A_301] {strides = array<i32>} : memref<64x144xf32, #tpu.memory_space<vmem>>, vector<16xf32>,
        tpu.vector_store %arg25[%parallel_loop3A_300, %parallel_loop3A_301], %parallel_loop3A_299 {strides = array<i32>} : memref<64x144xf32, #tpu.memory_space<vmem>>, vector<16xf32>,
        %parallel_loop3A_303 = arith.index_cast %parallel_loop3A_229 : i32 to index
        %parallel_loop3A_304 = arith.constant 96 : index
        %parallel_loop3A_305 = tpu.vector_load %arg21[%parallel_loop3A_303, %parallel_loop3A_304] {strides = array<i32>} : memref<64x160xbf16, #tpu.memory_space<vmem>>, vector<32xbf16>,
        %parallel_loop3A_306 = tpu.unpack_subelements %parallel_loop3A_305, 0 {pack_format = #tpu.pack_format<interleaved>} : vector<32xbf16> -> vector<16xf32>
        %parallel_loop3A_307 = tpu.unpack_subelements %parallel_loop3A_305, 1 {pack_format = #tpu.pack_format<interleaved>} : vector<32xbf16> -> vector<16xf32>
        %parallel_loop3A_308 = arith.mulf %parallel_loop3A_306, %parallel_loop3A_263 : vector<16xf32>
        %parallel_loop3A_309 = arith.index_cast %parallel_loop3A_229 : i32 to index
        %parallel_loop3A_310 = arith.constant 96 : index
        %parallel_loop3A_311 = tpu.vector_load %arg25[%parallel_loop3A_309, %parallel_loop3A_310] {strides = array<i32>} : memref<64x144xf32, #tpu.memory_space<vmem>>, vector<16xf32>,
        tpu.vector_store %arg25[%parallel_loop3A_309, %parallel_loop3A_310], %parallel_loop3A_308 {strides = array<i32>} : memref<64x144xf32, #tpu.memory_space<vmem>>, vector<16xf32>,
        %parallel_loop3A_312 = arith.mulf %parallel_loop3A_307, %parallel_loop3A_263 : vector<16xf32>
        %parallel_loop3A_313 = arith.index_cast %parallel_loop3A_229 : i32 to index
        %parallel_loop3A_314 = arith.constant 112 : index
        %parallel_loop3A_315 = tpu.vector_load %arg25[%parallel_loop3A_313, %parallel_loop3A_314] {strides = array<i32>} : memref<64x144xf32, #tpu.memory_space<vmem>>, vector<16xf32>,
        tpu.vector_store %arg25[%parallel_loop3A_313, %parallel_loop3A_314], %parallel_loop3A_312 {strides = array<i32>} : memref<64x144xf32, #tpu.memory_space<vmem>>, vector<16xf32>,
      } {sc.loop_unroll_factor = 4 : i64, sc.parallel_access}
      %dma_start3A_121 = arith.constant 0 : i32
      %dma_start3A_122 = arith.constant 0 : i32
      %dma_start3A_123 = tpu.memref_slice %arg8[%dma_start3A_121, %dma_start3A_122] : memref<10112x144xf32, #tpu.memory_space<vmem_shared>> -> memref<10112x144xf32, #tpu.memory_space<vmem_shared>>
      tpu.enqueue_indirect_dma source(%arg25 : memref<64x144xf32, #tpu.memory_space<vmem>>) target(%dma_start3A_123 : memref<10112x144xf32, #tpu.memory_space<vmem_shared>>) offsets(%arg13 : memref<64xi32, #tpu.memory_space<vmem>>) semaphore(%arg35 : memref<!tpu.dma_semaphore, #tpu.memory_space<semaphore_mem>>) {add = true}
      %mul3A_124 = arith.constant 4 : i32
      %mul3A_125 = arith.muli %mul3A_124, %scan3A_93 : i32
      %add3A_126 = arith.constant 1 : i32
      %add3A_127 = arith.addi %mul3A_125, %add3A_126 : i32
      %ge3A_128 = arith.constant 2 : i32
      %ge3A_129 = arith.cmpi sge, %add3A_127, %ge3A_128 : i32
      %convert_element_type3A_130 = arith.extui %ge3A_129 : i1 to i32
      %cond3A_131 = arith.constant 0 : i32
      %cond3A_132 = arith.cmpi ne, %convert_element_type3A_130, %cond3A_131 : i32
      scf.if %cond3A_132 {
        %dma_wait3A_229 = arith.constant 0 : i32
        %dma_wait3A_230 = arith.constant 0 : i32
        %dma_wait3A_231 = tpu.memref_slice %arg8[%dma_wait3A_229, %dma_wait3A_230] : memref<10112x144xf32, #tpu.memory_space<vmem_shared>> -> memref<10112x144xf32, #tpu.memory_space<vmem_shared>>
        tpu.wait_indirect_dma semaphore(%arg36 : memref<!tpu.dma_semaphore, #tpu.memory_space<semaphore_mem>>) src(%arg26 : memref<64x144xf32, #tpu.memory_space<vmem>>) dst(%dma_wait3A_231 : memref<10112x144xf32, #tpu.memory_space<vmem_shared>>)
      } else {
      }
      %add3A_133 = arith.constant 2 : i32
      %add3A_134 = arith.addi %add3A_127, %add3A_133 : i32
      %lt3A_135 = arith.constant 328 : i32
      %lt3A_136 = arith.cmpi slt, %add3A_134, %lt3A_135 : i32
      %convert_element_type3A_137 = arith.extui %lt3A_136 : i1 to i32
      %cond3A_138 = arith.constant 0 : i32
      %cond3A_139 = arith.cmpi ne, %convert_element_type3A_137, %cond3A_138 : i32
      scf.if %cond3A_139 {
        %add3A_229 = arith.constant 2 : i32
        %add3A_230 = arith.addi %add3A_127, %add3A_229 : i32
        %mul3A_231 = arith.constant 64 : i32
        %mul3A_232 = arith.muli %add3A_230, %mul3A_231 : i32
        %add3A_233 = arith.addi %mul3A_2, %mul3A_232 : i32
        %dma_start3A_234 = tpu.memref_slice %arg4[%add3A_233] : memref<335872xi32, #tpu.memory_space<hbm>> -> memref<64xi32, #tpu.memory_space<hbm>>
        %dma_start3A_235 = tpu.memref_slice %arg4[%add3A_233] : memref<335872xi32, #tpu.memory_space<hbm>> -> memref<64xi32, #tpu.memory_space<hbm>>
        tpu.enqueue_dma source(%dma_start3A_235 : memref<64xi32, #tpu.memory_space<hbm>>) target(%arg12 : memref<64xi32, #tpu.memory_space<vmem>>) target_semaphore(%arg30 : memref<!tpu.dma_semaphore, #tpu.memory_space<semaphore_mem>>)
        %dma_start3A_236 = tpu.memref_slice %arg5[%add3A_233] : memref<335872xi32, #tpu.memory_space<hbm>> -> memref<64xi32, #tpu.memory_space<hbm>>
        %dma_start3A_237 = tpu.memref_slice %arg5[%add3A_233] : memref<335872xi32, #tpu.memory_space<hbm>> -> memref<64xi32, #tpu.memory_space<hbm>>
        tpu.enqueue_dma source(%dma_start3A_237 : memref<64xi32, #tpu.memory_space<hbm>>) target(%arg16 : memref<64xi32, #tpu.memory_space<vmem>>) target_semaphore(%arg30 : memref<!tpu.dma_semaphore, #tpu.memory_space<semaphore_mem>>)
      } else {
      }
      %add3A_140 = arith.constant 1 : i32
      %add3A_141 = arith.addi %add3A_127, %add3A_140 : i32
      %lt3A_142 = arith.constant 328 : i32
      %lt3A_143 = arith.cmpi slt, %add3A_141, %lt3A_142 : i32
      %convert_element_type3A_144 = arith.extui %lt3A_143 : i1 to i32
      %cond3A_145 = arith.constant 0 : i32
      %cond3A_146 = arith.cmpi ne, %convert_element_type3A_144, %cond3A_145 : i32
      scf.if %cond3A_146 {
        %add3A_229 = arith.constant 1 : i32
        %add3A_230 = arith.addi %add3A_127, %add3A_229 : i32
        %dma_wait3A_231 = arith.constant 0 : i32
        %dma_wait3A_232 = tpu.memref_slice %arg4[%dma_wait3A_231] : memref<335872xi32, #tpu.memory_space<hbm>> -> memref<64xi32, #tpu.memory_space<hbm>>
        %dma_wait3A_233 = arith.constant 0 : i32
        %dma_wait3A_234 = tpu.memref_slice %arg4[%dma_wait3A_233] : memref<335872xi32, #tpu.memory_space<hbm>> -> memref<64xi32, #tpu.memory_space<hbm>>
        tpu.wait_dma2 semaphore(%arg29 : memref<!tpu.dma_semaphore, #tpu.memory_space<semaphore_mem>>) src(%dma_wait3A_234 : memref<64xi32, #tpu.memory_space<hbm>>) dst(%arg11 : memref<64xi32, #tpu.memory_space<vmem>>)
        %dma_wait3A_235 = arith.constant 0 : i32
        %dma_wait3A_236 = tpu.memref_slice %arg5[%dma_wait3A_235] : memref<335872xi32, #tpu.memory_space<hbm>> -> memref<64xi32, #tpu.memory_space<hbm>>
        %dma_wait3A_237 = arith.constant 0 : i32
        %dma_wait3A_238 = tpu.memref_slice %arg5[%dma_wait3A_237] : memref<335872xi32, #tpu.memory_space<hbm>> -> memref<64xi32, #tpu.memory_space<hbm>>
        tpu.wait_dma2 semaphore(%arg29 : memref<!tpu.dma_semaphore, #tpu.memory_space<semaphore_mem>>) src(%dma_wait3A_238 : memref<64xi32, #tpu.memory_space<hbm>>) dst(%arg15 : memref<64xi32, #tpu.memory_space<vmem>>)
        %get3A_239 = arith.constant 0 : index
        %get3A_240 = tpu.vector_load %arg11[%get3A_239] {strides = array<i32>} : memref<64xi32, #tpu.memory_space<vmem>>, vector<16xi32>,
        %add3A_241 = vector.broadcast %mul3A_4 : i32 to vector<16xi32>
        %add3A_242 = arith.addi %get3A_240, %add3A_241 : vector<16xi32>
        %swap3A_243 = arith.constant 0 : index
        %swap3A_244 = tpu.vector_load %arg11[%swap3A_243] {strides = array<i32>} : memref<64xi32, #tpu.memory_space<vmem>>, vector<16xi32>,
        tpu.vector_store %arg11[%swap3A_243], %add3A_242 {strides = array<i32>} : memref<64xi32, #tpu.memory_space<vmem>>, vector<16xi32>,
        %get3A_245 = arith.constant 0 : index
        %get3A_246 = tpu.vector_load %arg15[%get3A_245] {strides = array<i32>} : memref<64xi32, #tpu.memory_space<vmem>>, vector<16xi32>,
        %add3A_247 = vector.broadcast %mul3A_4 : i32 to vector<16xi32>
        %add3A_248 = arith.addi %get3A_246, %add3A_247 : vector<16xi32>
        %swap3A_249 = arith.constant 0 : index
        %swap3A_250 = tpu.vector_load %arg19[%swap3A_249] {strides = array<i32>} : memref<64xi32, #tpu.memory_space<vmem>>, vector<16xi32>,
        tpu.vector_store %arg19[%swap3A_249], %add3A_248 {strides = array<i32>} : memref<64xi32, #tpu.memory_space<vmem>>, vector<16xi32>,
        %get3A_251 = arith.constant 16 : index
        %get3A_252 = tpu.vector_load %arg11[%get3A_251] {strides = array<i32>} : memref<64xi32, #tpu.memory_space<vmem>>, vector<16xi32>,
        %add3A_253 = vector.broadcast %mul3A_4 : i32 to vector<16xi32>
        %add3A_254 = arith.addi %get3A_252, %add3A_253 : vector<16xi32>
        %swap3A_255 = arith.constant 16 : index
        %swap3A_256 = tpu.vector_load %arg11[%swap3A_255] {strides = array<i32>} : memref<64xi32, #tpu.memory_space<vmem>>, vector<16xi32>,
        tpu.vector_store %arg11[%swap3A_255], %add3A_254 {strides = array<i32>} : memref<64xi32, #tpu.memory_space<vmem>>, vector<16xi32>,
        %get3A_257 = arith.constant 16 : index
        %get3A_258 = tpu.vector_load %arg15[%get3A_257] {strides = array<i32>} : memref<64xi32, #tpu.memory_space<vmem>>, vector<16xi32>,
        %add3A_259 = vector.broadcast %mul3A_4 : i32 to vector<16xi32>
        %add3A_260 = arith.addi %get3A_258, %add3A_259 : vector<16xi32>
        %swap3A_261 = arith.constant 16 : index
        %swap3A_262 = tpu.vector_load %arg19[%swap3A_261] {strides = array<i32>} : memref<64xi32, #tpu.memory_space<vmem>>, vector<16xi32>,
        tpu.vector_store %arg19[%swap3A_261], %add3A_260 {strides = array<i32>} : memref<64xi32, #tpu.memory_space<vmem>>, vector<16xi32>,
        %get3A_263 = arith.constant 32 : index
        %get3A_264 = tpu.vector_load %arg11[%get3A_263] {strides = array<i32>} : memref<64xi32, #tpu.memory_space<vmem>>, vector<16xi32>,
        %add3A_265 = vector.broadcast %mul3A_4 : i32 to vector<16xi32>
        %add3A_266 = arith.addi %get3A_264, %add3A_265 : vector<16xi32>
        %swap3A_267 = arith.constant 32 : index
        %swap3A_268 = tpu.vector_load %arg11[%swap3A_267] {strides = array<i32>} : memref<64xi32, #tpu.memory_space<vmem>>, vector<16xi32>,
        tpu.vector_store %arg11[%swap3A_267], %add3A_266 {strides = array<i32>} : memref<64xi32, #tpu.memory_space<vmem>>, vector<16xi32>,
        %get3A_269 = arith.constant 32 : index
        %get3A_270 = tpu.vector_load %arg15[%get3A_269] {strides = array<i32>} : memref<64xi32, #tpu.memory_space<vmem>>, vector<16xi32>,
        %add3A_271 = vector.broadcast %mul3A_4 : i32 to vector<16xi32>
        %add3A_272 = arith.addi %get3A_270, %add3A_271 : vector<16xi32>
        %swap3A_273 = arith.constant 32 : index
        %swap3A_274 = tpu.vector_load %arg19[%swap3A_273] {strides = array<i32>} : memref<64xi32, #tpu.memory_space<vmem>>, vector<16xi32>,
        tpu.vector_store %arg19[%swap3A_273], %add3A_272 {strides = array<i32>} : memref<64xi32, #tpu.memory_space<vmem>>, vector<16xi32>,
        %get3A_275 = arith.constant 48 : index
        %get3A_276 = tpu.vector_load %arg11[%get3A_275] {strides = array<i32>} : memref<64xi32, #tpu.memory_space<vmem>>, vector<16xi32>,
        %add3A_277 = vector.broadcast %mul3A_4 : i32 to vector<16xi32>
        %add3A_278 = arith.addi %get3A_276, %add3A_277 : vector<16xi32>
        %swap3A_279 = arith.constant 48 : index
        %swap3A_280 = tpu.vector_load %arg11[%swap3A_279] {strides = array<i32>} : memref<64xi32, #tpu.memory_space<vmem>>, vector<16xi32>,
        tpu.vector_store %arg11[%swap3A_279], %add3A_278 {strides = array<i32>} : memref<64xi32, #tpu.memory_space<vmem>>, vector<16xi32>,
        %get3A_281 = arith.constant 48 : index
        %get3A_282 = tpu.vector_load %arg15[%get3A_281] {strides = array<i32>} : memref<64xi32, #tpu.memory_space<vmem>>, vector<16xi32>,
        %add3A_283 = vector.broadcast %mul3A_4 : i32 to vector<16xi32>
        %add3A_284 = arith.addi %get3A_282, %add3A_283 : vector<16xi32>
        %swap3A_285 = arith.constant 48 : index
        %swap3A_286 = tpu.vector_load %arg19[%swap3A_285] {strides = array<i32>} : memref<64xi32, #tpu.memory_space<vmem>>, vector<16xi32>,
        tpu.vector_store %arg19[%swap3A_285], %add3A_284 {strides = array<i32>} : memref<64xi32, #tpu.memory_space<vmem>>, vector<16xi32>,
        %dma_start3A_287 = arith.constant 0 : i32
        %dma_start3A_288 = arith.constant 0 : i32
        %dma_start3A_289 = tpu.memref_slice %arg2[%dma_start3A_287, %dma_start3A_288] : memref<20000x160xbf16, #tpu.memory_space<hbm>> -> memref<20000x160xbf16, #tpu.memory_space<hbm>>
        tpu.enqueue_indirect_dma source(%dma_start3A_289 : memref<20000x160xbf16, #tpu.memory_space<hbm>>) target(%arg21 : memref<64x160xbf16, #tpu.memory_space<vmem>>) offsets(%arg11 : memref<64xi32, #tpu.memory_space<vmem>>) semaphore(%arg31 : memref<!tpu.dma_semaphore, #tpu.memory_space<semaphore_mem>>)
        %dma_start3A_290 = arith.constant 0 : i32
        %dma_start3A_291 = arith.constant 0 : i32
        %dma_start3A_292 = tpu.memref_slice %arg3[%dma_start3A_290, %dma_start3A_291] : memref<20128x16xf32, #tpu.memory_space<hbm>> -> memref<20128x16xf32, #tpu.memory_space<hbm>>
        tpu.enqueue_indirect_dma source(%dma_start3A_292 : memref<20128x16xf32, #tpu.memory_space<hbm>>) target(%arg23 : memref<64x16xf32, #tpu.memory_space<vmem>>) offsets(%arg19 : memref<64xi32, #tpu.memory_space<vmem>>) semaphore(%arg33 : memref<!tpu.dma_semaphore, #tpu.memory_space<semaphore_mem>>)
      } else {
      }
      %dma_wait3A_147 = arith.constant 0 : i32
      %dma_wait3A_148 = arith.constant 0 : i32
      %dma_wait3A_149 = tpu.memref_slice %arg2[%dma_wait3A_147, %dma_wait3A_148] : memref<20000x160xbf16, #tpu.memory_space<hbm>> -> memref<20000x160xbf16, #tpu.memory_space<hbm>>
      tpu.wait_indirect_dma semaphore(%arg32 : memref<!tpu.dma_semaphore, #tpu.memory_space<semaphore_mem>>) src(%dma_wait3A_149 : memref<20000x160xbf16, #tpu.memory_space<hbm>>) dst(%arg22 : memref<64x160xbf16, #tpu.memory_space<vmem>>)
      %dma_wait3A_150 = arith.constant 0 : i32
      %dma_wait3A_151 = arith.constant 0 : i32
      %dma_wait3A_152 = tpu.memref_slice %arg3[%dma_wait3A_150, %dma_wait3A_151] : memref<20128x16xf32, #tpu.memory_space<hbm>> -> memref<20128x16xf32, #tpu.memory_space<hbm>>
      tpu.wait_indirect_dma semaphore(%arg34 : memref<!tpu.dma_semaphore, #tpu.memory_space<semaphore_mem>>) src(%dma_wait3A_152 : memref<20128x16xf32, #tpu.memory_space<hbm>>) dst(%arg24 : memref<64x16xf32, #tpu.memory_space<vmem>>)
      %parallel_loop3A_153 = arith.constant 0 : i32
      %parallel_loop3A_154 = arith.constant 64 : i32
      %parallel_loop3A_155 = arith.constant 1 : i32
      scf.for %parallel_loop3A_229 = %parallel_loop3A_153 to %parallel_loop3A_154 step %parallel_loop3A_155  : i32 {
        %parallel_loop3A_230 = arith.index_cast %parallel_loop3A_229 : i32 to index
        %parallel_loop3A_231 = arith.constant 128 : index
        %parallel_loop3A_232 = tpu.vector_load %arg22[%parallel_loop3A_230, %parallel_loop3A_231] {strides = array<i32>} : memref<64x160xbf16, #tpu.memory_space<vmem>>, vector<32xbf16>,
        %parallel_loop3A_233 = vector.bitcast %parallel_loop3A_232 : vector<32xbf16> to vector<16xf32>
        %parallel_loop3A_234 = arith.index_cast %parallel_loop3A_229 : i32 to index
        %parallel_loop3A_235 = arith.constant 0 : index
        %parallel_loop3A_236 = tpu.vector_load %arg24[%parallel_loop3A_234, %parallel_loop3A_235] {strides = array<i32>} : memref<64x16xf32, #tpu.memory_space<vmem>>, vector<16xf32>,
        %parallel_loop3A_237 = arith.addf %parallel_loop3A_233, %parallel_loop3A_236 : vector<16xf32>
        %parallel_loop3A_238 = arith.constant 0.000000e+00 : f32
        %parallel_loop3A_239 = vector.broadcast %parallel_loop3A_238 : f32 to vector<16xf32>
        %parallel_loop3A_240 = arith.cmpf ogt, %parallel_loop3A_237, %parallel_loop3A_239 : vector<16xf32>
        %parallel_loop3A_241 = arith.constant 2.000000e-01 : f32
        %parallel_loop3A_242 = vector.broadcast %parallel_loop3A_241 : f32 to vector<16xf32>
        %parallel_loop3A_243 = arith.mulf %parallel_loop3A_242, %parallel_loop3A_237 : vector<16xf32>
        %parallel_loop3A_244 = arith.select %parallel_loop3A_240, %parallel_loop3A_237, %parallel_loop3A_243 : vector<16xi1>, vector<16xf32>
        %parallel_loop3A_245 = arith.constant 8.000000e+00 : f32
        %parallel_loop3A_246 = vector.broadcast %parallel_loop3A_245 : f32 to vector<16xf32>
        %parallel_loop3A_247 = arith.subf %parallel_loop3A_244, %parallel_loop3A_246 : vector<16xf32>
        %parallel_loop3A_248 = math.exp %parallel_loop3A_247 : vector<16xf32>
        %parallel_loop3A_249 = arith.index_cast %parallel_loop3A_229 : i32 to index
        %parallel_loop3A_250 = arith.constant 128 : index
        %parallel_loop3A_251 = tpu.vector_load %arg26[%parallel_loop3A_249, %parallel_loop3A_250] {strides = array<i32>} : memref<64x144xf32, #tpu.memory_space<vmem>>, vector<16xf32>,
        tpu.vector_store %arg26[%parallel_loop3A_249, %parallel_loop3A_250], %parallel_loop3A_248 {strides = array<i32>} : memref<64x144xf32, #tpu.memory_space<vmem>>, vector<16xf32>,
        %parallel_loop3A_252 = vector.extract_strided_slice %parallel_loop3A_248 {offsets = [0], sizes = [1], strides = [1]} : vector<16xf32> to vector<1xf32>
        %parallel_loop3A_253 = vector.extract %parallel_loop3A_252[0] : f32 from vector<1xf32>
        %parallel_loop3A_254 = vector.broadcast %parallel_loop3A_253 : f32 to vector<16xf32>
        %parallel_loop3A_255 = vector.extract_strided_slice %parallel_loop3A_248 {offsets = [1], sizes = [1], strides = [1]} : vector<16xf32> to vector<1xf32>
        %parallel_loop3A_256 = vector.extract %parallel_loop3A_255[0] : f32 from vector<1xf32>
        %parallel_loop3A_257 = vector.broadcast %parallel_loop3A_256 : f32 to vector<16xf32>
        %parallel_loop3A_258 = vector.extract_strided_slice %parallel_loop3A_248 {offsets = [2], sizes = [1], strides = [1]} : vector<16xf32> to vector<1xf32>
        %parallel_loop3A_259 = vector.extract %parallel_loop3A_258[0] : f32 from vector<1xf32>
        %parallel_loop3A_260 = vector.broadcast %parallel_loop3A_259 : f32 to vector<16xf32>
        %parallel_loop3A_261 = vector.extract_strided_slice %parallel_loop3A_248 {offsets = [3], sizes = [1], strides = [1]} : vector<16xf32> to vector<1xf32>
        %parallel_loop3A_262 = vector.extract %parallel_loop3A_261[0] : f32 from vector<1xf32>
        %parallel_loop3A_263 = vector.broadcast %parallel_loop3A_262 : f32 to vector<16xf32>
        %parallel_loop3A_264 = arith.index_cast %parallel_loop3A_229 : i32 to index
        %parallel_loop3A_265 = arith.constant 0 : index
        %parallel_loop3A_266 = tpu.vector_load %arg22[%parallel_loop3A_264, %parallel_loop3A_265] {strides = array<i32>} : memref<64x160xbf16, #tpu.memory_space<vmem>>, vector<32xbf16>,
        %parallel_loop3A_267 = tpu.unpack_subelements %parallel_loop3A_266, 0 {pack_format = #tpu.pack_format<interleaved>} : vector<32xbf16> -> vector<16xf32>
        %parallel_loop3A_268 = tpu.unpack_subelements %parallel_loop3A_266, 1 {pack_format = #tpu.pack_format<interleaved>} : vector<32xbf16> -> vector<16xf32>
        %parallel_loop3A_269 = arith.mulf %parallel_loop3A_267, %parallel_loop3A_254 : vector<16xf32>
        %parallel_loop3A_270 = arith.index_cast %parallel_loop3A_229 : i32 to index
        %parallel_loop3A_271 = arith.constant 0 : index
        %parallel_loop3A_272 = tpu.vector_load %arg26[%parallel_loop3A_270, %parallel_loop3A_271] {strides = array<i32>} : memref<64x144xf32, #tpu.memory_space<vmem>>, vector<16xf32>,
        tpu.vector_store %arg26[%parallel_loop3A_270, %parallel_loop3A_271], %parallel_loop3A_269 {strides = array<i32>} : memref<64x144xf32, #tpu.memory_space<vmem>>, vector<16xf32>,
        %parallel_loop3A_273 = arith.mulf %parallel_loop3A_268, %parallel_loop3A_254 : vector<16xf32>
        %parallel_loop3A_274 = arith.index_cast %parallel_loop3A_229 : i32 to index
        %parallel_loop3A_275 = arith.constant 16 : index
        %parallel_loop3A_276 = tpu.vector_load %arg26[%parallel_loop3A_274, %parallel_loop3A_275] {strides = array<i32>} : memref<64x144xf32, #tpu.memory_space<vmem>>, vector<16xf32>,
        tpu.vector_store %arg26[%parallel_loop3A_274, %parallel_loop3A_275], %parallel_loop3A_273 {strides = array<i32>} : memref<64x144xf32, #tpu.memory_space<vmem>>, vector<16xf32>,
        %parallel_loop3A_277 = arith.index_cast %parallel_loop3A_229 : i32 to index
        %parallel_loop3A_278 = arith.constant 32 : index
        %parallel_loop3A_279 = tpu.vector_load %arg22[%parallel_loop3A_277, %parallel_loop3A_278] {strides = array<i32>} : memref<64x160xbf16, #tpu.memory_space<vmem>>, vector<32xbf16>,
        %parallel_loop3A_280 = tpu.unpack_subelements %parallel_loop3A_279, 0 {pack_format = #tpu.pack_format<interleaved>} : vector<32xbf16> -> vector<16xf32>
        %parallel_loop3A_281 = tpu.unpack_subelements %parallel_loop3A_279, 1 {pack_format = #tpu.pack_format<interleaved>} : vector<32xbf16> -> vector<16xf32>
        %parallel_loop3A_282 = arith.mulf %parallel_loop3A_280, %parallel_loop3A_257 : vector<16xf32>
        %parallel_loop3A_283 = arith.index_cast %parallel_loop3A_229 : i32 to index
        %parallel_loop3A_284 = arith.constant 32 : index
        %parallel_loop3A_285 = tpu.vector_load %arg26[%parallel_loop3A_283, %parallel_loop3A_284] {strides = array<i32>} : memref<64x144xf32, #tpu.memory_space<vmem>>, vector<16xf32>,
        tpu.vector_store %arg26[%parallel_loop3A_283, %parallel_loop3A_284], %parallel_loop3A_282 {strides = array<i32>} : memref<64x144xf32, #tpu.memory_space<vmem>>, vector<16xf32>,
        %parallel_loop3A_286 = arith.mulf %parallel_loop3A_281, %parallel_loop3A_257 : vector<16xf32>
        %parallel_loop3A_287 = arith.index_cast %parallel_loop3A_229 : i32 to index
        %parallel_loop3A_288 = arith.constant 48 : index
        %parallel_loop3A_289 = tpu.vector_load %arg26[%parallel_loop3A_287, %parallel_loop3A_288] {strides = array<i32>} : memref<64x144xf32, #tpu.memory_space<vmem>>, vector<16xf32>,
        tpu.vector_store %arg26[%parallel_loop3A_287, %parallel_loop3A_288], %parallel_loop3A_286 {strides = array<i32>} : memref<64x144xf32, #tpu.memory_space<vmem>>, vector<16xf32>,
        %parallel_loop3A_290 = arith.index_cast %parallel_loop3A_229 : i32 to index
        %parallel_loop3A_291 = arith.constant 64 : index
        %parallel_loop3A_292 = tpu.vector_load %arg22[%parallel_loop3A_290, %parallel_loop3A_291] {strides = array<i32>} : memref<64x160xbf16, #tpu.memory_space<vmem>>, vector<32xbf16>,
        %parallel_loop3A_293 = tpu.unpack_subelements %parallel_loop3A_292, 0 {pack_format = #tpu.pack_format<interleaved>} : vector<32xbf16> -> vector<16xf32>
        %parallel_loop3A_294 = tpu.unpack_subelements %parallel_loop3A_292, 1 {pack_format = #tpu.pack_format<interleaved>} : vector<32xbf16> -> vector<16xf32>
        %parallel_loop3A_295 = arith.mulf %parallel_loop3A_293, %parallel_loop3A_260 : vector<16xf32>
        %parallel_loop3A_296 = arith.index_cast %parallel_loop3A_229 : i32 to index
        %parallel_loop3A_297 = arith.constant 64 : index
        %parallel_loop3A_298 = tpu.vector_load %arg26[%parallel_loop3A_296, %parallel_loop3A_297] {strides = array<i32>} : memref<64x144xf32, #tpu.memory_space<vmem>>, vector<16xf32>,
        tpu.vector_store %arg26[%parallel_loop3A_296, %parallel_loop3A_297], %parallel_loop3A_295 {strides = array<i32>} : memref<64x144xf32, #tpu.memory_space<vmem>>, vector<16xf32>,
        %parallel_loop3A_299 = arith.mulf %parallel_loop3A_294, %parallel_loop3A_260 : vector<16xf32>
        %parallel_loop3A_300 = arith.index_cast %parallel_loop3A_229 : i32 to index
        %parallel_loop3A_301 = arith.constant 80 : index
        %parallel_loop3A_302 = tpu.vector_load %arg26[%parallel_loop3A_300, %parallel_loop3A_301] {strides = array<i32>} : memref<64x144xf32, #tpu.memory_space<vmem>>, vector<16xf32>,
        tpu.vector_store %arg26[%parallel_loop3A_300, %parallel_loop3A_301], %parallel_loop3A_299 {strides = array<i32>} : memref<64x144xf32, #tpu.memory_space<vmem>>, vector<16xf32>,
        %parallel_loop3A_303 = arith.index_cast %parallel_loop3A_229 : i32 to index
        %parallel_loop3A_304 = arith.constant 96 : index
        %parallel_loop3A_305 = tpu.vector_load %arg22[%parallel_loop3A_303, %parallel_loop3A_304] {strides = array<i32>} : memref<64x160xbf16, #tpu.memory_space<vmem>>, vector<32xbf16>,
        %parallel_loop3A_306 = tpu.unpack_subelements %parallel_loop3A_305, 0 {pack_format = #tpu.pack_format<interleaved>} : vector<32xbf16> -> vector<16xf32>
        %parallel_loop3A_307 = tpu.unpack_subelements %parallel_loop3A_305, 1 {pack_format = #tpu.pack_format<interleaved>} : vector<32xbf16> -> vector<16xf32>
        %parallel_loop3A_308 = arith.mulf %parallel_loop3A_306, %parallel_loop3A_263 : vector<16xf32>
        %parallel_loop3A_309 = arith.index_cast %parallel_loop3A_229 : i32 to index
        %parallel_loop3A_310 = arith.constant 96 : index
        %parallel_loop3A_311 = tpu.vector_load %arg26[%parallel_loop3A_309, %parallel_loop3A_310] {strides = array<i32>} : memref<64x144xf32, #tpu.memory_space<vmem>>, vector<16xf32>,
        tpu.vector_store %arg26[%parallel_loop3A_309, %parallel_loop3A_310], %parallel_loop3A_308 {strides = array<i32>} : memref<64x144xf32, #tpu.memory_space<vmem>>, vector<16xf32>,
        %parallel_loop3A_312 = arith.mulf %parallel_loop3A_307, %parallel_loop3A_263 : vector<16xf32>
        %parallel_loop3A_313 = arith.index_cast %parallel_loop3A_229 : i32 to index
        %parallel_loop3A_314 = arith.constant 112 : index
        %parallel_loop3A_315 = tpu.vector_load %arg26[%parallel_loop3A_313, %parallel_loop3A_314] {strides = array<i32>} : memref<64x144xf32, #tpu.memory_space<vmem>>, vector<16xf32>,
        tpu.vector_store %arg26[%parallel_loop3A_313, %parallel_loop3A_314], %parallel_loop3A_312 {strides = array<i32>} : memref<64x144xf32, #tpu.memory_space<vmem>>, vector<16xf32>,
      } {sc.loop_unroll_factor = 4 : i64, sc.parallel_access}
      %dma_start3A_156 = arith.constant 0 : i32
      %dma_start3A_157 = arith.constant 0 : i32
      %dma_start3A_158 = tpu.memref_slice %arg8[%dma_start3A_156, %dma_start3A_157] : memref<10112x144xf32, #tpu.memory_space<vmem_shared>> -> memref<10112x144xf32, #tpu.memory_space<vmem_shared>>
      tpu.enqueue_indirect_dma source(%arg26 : memref<64x144xf32, #tpu.memory_space<vmem>>) target(%dma_start3A_158 : memref<10112x144xf32, #tpu.memory_space<vmem_shared>>) offsets(%arg14 : memref<64xi32, #tpu.memory_space<vmem>>) semaphore(%arg36 : memref<!tpu.dma_semaphore, #tpu.memory_space<semaphore_mem>>) {add = true}
      %mul3A_159 = arith.constant 4 : i32
      %mul3A_160 = arith.muli %mul3A_159, %scan3A_93 : i32
      %add3A_161 = arith.constant 2 : i32
      %add3A_162 = arith.addi %mul3A_160, %add3A_161 : i32
      %ge3A_163 = arith.constant 2 : i32
      %ge3A_164 = arith.cmpi sge, %add3A_162, %ge3A_163 : i32
      %convert_element_type3A_165 = arith.extui %ge3A_164 : i1 to i32
      %cond3A_166 = arith.constant 0 : i32
      %cond3A_167 = arith.cmpi ne, %convert_element_type3A_165, %cond3A_166 : i32
      scf.if %cond3A_167 {
        %dma_wait3A_229 = arith.constant 0 : i32
        %dma_wait3A_230 = arith.constant 0 : i32
        %dma_wait3A_231 = tpu.memref_slice %arg8[%dma_wait3A_229, %dma_wait3A_230] : memref<10112x144xf32, #tpu.memory_space<vmem_shared>> -> memref<10112x144xf32, #tpu.memory_space<vmem_shared>>
        tpu.wait_indirect_dma semaphore(%arg35 : memref<!tpu.dma_semaphore, #tpu.memory_space<semaphore_mem>>) src(%arg25 : memref<64x144xf32, #tpu.memory_space<vmem>>) dst(%dma_wait3A_231 : memref<10112x144xf32, #tpu.memory_space<vmem_shared>>)
      } else {
      }
      %add3A_168 = arith.constant 2 : i32
      %add3A_169 = arith.addi %add3A_162, %add3A_168 : i32
      %lt3A_170 = arith.constant 328 : i32
      %lt3A_171 = arith.cmpi slt, %add3A_169, %lt3A_170 : i32
      %convert_element_type3A_172 = arith.extui %lt3A_171 : i1 to i32
      %cond3A_173 = arith.constant 0 : i32
      %cond3A_174 = arith.cmpi ne, %convert_element_type3A_172, %cond3A_173 : i32
      scf.if %cond3A_174 {
        %add3A_229 = arith.constant 2 : i32
        %add3A_230 = arith.addi %add3A_162, %add3A_229 : i32
        %mul3A_231 = arith.constant 64 : i32
        %mul3A_232 = arith.muli %add3A_230, %mul3A_231 : i32
        %add3A_233 = arith.addi %mul3A_2, %mul3A_232 : i32
        %dma_start3A_234 = tpu.memref_slice %arg4[%add3A_233] : memref<335872xi32, #tpu.memory_space<hbm>> -> memref<64xi32, #tpu.memory_space<hbm>>
        %dma_start3A_235 = tpu.memref_slice %arg4[%add3A_233] : memref<335872xi32, #tpu.memory_space<hbm>> -> memref<64xi32, #tpu.memory_space<hbm>>
        tpu.enqueue_dma source(%dma_start3A_235 : memref<64xi32, #tpu.memory_space<hbm>>) target(%arg9 : memref<64xi32, #tpu.memory_space<vmem>>) target_semaphore(%arg27 : memref<!tpu.dma_semaphore, #tpu.memory_space<semaphore_mem>>)
        %dma_start3A_236 = tpu.memref_slice %arg5[%add3A_233] : memref<335872xi32, #tpu.memory_space<hbm>> -> memref<64xi32, #tpu.memory_space<hbm>>
        %dma_start3A_237 = tpu.memref_slice %arg5[%add3A_233] : memref<335872xi32, #tpu.memory_space<hbm>> -> memref<64xi32, #tpu.memory_space<hbm>>
        tpu.enqueue_dma source(%dma_start3A_237 : memref<64xi32, #tpu.memory_space<hbm>>) target(%arg13 : memref<64xi32, #tpu.memory_space<vmem>>) target_semaphore(%arg27 : memref<!tpu.dma_semaphore, #tpu.memory_space<semaphore_mem>>)
      } else {
      }
      %add3A_175 = arith.constant 1 : i32
      %add3A_176 = arith.addi %add3A_162, %add3A_175 : i32
      %lt3A_177 = arith.constant 328 : i32
      %lt3A_178 = arith.cmpi slt, %add3A_176, %lt3A_177 : i32
      %convert_element_type3A_179 = arith.extui %lt3A_178 : i1 to i32
      %cond3A_180 = arith.constant 0 : i32
      %cond3A_181 = arith.cmpi ne, %convert_element_type3A_179, %cond3A_180 : i32
      scf.if %cond3A_181 {
        %add3A_229 = arith.constant 1 : i32
        %add3A_230 = arith.addi %add3A_162, %add3A_229 : i32
        %dma_wait3A_231 = arith.constant 0 : i32
        %dma_wait3A_232 = tpu.memref_slice %arg4[%dma_wait3A_231] : memref<335872xi32, #tpu.memory_space<hbm>> -> memref<64xi32, #tpu.memory_space<hbm>>
        %dma_wait3A_233 = arith.constant 0 : i32
        %dma_wait3A_234 = tpu.memref_slice %arg4[%dma_wait3A_233] : memref<335872xi32, #tpu.memory_space<hbm>> -> memref<64xi32, #tpu.memory_space<hbm>>
        tpu.wait_dma2 semaphore(%arg30 : memref<!tpu.dma_semaphore, #tpu.memory_space<semaphore_mem>>) src(%dma_wait3A_234 : memref<64xi32, #tpu.memory_space<hbm>>) dst(%arg12 : memref<64xi32, #tpu.memory_space<vmem>>)
        %dma_wait3A_235 = arith.constant 0 : i32
        %dma_wait3A_236 = tpu.memref_slice %arg5[%dma_wait3A_235] : memref<335872xi32, #tpu.memory_space<hbm>> -> memref<64xi32, #tpu.memory_space<hbm>>
        %dma_wait3A_237 = arith.constant 0 : i32
        %dma_wait3A_238 = tpu.memref_slice %arg5[%dma_wait3A_237] : memref<335872xi32, #tpu.memory_space<hbm>> -> memref<64xi32, #tpu.memory_space<hbm>>
        tpu.wait_dma2 semaphore(%arg30 : memref<!tpu.dma_semaphore, #tpu.memory_space<semaphore_mem>>) src(%dma_wait3A_238 : memref<64xi32, #tpu.memory_space<hbm>>) dst(%arg16 : memref<64xi32, #tpu.memory_space<vmem>>)
        %get3A_239 = arith.constant 0 : index
        %get3A_240 = tpu.vector_load %arg12[%get3A_239] {strides = array<i32>} : memref<64xi32, #tpu.memory_space<vmem>>, vector<16xi32>,
        %add3A_241 = vector.broadcast %mul3A_4 : i32 to vector<16xi32>
        %add3A_242 = arith.addi %get3A_240, %add3A_241 : vector<16xi32>
        %swap3A_243 = arith.constant 0 : index
        %swap3A_244 = tpu.vector_load %arg12[%swap3A_243] {strides = array<i32>} : memref<64xi32, #tpu.memory_space<vmem>>, vector<16xi32>,
        tpu.vector_store %arg12[%swap3A_243], %add3A_242 {strides = array<i32>} : memref<64xi32, #tpu.memory_space<vmem>>, vector<16xi32>,
        %get3A_245 = arith.constant 0 : index
        %get3A_246 = tpu.vector_load %arg16[%get3A_245] {strides = array<i32>} : memref<64xi32, #tpu.memory_space<vmem>>, vector<16xi32>,
        %add3A_247 = vector.broadcast %mul3A_4 : i32 to vector<16xi32>
        %add3A_248 = arith.addi %get3A_246, %add3A_247 : vector<16xi32>
        %swap3A_249 = arith.constant 0 : index
        %swap3A_250 = tpu.vector_load %arg20[%swap3A_249] {strides = array<i32>} : memref<64xi32, #tpu.memory_space<vmem>>, vector<16xi32>,
        tpu.vector_store %arg20[%swap3A_249], %add3A_248 {strides = array<i32>} : memref<64xi32, #tpu.memory_space<vmem>>, vector<16xi32>,
        %get3A_251 = arith.constant 16 : index
        %get3A_252 = tpu.vector_load %arg12[%get3A_251] {strides = array<i32>} : memref<64xi32, #tpu.memory_space<vmem>>, vector<16xi32>,
        %add3A_253 = vector.broadcast %mul3A_4 : i32 to vector<16xi32>
        %add3A_254 = arith.addi %get3A_252, %add3A_253 : vector<16xi32>
        %swap3A_255 = arith.constant 16 : index
        %swap3A_256 = tpu.vector_load %arg12[%swap3A_255] {strides = array<i32>} : memref<64xi32, #tpu.memory_space<vmem>>, vector<16xi32>,
        tpu.vector_store %arg12[%swap3A_255], %add3A_254 {strides = array<i32>} : memref<64xi32, #tpu.memory_space<vmem>>, vector<16xi32>,
        %get3A_257 = arith.constant 16 : index
        %get3A_258 = tpu.vector_load %arg16[%get3A_257] {strides = array<i32>} : memref<64xi32, #tpu.memory_space<vmem>>, vector<16xi32>,
        %add3A_259 = vector.broadcast %mul3A_4 : i32 to vector<16xi32>
        %add3A_260 = arith.addi %get3A_258, %add3A_259 : vector<16xi32>
        %swap3A_261 = arith.constant 16 : index
        %swap3A_262 = tpu.vector_load %arg20[%swap3A_261] {strides = array<i32>} : memref<64xi32, #tpu.memory_space<vmem>>, vector<16xi32>,
        tpu.vector_store %arg20[%swap3A_261], %add3A_260 {strides = array<i32>} : memref<64xi32, #tpu.memory_space<vmem>>, vector<16xi32>,
        %get3A_263 = arith.constant 32 : index
        %get3A_264 = tpu.vector_load %arg12[%get3A_263] {strides = array<i32>} : memref<64xi32, #tpu.memory_space<vmem>>, vector<16xi32>,
        %add3A_265 = vector.broadcast %mul3A_4 : i32 to vector<16xi32>
        %add3A_266 = arith.addi %get3A_264, %add3A_265 : vector<16xi32>
        %swap3A_267 = arith.constant 32 : index
        %swap3A_268 = tpu.vector_load %arg12[%swap3A_267] {strides = array<i32>} : memref<64xi32, #tpu.memory_space<vmem>>, vector<16xi32>,
        tpu.vector_store %arg12[%swap3A_267], %add3A_266 {strides = array<i32>} : memref<64xi32, #tpu.memory_space<vmem>>, vector<16xi32>,
        %get3A_269 = arith.constant 32 : index
        %get3A_270 = tpu.vector_load %arg16[%get3A_269] {strides = array<i32>} : memref<64xi32, #tpu.memory_space<vmem>>, vector<16xi32>,
        %add3A_271 = vector.broadcast %mul3A_4 : i32 to vector<16xi32>
        %add3A_272 = arith.addi %get3A_270, %add3A_271 : vector<16xi32>
        %swap3A_273 = arith.constant 32 : index
        %swap3A_274 = tpu.vector_load %arg20[%swap3A_273] {strides = array<i32>} : memref<64xi32, #tpu.memory_space<vmem>>, vector<16xi32>,
        tpu.vector_store %arg20[%swap3A_273], %add3A_272 {strides = array<i32>} : memref<64xi32, #tpu.memory_space<vmem>>, vector<16xi32>,
        %get3A_275 = arith.constant 48 : index
        %get3A_276 = tpu.vector_load %arg12[%get3A_275] {strides = array<i32>} : memref<64xi32, #tpu.memory_space<vmem>>, vector<16xi32>,
        %add3A_277 = vector.broadcast %mul3A_4 : i32 to vector<16xi32>
        %add3A_278 = arith.addi %get3A_276, %add3A_277 : vector<16xi32>
        %swap3A_279 = arith.constant 48 : index
        %swap3A_280 = tpu.vector_load %arg12[%swap3A_279] {strides = array<i32>} : memref<64xi32, #tpu.memory_space<vmem>>, vector<16xi32>,
        tpu.vector_store %arg12[%swap3A_279], %add3A_278 {strides = array<i32>} : memref<64xi32, #tpu.memory_space<vmem>>, vector<16xi32>,
        %get3A_281 = arith.constant 48 : index
        %get3A_282 = tpu.vector_load %arg16[%get3A_281] {strides = array<i32>} : memref<64xi32, #tpu.memory_space<vmem>>, vector<16xi32>,
        %add3A_283 = vector.broadcast %mul3A_4 : i32 to vector<16xi32>
        %add3A_284 = arith.addi %get3A_282, %add3A_283 : vector<16xi32>
        %swap3A_285 = arith.constant 48 : index
        %swap3A_286 = tpu.vector_load %arg20[%swap3A_285] {strides = array<i32>} : memref<64xi32, #tpu.memory_space<vmem>>, vector<16xi32>,
        tpu.vector_store %arg20[%swap3A_285], %add3A_284 {strides = array<i32>} : memref<64xi32, #tpu.memory_space<vmem>>, vector<16xi32>,
        %dma_start3A_287 = arith.constant 0 : i32
        %dma_start3A_288 = arith.constant 0 : i32
        %dma_start3A_289 = tpu.memref_slice %arg2[%dma_start3A_287, %dma_start3A_288] : memref<20000x160xbf16, #tpu.memory_space<hbm>> -> memref<20000x160xbf16, #tpu.memory_space<hbm>>
        tpu.enqueue_indirect_dma source(%dma_start3A_289 : memref<20000x160xbf16, #tpu.memory_space<hbm>>) target(%arg22 : memref<64x160xbf16, #tpu.memory_space<vmem>>) offsets(%arg12 : memref<64xi32, #tpu.memory_space<vmem>>) semaphore(%arg32 : memref<!tpu.dma_semaphore, #tpu.memory_space<semaphore_mem>>)
        %dma_start3A_290 = arith.constant 0 : i32
        %dma_start3A_291 = arith.constant 0 : i32
        %dma_start3A_292 = tpu.memref_slice %arg3[%dma_start3A_290, %dma_start3A_291] : memref<20128x16xf32, #tpu.memory_space<hbm>> -> memref<20128x16xf32, #tpu.memory_space<hbm>>
        tpu.enqueue_indirect_dma source(%dma_start3A_292 : memref<20128x16xf32, #tpu.memory_space<hbm>>) target(%arg24 : memref<64x16xf32, #tpu.memory_space<vmem>>) offsets(%arg20 : memref<64xi32, #tpu.memory_space<vmem>>) semaphore(%arg34 : memref<!tpu.dma_semaphore, #tpu.memory_space<semaphore_mem>>)
      } else {
      }
      %dma_wait3A_182 = arith.constant 0 : i32
      %dma_wait3A_183 = arith.constant 0 : i32
      %dma_wait3A_184 = tpu.memref_slice %arg2[%dma_wait3A_182, %dma_wait3A_183] : memref<20000x160xbf16, #tpu.memory_space<hbm>> -> memref<20000x160xbf16, #tpu.memory_space<hbm>>
      tpu.wait_indirect_dma semaphore(%arg31 : memref<!tpu.dma_semaphore, #tpu.memory_space<semaphore_mem>>) src(%dma_wait3A_184 : memref<20000x160xbf16, #tpu.memory_space<hbm>>) dst(%arg21 : memref<64x160xbf16, #tpu.memory_space<vmem>>)
      %dma_wait3A_185 = arith.constant 0 : i32
      %dma_wait3A_186 = arith.constant 0 : i32
      %dma_wait3A_187 = tpu.memref_slice %arg3[%dma_wait3A_185, %dma_wait3A_186] : memref<20128x16xf32, #tpu.memory_space<hbm>> -> memref<20128x16xf32, #tpu.memory_space<hbm>>
      tpu.wait_indirect_dma semaphore(%arg33 : memref<!tpu.dma_semaphore, #tpu.memory_space<semaphore_mem>>) src(%dma_wait3A_187 : memref<20128x16xf32, #tpu.memory_space<hbm>>) dst(%arg23 : memref<64x16xf32, #tpu.memory_space<vmem>>)
      %parallel_loop3A_188 = arith.constant 0 : i32
      %parallel_loop3A_189 = arith.constant 64 : i32
      %parallel_loop3A_190 = arith.constant 1 : i32
      scf.for %parallel_loop3A_229 = %parallel_loop3A_188 to %parallel_loop3A_189 step %parallel_loop3A_190  : i32 {
        %parallel_loop3A_230 = arith.index_cast %parallel_loop3A_229 : i32 to index
        %parallel_loop3A_231 = arith.constant 128 : index
        %parallel_loop3A_232 = tpu.vector_load %arg21[%parallel_loop3A_230, %parallel_loop3A_231] {strides = array<i32>} : memref<64x160xbf16, #tpu.memory_space<vmem>>, vector<32xbf16>,
        %parallel_loop3A_233 = vector.bitcast %parallel_loop3A_232 : vector<32xbf16> to vector<16xf32>
        %parallel_loop3A_234 = arith.index_cast %parallel_loop3A_229 : i32 to index
        %parallel_loop3A_235 = arith.constant 0 : index
        %parallel_loop3A_236 = tpu.vector_load %arg23[%parallel_loop3A_234, %parallel_loop3A_235] {strides = array<i32>} : memref<64x16xf32, #tpu.memory_space<vmem>>, vector<16xf32>,
        %parallel_loop3A_237 = arith.addf %parallel_loop3A_233, %parallel_loop3A_236 : vector<16xf32>
        %parallel_loop3A_238 = arith.constant 0.000000e+00 : f32
        %parallel_loop3A_239 = vector.broadcast %parallel_loop3A_238 : f32 to vector<16xf32>
        %parallel_loop3A_240 = arith.cmpf ogt, %parallel_loop3A_237, %parallel_loop3A_239 : vector<16xf32>
        %parallel_loop3A_241 = arith.constant 2.000000e-01 : f32
        %parallel_loop3A_242 = vector.broadcast %parallel_loop3A_241 : f32 to vector<16xf32>
        %parallel_loop3A_243 = arith.mulf %parallel_loop3A_242, %parallel_loop3A_237 : vector<16xf32>
        %parallel_loop3A_244 = arith.select %parallel_loop3A_240, %parallel_loop3A_237, %parallel_loop3A_243 : vector<16xi1>, vector<16xf32>
        %parallel_loop3A_245 = arith.constant 8.000000e+00 : f32
        %parallel_loop3A_246 = vector.broadcast %parallel_loop3A_245 : f32 to vector<16xf32>
        %parallel_loop3A_247 = arith.subf %parallel_loop3A_244, %parallel_loop3A_246 : vector<16xf32>
        %parallel_loop3A_248 = math.exp %parallel_loop3A_247 : vector<16xf32>
        %parallel_loop3A_249 = arith.index_cast %parallel_loop3A_229 : i32 to index
        %parallel_loop3A_250 = arith.constant 128 : index
        %parallel_loop3A_251 = tpu.vector_load %arg25[%parallel_loop3A_249, %parallel_loop3A_250] {strides = array<i32>} : memref<64x144xf32, #tpu.memory_space<vmem>>, vector<16xf32>,
        tpu.vector_store %arg25[%parallel_loop3A_249, %parallel_loop3A_250], %parallel_loop3A_248 {strides = array<i32>} : memref<64x144xf32, #tpu.memory_space<vmem>>, vector<16xf32>,
        %parallel_loop3A_252 = vector.extract_strided_slice %parallel_loop3A_248 {offsets = [0], sizes = [1], strides = [1]} : vector<16xf32> to vector<1xf32>
        %parallel_loop3A_253 = vector.extract %parallel_loop3A_252[0] : f32 from vector<1xf32>
        %parallel_loop3A_254 = vector.broadcast %parallel_loop3A_253 : f32 to vector<16xf32>
        %parallel_loop3A_255 = vector.extract_strided_slice %parallel_loop3A_248 {offsets = [1], sizes = [1], strides = [1]} : vector<16xf32> to vector<1xf32>
        %parallel_loop3A_256 = vector.extract %parallel_loop3A_255[0] : f32 from vector<1xf32>
        %parallel_loop3A_257 = vector.broadcast %parallel_loop3A_256 : f32 to vector<16xf32>
        %parallel_loop3A_258 = vector.extract_strided_slice %parallel_loop3A_248 {offsets = [2], sizes = [1], strides = [1]} : vector<16xf32> to vector<1xf32>
        %parallel_loop3A_259 = vector.extract %parallel_loop3A_258[0] : f32 from vector<1xf32>
        %parallel_loop3A_260 = vector.broadcast %parallel_loop3A_259 : f32 to vector<16xf32>
        %parallel_loop3A_261 = vector.extract_strided_slice %parallel_loop3A_248 {offsets = [3], sizes = [1], strides = [1]} : vector<16xf32> to vector<1xf32>
        %parallel_loop3A_262 = vector.extract %parallel_loop3A_261[0] : f32 from vector<1xf32>
        %parallel_loop3A_263 = vector.broadcast %parallel_loop3A_262 : f32 to vector<16xf32>
        %parallel_loop3A_264 = arith.index_cast %parallel_loop3A_229 : i32 to index
        %parallel_loop3A_265 = arith.constant 0 : index
        %parallel_loop3A_266 = tpu.vector_load %arg21[%parallel_loop3A_264, %parallel_loop3A_265] {strides = array<i32>} : memref<64x160xbf16, #tpu.memory_space<vmem>>, vector<32xbf16>,
        %parallel_loop3A_267 = tpu.unpack_subelements %parallel_loop3A_266, 0 {pack_format = #tpu.pack_format<interleaved>} : vector<32xbf16> -> vector<16xf32>
        %parallel_loop3A_268 = tpu.unpack_subelements %parallel_loop3A_266, 1 {pack_format = #tpu.pack_format<interleaved>} : vector<32xbf16> -> vector<16xf32>
        %parallel_loop3A_269 = arith.mulf %parallel_loop3A_267, %parallel_loop3A_254 : vector<16xf32>
        %parallel_loop3A_270 = arith.index_cast %parallel_loop3A_229 : i32 to index
        %parallel_loop3A_271 = arith.constant 0 : index
        %parallel_loop3A_272 = tpu.vector_load %arg25[%parallel_loop3A_270, %parallel_loop3A_271] {strides = array<i32>} : memref<64x144xf32, #tpu.memory_space<vmem>>, vector<16xf32>,
        tpu.vector_store %arg25[%parallel_loop3A_270, %parallel_loop3A_271], %parallel_loop3A_269 {strides = array<i32>} : memref<64x144xf32, #tpu.memory_space<vmem>>, vector<16xf32>,
        %parallel_loop3A_273 = arith.mulf %parallel_loop3A_268, %parallel_loop3A_254 : vector<16xf32>
        %parallel_loop3A_274 = arith.index_cast %parallel_loop3A_229 : i32 to index
        %parallel_loop3A_275 = arith.constant 16 : index
        %parallel_loop3A_276 = tpu.vector_load %arg25[%parallel_loop3A_274, %parallel_loop3A_275] {strides = array<i32>} : memref<64x144xf32, #tpu.memory_space<vmem>>, vector<16xf32>,
        tpu.vector_store %arg25[%parallel_loop3A_274, %parallel_loop3A_275], %parallel_loop3A_273 {strides = array<i32>} : memref<64x144xf32, #tpu.memory_space<vmem>>, vector<16xf32>,
        %parallel_loop3A_277 = arith.index_cast %parallel_loop3A_229 : i32 to index
        %parallel_loop3A_278 = arith.constant 32 : index
        %parallel_loop3A_279 = tpu.vector_load %arg21[%parallel_loop3A_277, %parallel_loop3A_278] {strides = array<i32>} : memref<64x160xbf16, #tpu.memory_space<vmem>>, vector<32xbf16>,
        %parallel_loop3A_280 = tpu.unpack_subelements %parallel_loop3A_279, 0 {pack_format = #tpu.pack_format<interleaved>} : vector<32xbf16> -> vector<16xf32>
        %parallel_loop3A_281 = tpu.unpack_subelements %parallel_loop3A_279, 1 {pack_format = #tpu.pack_format<interleaved>} : vector<32xbf16> -> vector<16xf32>
        %parallel_loop3A_282 = arith.mulf %parallel_loop3A_280, %parallel_loop3A_257 : vector<16xf32>
        %parallel_loop3A_283 = arith.index_cast %parallel_loop3A_229 : i32 to index
        %parallel_loop3A_284 = arith.constant 32 : index
        %parallel_loop3A_285 = tpu.vector_load %arg25[%parallel_loop3A_283, %parallel_loop3A_284] {strides = array<i32>} : memref<64x144xf32, #tpu.memory_space<vmem>>, vector<16xf32>,
        tpu.vector_store %arg25[%parallel_loop3A_283, %parallel_loop3A_284], %parallel_loop3A_282 {strides = array<i32>} : memref<64x144xf32, #tpu.memory_space<vmem>>, vector<16xf32>,
        %parallel_loop3A_286 = arith.mulf %parallel_loop3A_281, %parallel_loop3A_257 : vector<16xf32>
        %parallel_loop3A_287 = arith.index_cast %parallel_loop3A_229 : i32 to index
        %parallel_loop3A_288 = arith.constant 48 : index
        %parallel_loop3A_289 = tpu.vector_load %arg25[%parallel_loop3A_287, %parallel_loop3A_288] {strides = array<i32>} : memref<64x144xf32, #tpu.memory_space<vmem>>, vector<16xf32>,
        tpu.vector_store %arg25[%parallel_loop3A_287, %parallel_loop3A_288], %parallel_loop3A_286 {strides = array<i32>} : memref<64x144xf32, #tpu.memory_space<vmem>>, vector<16xf32>,
        %parallel_loop3A_290 = arith.index_cast %parallel_loop3A_229 : i32 to index
        %parallel_loop3A_291 = arith.constant 64 : index
        %parallel_loop3A_292 = tpu.vector_load %arg21[%parallel_loop3A_290, %parallel_loop3A_291] {strides = array<i32>} : memref<64x160xbf16, #tpu.memory_space<vmem>>, vector<32xbf16>,
        %parallel_loop3A_293 = tpu.unpack_subelements %parallel_loop3A_292, 0 {pack_format = #tpu.pack_format<interleaved>} : vector<32xbf16> -> vector<16xf32>
        %parallel_loop3A_294 = tpu.unpack_subelements %parallel_loop3A_292, 1 {pack_format = #tpu.pack_format<interleaved>} : vector<32xbf16> -> vector<16xf32>
        %parallel_loop3A_295 = arith.mulf %parallel_loop3A_293, %parallel_loop3A_260 : vector<16xf32>
        %parallel_loop3A_296 = arith.index_cast %parallel_loop3A_229 : i32 to index
        %parallel_loop3A_297 = arith.constant 64 : index
        %parallel_loop3A_298 = tpu.vector_load %arg25[%parallel_loop3A_296, %parallel_loop3A_297] {strides = array<i32>} : memref<64x144xf32, #tpu.memory_space<vmem>>, vector<16xf32>,
        tpu.vector_store %arg25[%parallel_loop3A_296, %parallel_loop3A_297], %parallel_loop3A_295 {strides = array<i32>} : memref<64x144xf32, #tpu.memory_space<vmem>>, vector<16xf32>,
        %parallel_loop3A_299 = arith.mulf %parallel_loop3A_294, %parallel_loop3A_260 : vector<16xf32>
        %parallel_loop3A_300 = arith.index_cast %parallel_loop3A_229 : i32 to index
        %parallel_loop3A_301 = arith.constant 80 : index
        %parallel_loop3A_302 = tpu.vector_load %arg25[%parallel_loop3A_300, %parallel_loop3A_301] {strides = array<i32>} : memref<64x144xf32, #tpu.memory_space<vmem>>, vector<16xf32>,
        tpu.vector_store %arg25[%parallel_loop3A_300, %parallel_loop3A_301], %parallel_loop3A_299 {strides = array<i32>} : memref<64x144xf32, #tpu.memory_space<vmem>>, vector<16xf32>,
        %parallel_loop3A_303 = arith.index_cast %parallel_loop3A_229 : i32 to index
        %parallel_loop3A_304 = arith.constant 96 : index
        %parallel_loop3A_305 = tpu.vector_load %arg21[%parallel_loop3A_303, %parallel_loop3A_304] {strides = array<i32>} : memref<64x160xbf16, #tpu.memory_space<vmem>>, vector<32xbf16>,
        %parallel_loop3A_306 = tpu.unpack_subelements %parallel_loop3A_305, 0 {pack_format = #tpu.pack_format<interleaved>} : vector<32xbf16> -> vector<16xf32>
        %parallel_loop3A_307 = tpu.unpack_subelements %parallel_loop3A_305, 1 {pack_format = #tpu.pack_format<interleaved>} : vector<32xbf16> -> vector<16xf32>
        %parallel_loop3A_308 = arith.mulf %parallel_loop3A_306, %parallel_loop3A_263 : vector<16xf32>
        %parallel_loop3A_309 = arith.index_cast %parallel_loop3A_229 : i32 to index
        %parallel_loop3A_310 = arith.constant 96 : index
        %parallel_loop3A_311 = tpu.vector_load %arg25[%parallel_loop3A_309, %parallel_loop3A_310] {strides = array<i32>} : memref<64x144xf32, #tpu.memory_space<vmem>>, vector<16xf32>,
        tpu.vector_store %arg25[%parallel_loop3A_309, %parallel_loop3A_310], %parallel_loop3A_308 {strides = array<i32>} : memref<64x144xf32, #tpu.memory_space<vmem>>, vector<16xf32>,
        %parallel_loop3A_312 = arith.mulf %parallel_loop3A_307, %parallel_loop3A_263 : vector<16xf32>
        %parallel_loop3A_313 = arith.index_cast %parallel_loop3A_229 : i32 to index
        %parallel_loop3A_314 = arith.constant 112 : index
        %parallel_loop3A_315 = tpu.vector_load %arg25[%parallel_loop3A_313, %parallel_loop3A_314] {strides = array<i32>} : memref<64x144xf32, #tpu.memory_space<vmem>>, vector<16xf32>,
        tpu.vector_store %arg25[%parallel_loop3A_313, %parallel_loop3A_314], %parallel_loop3A_312 {strides = array<i32>} : memref<64x144xf32, #tpu.memory_space<vmem>>, vector<16xf32>,
      } {sc.loop_unroll_factor = 4 : i64, sc.parallel_access}
      %dma_start3A_191 = arith.constant 0 : i32
      %dma_start3A_192 = arith.constant 0 : i32
      %dma_start3A_193 = tpu.memref_slice %arg8[%dma_start3A_191, %dma_start3A_192] : memref<10112x144xf32, #tpu.memory_space<vmem_shared>> -> memref<10112x144xf32, #tpu.memory_space<vmem_shared>>
      tpu.enqueue_indirect_dma source(%arg25 : memref<64x144xf32, #tpu.memory_space<vmem>>) target(%dma_start3A_193 : memref<10112x144xf32, #tpu.memory_space<vmem_shared>>) offsets(%arg15 : memref<64xi32, #tpu.memory_space<vmem>>) semaphore(%arg35 : memref<!tpu.dma_semaphore, #tpu.memory_space<semaphore_mem>>) {add = true}
      %mul3A_194 = arith.constant 4 : i32
      %mul3A_195 = arith.muli %mul3A_194, %scan3A_93 : i32
      %add3A_196 = arith.constant 3 : i32
      %add3A_197 = arith.addi %mul3A_195, %add3A_196 : i32
      %ge3A_198 = arith.constant 2 : i32
      %ge3A_199 = arith.cmpi sge, %add3A_197, %ge3A_198 : i32
      %convert_element_type3A_200 = arith.extui %ge3A_199 : i1 to i32
      %cond3A_201 = arith.constant 0 : i32
      %cond3A_202 = arith.cmpi ne, %convert_element_type3A_200, %cond3A_201 : i32
      scf.if %cond3A_202 {
        %dma_wait3A_229 = arith.constant 0 : i32
        %dma_wait3A_230 = arith.constant 0 : i32
        %dma_wait3A_231 = tpu.memref_slice %arg8[%dma_wait3A_229, %dma_wait3A_230] : memref<10112x144xf32, #tpu.memory_space<vmem_shared>> -> memref<10112x144xf32, #tpu.memory_space<vmem_shared>>
        tpu.wait_indirect_dma semaphore(%arg36 : memref<!tpu.dma_semaphore, #tpu.memory_space<semaphore_mem>>) src(%arg26 : memref<64x144xf32, #tpu.memory_space<vmem>>) dst(%dma_wait3A_231 : memref<10112x144xf32, #tpu.memory_space<vmem_shared>>)
      } else {
      }
      %add3A_203 = arith.constant 2 : i32
      %add3A_204 = arith.addi %add3A_197, %add3A_203 : i32
      %lt3A_205 = arith.constant 328 : i32
      %lt3A_206 = arith.cmpi slt, %add3A_204, %lt3A_205 : i32
      %convert_element_type3A_207 = arith.extui %lt3A_206 : i1 to i32
      %cond3A_208 = arith.constant 0 : i32
      %cond3A_209 = arith.cmpi ne, %convert_element_type3A_207, %cond3A_208 : i32
      scf.if %cond3A_209 {
        %add3A_229 = arith.constant 2 : i32
        %add3A_230 = arith.addi %add3A_197, %add3A_229 : i32
        %mul3A_231 = arith.constant 64 : i32
        %mul3A_232 = arith.muli %add3A_230, %mul3A_231 : i32
        %add3A_233 = arith.addi %mul3A_2, %mul3A_232 : i32
        %dma_start3A_234 = tpu.memref_slice %arg4[%add3A_233] : memref<335872xi32, #tpu.memory_space<hbm>> -> memref<64xi32, #tpu.memory_space<hbm>>
        %dma_start3A_235 = tpu.memref_slice %arg4[%add3A_233] : memref<335872xi32, #tpu.memory_space<hbm>> -> memref<64xi32, #tpu.memory_space<hbm>>
        tpu.enqueue_dma source(%dma_start3A_235 : memref<64xi32, #tpu.memory_space<hbm>>) target(%arg10 : memref<64xi32, #tpu.memory_space<vmem>>) target_semaphore(%arg28 : memref<!tpu.dma_semaphore, #tpu.memory_space<semaphore_mem>>)
        %dma_start3A_236 = tpu.memref_slice %arg5[%add3A_233] : memref<335872xi32, #tpu.memory_space<hbm>> -> memref<64xi32, #tpu.memory_space<hbm>>
        %dma_start3A_237 = tpu.memref_slice %arg5[%add3A_233] : memref<335872xi32, #tpu.memory_space<hbm>> -> memref<64xi32, #tpu.memory_space<hbm>>
        tpu.enqueue_dma source(%dma_start3A_237 : memref<64xi32, #tpu.memory_space<hbm>>) target(%arg14 : memref<64xi32, #tpu.memory_space<vmem>>) target_semaphore(%arg28 : memref<!tpu.dma_semaphore, #tpu.memory_space<semaphore_mem>>)
      } else {
      }
      %add3A_210 = arith.constant 1 : i32
      %add3A_211 = arith.addi %add3A_197, %add3A_210 : i32
      %lt3A_212 = arith.constant 328 : i32
      %lt3A_213 = arith.cmpi slt, %add3A_211, %lt3A_212 : i32
      %convert_element_type3A_214 = arith.extui %lt3A_213 : i1 to i32
      %cond3A_215 = arith.constant 0 : i32
      %cond3A_216 = arith.cmpi ne, %convert_element_type3A_214, %cond3A_215 : i32
      scf.if %cond3A_216 {
        %add3A_229 = arith.constant 1 : i32
        %add3A_230 = arith.addi %add3A_197, %add3A_229 : i32
        %dma_wait3A_231 = arith.constant 0 : i32
        %dma_wait3A_232 = tpu.memref_slice %arg4[%dma_wait3A_231] : memref<335872xi32, #tpu.memory_space<hbm>> -> memref<64xi32, #tpu.memory_space<hbm>>
        %dma_wait3A_233 = arith.constant 0 : i32
        %dma_wait3A_234 = tpu.memref_slice %arg4[%dma_wait3A_233] : memref<335872xi32, #tpu.memory_space<hbm>> -> memref<64xi32, #tpu.memory_space<hbm>>
        tpu.wait_dma2 semaphore(%arg27 : memref<!tpu.dma_semaphore, #tpu.memory_space<semaphore_mem>>) src(%dma_wait3A_234 : memref<64xi32, #tpu.memory_space<hbm>>) dst(%arg9 : memref<64xi32, #tpu.memory_space<vmem>>)
        %dma_wait3A_235 = arith.constant 0 : i32
        %dma_wait3A_236 = tpu.memref_slice %arg5[%dma_wait3A_235] : memref<335872xi32, #tpu.memory_space<hbm>> -> memref<64xi32, #tpu.memory_space<hbm>>
        %dma_wait3A_237 = arith.constant 0 : i32
        %dma_wait3A_238 = tpu.memref_slice %arg5[%dma_wait3A_237] : memref<335872xi32, #tpu.memory_space<hbm>> -> memref<64xi32, #tpu.memory_space<hbm>>
        tpu.wait_dma2 semaphore(%arg27 : memref<!tpu.dma_semaphore, #tpu.memory_space<semaphore_mem>>) src(%dma_wait3A_238 : memref<64xi32, #tpu.memory_space<hbm>>) dst(%arg13 : memref<64xi32, #tpu.memory_space<vmem>>)
        %get3A_239 = arith.constant 0 : index
        %get3A_240 = tpu.vector_load %arg9[%get3A_239] {strides = array<i32>} : memref<64xi32, #tpu.memory_space<vmem>>, vector<16xi32>,
        %add3A_241 = vector.broadcast %mul3A_4 : i32 to vector<16xi32>
        %add3A_242 = arith.addi %get3A_240, %add3A_241 : vector<16xi32>
        %swap3A_243 = arith.constant 0 : index
        %swap3A_244 = tpu.vector_load %arg9[%swap3A_243] {strides = array<i32>} : memref<64xi32, #tpu.memory_space<vmem>>, vector<16xi32>,
        tpu.vector_store %arg9[%swap3A_243], %add3A_242 {strides = array<i32>} : memref<64xi32, #tpu.memory_space<vmem>>, vector<16xi32>,
        %get3A_245 = arith.constant 0 : index
        %get3A_246 = tpu.vector_load %arg13[%get3A_245] {strides = array<i32>} : memref<64xi32, #tpu.memory_space<vmem>>, vector<16xi32>,
        %add3A_247 = vector.broadcast %mul3A_4 : i32 to vector<16xi32>
        %add3A_248 = arith.addi %get3A_246, %add3A_247 : vector<16xi32>
        %swap3A_249 = arith.constant 0 : index
        %swap3A_250 = tpu.vector_load %arg17[%swap3A_249] {strides = array<i32>} : memref<64xi32, #tpu.memory_space<vmem>>, vector<16xi32>,
        tpu.vector_store %arg17[%swap3A_249], %add3A_248 {strides = array<i32>} : memref<64xi32, #tpu.memory_space<vmem>>, vector<16xi32>,
        %get3A_251 = arith.constant 16 : index
        %get3A_252 = tpu.vector_load %arg9[%get3A_251] {strides = array<i32>} : memref<64xi32, #tpu.memory_space<vmem>>, vector<16xi32>,
        %add3A_253 = vector.broadcast %mul3A_4 : i32 to vector<16xi32>
        %add3A_254 = arith.addi %get3A_252, %add3A_253 : vector<16xi32>
        %swap3A_255 = arith.constant 16 : index
        %swap3A_256 = tpu.vector_load %arg9[%swap3A_255] {strides = array<i32>} : memref<64xi32, #tpu.memory_space<vmem>>, vector<16xi32>,
        tpu.vector_store %arg9[%swap3A_255], %add3A_254 {strides = array<i32>} : memref<64xi32, #tpu.memory_space<vmem>>, vector<16xi32>,
        %get3A_257 = arith.constant 16 : index
        %get3A_258 = tpu.vector_load %arg13[%get3A_257] {strides = array<i32>} : memref<64xi32, #tpu.memory_space<vmem>>, vector<16xi32>,
        %add3A_259 = vector.broadcast %mul3A_4 : i32 to vector<16xi32>
        %add3A_260 = arith.addi %get3A_258, %add3A_259 : vector<16xi32>
        %swap3A_261 = arith.constant 16 : index
        %swap3A_262 = tpu.vector_load %arg17[%swap3A_261] {strides = array<i32>} : memref<64xi32, #tpu.memory_space<vmem>>, vector<16xi32>,
        tpu.vector_store %arg17[%swap3A_261], %add3A_260 {strides = array<i32>} : memref<64xi32, #tpu.memory_space<vmem>>, vector<16xi32>,
        %get3A_263 = arith.constant 32 : index
        %get3A_264 = tpu.vector_load %arg9[%get3A_263] {strides = array<i32>} : memref<64xi32, #tpu.memory_space<vmem>>, vector<16xi32>,
        %add3A_265 = vector.broadcast %mul3A_4 : i32 to vector<16xi32>
        %add3A_266 = arith.addi %get3A_264, %add3A_265 : vector<16xi32>
        %swap3A_267 = arith.constant 32 : index
        %swap3A_268 = tpu.vector_load %arg9[%swap3A_267] {strides = array<i32>} : memref<64xi32, #tpu.memory_space<vmem>>, vector<16xi32>,
        tpu.vector_store %arg9[%swap3A_267], %add3A_266 {strides = array<i32>} : memref<64xi32, #tpu.memory_space<vmem>>, vector<16xi32>,
        %get3A_269 = arith.constant 32 : index
        %get3A_270 = tpu.vector_load %arg13[%get3A_269] {strides = array<i32>} : memref<64xi32, #tpu.memory_space<vmem>>, vector<16xi32>,
        %add3A_271 = vector.broadcast %mul3A_4 : i32 to vector<16xi32>
        %add3A_272 = arith.addi %get3A_270, %add3A_271 : vector<16xi32>
        %swap3A_273 = arith.constant 32 : index
        %swap3A_274 = tpu.vector_load %arg17[%swap3A_273] {strides = array<i32>} : memref<64xi32, #tpu.memory_space<vmem>>, vector<16xi32>,
        tpu.vector_store %arg17[%swap3A_273], %add3A_272 {strides = array<i32>} : memref<64xi32, #tpu.memory_space<vmem>>, vector<16xi32>,
        %get3A_275 = arith.constant 48 : index
        %get3A_276 = tpu.vector_load %arg9[%get3A_275] {strides = array<i32>} : memref<64xi32, #tpu.memory_space<vmem>>, vector<16xi32>,
        %add3A_277 = vector.broadcast %mul3A_4 : i32 to vector<16xi32>
        %add3A_278 = arith.addi %get3A_276, %add3A_277 : vector<16xi32>
        %swap3A_279 = arith.constant 48 : index
        %swap3A_280 = tpu.vector_load %arg9[%swap3A_279] {strides = array<i32>} : memref<64xi32, #tpu.memory_space<vmem>>, vector<16xi32>,
        tpu.vector_store %arg9[%swap3A_279], %add3A_278 {strides = array<i32>} : memref<64xi32, #tpu.memory_space<vmem>>, vector<16xi32>,
        %get3A_281 = arith.constant 48 : index
        %get3A_282 = tpu.vector_load %arg13[%get3A_281] {strides = array<i32>} : memref<64xi32, #tpu.memory_space<vmem>>, vector<16xi32>,
        %add3A_283 = vector.broadcast %mul3A_4 : i32 to vector<16xi32>
        %add3A_284 = arith.addi %get3A_282, %add3A_283 : vector<16xi32>
        %swap3A_285 = arith.constant 48 : index
        %swap3A_286 = tpu.vector_load %arg17[%swap3A_285] {strides = array<i32>} : memref<64xi32, #tpu.memory_space<vmem>>, vector<16xi32>,
        tpu.vector_store %arg17[%swap3A_285], %add3A_284 {strides = array<i32>} : memref<64xi32, #tpu.memory_space<vmem>>, vector<16xi32>,
        %dma_start3A_287 = arith.constant 0 : i32
        %dma_start3A_288 = arith.constant 0 : i32
        %dma_start3A_289 = tpu.memref_slice %arg2[%dma_start3A_287, %dma_start3A_288] : memref<20000x160xbf16, #tpu.memory_space<hbm>> -> memref<20000x160xbf16, #tpu.memory_space<hbm>>
        tpu.enqueue_indirect_dma source(%dma_start3A_289 : memref<20000x160xbf16, #tpu.memory_space<hbm>>) target(%arg21 : memref<64x160xbf16, #tpu.memory_space<vmem>>) offsets(%arg9 : memref<64xi32, #tpu.memory_space<vmem>>) semaphore(%arg31 : memref<!tpu.dma_semaphore, #tpu.memory_space<semaphore_mem>>)
        %dma_start3A_290 = arith.constant 0 : i32
        %dma_start3A_291 = arith.constant 0 : i32
        %dma_start3A_292 = tpu.memref_slice %arg3[%dma_start3A_290, %dma_start3A_291] : memref<20128x16xf32, #tpu.memory_space<hbm>> -> memref<20128x16xf32, #tpu.memory_space<hbm>>
        tpu.enqueue_indirect_dma source(%dma_start3A_292 : memref<20128x16xf32, #tpu.memory_space<hbm>>) target(%arg23 : memref<64x16xf32, #tpu.memory_space<vmem>>) offsets(%arg17 : memref<64xi32, #tpu.memory_space<vmem>>) semaphore(%arg33 : memref<!tpu.dma_semaphore, #tpu.memory_space<semaphore_mem>>)
      } else {
      }
      %dma_wait3A_217 = arith.constant 0 : i32
      %dma_wait3A_218 = arith.constant 0 : i32
      %dma_wait3A_219 = tpu.memref_slice %arg2[%dma_wait3A_217, %dma_wait3A_218] : memref<20000x160xbf16, #tpu.memory_space<hbm>> -> memref<20000x160xbf16, #tpu.memory_space<hbm>>
      tpu.wait_indirect_dma semaphore(%arg32 : memref<!tpu.dma_semaphore, #tpu.memory_space<semaphore_mem>>) src(%dma_wait3A_219 : memref<20000x160xbf16, #tpu.memory_space<hbm>>) dst(%arg22 : memref<64x160xbf16, #tpu.memory_space<vmem>>)
      %dma_wait3A_220 = arith.constant 0 : i32
      %dma_wait3A_221 = arith.constant 0 : i32
      %dma_wait3A_222 = tpu.memref_slice %arg3[%dma_wait3A_220, %dma_wait3A_221] : memref<20128x16xf32, #tpu.memory_space<hbm>> -> memref<20128x16xf32, #tpu.memory_space<hbm>>
      tpu.wait_indirect_dma semaphore(%arg34 : memref<!tpu.dma_semaphore, #tpu.memory_space<semaphore_mem>>) src(%dma_wait3A_222 : memref<20128x16xf32, #tpu.memory_space<hbm>>) dst(%arg24 : memref<64x16xf32, #tpu.memory_space<vmem>>)
      %parallel_loop3A_223 = arith.constant 0 : i32
      %parallel_loop3A_224 = arith.constant 64 : i32
      %parallel_loop3A_225 = arith.constant 1 : i32
      scf.for %parallel_loop3A_229 = %parallel_loop3A_223 to %parallel_loop3A_224 step %parallel_loop3A_225  : i32 {
        %parallel_loop3A_230 = arith.index_cast %parallel_loop3A_229 : i32 to index
        %parallel_loop3A_231 = arith.constant 128 : index
        %parallel_loop3A_232 = tpu.vector_load %arg22[%parallel_loop3A_230, %parallel_loop3A_231] {strides = array<i32>} : memref<64x160xbf16, #tpu.memory_space<vmem>>, vector<32xbf16>,
        %parallel_loop3A_233 = vector.bitcast %parallel_loop3A_232 : vector<32xbf16> to vector<16xf32>
        %parallel_loop3A_234 = arith.index_cast %parallel_loop3A_229 : i32 to index
        %parallel_loop3A_235 = arith.constant 0 : index
        %parallel_loop3A_236 = tpu.vector_load %arg24[%parallel_loop3A_234, %parallel_loop3A_235] {strides = array<i32>} : memref<64x16xf32, #tpu.memory_space<vmem>>, vector<16xf32>,
        %parallel_loop3A_237 = arith.addf %parallel_loop3A_233, %parallel_loop3A_236 : vector<16xf32>
        %parallel_loop3A_238 = arith.constant 0.000000e+00 : f32
        %parallel_loop3A_239 = vector.broadcast %parallel_loop3A_238 : f32 to vector<16xf32>
        %parallel_loop3A_240 = arith.cmpf ogt, %parallel_loop3A_237, %parallel_loop3A_239 : vector<16xf32>
        %parallel_loop3A_241 = arith.constant 2.000000e-01 : f32
        %parallel_loop3A_242 = vector.broadcast %parallel_loop3A_241 : f32 to vector<16xf32>
        %parallel_loop3A_243 = arith.mulf %parallel_loop3A_242, %parallel_loop3A_237 : vector<16xf32>
        %parallel_loop3A_244 = arith.select %parallel_loop3A_240, %parallel_loop3A_237, %parallel_loop3A_243 : vector<16xi1>, vector<16xf32>
        %parallel_loop3A_245 = arith.constant 8.000000e+00 : f32
        %parallel_loop3A_246 = vector.broadcast %parallel_loop3A_245 : f32 to vector<16xf32>
        %parallel_loop3A_247 = arith.subf %parallel_loop3A_244, %parallel_loop3A_246 : vector<16xf32>
        %parallel_loop3A_248 = math.exp %parallel_loop3A_247 : vector<16xf32>
        %parallel_loop3A_249 = arith.index_cast %parallel_loop3A_229 : i32 to index
        %parallel_loop3A_250 = arith.constant 128 : index
        %parallel_loop3A_251 = tpu.vector_load %arg26[%parallel_loop3A_249, %parallel_loop3A_250] {strides = array<i32>} : memref<64x144xf32, #tpu.memory_space<vmem>>, vector<16xf32>,
        tpu.vector_store %arg26[%parallel_loop3A_249, %parallel_loop3A_250], %parallel_loop3A_248 {strides = array<i32>} : memref<64x144xf32, #tpu.memory_space<vmem>>, vector<16xf32>,
        %parallel_loop3A_252 = vector.extract_strided_slice %parallel_loop3A_248 {offsets = [0], sizes = [1], strides = [1]} : vector<16xf32> to vector<1xf32>
        %parallel_loop3A_253 = vector.extract %parallel_loop3A_252[0] : f32 from vector<1xf32>
        %parallel_loop3A_254 = vector.broadcast %parallel_loop3A_253 : f32 to vector<16xf32>
        %parallel_loop3A_255 = vector.extract_strided_slice %parallel_loop3A_248 {offsets = [1], sizes = [1], strides = [1]} : vector<16xf32> to vector<1xf32>
        %parallel_loop3A_256 = vector.extract %parallel_loop3A_255[0] : f32 from vector<1xf32>
        %parallel_loop3A_257 = vector.broadcast %parallel_loop3A_256 : f32 to vector<16xf32>
        %parallel_loop3A_258 = vector.extract_strided_slice %parallel_loop3A_248 {offsets = [2], sizes = [1], strides = [1]} : vector<16xf32> to vector<1xf32>
        %parallel_loop3A_259 = vector.extract %parallel_loop3A_258[0] : f32 from vector<1xf32>
        %parallel_loop3A_260 = vector.broadcast %parallel_loop3A_259 : f32 to vector<16xf32>
        %parallel_loop3A_261 = vector.extract_strided_slice %parallel_loop3A_248 {offsets = [3], sizes = [1], strides = [1]} : vector<16xf32> to vector<1xf32>
        %parallel_loop3A_262 = vector.extract %parallel_loop3A_261[0] : f32 from vector<1xf32>
        %parallel_loop3A_263 = vector.broadcast %parallel_loop3A_262 : f32 to vector<16xf32>
        %parallel_loop3A_264 = arith.index_cast %parallel_loop3A_229 : i32 to index
        %parallel_loop3A_265 = arith.constant 0 : index
        %parallel_loop3A_266 = tpu.vector_load %arg22[%parallel_loop3A_264, %parallel_loop3A_265] {strides = array<i32>} : memref<64x160xbf16, #tpu.memory_space<vmem>>, vector<32xbf16>,
        %parallel_loop3A_267 = tpu.unpack_subelements %parallel_loop3A_266, 0 {pack_format = #tpu.pack_format<interleaved>} : vector<32xbf16> -> vector<16xf32>
        %parallel_loop3A_268 = tpu.unpack_subelements %parallel_loop3A_266, 1 {pack_format = #tpu.pack_format<interleaved>} : vector<32xbf16> -> vector<16xf32>
        %parallel_loop3A_269 = arith.mulf %parallel_loop3A_267, %parallel_loop3A_254 : vector<16xf32>
        %parallel_loop3A_270 = arith.index_cast %parallel_loop3A_229 : i32 to index
        %parallel_loop3A_271 = arith.constant 0 : index
        %parallel_loop3A_272 = tpu.vector_load %arg26[%parallel_loop3A_270, %parallel_loop3A_271] {strides = array<i32>} : memref<64x144xf32, #tpu.memory_space<vmem>>, vector<16xf32>,
        tpu.vector_store %arg26[%parallel_loop3A_270, %parallel_loop3A_271], %parallel_loop3A_269 {strides = array<i32>} : memref<64x144xf32, #tpu.memory_space<vmem>>, vector<16xf32>,
        %parallel_loop3A_273 = arith.mulf %parallel_loop3A_268, %parallel_loop3A_254 : vector<16xf32>
        %parallel_loop3A_274 = arith.index_cast %parallel_loop3A_229 : i32 to index
        %parallel_loop3A_275 = arith.constant 16 : index
        %parallel_loop3A_276 = tpu.vector_load %arg26[%parallel_loop3A_274, %parallel_loop3A_275] {strides = array<i32>} : memref<64x144xf32, #tpu.memory_space<vmem>>, vector<16xf32>,
        tpu.vector_store %arg26[%parallel_loop3A_274, %parallel_loop3A_275], %parallel_loop3A_273 {strides = array<i32>} : memref<64x144xf32, #tpu.memory_space<vmem>>, vector<16xf32>,
        %parallel_loop3A_277 = arith.index_cast %parallel_loop3A_229 : i32 to index
        %parallel_loop3A_278 = arith.constant 32 : index
        %parallel_loop3A_279 = tpu.vector_load %arg22[%parallel_loop3A_277, %parallel_loop3A_278] {strides = array<i32>} : memref<64x160xbf16, #tpu.memory_space<vmem>>, vector<32xbf16>,
        %parallel_loop3A_280 = tpu.unpack_subelements %parallel_loop3A_279, 0 {pack_format = #tpu.pack_format<interleaved>} : vector<32xbf16> -> vector<16xf32>
        %parallel_loop3A_281 = tpu.unpack_subelements %parallel_loop3A_279, 1 {pack_format = #tpu.pack_format<interleaved>} : vector<32xbf16> -> vector<16xf32>
        %parallel_loop3A_282 = arith.mulf %parallel_loop3A_280, %parallel_loop3A_257 : vector<16xf32>
        %parallel_loop3A_283 = arith.index_cast %parallel_loop3A_229 : i32 to index
        %parallel_loop3A_284 = arith.constant 32 : index
        %parallel_loop3A_285 = tpu.vector_load %arg26[%parallel_loop3A_283, %parallel_loop3A_284] {strides = array<i32>} : memref<64x144xf32, #tpu.memory_space<vmem>>, vector<16xf32>,
        tpu.vector_store %arg26[%parallel_loop3A_283, %parallel_loop3A_284], %parallel_loop3A_282 {strides = array<i32>} : memref<64x144xf32, #tpu.memory_space<vmem>>, vector<16xf32>,
        %parallel_loop3A_286 = arith.mulf %parallel_loop3A_281, %parallel_loop3A_257 : vector<16xf32>
        %parallel_loop3A_287 = arith.index_cast %parallel_loop3A_229 : i32 to index
        %parallel_loop3A_288 = arith.constant 48 : index
        %parallel_loop3A_289 = tpu.vector_load %arg26[%parallel_loop3A_287, %parallel_loop3A_288] {strides = array<i32>} : memref<64x144xf32, #tpu.memory_space<vmem>>, vector<16xf32>,
        tpu.vector_store %arg26[%parallel_loop3A_287, %parallel_loop3A_288], %parallel_loop3A_286 {strides = array<i32>} : memref<64x144xf32, #tpu.memory_space<vmem>>, vector<16xf32>,
        %parallel_loop3A_290 = arith.index_cast %parallel_loop3A_229 : i32 to index
        %parallel_loop3A_291 = arith.constant 64 : index
        %parallel_loop3A_292 = tpu.vector_load %arg22[%parallel_loop3A_290, %parallel_loop3A_291] {strides = array<i32>} : memref<64x160xbf16, #tpu.memory_space<vmem>>, vector<32xbf16>,
        %parallel_loop3A_293 = tpu.unpack_subelements %parallel_loop3A_292, 0 {pack_format = #tpu.pack_format<interleaved>} : vector<32xbf16> -> vector<16xf32>
        %parallel_loop3A_294 = tpu.unpack_subelements %parallel_loop3A_292, 1 {pack_format = #tpu.pack_format<interleaved>} : vector<32xbf16> -> vector<16xf32>
        %parallel_loop3A_295 = arith.mulf %parallel_loop3A_293, %parallel_loop3A_260 : vector<16xf32>
        %parallel_loop3A_296 = arith.index_cast %parallel_loop3A_229 : i32 to index
        %parallel_loop3A_297 = arith.constant 64 : index
        %parallel_loop3A_298 = tpu.vector_load %arg26[%parallel_loop3A_296, %parallel_loop3A_297] {strides = array<i32>} : memref<64x144xf32, #tpu.memory_space<vmem>>, vector<16xf32>,
        tpu.vector_store %arg26[%parallel_loop3A_296, %parallel_loop3A_297], %parallel_loop3A_295 {strides = array<i32>} : memref<64x144xf32, #tpu.memory_space<vmem>>, vector<16xf32>,
        %parallel_loop3A_299 = arith.mulf %parallel_loop3A_294, %parallel_loop3A_260 : vector<16xf32>
        %parallel_loop3A_300 = arith.index_cast %parallel_loop3A_229 : i32 to index
        %parallel_loop3A_301 = arith.constant 80 : index
        %parallel_loop3A_302 = tpu.vector_load %arg26[%parallel_loop3A_300, %parallel_loop3A_301] {strides = array<i32>} : memref<64x144xf32, #tpu.memory_space<vmem>>, vector<16xf32>,
        tpu.vector_store %arg26[%parallel_loop3A_300, %parallel_loop3A_301], %parallel_loop3A_299 {strides = array<i32>} : memref<64x144xf32, #tpu.memory_space<vmem>>, vector<16xf32>,
        %parallel_loop3A_303 = arith.index_cast %parallel_loop3A_229 : i32 to index
        %parallel_loop3A_304 = arith.constant 96 : index
        %parallel_loop3A_305 = tpu.vector_load %arg22[%parallel_loop3A_303, %parallel_loop3A_304] {strides = array<i32>} : memref<64x160xbf16, #tpu.memory_space<vmem>>, vector<32xbf16>,
        %parallel_loop3A_306 = tpu.unpack_subelements %parallel_loop3A_305, 0 {pack_format = #tpu.pack_format<interleaved>} : vector<32xbf16> -> vector<16xf32>
        %parallel_loop3A_307 = tpu.unpack_subelements %parallel_loop3A_305, 1 {pack_format = #tpu.pack_format<interleaved>} : vector<32xbf16> -> vector<16xf32>
        %parallel_loop3A_308 = arith.mulf %parallel_loop3A_306, %parallel_loop3A_263 : vector<16xf32>
        %parallel_loop3A_309 = arith.index_cast %parallel_loop3A_229 : i32 to index
        %parallel_loop3A_310 = arith.constant 96 : index
        %parallel_loop3A_311 = tpu.vector_load %arg26[%parallel_loop3A_309, %parallel_loop3A_310] {strides = array<i32>} : memref<64x144xf32, #tpu.memory_space<vmem>>, vector<16xf32>,
        tpu.vector_store %arg26[%parallel_loop3A_309, %parallel_loop3A_310], %parallel_loop3A_308 {strides = array<i32>} : memref<64x144xf32, #tpu.memory_space<vmem>>, vector<16xf32>,
        %parallel_loop3A_312 = arith.mulf %parallel_loop3A_307, %parallel_loop3A_263 : vector<16xf32>
        %parallel_loop3A_313 = arith.index_cast %parallel_loop3A_229 : i32 to index
        %parallel_loop3A_314 = arith.constant 112 : index
        %parallel_loop3A_315 = tpu.vector_load %arg26[%parallel_loop3A_313, %parallel_loop3A_314] {strides = array<i32>} : memref<64x144xf32, #tpu.memory_space<vmem>>, vector<16xf32>,
        tpu.vector_store %arg26[%parallel_loop3A_313, %parallel_loop3A_314], %parallel_loop3A_312 {strides = array<i32>} : memref<64x144xf32, #tpu.memory_space<vmem>>, vector<16xf32>,
      } {sc.loop_unroll_factor = 4 : i64, sc.parallel_access}
      %dma_start3A_226 = arith.constant 0 : i32
      %dma_start3A_227 = arith.constant 0 : i32
      %dma_start3A_228 = tpu.memref_slice %arg8[%dma_start3A_226, %dma_start3A_227] : memref<10112x144xf32, #tpu.memory_space<vmem_shared>> -> memref<10112x144xf32, #tpu.memory_space<vmem_shared>>
      tpu.enqueue_indirect_dma source(%arg26 : memref<64x144xf32, #tpu.memory_space<vmem>>) target(%dma_start3A_228 : memref<10112x144xf32, #tpu.memory_space<vmem_shared>>) offsets(%arg16 : memref<64xi32, #tpu.memory_space<vmem>>) semaphore(%arg36 : memref<!tpu.dma_semaphore, #tpu.memory_space<semaphore_mem>>) {add = true}
    }
    %scan3A_78 = arith.constant 82 : i32
    %dma_wait3A_79 = arith.constant 0 : i32
    %dma_wait3A_80 = arith.constant 0 : i32
    %dma_wait3A_81 = tpu.memref_slice %arg8[%dma_wait3A_79, %dma_wait3A_80] : memref<10112x144xf32, #tpu.memory_space<vmem_shared>> -> memref<10112x144xf32, #tpu.memory_space<vmem_shared>>
    tpu.wait_indirect_dma semaphore(%arg35 : memref<!tpu.dma_semaphore, #tpu.memory_space<semaphore_mem>>) src(%arg25 : memref<64x144xf32, #tpu.memory_space<vmem>>) dst(%dma_wait3A_81 : memref<10112x144xf32, #tpu.memory_space<vmem_shared>>)
    %dma_wait3A_82 = arith.constant 0 : i32
    %dma_wait3A_83 = arith.constant 0 : i32
    %dma_wait3A_84 = tpu.memref_slice %arg8[%dma_wait3A_82, %dma_wait3A_83] : memref<10112x144xf32, #tpu.memory_space<vmem_shared>> -> memref<10112x144xf32, #tpu.memory_space<vmem_shared>>
    tpu.wait_indirect_dma semaphore(%arg36 : memref<!tpu.dma_semaphore, #tpu.memory_space<semaphore_mem>>) src(%arg26 : memref<64x144xf32, #tpu.memory_space<vmem>>) dst(%dma_wait3A_84 : memref<10112x144xf32, #tpu.memory_space<vmem_shared>>)
    %barrier3A_85 = arith.constant 0 : index
    tpu.barrier barrier_id(%barrier3A_85)
    %mul3A_86 = arith.constant 632 : i32
    %mul3A_87 = arith.muli %arg1, %mul3A_86 : i32
    %mul3A_88 = arith.constant 10112 : i32
    %mul3A_89 = arith.muli %arg0, %mul3A_88 : i32
    %mul3A_90 = arith.constant 632 : i32
    %mul3A_91 = arith.muli %arg1, %mul3A_90 : i32
    %add3A_92 = arith.addi %mul3A_89, %mul3A_91 : i32
    "tpu.region"() ({
      %run_scoped3A = tpu.sem_alloc : memref<!tpu.dma_semaphore, #tpu.memory_space<semaphore_mem>>
      %dma_start3A_93 = arith.constant 0 : i32
      %dma_start3A_94 = tpu.memref_slice %arg7[%add3A_92, %dma_start3A_93] : memref<20224x144xf32, #tpu.memory_space<hbm>> -> memref<632x144xf32, #tpu.memory_space<hbm>>
      %dma_start3A_95 = arith.constant 0 : i32
      %dma_start3A_96 = tpu.memref_slice %arg8[%mul3A_87, %dma_start3A_95] : memref<10112x144xf32, #tpu.memory_space<vmem_shared>> -> memref<632x144xf32, #tpu.memory_space<vmem_shared>>
      tpu.enqueue_dma source(%dma_start3A_96 : memref<632x144xf32, #tpu.memory_space<vmem_shared>>) target(%dma_start3A_94 : memref<632x144xf32, #tpu.memory_space<hbm>>) target_semaphore(%run_scoped3A : memref<!tpu.dma_semaphore, #tpu.memory_space<semaphore_mem>>)
      %dma_wait3A_97 = arith.constant 0 : i32
      %dma_wait3A_98 = tpu.memref_slice %arg7[%add3A_92, %dma_wait3A_97] : memref<20224x144xf32, #tpu.memory_space<hbm>> -> memref<632x144xf32, #tpu.memory_space<hbm>>
      %dma_wait3A_99 = arith.constant 0 : i32
      %dma_wait3A_100 = tpu.memref_slice %arg8[%mul3A_87, %dma_wait3A_99] : memref<10112x144xf32, #tpu.memory_space<vmem_shared>> -> memref<632x144xf32, #tpu.memory_space<vmem_shared>>
      tpu.wait_dma2 semaphore(%run_scoped3A : memref<!tpu.dma_semaphore, #tpu.memory_space<semaphore_mem>>) src(%dma_wait3A_100 : memref<632x144xf32, #tpu.memory_space<vmem_shared>>) dst(%dma_wait3A_98 : memref<632x144xf32, #tpu.memory_space<hbm>>)
      tpu.yield
    }) : () -> ()
    return
  }
}

module attributes {stable_mosaic.version = 14 : i64} {
  func.func @body(%arg0: i32, %arg1: memref<1000x128xf32, #tpu.memory_space<vmem>>, %arg2: memref<128x384xf32, #tpu.memory_space<vmem>>, %arg3: memref<1000x384xf32, #tpu.memory_space<vmem>>) attributes {dimension_semantics = [#tpu.dimension_semantics<arbitrary>], iteration_bounds = array<i64: 10>, scalar_prefetch = 0 : i64, scratch_operands = 0 : i64, tpu.core_type = #tpu.core_type<tc>, window_params = [{transform_indices = @transform_0, window_bounds = array<i64: 1000, 128>}, {pipeline_mode = #tpu.pipeline_mode<synchronous>, transform_indices = @transform_1, window_bounds = array<i64: 128, 384>}, {transform_indices = @transform_2, window_bounds = array<i64: 1000, 384>}]} {
    %get3A = arith.constant 0 : index
    %get3A_0 = arith.constant 0 : index
    %get3A_1 = vector.load %arg1[%get3A, %get3A_0] : memref<1000x128xf32, #tpu.memory_space<vmem>>, vector<1000x128xf32>
    %get3A_2 = arith.constant 0 : index
    %get3A_3 = arith.constant 0 : index
    %get3A_4 = vector.load %arg2[%get3A_2, %get3A_3] : memref<128x384xf32, #tpu.memory_space<vmem>>, vector<128x384xf32>
    %dot_general3A = arith.constant dense<0.000000e+00> : vector<1000x384xf32>
    %dot_general3A_5 = tpu.matmul %get3A_1, %get3A_4, %dot_general3A {dimension_numbers = #tpu.dot_dimension_numbers<[1], [0], [0], [1], [0, 0, 1, 1], [], []>, transpose_lhs_hint = false} : vector<1000x128xf32>, vector<128x384xf32>, vector<1000x384xf32> -> vector<1000x384xf32>
    %swap3A = arith.constant 0 : index
    %swap3A_6 = arith.constant 0 : index
    %swap3A_7 = vector.load %arg3[%swap3A, %swap3A_6] : memref<1000x384xf32, #tpu.memory_space<vmem>>, vector<1000x384xf32>
    tpu.vector_store %arg3[%swap3A, %swap3A_6], %dot_general3A_5 {strides = array<i32>} : memref<1000x384xf32, #tpu.memory_space<vmem>>, vector<1000x384xf32>,
    return
  }
  func.func @transform_0(%arg0: i32) -> (i32, i32) {
    %c0_i32 = arith.constant 0 : i32
    %c0_i32_0 = arith.constant 0 : i32
    return %arg0, %c0_i32 : i32, i32
  }
  func.func @transform_1(%arg0: i32) -> (i32, i32) {
    %c0_i32 = arith.constant 0 : i32
    %c0_i32_0 = arith.constant 0 : i32
    %c0_i32_1 = arith.constant 0 : i32
    return %c0_i32, %c0_i32_0 : i32, i32
  }
  func.func @transform_2(%arg0: i32) -> (i32, i32) {
    %c0_i32 = arith.constant 0 : i32
    %c0_i32_0 = arith.constant 0 : i32
    return %arg0, %c0_i32 : i32, i32
  }
}

module attributes {stable_mosaic.version = 14 : i64} {
  func.func @body(%arg0: i32, %arg1: memref<1000x144xf32, #tpu.memory_space<vmem>>, %arg2: memref<1000x144xf32, #tpu.memory_space<vmem>>, %arg3: memref<1x256xf32, #tpu.memory_space<vmem>>, %arg4: memref<256x128xf32, #tpu.memory_space<vmem>>, %arg5: memref<1000x128xf32, #tpu.memory_space<vmem>>) attributes {dimension_semantics = [#tpu.dimension_semantics<arbitrary>], iteration_bounds = array<i64: 10>, scalar_prefetch = 0 : i64, scratch_operands = 0 : i64, tpu.core_type = #tpu.core_type<tc>, window_params = [{transform_indices = @transform_0, window_bounds = array<i64: 1000, 144>}, {transform_indices = @transform_1, window_bounds = array<i64: 1000, 144>}, {pipeline_mode = #tpu.pipeline_mode<synchronous>, transform_indices = @transform_2, window_bounds = array<i64: 1, 256>}, {pipeline_mode = #tpu.pipeline_mode<synchronous>, transform_indices = @transform_3, window_bounds = array<i64: 256, 128>}, {transform_indices = @transform_4, window_bounds = array<i64: 1000, 128>}]} {
    %get3A = arith.constant 0 : index
    %get3A_0 = arith.constant 0 : index
    %get3A_1 = vector.load %arg1[%get3A, %get3A_0] : memref<1000x144xf32, #tpu.memory_space<vmem>>, vector<1000x144xf32>
    %get3A_2 = arith.constant 0 : index
    %get3A_3 = arith.constant 0 : index
    %get3A_4 = vector.load %arg2[%get3A_2, %get3A_3] : memref<1000x144xf32, #tpu.memory_space<vmem>>, vector<1000x144xf32>
    %slice3A = vector.extract_strided_slice %get3A_1 {offsets = [0, 0], sizes = [1000, 32], strides = [1, 1]} : vector<1000x144xf32> to vector<1000x32xf32>
    %slice3A_5 = vector.extract_strided_slice %get3A_1 {offsets = [0, 128], sizes = [1000, 1], strides = [1, 1]} : vector<1000x144xf32> to vector<1000x1xf32>
    %add3A = arith.constant 1.000000e-16 : f32
    %add3A_6 = vector.broadcast %add3A : f32 to vector<1000x1xf32>
    %add3A_7 = arith.addf %slice3A_5, %add3A_6 : vector<1000x1xf32>
    %div3A = vector.broadcast %add3A_7 : vector<1000x1xf32> to vector<1000x32xf32>
    %div3A_8 = arith.divf %slice3A, %div3A : vector<1000x32xf32>
    %slice3A_9 = vector.extract_strided_slice %get3A_1 {offsets = [0, 32], sizes = [1000, 32], strides = [1, 1]} : vector<1000x144xf32> to vector<1000x32xf32>
    %slice3A_10 = vector.extract_strided_slice %get3A_1 {offsets = [0, 129], sizes = [1000, 1], strides = [1, 1]} : vector<1000x144xf32> to vector<1000x1xf32>
    %add3A_11 = arith.constant 1.000000e-16 : f32
    %add3A_12 = vector.broadcast %add3A_11 : f32 to vector<1000x1xf32>
    %add3A_13 = arith.addf %slice3A_10, %add3A_12 : vector<1000x1xf32>
    %div3A_14 = vector.broadcast %add3A_13 : vector<1000x1xf32> to vector<1000x32xf32>
    %div3A_15 = arith.divf %slice3A_9, %div3A_14 : vector<1000x32xf32>
    %slice3A_16 = vector.extract_strided_slice %get3A_1 {offsets = [0, 64], sizes = [1000, 32], strides = [1, 1]} : vector<1000x144xf32> to vector<1000x32xf32>
    %slice3A_17 = vector.extract_strided_slice %get3A_1 {offsets = [0, 130], sizes = [1000, 1], strides = [1, 1]} : vector<1000x144xf32> to vector<1000x1xf32>
    %add3A_18 = arith.constant 1.000000e-16 : f32
    %add3A_19 = vector.broadcast %add3A_18 : f32 to vector<1000x1xf32>
    %add3A_20 = arith.addf %slice3A_17, %add3A_19 : vector<1000x1xf32>
    %div3A_21 = vector.broadcast %add3A_20 : vector<1000x1xf32> to vector<1000x32xf32>
    %div3A_22 = arith.divf %slice3A_16, %div3A_21 : vector<1000x32xf32>
    %slice3A_23 = vector.extract_strided_slice %get3A_1 {offsets = [0, 96], sizes = [1000, 32], strides = [1, 1]} : vector<1000x144xf32> to vector<1000x32xf32>
    %slice3A_24 = vector.extract_strided_slice %get3A_1 {offsets = [0, 131], sizes = [1000, 1], strides = [1, 1]} : vector<1000x144xf32> to vector<1000x1xf32>
    %add3A_25 = arith.constant 1.000000e-16 : f32
    %add3A_26 = vector.broadcast %add3A_25 : f32 to vector<1000x1xf32>
    %add3A_27 = arith.addf %slice3A_24, %add3A_26 : vector<1000x1xf32>
    %div3A_28 = vector.broadcast %add3A_27 : vector<1000x1xf32> to vector<1000x32xf32>
    %div3A_29 = arith.divf %slice3A_23, %div3A_28 : vector<1000x32xf32>
    %slice3A_30 = vector.extract_strided_slice %get3A_4 {offsets = [0, 0], sizes = [1000, 32], strides = [1, 1]} : vector<1000x144xf32> to vector<1000x32xf32>
    %slice3A_31 = vector.extract_strided_slice %get3A_4 {offsets = [0, 128], sizes = [1000, 1], strides = [1, 1]} : vector<1000x144xf32> to vector<1000x1xf32>
    %add3A_32 = arith.constant 1.000000e-16 : f32
    %add3A_33 = vector.broadcast %add3A_32 : f32 to vector<1000x1xf32>
    %add3A_34 = arith.addf %slice3A_31, %add3A_33 : vector<1000x1xf32>
    %div3A_35 = vector.broadcast %add3A_34 : vector<1000x1xf32> to vector<1000x32xf32>
    %div3A_36 = arith.divf %slice3A_30, %div3A_35 : vector<1000x32xf32>
    %slice3A_37 = vector.extract_strided_slice %get3A_4 {offsets = [0, 32], sizes = [1000, 32], strides = [1, 1]} : vector<1000x144xf32> to vector<1000x32xf32>
    %slice3A_38 = vector.extract_strided_slice %get3A_4 {offsets = [0, 129], sizes = [1000, 1], strides = [1, 1]} : vector<1000x144xf32> to vector<1000x1xf32>
    %add3A_39 = arith.constant 1.000000e-16 : f32
    %add3A_40 = vector.broadcast %add3A_39 : f32 to vector<1000x1xf32>
    %add3A_41 = arith.addf %slice3A_38, %add3A_40 : vector<1000x1xf32>
    %div3A_42 = vector.broadcast %add3A_41 : vector<1000x1xf32> to vector<1000x32xf32>
    %div3A_43 = arith.divf %slice3A_37, %div3A_42 : vector<1000x32xf32>
    %slice3A_44 = vector.extract_strided_slice %get3A_4 {offsets = [0, 64], sizes = [1000, 32], strides = [1, 1]} : vector<1000x144xf32> to vector<1000x32xf32>
    %slice3A_45 = vector.extract_strided_slice %get3A_4 {offsets = [0, 130], sizes = [1000, 1], strides = [1, 1]} : vector<1000x144xf32> to vector<1000x1xf32>
    %add3A_46 = arith.constant 1.000000e-16 : f32
    %add3A_47 = vector.broadcast %add3A_46 : f32 to vector<1000x1xf32>
    %add3A_48 = arith.addf %slice3A_45, %add3A_47 : vector<1000x1xf32>
    %div3A_49 = vector.broadcast %add3A_48 : vector<1000x1xf32> to vector<1000x32xf32>
    %div3A_50 = arith.divf %slice3A_44, %div3A_49 : vector<1000x32xf32>
    %slice3A_51 = vector.extract_strided_slice %get3A_4 {offsets = [0, 96], sizes = [1000, 32], strides = [1, 1]} : vector<1000x144xf32> to vector<1000x32xf32>
    %slice3A_52 = vector.extract_strided_slice %get3A_4 {offsets = [0, 131], sizes = [1000, 1], strides = [1, 1]} : vector<1000x144xf32> to vector<1000x1xf32>
    %add3A_53 = arith.constant 1.000000e-16 : f32
    %add3A_54 = vector.broadcast %add3A_53 : f32 to vector<1000x1xf32>
    %add3A_55 = arith.addf %slice3A_52, %add3A_54 : vector<1000x1xf32>
    %div3A_56 = vector.broadcast %add3A_55 : vector<1000x1xf32> to vector<1000x32xf32>
    %div3A_57 = arith.divf %slice3A_51, %div3A_56 : vector<1000x32xf32>
    %concatenate3A = tpu.concatenate %div3A_8, %div3A_15, %div3A_22, %div3A_29, %div3A_36, %div3A_43, %div3A_50, %div3A_57 in 1 : vector<1000x32xf32>, vector<1000x32xf32>, vector<1000x32xf32>, vector<1000x32xf32>, vector<1000x32xf32>, vector<1000x32xf32>, vector<1000x32xf32>, vector<1000x32xf32> -> vector<1000x256xf32>
    %get3A_58 = arith.constant 0 : index
    %get3A_59 = arith.constant 0 : index
    %get3A_60 = vector.load %arg3[%get3A_58, %get3A_59] : memref<1x256xf32, #tpu.memory_space<vmem>>, vector<1x256xf32>
    %add3A_61 = vector.broadcast %get3A_60 : vector<1x256xf32> to vector<1000x256xf32>
    %add3A_62 = arith.addf %concatenate3A, %add3A_61 : vector<1000x256xf32>
    %gt3A = arith.constant 0.000000e+00 : f32
    %gt3A_63 = vector.broadcast %gt3A : f32 to vector<1000x256xf32>
    %gt3A_64 = arith.cmpf ogt, %add3A_62, %gt3A_63 : vector<1000x256xf32>
    %exp3A = math.exp %add3A_62 : vector<1000x256xf32>
    %sub3A = arith.constant 1.000000e+00 : f32
    %sub3A_65 = vector.broadcast %sub3A : f32 to vector<1000x256xf32>
    %sub3A_66 = arith.subf %exp3A, %sub3A_65 : vector<1000x256xf32>
    %select_n3A = arith.select %gt3A_64, %add3A_62, %sub3A_66 : vector<1000x256xi1>, vector<1000x256xf32>
    %get3A_67 = arith.constant 0 : index
    %get3A_68 = arith.constant 0 : index
    %get3A_69 = vector.load %arg4[%get3A_67, %get3A_68] : memref<256x128xf32, #tpu.memory_space<vmem>>, vector<256x128xf32>
    %dot_general3A = arith.constant dense<0.000000e+00> : vector<1000x128xf32>
    %dot_general3A_70 = tpu.matmul %select_n3A, %get3A_69, %dot_general3A {dimension_numbers = #tpu.dot_dimension_numbers<[1], [0], [0], [1], [0, 0, 1, 1], [], []>, transpose_lhs_hint = false} : vector<1000x256xf32>, vector<256x128xf32>, vector<1000x128xf32> -> vector<1000x128xf32>
    %iota3A = tpu.iota {dimensions = array<i32: 1>} : vector<1000x128xi32>
    %eq3A = arith.constant 40 : i32
    %eq3A_71 = vector.broadcast %eq3A : i32 to vector<1000x128xi32>
    %eq3A_72 = arith.cmpi eq, %iota3A, %eq3A_71 : vector<1000x128xi32>
    %jit3A = arith.constant 1.000000e+00 : f32
    %broadcast_in_dim3A = vector.broadcast %jit3A : f32 to vector<1000x128xf32>
    %select_n3A_73 = arith.select %eq3A_72, %broadcast_in_dim3A, %dot_general3A_70 : vector<1000x128xi1>, vector<1000x128xf32>
    %swap3A = arith.constant 0 : index
    %swap3A_74 = arith.constant 0 : index
    %swap3A_75 = vector.load %arg5[%swap3A, %swap3A_74] : memref<1000x128xf32, #tpu.memory_space<vmem>>, vector<1000x128xf32>
    tpu.vector_store %arg5[%swap3A, %swap3A_74], %select_n3A_73 {strides = array<i32>} : memref<1000x128xf32, #tpu.memory_space<vmem>>, vector<1000x128xf32>,
    return
  }
  func.func @transform_0(%arg0: i32) -> (i32, i32) {
    %c0_i32 = arith.constant 0 : i32
    %c0_i32_0 = arith.constant 0 : i32
    return %arg0, %c0_i32 : i32, i32
  }
  func.func @transform_1(%arg0: i32) -> (i32, i32) {
    %c0_i32 = arith.constant 0 : i32
    %c0_i32_0 = arith.constant 0 : i32
    return %arg0, %c0_i32 : i32, i32
  }
  func.func @transform_2(%arg0: i32) -> (i32, i32) {
    %c0_i32 = arith.constant 0 : i32
    %c0_i32_0 = arith.constant 0 : i32
    %c0_i32_1 = arith.constant 0 : i32
    return %c0_i32, %c0_i32_0 : i32, i32
  }
  func.func @transform_3(%arg0: i32) -> (i32, i32) {
    %c0_i32 = arith.constant 0 : i32
    %c0_i32_0 = arith.constant 0 : i32
    %c0_i32_1 = arith.constant 0 : i32
    return %c0_i32, %c0_i32_0 : i32, i32
  }
  func.func @transform_4(%arg0: i32) -> (i32, i32) {
    %c0_i32 = arith.constant 0 : i32
    %c0_i32_0 = arith.constant 0 : i32
    return %arg0, %c0_i32 : i32, i32
  }
}

module attributes {stable_mosaic.version = 14 : i64} {
  func.func @body(%arg0: i32, %arg1: memref<1000x48xf32, #tpu.memory_space<vmem>>, %arg2: memref<1000x48xf32, #tpu.memory_space<vmem>>, %arg3: memref<1x40xf32, #tpu.memory_space<vmem>>, %arg4: memref<1000x40xf32, #tpu.memory_space<vmem>>) attributes {dimension_semantics = [#tpu.dimension_semantics<arbitrary>], iteration_bounds = array<i64: 10>, scalar_prefetch = 0 : i64, scratch_operands = 0 : i64, tpu.core_type = #tpu.core_type<tc>, window_params = [{transform_indices = @transform_0, window_bounds = array<i64: 1000, 48>}, {transform_indices = @transform_1, window_bounds = array<i64: 1000, 48>}, {pipeline_mode = #tpu.pipeline_mode<synchronous>, transform_indices = @transform_2, window_bounds = array<i64: 1, 40>}, {transform_indices = @transform_3, window_bounds = array<i64: 1000, 40>}]} {
    %get3A = arith.constant 0 : index
    %get3A_0 = arith.constant 0 : index
    %get3A_1 = vector.load %arg1[%get3A, %get3A_0] : memref<1000x48xf32, #tpu.memory_space<vmem>>, vector<1000x48xf32>
    %get3A_2 = arith.constant 0 : index
    %get3A_3 = arith.constant 0 : index
    %get3A_4 = vector.load %arg2[%get3A_2, %get3A_3] : memref<1000x48xf32, #tpu.memory_space<vmem>>, vector<1000x48xf32>
    %add3A = arith.addf %get3A_1, %get3A_4 : vector<1000x48xf32>
    %slice3A = vector.extract_strided_slice %add3A {offsets = [0, 0], sizes = [1000, 40], strides = [1, 1]} : vector<1000x48xf32> to vector<1000x40xf32>
    %slice3A_5 = vector.extract_strided_slice %add3A {offsets = [0, 40], sizes = [1000, 1], strides = [1, 1]} : vector<1000x48xf32> to vector<1000x1xf32>
    %add3A_6 = arith.constant 1.000000e-16 : f32
    %add3A_7 = vector.broadcast %add3A_6 : f32 to vector<1000x1xf32>
    %add3A_8 = arith.addf %slice3A_5, %add3A_7 : vector<1000x1xf32>
    %div3A = vector.broadcast %add3A_8 : vector<1000x1xf32> to vector<1000x40xf32>
    %div3A_9 = arith.divf %slice3A, %div3A : vector<1000x40xf32>
    %get3A_10 = arith.constant 0 : index
    %get3A_11 = arith.constant 0 : index
    %get3A_12 = vector.load %arg3[%get3A_10, %get3A_11] : memref<1x40xf32, #tpu.memory_space<vmem>>, vector<1x40xf32>
    %add3A_13 = vector.broadcast %get3A_12 : vector<1x40xf32> to vector<1000x40xf32>
    %add3A_14 = arith.addf %div3A_9, %add3A_13 : vector<1000x40xf32>
    %reduce_max3A = arith.constant dense<0xFF800000> : vector<1000xf32>
    %reduce_max3A_15 = vector.multi_reduction <maximumf>, %add3A_14, %reduce_max3A [1] : vector<1000x40xf32> to vector<1000xf32>
    %broadcast_in_dim3A = vector.shape_cast %reduce_max3A_15 : vector<1000xf32> to vector<1000x1xf32>
    %sub3A = vector.broadcast %broadcast_in_dim3A : vector<1000x1xf32> to vector<1000x40xf32>
    %sub3A_16 = arith.subf %add3A_14, %sub3A : vector<1000x40xf32>
    %exp3A = math.exp %sub3A_16 : vector<1000x40xf32>
    %reduce_sum3A = arith.constant dense<0.000000e+00> : vector<1000xf32>
    %reduce_sum3A_17 = vector.multi_reduction <add>, %exp3A, %reduce_sum3A [1] : vector<1000x40xf32> to vector<1000xf32>
    %broadcast_in_dim3A_18 = vector.shape_cast %reduce_sum3A_17 : vector<1000xf32> to vector<1000x1xf32>
    %log3A = math.log %broadcast_in_dim3A_18 : vector<1000x1xf32>
    %sub3A_19 = vector.broadcast %log3A : vector<1000x1xf32> to vector<1000x40xf32>
    %sub3A_20 = arith.subf %sub3A_16, %sub3A_19 : vector<1000x40xf32>
    %swap3A = arith.constant 0 : index
    %swap3A_21 = arith.constant 0 : index
    %swap3A_22 = vector.load %arg4[%swap3A, %swap3A_21] : memref<1000x40xf32, #tpu.memory_space<vmem>>, vector<1000x40xf32>
    tpu.vector_store %arg4[%swap3A, %swap3A_21], %sub3A_20 {strides = array<i32>} : memref<1000x40xf32, #tpu.memory_space<vmem>>, vector<1000x40xf32>,
    return
  }
  func.func @transform_0(%arg0: i32) -> (i32, i32) {
    %c0_i32 = arith.constant 0 : i32
    %c0_i32_0 = arith.constant 0 : i32
    return %arg0, %c0_i32 : i32, i32
  }
  func.func @transform_1(%arg0: i32) -> (i32, i32) {
    %c0_i32 = arith.constant 0 : i32
    %c0_i32_0 = arith.constant 0 : i32
    return %arg0, %c0_i32 : i32, i32
  }
  func.func @transform_2(%arg0: i32) -> (i32, i32) {
    %c0_i32 = arith.constant 0 : i32
    %c0_i32_0 = arith.constant 0 : i32
    %c0_i32_1 = arith.constant 0 : i32
    return %c0_i32, %c0_i32_0 : i32, i32
  }
  func.func @transform_3(%arg0: i32) -> (i32, i32) {
    %c0_i32 = arith.constant 0 : i32
    %c0_i32_0 = arith.constant 0 : i32
    return %arg0, %c0_i32 : i32, i32
  }
}

</mosaic_0001>

<sc_bundles>
// kernel: kernel.10.cloned.1.call-start
scs
__scs_entry_jumppad:
0x0: {  	(pc) =	sbr.rel $0x88, $3  }
0x1: {  	(tag) =	ssettag $0x0;
	lr =	simm.s32 $0x1  }
0x2: {  	[smem:$0x3F97] =	sst lr;
	_ =	strace $0xD0000000  }
0x3: {  	_ = 	snop  }
0x4: {  	_ = 	snop  }
0x5: {  	_ = 	snop  }
0x6: {  	_ = 	snop  }
0x7: {  	_ = 	snop  }
__scs_overlays_trampoline_lowered:
0x8: {  	[smem:$0x3FA6] =	sst s0  }
0x9: {  	[smem:$0x3FA7] =	sst s1  }
0xa: {  	[smem:$0x3FA8] =	sst s2  }
0xb: {  	[smem:$0x3FA9] =	sst s3  }
0xc: {  	[smem:$0x3FAA] =	sst s4  }
0xd: {  	[smem:$0x3FAB] =	sst s5  }
0xe: {  	[smem:$0x3FAC] =	sst s6  }
0xf: {  	[smem:$0x3FAD] =	sst s7  }
0x10: {  	[smem:$0x3FAE] =	sst s8  }
0x11: {  	[smem:$0x3FAF] =	sst s9;
	s0 =	simm.s32 @!p0 $0x0  }
0x12: {  	s1 =	sld [smem:$0x3F95];
	s0 =	simm.s32 @p0 $0x1  }
0x13: {  	[smem:$0x3FB0] =	sst s0;
	s0 =	simm.s32 @!p1 $0x0  }
0x14: {  	s2 =	sld [smem:$0x3F94];
	s0 =	simm.s32 @p1 $0x1  }
0x15: {  	[smem:$0x3FB1] =	sst s0;
	s0 =	simm.s32 @!p2 $0x0  }
0x16: {  	s3 =	sld [smem:$0x3FDB];
	s0 =	simm.s32 @p2 $0x1  }
0x17: {  	s4 =	simm.s32 $0x1BF5;
	[smem:$0x3FB3] =	sst s0  }
0x18: {  	s0 =	sld [smem:$0x3F96];
	_ =	swait.ge [sflag:s4], $0x0  }
0x19: {  	s7 =	sld [smem:$0x3F97]  }
0x1a: {  	s8 =	sadd.s32 $0xFFFFE003, lr  }
0x1b: {  	s9 =	sadd.s32 $0xFFFFFEF7, lr;
	s5 =	simm.s32 $0xFFFFFFFF;
	p2 =	slt.u32 s8, $0xFFFFF086  }
0x1c: {  	p1 =	slt.u32 s9, $0xF7A;
	s5 =	simm.s32 @!p2 $0x0  }
0x1d: {  	s5 =	simm.s32 @p1 $0x1;
	p0 =	seq.s32 s7, s2  }
0x1e: {  	s7 =	smul.u32 @!p0 $0xF7A, s2;
	p2 =	seq.s32 @!p0 s5, $0x0  }
0x1f: {  	s9 =	smul.u32 $0xF7A, s1;
	s8 =	simm.s32 @!p0 $0x1BF5;
	p2 =	por !p2, p0  }
0x20: {  	[sflag:s8] =	ssyncset.s32 @!p0 $0xFFFFF086;
	s6 =	sadd.s32 @!p0 s3, s7;
	s7 =	simm.s32 @!p0 $0x108  }
0x21: {  	s3 =	sadd.s32 s3, s9;
	s6 =	sadd.s32 @!p0 $0x88, s6;
	s7 =	simm.s32 @p2 $0x1082  }
0x22: {  	[simem:s7], [sflag:s8] =	dma.local @!p0 [hbm:s6], $0xF7A  }
0x23: {  	s9 =	sor.u32 $0xD0000000, s2;
	s6 =	simm.s32 $0x108;
	_ =	swait.ge @!p0 [sflag:s8], $0x0  }
0x24: {  	s3 =	sadd.s32 $0x88, s3;
	s6 =	simm.s32 @!p1 $0x1082;
	[sflag:s4] =	ssyncset.s32 $0xFFFFF086  }
0x25: {  	[simem:s6], [sflag:s4] =	dma.local [hbm:s3], $0xF7A  }
0x26: {  	[smem:$0x3F97] =	sst s1;
	(tag) =	ssettag s2;
	_ =	strace s9  }
0x27: {  	s1 =	sld [smem:$0x3FA7]  }
0x28: {  	s2 =	sld [smem:$0x3FA8]  }
0x29: {  	s4 =	sld [smem:$0x3FAA]  }
0x2a: {  	p0 =	seq.s32 s5, $0x0;
	s5 =	sld [smem:$0x3FAB]  }
0x2b: {  	s6 =	sld [smem:$0x3FAC]  }
0x2c: {  	s7 =	sld [smem:$0x3FAD]  }
0x2d: {  	s3 =	simm.s32 $0x108;
	s8 =	sld [smem:$0x3FAE]  }
0x2e: {  	s3 =	simm.s32 @!p0 $0x1082;
	s9 =	sld [smem:$0x3FAF]  }
0x2f: {  	lr =	sadd.s32 s0, s3;
	s0 =	sld [smem:$0x3FA6]  }
0x30: {  	s3 =	sld [smem:$0x3FA9]  }
0x31: {  	[smem:$0x3FB2] =	sst s10  }
0x32: {  	s10 =	sld [smem:$0x3FB0];
	_ =	sdelay $0x3  }
0x33: {  	p0 =	seq.s32 s10, $0x1;
	s10 =	sld [smem:$0x3FB2];
	_ =	sdelay $0x3  }
0x34: {  	[smem:$0x3FB2] =	sst s10  }
0x35: {  	s10 =	sld [smem:$0x3FB1];
	_ =	sdelay $0x3  }
0x36: {  	p1 =	seq.s32 s10, $0x1;
	s10 =	sld [smem:$0x3FB2];
	_ =	sdelay $0x3  }
0x37: {  	[smem:$0x3FB2] =	sst s10  }
0x38: {  	s10 =	sld [smem:$0x3FB3]  }
0x39: {  	_ = 	snop;
	(pc) =	sbr.ind lr, $3  }
0x3a: {  	_ = 	snop  }
0x3b: {  	_ = 	snop  }
0x3c: {  	p2 =	seq.s32 s10, $0x1;
	s10 =	sld [smem:$0x3FB2]  }
0x3d: {  	_ =	shalt  }
0x3e: {  	_ =	shalt  }
0x3f: {  	_ =	shalt  }
0x40: {  	_ =	shalt  }
0x41: {  	_ =	shalt  }
0x42: {  	_ =	shalt  }
0x43: {  	_ =	shalt  }
0x44: {  	_ =	shalt  }
0x45: {  	_ =	shalt  }
0x46: {  	_ =	shalt  }
0x47: {  	_ =	shalt  }
0x48: {  	_ =	shalt  }
0x49: {  	_ =	shalt  }
0x4a: {  	_ =	shalt  }
0x4b: {  	_ =	shalt  }
0x4c: {  	_ =	shalt  }
0x4d: {  	_ =	shalt  }
0x4e: {  	_ =	shalt  }
0x4f: {  	_ =	shalt  }
0x50: {  	_ =	shalt  }
0x51: {  	_ =	shalt  }
0x52: {  	_ =	shalt  }
0x53: {  	_ =	shalt  }
0x54: {  	_ =	shalt  }
0x55: {  	_ =	shalt  }
0x56: {  	_ =	shalt  }
0x57: {  	_ =	shalt  }
0x58: {  	_ =	shalt  }
0x59: {  	_ =	shalt  }
0x5a: {  	_ =	shalt  }
0x5b: {  	_ =	shalt  }
0x5c: {  	_ =	shalt  }
0x5d: {  	_ =	shalt  }
0x5e: {  	_ =	shalt  }
0x5f: {  	_ =	shalt  }
0x60: {  	_ =	shalt  }
0x61: {  	_ =	shalt  }
0x62: {  	_ =	shalt  }
0x63: {  	_ =	shalt  }
0x64: {  	_ =	shalt  }
0x65: {  	_ =	shalt  }
0x66: {  	_ =	shalt  }
0x67: {  	_ =	shalt  }
0x68: {  	_ =	shalt  }
0x69: {  	_ =	shalt  }
0x6a: {  	_ =	shalt  }
0x6b: {  	_ =	shalt  }
0x6c: {  	_ =	shalt  }
0x6d: {  	_ =	shalt  }
0x6e: {  	_ =	shalt  }
0x6f: {  	_ =	shalt  }
0x70: {  	_ =	shalt  }
0x71: {  	_ =	shalt  }
0x72: {  	_ =	shalt  }
0x73: {  	_ =	shalt  }
0x74: {  	_ =	shalt  }
0x75: {  	_ =	shalt  }
0x76: {  	_ =	shalt  }
0x77: {  	_ =	shalt  }
0x78: {  	_ =	shalt  }
0x79: {  	_ =	shalt  }
0x7a: {  	_ =	shalt  }
0x7b: {  	_ =	shalt  }
0x7c: {  	_ =	shalt  }
0x7d: {  	_ =	shalt  }
0x7e: {  	_ =	shalt  }
0x7f: {  	_ =	shalt  }
0x80: {  	_ =	shalt  }
0x81: {  	_ =	shalt  }
0x82: {  	_ =	shalt  }
0x83: {  	_ =	shalt  }
0x84: {  	_ =	shalt  }
0x85: {  	_ =	shalt  }
0x86: {  	_ =	shalt  }
0x87: {  	_ =	shalt  }
.Lfunc_end0:
.L_simem_size_0:
called_computation.1_lowered:
.L_overlay_start_0:
0x88: {  	s2 =	sld [smem:$0x3FD9]  }
0x89: {  	s3 =	sld [smem:$0x3FFE];
	_ =	sdelay $0x1  }
0x8a: {  	s1 =	srdreg.scid  }
0x8b: {  	s0 =	sand.u32 $0x1, s1  }
0x8c: {  	s17 =	sshll.u32 s0, $0xA;
	s2 =	sadd.s32 s3, s2  }
0x8d: {  	s2 =	sadd.s32 s2, s17  }
0x8e: {  	[smem:$0x3FBE] =	sst s2  }
0x8f: {  	_ = 	snop  }
0x90: {  	s2 =	sld [smem:$0x3FD0];
	(tm) =	ssettm $0x1  }
0x91: {  	s18 =	sld [smem:$0x3FFB];
	_ =	sdelay $0x3  }
0x92: {  	_ =	strace s18  }
0x93: {  	s3 =	sld [smem:$0x3FFC];
	_ =	sdelay $0x3  }
0x94: {  	_ =	strace s3  }
0x95: {  	s3 =	sld [smem:$0x3FFD];
	_ =	sdelay $0x3  }
0x96: {  	_ =	strace s3  }
0x97: {  	_ =	strace $0x8FFFFFFF  }
0x98: {  	s19 =	sld [smem:$0x3FDB];
	_ =	sdelay $0x1  }
0x99: {  	s4 =	simm.s32 $_scs_section_size  }
0x9a: {  	s5 =	simm.s32 $_size__tile_overlayer_lowered;
	s6 =	simm.s32 $_tile_overlayer_lowered  }
0x9b: {  	s22 =	simm.s32 $0x1BFF;
	s21 =	sshll.u32 s6, $0x1;
	s3 =	sadd.s32 s4, s19  }
0x9c: {  	s7 =	simm.s32 $0x0;
	s20 =	sshll.u32 s5, $0x1;
	s5 =	sadd.s32 s21, s3  }
0x9d: {  	[timem:s7], [sflag:s22] =	dma.local [hbm:s5], s20  }
0x9e: {  	_ =	swait.ge [sflag:s22], s20  }
0x9f: {  	s4 =	ssub.s32 $0x0, s20;
	[sflag:s22] =	ssyncset.done $0x0  }
0xa0: {  	[sflag:s22] =	ssyncadd.s32 s4;
	_ =	sdelay $0x1  }
0xa1: {  	s23 =	simm.s32 $0x1B8B  }
0xa2: {  	_ =	swait.ge [sflag:s23], $0x1  }
0xa3: {  	[sflag:s23] =	ssyncset.done $0x0  }
0xa4: {  	s25 =	simm.s32 $0x1B8E;
	s24 =	sld [smem:$0x3FFE];
	[sflag:s23] =	ssyncadd.s32 $0xFFFFFFFF  }
0xa5: {  	s26 =	simm.s32 $execute0_lowered;
	[smem:$0x3FD2] =	sst s25  }
0xa6: {  	s5 =	sshll.u32 s26, $0x1;
	_ =	strace $0x80000049;
	[dreg:$0x1] =	wrdreg $0xFFFFFFFF  }
0xa7: {  	s28 =	simm.s32 $_size_execute0_lowered;
	s3 =	sadd.s32 s3, s5;
	[dreg:$0x0] =	wrdreg $0x0  }
0xa8: {  	s5 =	sshll.u32 s28, $0x1;
	[dreg:$0x2] =	wrdreg s3  }
0xa9: {  	[dreg:$0x3] =	wrdreg s5  }
0xaa: {  	[dreg:$0x4] =	wrdreg $0xC0  }
0xab: {  	_ =	task [dreg:s7], $0x5FFFF  }
0xac: {  	[dreg:$0x1] =	wrdreg $0xFFFFFFFF  }
0xad: {  	[dreg:$0x0] =	wrdreg $0x60  }
0xae: {  	[dreg:$0x2] =	wrdreg s24  }
0xaf: {  	[dreg:$0x3] =	wrdreg s2  }
0xb0: {  	[dreg:$0x4] =	wrdreg $0x0  }
0xb1: {  	[dreg:$0x5] =	wrdreg $0x9  }
0xb2: {  	_ =	task.clear_ibuf [dreg:s7], $0x6FFFF;
	_ =	strace $0x90000049  }
0xb3: {  	s29 =	simm.s32 $0x9;
	_ =	strace $0x8000004B  }
0xb4: {  	_ =	swait.ge [sflag:s29], $0x1  }
0xb5: {  	[sflag:s29] =	ssyncadd.s32 $0xFFFFFFFF  }
0xb6: {  	_ =	strace $0x9000004B  }
0xb7: {  	_ =	sfence  }
0xb8: {  	s30 =	sld [smem:$0x0];
	_ =	sdelay $0x2  }
0xb9: {  	s31 =	sshll.u32 s1, $0xD;
	s1 =	sshrl.u32 s1, $0x2  }
0xba: {  	s3 =	sand.u32 $0x4000, s31;
	s1 =	sadd.s32 s1, s30  }
0xbb: {  	s0 =	sor.u32 s3, s0;
	s1 =	sshll.u32 s1, $0x11  }
0xbc: {  	s0 =	sor.u32 s1, s0  }
0xbd: {  	s0 =	sadd.s32 $0x8F2B, s0  }
0xbe: {  	[sflag:s0] =	ssyncadd.remote.s32 $0x1  }
0xbf: {  	_ =	sfence.sel $0xFFFF  }
0xc0: {  	[dreg:$0x0] =	wrdreg $0xFFFFFFFF;
	(pc) =	sbr.abs _section_cstart, $3  }
0xc1: {  	[dreg:$0x1] =	wrdreg $0xFFFFFFFF  }
0xc2: {  	_ =	task.clear_ibuf [dreg:s7], $0x2FFFF;
	_ =	strace $0x9FFFFFFF  }
0xc3: {  	(tm) =	ssettm $0x7FFFFFFF  }
tec
execute0_lowered:
.L_overlay_start_1:
0x0: {  	(tag) =	ssettag $0x1  }
0x1: {  	s0 =	rddreg [dreg:$0x0]  }
0x2: {  	s1 =	rddreg [dreg:$0x1]  }
0x3: {  	s3 =	rddreg [dreg:$0x2]  }
0x4: {  	s4 =	simm.s32 $0x0;
	s2 =	srdreg.scid;
	s13 =	stileid.u32  }
0x5: {  	s28 =	simm.s32 $0x40;
	s29 =	simm.s32 $0xA;
	[smem:$0x7FF] =	sst s4  }
0x6: {  	s2 =	sand.u32 $0x1, s2;
	s8 =	smul.u32 $0xED0, s13;
	s5 =	sadd.s32 $0x3400, s0  }
0x7: {  	s6 =	sadd.s32 $0x12000, s0;
	s10 =	smul.u32 $0x1DA00, s13;
	s7 =	sadd.s32 $0x3E000, s0  }
0x8: {  	s12 =	smul.u32 $0x2900, s13;
	s14 =	sadd.s32 $0x17000, s0;
	s20 =	sshll.u32 s13, $0x6  }
0x9: {  	s13 =	simm.s32 $0xB;
	_ =	strace $0x8000004A;
	s9 =	smul.u32 $0xED00, s2  }
0xa: {  	s11 =	ssub.s32 $0x2, s2;
	s2 =	smul.u32 $0x29000, s2;
	[dreg:$0x4] =	wrdreg s14  }
0xb: {  	s14 =	simm.s32 $0x0;
	s17 =	sshrl.u32 s11, $0x1;
	s19 =	sshrl.u32 s10, $0x2  }
0xc: {  	s8 =	sadd.s32 s8, s9;
	s2 =	sadd.s32 s12, s2;
	s12 =	sor.u32 $0x1C0B, s20  }
0xd: {  	s18 =	ssub.s32 s11, s17;
	s25 =	sor.u32 $0x80, s2;
	[dreg:$0x5] =	wrdreg s12  }
0xe: {  	s9 =	sadd.s32 s19, s3;
	s26 =	sor.u32 $0xC0, s2;
	[dreg:$0xa] =	wrdreg s25  }
0xf: {  	s11 =	simm.s32 $0x7;
	s30 =	sadd.s32 $0x100, s2;
	[dreg:$0xb] =	wrdreg s26  }
0x10: {  	s21 =	sshrl.u32 s2, $0x3;
	s2 =	sadd.s32 $0x140, s2;
	[dreg:$0xc] =	wrdreg s30  }
0x11: {  	s19 =	simm.s32 $0x3;
	s31 =	smax.u32 s18, $0x1;
	[dreg:$0xd] =	wrdreg s2  }
0x12: {  	s0 =	sadd.s32 s8, s0;
	s8 =	sshrl.u32 s9, $0x3;
	[dreg:$0xf] =	wrdreg s31  }
0x13: {  	s20 =	simm.s32 $0x8;
	s22 =	sadd.s32 s1, s21;
	[dreg:$0x10] =	wrdreg s8  }
0x14: {  	s9 =	simm.s32 $0x6;
	s23 =	sadd.s32 s7, s21;
	[dreg:$0x6] =	wrdreg s22  }
0x15: {  	s10 =	sor.u32 $0x8, s21;
	s0 =	sadd.s32 $0x18000, s0;
	[dreg:$0x7] =	wrdreg s23  }
0x16: {  	s2 =	simm.s32 $0x2;
	s24 =	sadd.s32 s1, s10;
	[dreg:$0xe] =	wrdreg s0  }
0x17: {  	s26 =	simm.s32 $0x9;
	s10 =	sadd.s32 s7, s10;
	[dreg:$0x8] =	wrdreg s24  }
0x18: {  	[dreg:$0x9] =	wrdreg s10;
	s10 =	simm.s32 $0x5;
	s24 =	simm.s32 $0x4  }
.LBB2_1:
0x19: {  	[dreg:$0x11] =	wrdreg s14  }
0x1a: {  	s0 =	rddreg [dreg:$0x4]  }
0x1b: {  	[spmem:s8], [sflag:s12] =	dma.local [hbm:s0], $0xED0  }
0x1c: {  	_ =	swait.ge [sflag:s13], $0xED0  }
0x1d: {  	[sflag:s13] =	ssyncset.done $0x0  }
0x1e: {  	[sflag:s13] =	ssyncadd.s32 $0xFFFFF130  }
0x1f: {  	[bflag:$0x0] =	sbarrier.arrive $0xFFFF  }
0x20: {  	s14 =	simm.s32 $0x7680;
	s13 =	rddreg [dreg:$0x6]  }
0x21: {  	[tilespmem:s14], [sflag:$0x1] =	stream.linear.gather [hbm4b:s13+s4], $0x40, $0x38;
	[tilespmem:$0xB080] =	vst v63  }
0x22: {  	s16 =	simm.s32 $0x7780;
	s15 =	rddreg [dreg:$0x7]  }
0x23: {  	[tilespmem:s16], [sflag:$0x1] =	stream.linear.gather [hbm4b:s15+s4], $0x40, $0x38;
	[tilespmem:$0xB080] =	vst v63  }
0x24: {  	s18 =	simm.s32 $0x76C0;
	s17 =	rddreg [dreg:$0x8]  }
0x25: {  	[tilespmem:s18], [sflag:$0x2] =	stream.linear.gather [hbm4b:s17+s4], $0x40, $0x38;
	[tilespmem:$0xB080] =	vst v63  }
0x26: {  	s22 =	simm.s32 $0x77C0;
	s23 =	simm.s32 $0x1;
	s21 =	rddreg [dreg:$0x9]  }
0x27: {  	[tilespmem:s22], [sflag:$0x2] =	stream.linear.gather [hbm4b:s21+s4], $0x40, $0x38;
	[tilespmem:$0xB080] =	vst v63  }
0x28: {  	_ =	swait.ge [sflag:s23], $0x40  }
0x29: {  	[sflag:s23] =	ssyncset.done $0x0  }
0x2a: {  	[sflag:s23] =	ssyncadd.s32 $0xFFFFFFC0  }
0x2b: {  	_ =	swait.ge [sflag:s23], $0x40  }
0x2c: {  	[sflag:s23] =	ssyncset.done $0x0  }
0x2d: {  	s25 =	simm.s32 $0x7880;
	[sflag:s23] =	ssyncadd.s32 $0xFFFFFFC0  }
0x2e: {  	[tilespmem:s25], [sflag:$0x5] =	stream.indirect.gather [hbm4b:s5+s28], $0x30, s14, s28, $0xb8;
	[tilespmem:$0xB080] =	vst v63  }
0x2f: {  	s31 =	simm.s32 $0x9080;
	s30 =	simm.s32 $0x0  }
0x30: {  	[tilespmem:s31], [sflag:$0x7] =	stream.indirect.gather [hbm4b:s6+s28], $0x10, s16, s28, $0xb8;
	[tilespmem:$0xB080] =	vst v63  }
.LBB2_2:
0x31: {  	p0 =	seq.s32 s30, $0x0  }
0x32: {  	s0 =	simm.s32 @!p0 $0x9  }
0x33: {  	_ =	swait.ge @!p0 [sflag:s0], $0xC00  }
0x34: {  	s23 =	sshll.u32 s30, $0x8;
	s8 =	rddreg [dreg:$0xa]  }
0x35: {  	s8 =	sadd.s32 s23, s8  }
0x36: {  	[sflag:s0] =	ssyncset.done @!p0 $0x0;
	s8 =	sshrl.u32 s8, $0x3  }
0x37: {  	s12 =	simm.s32 $0x7700;
	[sflag:s0] =	ssyncadd.s32 @!p0 $0xFFFFF400;
	s25 =	sadd.s32 s1, s8  }
0x38: {  	[tilespmem:s12], [sflag:$0x3] =	stream.linear.gather [hbm4b:s25+s4], $0x40, $0x38;
	[tilespmem:$0xB080] =	vst v63  }
0x39: {  	s8 =	sadd.s32 s7, s8;
	s12 =	simm.s32 $0x7800  }
0x3a: {  	[tilespmem:s12], [sflag:$0x3] =	stream.linear.gather [hbm4b:s8+s4], $0x40, $0x38;
	[tilespmem:$0xB080] =	vst v63  }
0x3b: {  	_ =	swait.ge [sflag:s2], $0x40  }
0x3c: {  	[sflag:s2] =	ssyncset.done $0x0  }
0x3d: {  	[sflag:s2] =	ssyncadd.s32 $0xFFFFFFC0  }
0x3e: {  	_ =	swait.ge [sflag:s2], $0x40  }
0x3f: {  	[sflag:s2] =	ssyncset.done $0x0  }
0x40: {  	s13 =	simm.s32 $0x76C0;
	s14 =	simm.s32 $0x8480;
	[sflag:s2] =	ssyncadd.s32 $0xFFFFFFC0  }
0x41: {  	[tilespmem:s14], [sflag:$0x6] =	stream.indirect.gather [hbm4b:s5+s28], $0x30, s13, s28, $0xb8;
	[tilespmem:$0xB080] =	vst v63  }
0x42: {  	s15 =	simm.s32 $0x77C0;
	s16 =	simm.s32 $0x9480  }
0x43: {  	[tilespmem:s16], [sflag:$0x8] =	stream.indirect.gather [hbm4b:s6+s28], $0x10, s15, s28, $0xb8;
	[tilespmem:$0xB080] =	vst v63  }
0x44: {  	_ =	swait.ge [sflag:s10], $0xC00  }
0x45: {  	[sflag:s10] =	ssyncset.done $0x0  }
0x46: {  	[sflag:s10] =	ssyncadd.s32 $0xFFFFF400  }
0x47: {  	_ =	swait.ge [sflag:s11], $0x400  }
0x48: {  	[sflag:s11] =	ssyncset.done $0x0  }
0x49: {  	s16 =	simm.s32 $0x78E0;
	[sflag:s11] =	ssyncadd.s32 $0xFFFFFC00  }
0x4a: {  	s17 =	simm.s32 $0x90A0;
	v11 =	vld [tilespmem:s16+$0xFFFFFFC0]  }
0x4b: {  	v0 =	vld [tilespmem:s17+$0x10]  }
0x4c: {  	v14 =	vld [tilespmem:s16+$0x50]  }
0x4d: {  	v1 =	vld [tilespmem:s17+$0x0]  }
0x4e: {  	v13 =	vld [tilespmem:s16+$0x20]  }
0x4f: {  	(v2sf) =	vpush v11, $0x9  }
0x50: {  	v2 =	vld [tilespmem:s17+$0xFFFFFFF0];
	(v2sf) =	vpush v0, $0x0  }
0x51: {  	v16 =	vld [tilespmem:s16+$0xFFFFFFF0];
	(v2sf) =	vpush v14, $0x9  }
0x52: {  	(v2sf) =	vpush v1, $0x0  }
0x53: {  	(v2sf) =	vpush v13, $0x9  }
0x54: {  	v0 =	vld [tilespmem:s17+$0xFFFFFFE0]  }
0x55: {  	(v2sf) =	vpush v2, $0x0  }
0x56: {  	(v2sf) =	vpush v16, $0x9  }
0x57: {  	s15 =	simm.s32 $0x79A0  }
0x58: {  	s18 =	simm.s32 $0x90E0;
	v8 =	vld [tilespmem:s15+$0xFFFFFFC0]  }
0x59: {  	(v2sf) =	vpush v0, $0x0;
	v0 =	vld [tilespmem:s18+$0x10]  }
0x5a: {  	v7 =	vld [tilespmem:s15+$0x50]  }
0x5b: {  	v1 =	vld [tilespmem:s18+$0x0]  }
0x5c: {  	v6 =	vld [tilespmem:s15+$0x20]  }
0x5d: {  	(v2sf) =	vpush v8, $0x9  }
0x5e: {  	(v2sf) =	vpush v0, $0x0;
	s8 =	spop (v2sf)  }
0x5f: {  	v2 =	vld [tilespmem:s18+$0xFFFFFFF0];
	(v2sf) =	vpush v7, $0x9;
	s21 =	spop (v2sf)  }
0x60: {  	v9 =	vld [tilespmem:s15+$0xFFFFFFF0];
	(v2sf) =	vpush v1, $0x0;
	s13 =	spop (v2sf)  }
0x61: {  	v0 =	vld [tilespmem:s18+$0xFFFFFFE0];
	(v2sf) =	vpush v6, $0x9;
	s22 =	spop (v2sf)  }
0x62: {  	s14 =	spop (v2sf)  }
0x63: {  	s0 =	sadd.f32 s22, s14  }
0x64: {  	s25 =	spop (v2sf);
	(v2sf) =	vpush v2, $0x0  }
0x65: {  	s17 =	spop (v2sf);
	(v2sf) =	vpush v9, $0x9;
	v1 =	vmov s0  }
0x66: {  	s17 =	sadd.f32 s25, s17;
	(v2sf) =	vpush v0, $0x0;
	v0 =	vmul.f32 $2.000000030e-01, v1  }
0x67: {  	s12 =	sadd.f32 s21, s13;
	vm0 =	vgt.f32 v1, $0.0e+00  }
0x68: {  	s14 =	simm.s32 $0x7A60;
	v2 =	vmov s17;
	v0 =	vsel vm0, s0, v0  }
0x69: {  	s21 =	simm.s32 $0x9120;
	v3 =	vmov s12;
	s18 =	spop (v2sf);
	v1 =	vld [tilespmem:s14+$0xFFFFFFC0];
	v4 =	vmul.f32 $2.000000030e-01, v2;
	v0 =	vadd.f32 $-8.000000000e+00, v0  }
0x6a: {  	v10 =	vld [tilespmem:s21+$0x10];
	v5 =	vmul.f32 $2.000000030e-01, v3;
	s0 =	sadd.f32 s18, s8;
	vm10 =	vgt.f32 v2, $0.0e+00  }
0x6b: {  	vm1 =	vgt.f32 v3, $0.0e+00;
	v2 =	vsel vm10, s17, v4;
	v3 =	vmul.f32 $1.442695020e+00, v0  }
0x6c: {  	v5 =	vsel vm1, s12, v5;
	s8 =	spop (v2sf);
	v12 =	vmov s0;
	v0 =	vld [tilespmem:s14+$0x50];
	v15 =	vadd.f32 $-8.000000000e+00, v2  }
0x6d: {  	v5 =	vadd.f32 $-8.000000000e+00, v5;
	v4 =	vld [tilespmem:s21+$0x0];
	s22 =	spop (v2sf);
	v17 =	vmul.f32 $2.000000030e-01, v12;
	(erf) = vpow2.f32 v3  }
0x6e: {  	v2 =	vld [tilespmem:s14+$0x20];
	vm11 =	vgt.f32 v12, $0.0e+00;
	(v2sf) =	vpush v1, $0x9;
	s25 =	spop (v2sf);
	v3 =	vmul.f32 $1.442695020e+00, v15  }
0x6f: {  	(v2sf) =	vpush v10, $0x0;
	s17 =	spop (v2sf);
	v12 =	vsel vm11, s0, v17;
	v17 =	vld [tilespmem:s21+$0xFFFFFFF0]  }
0x70: {  	v15 =	vmul.f32 $1.442695020e+00, v5;
	v5 =	vld [tilespmem:s14+$0xFFFFFFF0];
	s18 =	spop (v2sf);
	v10 =	vadd.f32 $-8.000000000e+00, v12;
	(erf) = vpow2.f32 v3  }
0x71: {  	v12 =	vld [tilespmem:s21+$0xFFFFFFE0];
	s12 =	sadd.f32 s17, s18;
	(v2sf) =	vpush v0, $0x9  }
0x72: {  	(erf) = vpow2.f32 v15;
	v3 =	vmul.f32 $1.442695020e+00, v10;
	(v2sf) =	vpush v4, $0x0;
	v4 =	vld [tilespmem:s16+$0x0]  }
0x73: {  	v18 =	vld [tilespmem:s16+$0xFFFFFFA0];
	v15 =	vmov s12;
	(v2sf) =	vpush v2, $0x9;
	s21 =	spop (v2sf)  }
0x74: {  	s31 =	simm.s32 $0x7B20;
	v19 =	vld [tilespmem:s16+$0xFFFFFFD0];
	s0 =	sadd.f32 s22, s25;
	v20 =	vmul.f32 $2.000000030e-01, v15;
	(erf) = vpow2.f32 v3;
	(v2sf) =	vpush v17, $0x0;
	s22 =	spop (v2sf)  }
0x75: {  	vm13 =	vgt.f32 v15, $0.0e+00;
	v3 =	vld [tilespmem:s31+$0xFFFFFFC0];
	(v2sf) =	vpush v5, $0x9;
	s13 =	sadd.f32 s21, s22  }
0x76: {  	v10 =	vmov s0;
	v17 =	vld [tilespmem:s16+$0x30];
	v20 =	vsel vm13, s12, v20;
	s25 =	spop (v2sf);
	s22 =	simm.s32 $0x9160;
	(v2sf) =	vpush v12, $0x0;
	v23 =	vpop (erf)  }
0x77: {  	v20 =	vadd.f32 $-8.000000000e+00, v20;
	s8 =	sadd.f32 s25, s8;
	v12 =	vld [tilespmem:s22+$0xFFFFFFE0];
	v21 =	vmov s13;
	v15 =	vmul.f32 v23, v4  }
0x78: {  	vm12 =	vgt.f32 v10, $0.0e+00;
	v10 =	vmul.f32 $2.000000030e-01, v10;
	v24 =	vld [tilespmem:s22+$0x0];
	v25 =	vmul.f32 $2.000000030e-01, v21  }
0x79: {  	s17 =	simm.s32 $0x98E0;
	v27 =	vld [tilespmem:s22+$0x10];
	v20 =	vmul.f32 $1.442695020e+00, v20;
	v22 =	vmov s8;
	vm14 =	vgt.f32 v21, $0.0e+00;
	v26 =	vpop (erf)  }
0x7a: {  	v4 =	vld [tilespmem:s31+$0x20];
	v21 =	vsel vm12, s0, v10;
	[tilespmem:s17+$0x0] =	vst v15;
	v10 =	vsel vm14, s13, v25;
	v19 =	vmul.f32 v26, v19  }
0x7b: {  	vm15 =	vgt.f32 v22, $0.0e+00;
	v22 =	vmul.f32 $2.000000030e-01, v22;
	v61 =	vld [tilespmem:s16+$0x10];
	v28 =	vadd.f32 $-8.000000000e+00, v10;
	v15 =	vpop (erf)  }
0x7c: {  	v21 =	vadd.f32 $-8.000000000e+00, v21;
	(erf) = vpow2.f32 v20;
	v10 =	vld [tilespmem:s31+$0x50];
	[tilespmem:s17+$0xFFFFFFD0] =	vst v19;
	v17 =	vmul.f32 v15, v17  }
0x7d: {  	(v2sf) =	vpush v3, $0x9;
	v19 =	vmul.f32 v26, v16;
	v16 =	vpop (erf);
	v28 =	vmul.f32 $1.442695020e+00, v28;
	v20 =	vld [tilespmem:s16+$0xFFFFFFE0]  }
0x7e: {  	s12 =	spop (v2sf);
	v21 =	vmul.f32 $1.442695020e+00, v21;
	v29 =	vmul.f32 v16, v18;
	[tilespmem:s17+$0x30] =	vst v17;
	v17 =	vsel vm15, s8, v22;
	v22 =	vld [tilespmem:s22+$0xFFFFFFF0]  }
0x7f: {  	v14 =	vmul.f32 v15, v14;
	s8 =	spop (v2sf);
	(erf) = vpow2.f32 v28;
	v18 =	vld [tilespmem:s16+$0x40];
	v17 =	vadd.f32 $-8.000000000e+00, v17  }
0x80: {  	(v2sf) =	vpush v27, $0x0;
	v62 =	vmul.f32 v16, v11;
	v11 =	vld [tilespmem:s31+$0xFFFFFFF0];
	s13 =	spop (v2sf);
	(erf) = vpow2.f32 v21;
	[tilespmem:s17+$0xFFFFFFA0] =	vst v29  }
0x81: {  	[tilespmem:s17+$0xFFFFFFF0] =	vst v19;
	v25 =	vmul.f32 v23, v61;
	(v2sf) =	vpush v10, $0x9;
	s25 =	spop (v2sf);
	s21 =	sadd.f32 s8, s13;
	v19 =	vld [tilespmem:s16+$0xFFFFFFB0];
	v63 =	vmul.f32 $1.442695020e+00, v17  }
0x82: {  	v21 =	vld [tilespmem:s15+$0x0];
	s13 =	simm.s32 $0xC;
	(v2sf) =	vpush v24, $0x0;
	[tilespmem:s17+$0xFFFFFFC0] =	vst v62;
	s8 =	simm.s32 $0x98E0;
	s18 =	spop (v2sf);
	v17 =	vmul.f32 v26, v20;
	v20 =	vmul.f32 v23, v13  }
0x83: {  	s16 =	simm.s32 $0x7B20;
	(v2sf) =	vpush v4, $0x9;
	v13 =	vld [tilespmem:s15+$0xFFFFFFA0];
	[tilespmem:s17+$0x10] =	vst v25;
	s25 =	sadd.f32 s25, s18;
	v23 =	vmov s21;
	s0 =	spop (v2sf);
	(erf) = vpow2.f32 v63  }
.LBB2_3:
0x84: {  	s13 =	sadd.s32 $0x4, s13;
	(v2sf) =	vpush v22, $0x0;
	vm0 =	vgt.f32 v23, $0.0e+00;
	s18 =	spop (v2sf);
	v22 =	vld [tilespmem:s15+$0x30];
	[tilespmem:s17+$0x20] =	vst v20;
	v15 =	vmul.f32 v15, v18;
	s8 =	sadd.s32 $0xC0, s8;
	v20 =	vmovc v10  }
0x85: {  	s31 =	sadd.s32 $0xC0, s31;
	v18 =	vmul.f32 $2.000000030e-01, v23;
	(v2sf) =	vpush v11, $0x9;
	s0 =	sadd.f32 s0, s18;
	v10 =	vmov s25;
	s18 =	spop (v2sf);
	v23 =	vld [tilespmem:s15+$0xFFFFFFD0];
	[tilespmem:s17+$0xFFFFFFE0] =	vst v17  }
0x86: {  	s22 =	sadd.s32 $0x40, s22;
	p1 =	slt.u32 s13, $0x3C;
	v17 =	vld [tilespmem:s31+$0xFFFFFFC0];
	(v2sf) =	vpush v12, $0x0;
	s18 =	sadd.f32 s18, s12;
	v24 =	vmul.f32 $2.000000030e-01, v10;
	v25 =	vpop (erf);
	v16 =	vmul.f32 v16, v19;
	[tilespmem:s17+$0x40] =	vst v15  }
0x87: {  	vm1 =	vgt.f32 v10, $0.0e+00;
	v12 =	vld [tilespmem:s22+$0xFFFFFFE0];
	v28 =	vmov s0;
	v10 =	vmul.f32 v25, v21;
	[tilespmem:s17+$0x50] =	vst v14  }
0x88: {  	v21 =	vld [tilespmem:s22+$0x0];
	v14 =	vmov s18;
	v19 =	vmul.f32 $2.000000030e-01, v28;
	v24 =	vsel vm1, s25, v24;
	v26 =	vpop (erf);
	[tilespmem:s17+$0xFFFFFFB0] =	vst v16;
	s17 =	smov.u32 s8  }
0x89: {  	v18 =	vsel vm0, s21, v18;
	vm1 =	vgt.f32 v28, $0.0e+00;
	v27 =	vld [tilespmem:s31+$0x20];
	v30 =	vadd.f32 $-8.000000000e+00, v24;
	[tilespmem:s8+$0x0] =	vst v10;
	v15 =	vpop (erf)  }
0x8a: {  	vm0 =	vgt.f32 v14, $0.0e+00;
	v10 =	vsel vm1, s0, v19;
	v19 =	vmul.f32 v26, v23;
	v23 =	vld [tilespmem:s15+$0x10]  }
0x8b: {  	v22 =	vmul.f32 v15, v22;
	v24 =	vld [tilespmem:s22+$0x10];
	v28 =	vadd.f32 $-8.000000000e+00, v10;
	v29 =	vmul.f32 $1.442695020e+00, v30  }
0x8c: {  	v18 =	vadd.f32 $-8.000000000e+00, v18;
	v14 =	vmul.f32 $2.000000030e-01, v14;
	v10 =	vld [tilespmem:s31+$0x50];
	s12 =	spop (v2sf);
	[tilespmem:s8+$0xFFFFFFD0] =	vst v19;
	v19 =	vmul.f32 v26, v9;
	v16 =	vpop (erf)  }
0x8d: {  	v9 =	vmovc v5;
	v5 =	vmovc v11;
	(v2sf) =	vpush v17, $0x9;
	v28 =	vmul.f32 $1.442695020e+00, v28;
	(erf) = vpow2.f32 v29;
	v29 =	vld [tilespmem:s15+$0xFFFFFFE0];
	[tilespmem:s8+$0x30] =	vst v22  }
0x8e: {  	v11 =	vsel vm0, s18, v14;
	v14 =	vmul.f32 $1.442695020e+00, v18;
	v13 =	vmul.f32 v16, v13;
	[tilespmem:s8+$0xFFFFFFF0] =	vst v19;
	v18 =	vld [tilespmem:s15+$0x40]  }
.Ltmp0:
0x8f: {  	v19 =	vadd.f32 $-8.000000000e+00, v11;
	v22 =	vld [tilespmem:s22+$0xFFFFFFF0];
	s0 =	spop (v2sf);
	(erf) = vpow2.f32 v28;
	v28 =	vmul.f32 v16, v8;
	v8 =	vmovc v1;
	v1 =	vmovc v3;
	(pc) =	sbr.rel @p1 .LBB2_3-.Ltmp0, $4  }
0x90: {  	v3 =	vmovc v17;
	v11 =	vld [tilespmem:s31+$0xFFFFFFF0];
	(v2sf) =	vpush v24, $0x0;
	s18 =	spop (v2sf);
	(erf) = vpow2.f32 v14;
	[tilespmem:s8+$0xFFFFFFA0] =	vst v13;
	v24 =	vmul.f32 v25, v23  }
0x91: {  	v30 =	vmul.f32 $1.442695020e+00, v19;
	v14 =	vmul.f32 v15, v7;
	v7 =	vmovc v0;
	v0 =	vmovc v20;
	(v2sf) =	vpush v10, $0x9;
	s21 =	sadd.f32 s0, s18;
	s0 =	spop (v2sf);
	v19 =	vld [tilespmem:s15+$0xFFFFFFB0];
	s15 =	smov.u32 s14  }
0x92: {  	v20 =	vmul.f32 v25, v6;
	v6 =	vmovc v2;
	s14 =	smov.u32 s16;
	s16 =	smov.u32 s31;
	(v2sf) =	vpush v21, $0x0;
	s18 =	spop (v2sf);
	v21 =	vld [tilespmem:s15+$0x0];
	[tilespmem:s8+$0xFFFFFFC0] =	vst v28;
	v17 =	vmul.f32 v26, v29  }
0x93: {  	v2 =	vmovc v4;
	v4 =	vmovc v27;
	(v2sf) =	vpush v27, $0x9;
	s25 =	sadd.f32 s0, s18;
	v23 =	vmov s21;
	s0 =	spop (v2sf);
	v13 =	vld [tilespmem:s15+$0xFFFFFFA0];
	(erf) = vpow2.f32 v30;
	[tilespmem:s8+$0x10] =	vst v24  }
0x94: {  	_ = 	snop  }
0x95: {  	(v2sf) =	vpush v22, $0x0  }
0x96: {  	(v2sf) =	vpush v11, $0x9  }
0x97: {  	s13 =	spop (v2sf);
	vm0 =	vgt.f32 v23, $0.0e+00  }
0x98: {  	v15 =	vmul.f32 v15, v18;
	v22 =	vld [tilespmem:s15+$0xFFFFFFD0];
	s0 =	sadd.f32 s0, s13;
	v18 =	vmov s25;
	s18 =	spop (v2sf);
	(v2sf) =	vpush v12, $0x0;
	v25 =	vpop (erf)  }
0x99: {  	v24 =	vld [tilespmem:s15+$0x30];
	v12 =	vmul.f32 $2.000000030e-01, v18;
	s12 =	sadd.f32 s18, s12;
	vm1 =	vgt.f32 v18, $0.0e+00;
	v18 =	vmul.f32 v25, v21  }
0x9a: {  	v23 =	vmul.f32 $2.000000030e-01, v23;
	v16 =	vmul.f32 v16, v19;
	v19 =	vmov s0  }
0x9b: {  	v21 =	vmul.f32 $2.000000030e-01, v19;
	v12 =	vsel vm1, s25, v12;
	v26 =	vmov s12  }
0x9c: {  	s8 =	sadd.s32 $0xC0, s8;
	v27 =	vpop (erf);
	vm14 =	vgt.f32 v19, $0.0e+00;
	v19 =	vsel vm0, s21, v23;
	v12 =	vadd.f32 $-8.000000000e+00, v12  }
0x9d: {  	[tilespmem:s8+$0x0] =	vst v18;
	v22 =	vmul.f32 v27, v22;
	v28 =	vmul.f32 $2.000000030e-01, v26;
	v21 =	vsel vm14, s0, v21;
	v18 =	vpop (erf)  }
0x9e: {  	v21 =	vadd.f32 $-8.000000000e+00, v21;
	v12 =	vmul.f32 $1.442695020e+00, v12;
	v24 =	vmul.f32 v18, v24;
	s0 =	spop (v2sf)  }
0x9f: {  	v6 =	vmul.f32 v25, v6;
	v19 =	vadd.f32 $-8.000000000e+00, v19;
	vm15 =	vgt.f32 v26, $0.0e+00;
	v23 =	vld [tilespmem:s15+$0x10];
	[tilespmem:s8+$0xFFFFFFD0] =	vst v22;
	s21 =	spop (v2sf)  }
0xa0: {  	v55 =	vsel vm15, s12, v28;
	v21 =	vmul.f32 $1.442695020e+00, v21;
	(erf) = vpow2.f32 v12;
	v12 =	vld [tilespmem:s15+$0xFFFFFFE0];
	[tilespmem:s8+$0x30] =	vst v24;
	s22 =	spop (v2sf)  }
0xa1: {  	[tilespmem:s17+$0x20] =	vst v20;
	v9 =	vmul.f32 v27, v9;
	v19 =	vmul.f32 $1.442695020e+00, v19;
	v22 =	vpop (erf);
	v24 =	vadd.f32 $-8.000000000e+00, v55;
	v20 =	vld [tilespmem:s15+$0x40];
	s18 =	spop (v2sf)  }
0xa2: {  	[tilespmem:s17+$0xFFFFFFE0] =	vst v17;
	v13 =	vmul.f32 v22, v13;
	(erf) = vpow2.f32 v21;
	s25 =	spop (v2sf)  }
0xa3: {  	[tilespmem:s17+$0x50] =	vst v14;
	(erf) = vpow2.f32 v19;
	v17 =	vmul.f32 $1.442695020e+00, v24;
	s13 =	sadd.f32 s18, s25  }
0xa4: {  	v7 =	vmul.f32 v18, v7;
	[tilespmem:s8+$0xFFFFFFA0] =	vst v13;
	v13 =	vmul.f32 v25, v23;
	s12 =	sadd.f32 s21, s22;
	s21 =	spop (v2sf)  }
0xa5: {  	[tilespmem:s17+$0x40] =	vst v15;
	v15 =	vld [tilespmem:s14+$0x0];
	v12 =	vmul.f32 v27, v12;
	(erf) = vpow2.f32 v17;
	s22 =	spop (v2sf);
	v17 =	vmov s13  }
0xa6: {  	[tilespmem:s17+$0xFFFFFFB0] =	vst v16;
	v19 =	vld [tilespmem:s15+$0xFFFFFFB0];
	v14 =	vmov s12;
	v16 =	vmul.f32 v18, v20;
	s15 =	sadd.f32 s21, s22;
	v18 =	vmul.f32 $2.000000030e-01, v17  }
0xa7: {  	[tilespmem:s8+$0xFFFFFFF0] =	vst v9;
	vm4 =	vgt.f32 v14, $0.0e+00;
	v9 =	vmul.f32 $2.000000030e-01, v14;
	v14 =	vld [tilespmem:s14+$0xFFFFFFD0];
	s25 =	spop (v2sf);
	vm5 =	vgt.f32 v17, $0.0e+00  }
0xa8: {  	v8 =	vmul.f32 v22, v8;
	[tilespmem:s8+$0x10] =	vst v13;
	v13 =	vld [tilespmem:s14+$0x30];
	s0 =	sadd.f32 s25, s0;
	v20 =	vmov s15;
	v18 =	vsel vm5, s13, v18  }
0xa9: {  	[tilespmem:s8+$0x20] =	vst v6;
	v9 =	vsel vm4, s12, v9;
	v17 =	vpop (erf);
	v21 =	vmul.f32 $2.000000030e-01, v20;
	v18 =	vadd.f32 $-8.000000000e+00, v18  }
0xaa: {  	[tilespmem:s8+$0xFFFFFFC0] =	vst v8;
	vm6 =	vgt.f32 v20, $0.0e+00;
	v6 =	vmov s0;
	v15 =	vmul.f32 v17, v15  }
0xab: {  	v8 =	vld [tilespmem:s14+$0xFFFFFFA0];
	[tilespmem:s8+$0xFFFFFFE0] =	vst v12;
	v12 =	vpop (erf);
	vm7 =	vgt.f32 v6, $0.0e+00;
	v20 =	vsel vm6, s15, v21;
	v18 =	vmul.f32 $1.442695020e+00, v18  }
0xac: {  	[tilespmem:s8+$0x50] =	vst v7;
	s13 =	sadd.s32 $0xC0, s8;
	v21 =	vmul.f32 $2.000000030e-01, v6;
	v6 =	vmul.f32 v12, v14;
	v14 =	vpop (erf);
	v20 =	vadd.f32 $-8.000000000e+00, v20  }
0xad: {  	v9 =	vadd.f32 $-8.000000000e+00, v9;
	[tilespmem:s13+$0x0] =	vst v15;
	v13 =	vmul.f32 v14, v13  }
0xae: {  	[tilespmem:s8+$0x40] =	vst v16;
	v7 =	vld [tilespmem:s14+$0x10];
	v15 =	vmul.f32 $1.442695020e+00, v20;
	(erf) = vpow2.f32 v18  }
0xaf: {  	v9 =	vmul.f32 $1.442695020e+00, v9;
	v5 =	vmul.f32 v12, v5;
	v16 =	vsel vm7, s0, v21;
	[tilespmem:s13+$0x30] =	vst v13;
	v18 =	vpop (erf)  }
0xb0: {  	[tilespmem:s13+$0xFFFFFFD0] =	vst v6;
	v16 =	vadd.f32 $-8.000000000e+00, v16;
	v13 =	vld [tilespmem:s14+$0x40];
	(erf) = vpow2.f32 v15;
	v6 =	vmul.f32 v18, v8  }
0xb1: {  	v8 =	vld [tilespmem:s14+$0xFFFFFFE0];
	v1 =	vmul.f32 v18, v1;
	[tilespmem:s13+$0xFFFFFFF0] =	vst v5  }
0xb2: {  	(erf) = vpow2.f32 v9;
	v9 =	vmul.f32 $1.442695020e+00, v16;
	[tilespmem:s13+$0xFFFFFFA0] =	vst v6;
	v6 =	vld [tilespmem:s16+$0x0]  }
0xb3: {  	v5 =	vmul.f32 v17, v7;
	v7 =	vld [tilespmem:s14+$0xFFFFFFB0];
	[tilespmem:s13+$0xFFFFFFC0] =	vst v1;
	v1 =	vmul.f32 v17, v2;
	_ =	sdelay $0x1  }
0xb4: {  	(erf) = vpow2.f32 v9;
	v2 =	vld [tilespmem:s16+$0xFFFFFFD0];
	[tilespmem:s13+$0x20] =	vst v1;
	v1 =	vmul.f32 v14, v13;
	_ =	sdelay $0x1  }
0xb5: {  	v9 =	vpop (erf)  }
0xb6: {  	v19 =	vmul.f32 v22, v19;
	[tilespmem:s13+$0x10] =	vst v5;
	v5 =	vld [tilespmem:s16+$0x30];
	v6 =	vmul.f32 v9, v6  }
0xb7: {  	v0 =	vmul.f32 v14, v0;
	[tilespmem:s13+$0x40] =	vst v1;
	v1 =	vpop (erf)  }
0xb8: {  	[tilespmem:s8+$0xFFFFFFB0] =	vst v19;
	v8 =	vmul.f32 v12, v8;
	v12 =	vld [tilespmem:s16+$0xFFFFFFA0];
	v2 =	vmul.f32 v1, v2  }
0xb9: {  	[tilespmem:s13+$0x50] =	vst v0;
	s14 =	sadd.s32 $0xC0, s13  }
0xba: {  	[tilespmem:s14+$0x0] =	vst v6;
	v6 =	vpop (erf)  }
0xbb: {  	[tilespmem:s13+$0xFFFFFFE0] =	vst v8;
	v0 =	vld [tilespmem:s16+$0x10];
	v5 =	vmul.f32 v6, v5  }
0xbc: {  	v7 =	vmul.f32 v18, v7;
	[tilespmem:s14+$0xFFFFFFD0] =	vst v2;
	v2 =	vpop (erf)  }
0xbd: {  	v8 =	vld [tilespmem:s16+$0xFFFFFFE0];
	[tilespmem:s14+$0x30] =	vst v5;
	v5 =	vmul.f32 v2, v12  }
0xbe: {  	[tilespmem:s13+$0xFFFFFFB0] =	vst v7;
	v7 =	vmul.f32 v1, v11;
	v11 =	vld [tilespmem:s16+$0x40]  }
0xbf: {  	v3 =	vmul.f32 v2, v3;
	[tilespmem:s14+$0xFFFFFFA0] =	vst v5  }
0xc0: {  	[tilespmem:s14+$0xFFFFFFF0] =	vst v7;
	v0 =	vmul.f32 v9, v0;
	v5 =	vld [tilespmem:s16+$0xFFFFFFB0]  }
0xc1: {  	[tilespmem:s14+$0xFFFFFFC0] =	vst v3;
	v3 =	vmul.f32 v9, v4  }
0xc2: {  	[tilespmem:s14+$0x10] =	vst v0;
	v1 =	vmul.f32 v1, v8  }
0xc3: {  	[tilespmem:s14+$0x20] =	vst v3;
	v0 =	vmul.f32 v6, v11  }
0xc4: {  	v3 =	vmul.f32 v6, v10;
	[tilespmem:s14+$0xFFFFFFE0] =	vst v1  }
0xc5: {  	[tilespmem:s14+$0x40] =	vst v0;
	v1 =	vmul.f32 v2, v5  }
0xc6: {  	[tilespmem:s14+$0x50] =	vst v3  }
0xc7: {  	s15 =	simm.s32 $0x7780;
	s0 =	simm.s32 @!p0 $0xA;
	s16 =	simm.s32 $0x9880;
	[tilespmem:s14+$0xFFFFFFB0] =	vst v1  }
0xc8: {  	[spmem:s3] =	stream.indirect.scatter.add.f32 [tilespmem:s16], [sflag:$0x9], $0x30, s15, s28, $0xb8;
	[tilespmem:$0xB080] =	vst v63  }
0xc9: {  	_ =	swait.ge @!p0 [sflag:s0], $0xC00  }
0xca: {  	s17 =	rddreg [dreg:$0xb]  }
0xcb: {  	s8 =	sadd.s32 s23, s17  }
0xcc: {  	[sflag:s0] =	ssyncset.done @!p0 $0x0;
	s8 =	sshrl.u32 s8, $0x3  }
0xcd: {  	s21 =	simm.s32 $0x7740;
	[sflag:s0] =	ssyncadd.s32 @!p0 $0xFFFFF400;
	s18 =	sadd.s32 s1, s8  }
0xce: {  	[tilespmem:s21], [sflag:$0x4] =	stream.linear.gather [hbm4b:s18+s4], $0x40, $0x38;
	[tilespmem:$0xB080] =	vst v63  }
0xcf: {  	s25 =	simm.s32 $0x7840;
	s22 =	sadd.s32 s7, s8  }
0xd0: {  	[tilespmem:s25], [sflag:$0x4] =	stream.linear.gather [hbm4b:s22+s4], $0x40, $0x38;
	[tilespmem:$0xB080] =	vst v63  }
0xd1: {  	_ =	swait.ge [sflag:s19], $0x40  }
0xd2: {  	[sflag:s19] =	ssyncset.done $0x0  }
0xd3: {  	[sflag:s19] =	ssyncadd.s32 $0xFFFFFFC0  }
0xd4: {  	_ =	swait.ge [sflag:s19], $0x40  }
0xd5: {  	[sflag:s19] =	ssyncset.done $0x0  }
0xd6: {  	s12 =	simm.s32 $0x7700;
	s8 =	simm.s32 $0x7880;
	[sflag:s19] =	ssyncadd.s32 $0xFFFFFFC0  }
0xd7: {  	[tilespmem:s8], [sflag:$0x5] =	stream.indirect.gather [hbm4b:s5+s28], $0x30, s12, s28, $0xb8;
	[tilespmem:$0xB080] =	vst v63  }
0xd8: {  	s13 =	simm.s32 $0x9080;
	s14 =	simm.s32 $0x7800  }
0xd9: {  	[tilespmem:s13], [sflag:$0x7] =	stream.indirect.gather [hbm4b:s6+s28], $0x10, s14, s28, $0xb8;
	[tilespmem:$0xB080] =	vst v63  }
0xda: {  	_ =	swait.ge [sflag:s9], $0xC00  }
0xdb: {  	[sflag:s9] =	ssyncset.done $0x0  }
0xdc: {  	[sflag:s9] =	ssyncadd.s32 $0xFFFFF400  }
0xdd: {  	_ =	swait.ge [sflag:s20], $0x400  }
0xde: {  	[sflag:s20] =	ssyncset.done $0x0  }
0xdf: {  	s16 =	simm.s32 $0x84E0;
	[sflag:s20] =	ssyncadd.s32 $0xFFFFFC00  }
0xe0: {  	s15 =	simm.s32 $0x94A0;
	v11 =	vld [tilespmem:s16+$0xFFFFFFC0]  }
0xe1: {  	v0 =	vld [tilespmem:s15+$0x10]  }
0xe2: {  	v14 =	vld [tilespmem:s16+$0x50]  }
0xe3: {  	v1 =	vld [tilespmem:s15+$0x0]  }
0xe4: {  	v13 =	vld [tilespmem:s16+$0x20]  }
0xe5: {  	(v2sf) =	vpush v11, $0x9  }
0xe6: {  	v2 =	vld [tilespmem:s15+$0xFFFFFFF0];
	(v2sf) =	vpush v0, $0x0  }
0xe7: {  	v16 =	vld [tilespmem:s16+$0xFFFFFFF0];
	(v2sf) =	vpush v14, $0x9  }
0xe8: {  	(v2sf) =	vpush v1, $0x0  }
0xe9: {  	(v2sf) =	vpush v13, $0x9;
	_ =	sdelay $0x1  }
0xea: {  	v0 =	vld [tilespmem:s15+$0xFFFFFFE0];
	(v2sf) =	vpush v2, $0x0  }
0xeb: {  	(v2sf) =	vpush v16, $0x9;
	_ =	sdelay $0x1  }
0xec: {  	s15 =	simm.s32 $0x85A0  }
0xed: {  	s17 =	simm.s32 $0x94E0;
	v8 =	vld [tilespmem:s15+$0xFFFFFFC0]  }
0xee: {  	(v2sf) =	vpush v0, $0x0;
	v0 =	vld [tilespmem:s17+$0x10]  }
0xef: {  	v7 =	vld [tilespmem:s15+$0x50]  }
0xf0: {  	v1 =	vld [tilespmem:s17+$0x0]  }
0xf1: {  	v6 =	vld [tilespmem:s15+$0x20]  }
0xf2: {  	(v2sf) =	vpush v8, $0x9;
	s8 =	spop (v2sf)  }
0xf3: {  	v2 =	vld [tilespmem:s17+$0xFFFFFFF0];
	(v2sf) =	vpush v0, $0x0;
	s12 =	spop (v2sf)  }
0xf4: {  	v9 =	vld [tilespmem:s15+$0xFFFFFFF0];
	(v2sf) =	vpush v7, $0x9;
	s13 =	spop (v2sf)  }
0xf5: {  	v0 =	vld [tilespmem:s17+$0xFFFFFFE0];
	(v2sf) =	vpush v1, $0x0;
	s18 =	spop (v2sf)  }
0xf6: {  	(v2sf) =	vpush v6, $0x9;
	s21 =	spop (v2sf)  }
0xf7: {  	s0 =	sadd.f32 s18, s21  }
0xf8: {  	(v2sf) =	vpush v2, $0x0;
	s22 =	spop (v2sf)  }
0xf9: {  	(v2sf) =	vpush v9, $0x9;
	s25 =	spop (v2sf);
	v1 =	vmov s0  }
0xfa: {  	(v2sf) =	vpush v0, $0x0;
	s17 =	sadd.f32 s22, s25;
	v0 =	vmul.f32 $2.000000030e-01, v1  }
0xfb: {  	s12 =	sadd.f32 s12, s13;
	vm8 =	vgt.f32 v1, $0.0e+00  }
0xfc: {  	s14 =	simm.s32 $0x8660;
	v2 =	vmov s17;
	v0 =	vsel vm8, s0, v0  }
0xfd: {  	v3 =	vmov s12;
	s21 =	simm.s32 $0x9520;
	s18 =	spop (v2sf);
	v1 =	vld [tilespmem:s14+$0xFFFFFFC0];
	v4 =	vmul.f32 $2.000000030e-01, v2;
	v0 =	vadd.f32 $-8.000000000e+00, v0  }
0xfe: {  	v5 =	vmul.f32 $2.000000030e-01, v3;
	v10 =	vld [tilespmem:s21+$0x10];
	s0 =	sadd.f32 s18, s8;
	vm9 =	vgt.f32 v2, $0.0e+00  }
0xff: {  	vm10 =	vgt.f32 v3, $0.0e+00;
	v2 =	vsel vm9, s17, v4;
	v3 =	vmul.f32 $1.442695020e+00, v0  }
0x100: {  	v5 =	vsel vm10, s12, v5;
	v12 =	vmov s0;
	v0 =	vld [tilespmem:s14+$0x50];
	v15 =	vadd.f32 $-8.000000000e+00, v2  }
0x101: {  	v5 =	vadd.f32 $-8.000000000e+00, v5;
	s8 =	spop (v2sf);
	v4 =	vld [tilespmem:s21+$0x0];
	v17 =	vmul.f32 $2.000000030e-01, v12;
	(erf) = vpow2.f32 v3  }
0x102: {  	s22 =	spop (v2sf);
	v2 =	vld [tilespmem:s14+$0x20];
	vm11 =	vgt.f32 v12, $0.0e+00;
	(v2sf) =	vpush v1, $0x9;
	v3 =	vmul.f32 $1.442695020e+00, v15  }
0x103: {  	s25 =	spop (v2sf);
	(v2sf) =	vpush v10, $0x0;
	v12 =	vsel vm11, s0, v17;
	v17 =	vld [tilespmem:s21+$0xFFFFFFF0]  }
0x104: {  	s17 =	spop (v2sf);
	v15 =	vmul.f32 $1.442695020e+00, v5;
	v5 =	vld [tilespmem:s14+$0xFFFFFFF0];
	v10 =	vadd.f32 $-8.000000000e+00, v12;
	(erf) = vpow2.f32 v3  }
0x105: {  	s0 =	sadd.f32 s22, s25;
	s18 =	spop (v2sf);
	v12 =	vld [tilespmem:s21+$0xFFFFFFE0];
	(v2sf) =	vpush v0, $0x9  }
0x106: {  	s12 =	sadd.f32 s17, s18;
	(erf) = vpow2.f32 v15;
	v3 =	vmul.f32 $1.442695020e+00, v10;
	(v2sf) =	vpush v4, $0x0;
	v4 =	vld [tilespmem:s16+$0x0]  }
0x107: {  	v18 =	vld [tilespmem:s16+$0xFFFFFFA0];
	v10 =	vmov s0;
	s21 =	spop (v2sf);
	(v2sf) =	vpush v2, $0x9  }
0x108: {  	s31 =	simm.s32 $0x8720;
	v19 =	vld [tilespmem:s16+$0xFFFFFFD0];
	v15 =	vmov s12;
	(erf) = vpow2.f32 v3;
	s22 =	spop (v2sf);
	(v2sf) =	vpush v17, $0x0  }
0x109: {  	vm12 =	vgt.f32 v10, $0.0e+00;
	v20 =	vmul.f32 $2.000000030e-01, v15;
	v3 =	vld [tilespmem:s31+$0xFFFFFFC0];
	s13 =	sadd.f32 s21, s22;
	(v2sf) =	vpush v5, $0x9  }
0x10a: {  	v10 =	vmul.f32 $2.000000030e-01, v10;
	vm13 =	vgt.f32 v15, $0.0e+00;
	v17 =	vld [tilespmem:s16+$0x30];
	s25 =	spop (v2sf);
	s22 =	simm.s32 $0x9560;
	(v2sf) =	vpush v12, $0x0;
	v23 =	vpop (erf)  }
0x10b: {  	v20 =	vsel vm13, s12, v20;
	s8 =	sadd.f32 s25, s8;
	v56 =	vld [tilespmem:s22+$0x0];
	v21 =	vmov s13;
	v15 =	vmul.f32 v23, v4  }
0x10c: {  	v20 =	vadd.f32 $-8.000000000e+00, v20;
	v60 =	vld [tilespmem:s22+$0x10];
	v57 =	vmul.f32 $2.000000030e-01, v21  }
0x10d: {  	v12 =	vld [tilespmem:s22+$0xFFFFFFE0];
	v22 =	vmov s8;
	vm14 =	vgt.f32 v21, $0.0e+00;
	v21 =	vsel vm12, s0, v10;
	v58 =	vpop (erf)  }
0x10e: {  	s17 =	simm.s32 $0xA4E0;
	v20 =	vmul.f32 $1.442695020e+00, v20;
	v4 =	vld [tilespmem:s31+$0x20];
	v10 =	vsel vm14, s13, v57;
	v19 =	vmul.f32 v58, v19  }
0x10f: {  	vm15 =	vgt.f32 v22, $0.0e+00;
	v22 =	vmul.f32 $2.000000030e-01, v22;
	[tilespmem:s17+$0x0] =	vst v15;
	v61 =	vadd.f32 $-8.000000000e+00, v10;
	v10 =	vld [tilespmem:s31+$0x50];
	v15 =	vpop (erf)  }
0x110: {  	v21 =	vadd.f32 $-8.000000000e+00, v21;
	(erf) = vpow2.f32 v20;
	v59 =	vld [tilespmem:s16+$0x10];
	[tilespmem:s17+$0xFFFFFFD0] =	vst v19;
	v17 =	vmul.f32 v15, v17  }
0x111: {  	(v2sf) =	vpush v3, $0x9;
	v19 =	vmul.f32 v58, v16;
	v28 =	vmul.f32 $1.442695020e+00, v61;
	v16 =	vpop (erf);
	v20 =	vld [tilespmem:s16+$0xFFFFFFE0]  }
0x112: {  	v21 =	vmul.f32 $1.442695020e+00, v21;
	s12 =	spop (v2sf);
	v29 =	vmul.f32 v16, v18;
	[tilespmem:s17+$0x30] =	vst v17;
	v17 =	vsel vm15, s8, v22;
	v22 =	vld [tilespmem:s22+$0xFFFFFFF0]  }
0x113: {  	s13 =	spop (v2sf);
	v14 =	vmul.f32 v15, v14;
	(erf) = vpow2.f32 v28;
	v18 =	vld [tilespmem:s16+$0x40];
	v17 =	vadd.f32 $-8.000000000e+00, v17  }
0x114: {  	(v2sf) =	vpush v60, $0x0;
	v62 =	vmul.f32 v16, v11;
	v11 =	vld [tilespmem:s31+$0xFFFFFFF0];
	(erf) = vpow2.f32 v21;
	s21 =	spop (v2sf);
	[tilespmem:s17+$0xFFFFFFA0] =	vst v29  }
0x115: {  	[tilespmem:s17+$0xFFFFFFF0] =	vst v19;
	(v2sf) =	vpush v10, $0x9;
	v25 =	vmul.f32 v23, v59;
	s18 =	spop (v2sf);
	s21 =	sadd.f32 s13, s21;
	v19 =	vld [tilespmem:s16+$0xFFFFFFB0];
	v63 =	vmul.f32 $1.442695020e+00, v17  }
0x116: {  	v21 =	vld [tilespmem:s15+$0x0];
	s8 =	simm.s32 $0xA4E0;
	(v2sf) =	vpush v56, $0x0;
	s13 =	simm.s32 $0xC;
	[tilespmem:s17+$0xFFFFFFC0] =	vst v62;
	s25 =	spop (v2sf);
	v17 =	vmul.f32 v58, v20;
	v20 =	vmul.f32 v23, v13  }
0x117: {  	(v2sf) =	vpush v4, $0x9;
	s16 =	simm.s32 $0x8720;
	v13 =	vld [tilespmem:s15+$0xFFFFFFA0];
	[tilespmem:s17+$0x10] =	vst v25;
	s25 =	sadd.f32 s18, s25;
	v23 =	vmov s21;
	s0 =	spop (v2sf);
	(erf) = vpow2.f32 v63  }
.LBB2_5:
0x118: {  	s13 =	sadd.s32 $0x4, s13;
	(v2sf) =	vpush v22, $0x0;
	vm0 =	vgt.f32 v23, $0.0e+00;
	s18 =	spop (v2sf);
	v22 =	vld [tilespmem:s15+$0x30];
	[tilespmem:s17+$0x20] =	vst v20;
	v15 =	vmul.f32 v15, v18;
	s8 =	sadd.s32 $0xC0, s8;
	v20 =	vmovc v10  }
0x119: {  	s31 =	sadd.s32 $0xC0, s31;
	v18 =	vmul.f32 $2.000000030e-01, v23;
	(v2sf) =	vpush v11, $0x9;
	s0 =	sadd.f32 s0, s18;
	v10 =	vmov s25;
	s18 =	spop (v2sf);
	v23 =	vld [tilespmem:s15+$0xFFFFFFD0];
	[tilespmem:s17+$0xFFFFFFE0] =	vst v17  }
0x11a: {  	s22 =	sadd.s32 $0x40, s22;
	p0 =	slt.u32 s13, $0x3C;
	v17 =	vld [tilespmem:s31+$0xFFFFFFC0];
	(v2sf) =	vpush v12, $0x0;
	s18 =	sadd.f32 s18, s12;
	v24 =	vmul.f32 $2.000000030e-01, v10;
	v25 =	vpop (erf);
	v16 =	vmul.f32 v16, v19;
	[tilespmem:s17+$0x40] =	vst v15  }
0x11b: {  	vm1 =	vgt.f32 v10, $0.0e+00;
	v12 =	vld [tilespmem:s22+$0xFFFFFFE0];
	v28 =	vmov s0;
	v10 =	vmul.f32 v25, v21;
	[tilespmem:s17+$0x50] =	vst v14  }
0x11c: {  	v21 =	vld [tilespmem:s22+$0x0];
	v14 =	vmov s18;
	v19 =	vmul.f32 $2.000000030e-01, v28;
	v24 =	vsel vm1, s25, v24;
	v26 =	vpop (erf);
	[tilespmem:s17+$0xFFFFFFB0] =	vst v16;
	s17 =	smov.u32 s8  }
0x11d: {  	v18 =	vsel vm0, s21, v18;
	vm1 =	vgt.f32 v28, $0.0e+00;
	v27 =	vld [tilespmem:s31+$0x20];
	v30 =	vadd.f32 $-8.000000000e+00, v24;
	[tilespmem:s8+$0x0] =	vst v10;
	v15 =	vpop (erf)  }
0x11e: {  	vm0 =	vgt.f32 v14, $0.0e+00;
	v10 =	vsel vm1, s0, v19;
	v19 =	vmul.f32 v26, v23;
	v23 =	vld [tilespmem:s15+$0x10]  }
0x11f: {  	v22 =	vmul.f32 v15, v22;
	v24 =	vld [tilespmem:s22+$0x10];
	v28 =	vadd.f32 $-8.000000000e+00, v10;
	v29 =	vmul.f32 $1.442695020e+00, v30  }
0x120: {  	v18 =	vadd.f32 $-8.000000000e+00, v18;
	v14 =	vmul.f32 $2.000000030e-01, v14;
	v10 =	vld [tilespmem:s31+$0x50];
	s12 =	spop (v2sf);
	[tilespmem:s8+$0xFFFFFFD0] =	vst v19;
	v19 =	vmul.f32 v26, v9;
	v16 =	vpop (erf)  }
0x121: {  	v9 =	vmovc v5;
	v5 =	vmovc v11;
	(v2sf) =	vpush v17, $0x9;
	v28 =	vmul.f32 $1.442695020e+00, v28;
	(erf) = vpow2.f32 v29;
	v29 =	vld [tilespmem:s15+$0xFFFFFFE0];
	[tilespmem:s8+$0x30] =	vst v22  }
0x122: {  	v11 =	vsel vm0, s18, v14;
	v14 =	vmul.f32 $1.442695020e+00, v18;
	v13 =	vmul.f32 v16, v13;
	[tilespmem:s8+$0xFFFFFFF0] =	vst v19;
	v18 =	vld [tilespmem:s15+$0x40]  }
.Ltmp1:
0x123: {  	v19 =	vadd.f32 $-8.000000000e+00, v11;
	v22 =	vld [tilespmem:s22+$0xFFFFFFF0];
	s0 =	spop (v2sf);
	(erf) = vpow2.f32 v28;
	v28 =	vmul.f32 v16, v8;
	v8 =	vmovc v1;
	v1 =	vmovc v3;
	(pc) =	sbr.rel @p0 .LBB2_5-.Ltmp1, $4  }
0x124: {  	v3 =	vmovc v17;
	v11 =	vld [tilespmem:s31+$0xFFFFFFF0];
	(v2sf) =	vpush v24, $0x0;
	s18 =	spop (v2sf);
	(erf) = vpow2.f32 v14;
	[tilespmem:s8+$0xFFFFFFA0] =	vst v13;
	v24 =	vmul.f32 v25, v23  }
0x125: {  	v30 =	vmul.f32 $1.442695020e+00, v19;
	v14 =	vmul.f32 v15, v7;
	v7 =	vmovc v0;
	v0 =	vmovc v20;
	(v2sf) =	vpush v10, $0x9;
	s21 =	sadd.f32 s0, s18;
	s0 =	spop (v2sf);
	v19 =	vld [tilespmem:s15+$0xFFFFFFB0];
	s15 =	smov.u32 s14  }
0x126: {  	v20 =	vmul.f32 v25, v6;
	v6 =	vmovc v2;
	s14 =	smov.u32 s16;
	s16 =	smov.u32 s31;
	(v2sf) =	vpush v21, $0x0;
	s18 =	spop (v2sf);
	v21 =	vld [tilespmem:s15+$0x0];
	[tilespmem:s8+$0xFFFFFFC0] =	vst v28;
	v17 =	vmul.f32 v26, v29  }
0x127: {  	v2 =	vmovc v4;
	v4 =	vmovc v27;
	(v2sf) =	vpush v27, $0x9;
	s25 =	sadd.f32 s0, s18;
	v23 =	vmov s21;
	s0 =	spop (v2sf);
	v13 =	vld [tilespmem:s15+$0xFFFFFFA0];
	(erf) = vpow2.f32 v30;
	[tilespmem:s8+$0x10] =	vst v24  }
0x128: {  	_ = 	snop  }
0x129: {  	(v2sf) =	vpush v22, $0x0  }
0x12a: {  	(v2sf) =	vpush v11, $0x9  }
0x12b: {  	s13 =	spop (v2sf);
	vm0 =	vgt.f32 v23, $0.0e+00  }
0x12c: {  	v15 =	vmul.f32 v15, v18;
	v22 =	vld [tilespmem:s15+$0xFFFFFFD0];
	s0 =	sadd.f32 s0, s13;
	v18 =	vmov s25;
	s18 =	spop (v2sf);
	(v2sf) =	vpush v12, $0x0;
	v25 =	vpop (erf)  }
0x12d: {  	v24 =	vld [tilespmem:s15+$0x30];
	v12 =	vmul.f32 $2.000000030e-01, v18;
	s12 =	sadd.f32 s18, s12;
	vm1 =	vgt.f32 v18, $0.0e+00;
	v18 =	vmul.f32 v25, v21  }
0x12e: {  	v23 =	vmul.f32 $2.000000030e-01, v23;
	v16 =	vmul.f32 v16, v19;
	v19 =	vmov s0  }
0x12f: {  	v21 =	vmul.f32 $2.000000030e-01, v19;
	v12 =	vsel vm1, s25, v12;
	v26 =	vmov s12  }
0x130: {  	s8 =	sadd.s32 $0xC0, s8;
	v27 =	vpop (erf);
	vm14 =	vgt.f32 v19, $0.0e+00;
	v19 =	vsel vm0, s21, v23;
	v12 =	vadd.f32 $-8.000000000e+00, v12  }
0x131: {  	[tilespmem:s8+$0x0] =	vst v18;
	v22 =	vmul.f32 v27, v22;
	v28 =	vmul.f32 $2.000000030e-01, v26;
	v21 =	vsel vm14, s0, v21;
	v18 =	vpop (erf)  }
0x132: {  	v21 =	vadd.f32 $-8.000000000e+00, v21;
	v12 =	vmul.f32 $1.442695020e+00, v12;
	v24 =	vmul.f32 v18, v24;
	s0 =	spop (v2sf)  }
0x133: {  	v6 =	vmul.f32 v25, v6;
	v19 =	vadd.f32 $-8.000000000e+00, v19;
	vm15 =	vgt.f32 v26, $0.0e+00;
	v23 =	vld [tilespmem:s15+$0x10];
	[tilespmem:s8+$0xFFFFFFD0] =	vst v22;
	s21 =	spop (v2sf)  }
0x134: {  	v55 =	vsel vm15, s12, v28;
	v21 =	vmul.f32 $1.442695020e+00, v21;
	(erf) = vpow2.f32 v12;
	v12 =	vld [tilespmem:s15+$0xFFFFFFE0];
	[tilespmem:s8+$0x30] =	vst v24;
	s22 =	spop (v2sf)  }
0x135: {  	[tilespmem:s17+$0x20] =	vst v20;
	v9 =	vmul.f32 v27, v9;
	v19 =	vmul.f32 $1.442695020e+00, v19;
	v22 =	vpop (erf);
	v24 =	vadd.f32 $-8.000000000e+00, v55;
	v20 =	vld [tilespmem:s15+$0x40];
	s18 =	spop (v2sf)  }
0x136: {  	[tilespmem:s17+$0xFFFFFFE0] =	vst v17;
	v13 =	vmul.f32 v22, v13;
	(erf) = vpow2.f32 v21;
	s25 =	spop (v2sf)  }
0x137: {  	[tilespmem:s17+$0x50] =	vst v14;
	(erf) = vpow2.f32 v19;
	v17 =	vmul.f32 $1.442695020e+00, v24;
	s13 =	sadd.f32 s18, s25  }
0x138: {  	v7 =	vmul.f32 v18, v7;
	[tilespmem:s8+$0xFFFFFFA0] =	vst v13;
	v13 =	vmul.f32 v25, v23;
	s12 =	sadd.f32 s21, s22;
	s21 =	spop (v2sf)  }
0x139: {  	[tilespmem:s17+$0x40] =	vst v15;
	v15 =	vld [tilespmem:s14+$0x0];
	v12 =	vmul.f32 v27, v12;
	(erf) = vpow2.f32 v17;
	s22 =	spop (v2sf);
	v17 =	vmov s13  }
0x13a: {  	[tilespmem:s17+$0xFFFFFFB0] =	vst v16;
	v19 =	vld [tilespmem:s15+$0xFFFFFFB0];
	v14 =	vmov s12;
	v16 =	vmul.f32 v18, v20;
	s15 =	sadd.f32 s21, s22;
	v18 =	vmul.f32 $2.000000030e-01, v17  }
0x13b: {  	[tilespmem:s8+$0xFFFFFFF0] =	vst v9;
	vm4 =	vgt.f32 v14, $0.0e+00;
	v9 =	vmul.f32 $2.000000030e-01, v14;
	v14 =	vld [tilespmem:s14+$0xFFFFFFD0];
	s25 =	spop (v2sf);
	vm5 =	vgt.f32 v17, $0.0e+00  }
0x13c: {  	v8 =	vmul.f32 v22, v8;
	[tilespmem:s8+$0x10] =	vst v13;
	v13 =	vld [tilespmem:s14+$0x30];
	s0 =	sadd.f32 s25, s0;
	v20 =	vmov s15;
	v18 =	vsel vm5, s13, v18  }
0x13d: {  	[tilespmem:s8+$0x20] =	vst v6;
	v9 =	vsel vm4, s12, v9;
	v17 =	vpop (erf);
	v21 =	vmul.f32 $2.000000030e-01, v20;
	v18 =	vadd.f32 $-8.000000000e+00, v18  }
0x13e: {  	[tilespmem:s8+$0xFFFFFFC0] =	vst v8;
	vm6 =	vgt.f32 v20, $0.0e+00;
	v6 =	vmov s0;
	v15 =	vmul.f32 v17, v15  }
0x13f: {  	v8 =	vld [tilespmem:s14+$0xFFFFFFA0];
	[tilespmem:s8+$0xFFFFFFE0] =	vst v12;
	v12 =	vpop (erf);
	vm7 =	vgt.f32 v6, $0.0e+00;
	v20 =	vsel vm6, s15, v21;
	v18 =	vmul.f32 $1.442695020e+00, v18  }
0x140: {  	[tilespmem:s8+$0x50] =	vst v7;
	s18 =	sadd.s32 $0xC0, s8;
	v21 =	vmul.f32 $2.000000030e-01, v6;
	v6 =	vmul.f32 v12, v14;
	v14 =	vpop (erf);
	v20 =	vadd.f32 $-8.000000000e+00, v20  }
0x141: {  	v9 =	vadd.f32 $-8.000000000e+00, v9;
	[tilespmem:s18+$0x0] =	vst v15;
	v13 =	vmul.f32 v14, v13  }
0x142: {  	[tilespmem:s8+$0x40] =	vst v16;
	v7 =	vld [tilespmem:s14+$0x10];
	v15 =	vmul.f32 $1.442695020e+00, v20;
	(erf) = vpow2.f32 v18  }
0x143: {  	v9 =	vmul.f32 $1.442695020e+00, v9;
	v5 =	vmul.f32 v12, v5;
	v16 =	vsel vm7, s0, v21;
	[tilespmem:s18+$0x30] =	vst v13;
	v18 =	vpop (erf)  }
0x144: {  	[tilespmem:s18+$0xFFFFFFD0] =	vst v6;
	v16 =	vadd.f32 $-8.000000000e+00, v16;
	v13 =	vld [tilespmem:s14+$0x40];
	(erf) = vpow2.f32 v15;
	v6 =	vmul.f32 v18, v8  }
0x145: {  	v8 =	vld [tilespmem:s14+$0xFFFFFFE0];
	v1 =	vmul.f32 v18, v1;
	[tilespmem:s18+$0xFFFFFFF0] =	vst v5  }
0x146: {  	(erf) = vpow2.f32 v9;
	v9 =	vmul.f32 $1.442695020e+00, v16;
	[tilespmem:s18+$0xFFFFFFA0] =	vst v6;
	v6 =	vld [tilespmem:s16+$0x0]  }
0x147: {  	v5 =	vmul.f32 v17, v7;
	v7 =	vld [tilespmem:s14+$0xFFFFFFB0];
	[tilespmem:s18+$0xFFFFFFC0] =	vst v1;
	v1 =	vmul.f32 v17, v2;
	_ =	sdelay $0x1  }
0x148: {  	(erf) = vpow2.f32 v9;
	v2 =	vld [tilespmem:s16+$0xFFFFFFD0];
	[tilespmem:s18+$0x20] =	vst v1;
	v1 =	vmul.f32 v14, v13;
	_ =	sdelay $0x1  }
0x149: {  	v9 =	vpop (erf)  }
0x14a: {  	v19 =	vmul.f32 v22, v19;
	[tilespmem:s18+$0x10] =	vst v5;
	v5 =	vld [tilespmem:s16+$0x30];
	v6 =	vmul.f32 v9, v6  }
0x14b: {  	v0 =	vmul.f32 v14, v0;
	[tilespmem:s18+$0x40] =	vst v1;
	v1 =	vpop (erf)  }
0x14c: {  	[tilespmem:s8+$0xFFFFFFB0] =	vst v19;
	v8 =	vmul.f32 v12, v8;
	v12 =	vld [tilespmem:s16+$0xFFFFFFA0];
	v2 =	vmul.f32 v1, v2  }
0x14d: {  	s21 =	sadd.s32 $0xC0, s18;
	[tilespmem:s18+$0x50] =	vst v0  }
0x14e: {  	[tilespmem:s21+$0x0] =	vst v6;
	v6 =	vpop (erf)  }
0x14f: {  	[tilespmem:s18+$0xFFFFFFE0] =	vst v8;
	v0 =	vld [tilespmem:s16+$0x10];
	v5 =	vmul.f32 v6, v5  }
0x150: {  	v7 =	vmul.f32 v18, v7;
	[tilespmem:s21+$0xFFFFFFD0] =	vst v2;
	v2 =	vpop (erf)  }
0x151: {  	v8 =	vld [tilespmem:s16+$0xFFFFFFE0];
	[tilespmem:s21+$0x30] =	vst v5;
	v5 =	vmul.f32 v2, v12  }
0x152: {  	[tilespmem:s18+$0xFFFFFFB0] =	vst v7;
	v7 =	vmul.f32 v1, v11;
	v11 =	vld [tilespmem:s16+$0x40]  }
0x153: {  	v3 =	vmul.f32 v2, v3;
	[tilespmem:s21+$0xFFFFFFA0] =	vst v5  }
0x154: {  	[tilespmem:s21+$0xFFFFFFF0] =	vst v7;
	v0 =	vmul.f32 v9, v0;
	v5 =	vld [tilespmem:s16+$0xFFFFFFB0]  }
0x155: {  	[tilespmem:s21+$0xFFFFFFC0] =	vst v3;
	v3 =	vmul.f32 v9, v4  }
0x156: {  	[tilespmem:s21+$0x10] =	vst v0;
	v1 =	vmul.f32 v1, v8  }
0x157: {  	[tilespmem:s21+$0x20] =	vst v3;
	v0 =	vmul.f32 v6, v11  }
0x158: {  	v3 =	vmul.f32 v6, v10;
	[tilespmem:s21+$0xFFFFFFE0] =	vst v1  }
0x159: {  	[tilespmem:s21+$0x40] =	vst v0;
	v1 =	vmul.f32 v2, v5  }
0x15a: {  	[tilespmem:s21+$0x50] =	vst v3  }
0x15b: {  	s22 =	simm.s32 $0x77C0;
	s25 =	simm.s32 $0xA480;
	[tilespmem:s21+$0xFFFFFFB0] =	vst v1  }
0x15c: {  	[spmem:s3] =	stream.indirect.scatter.add.f32 [tilespmem:s25], [sflag:$0xA], $0x30, s22, s28, $0xb8;
	[tilespmem:$0xB080] =	vst v63  }
0x15d: {  	_ =	swait.ge [sflag:s26], $0xC00  }
0x15e: {  	p0 =	seq.s32 s30, $0x28;
	s0 =	rddreg [dreg:$0xc]  }
0x15f: {  	s0 =	sadd.s32 @!p0 s23, s0  }
0x160: {  	s12 =	simm.s32 @!p0 $0x0;
	[sflag:s26] =	ssyncset.done $0x0;
	s0 =	sshrl.u32 @!p0 s0, $0x3  }
0x161: {  	s13 =	simm.s32 @!p0 $0x7680;
	[sflag:s26] =	ssyncadd.s32 $0xFFFFF400;
	s8 =	sadd.s32 @!p0 s1, s0  }
0x162: {  	[tilespmem:s13], [sflag:$0x1] =	stream.linear.gather @!p0 [hbm4b:s8+s12], $0x40, $0x38;
	[tilespmem:$0xB080] =	vst v63  }
0x163: {  	s0 =	sadd.s32 @!p0 s7, s0;
	s8 =	simm.s32 @!p0 $0x7780  }
0x164: {  	[tilespmem:s8], [sflag:$0x1] =	stream.linear.gather @!p0 [hbm4b:s0+s12], $0x40, $0x38;
	[tilespmem:$0xB080] =	vst v63  }
0x165: {  	_ =	swait.ge [sflag:s24], $0x40  }
0x166: {  	[sflag:s24] =	ssyncset.done $0x0  }
0x167: {  	[sflag:s24] =	ssyncadd.s32 $0xFFFFFFC0  }
0x168: {  	_ =	swait.ge [sflag:s24], $0x40  }
0x169: {  	[sflag:s24] =	ssyncset.done $0x0  }
0x16a: {  	s8 =	simm.s32 $0x8480;
	s12 =	simm.s32 $0x7740;
	[sflag:s24] =	ssyncadd.s32 $0xFFFFFFC0  }
0x16b: {  	[tilespmem:s8], [sflag:$0x6] =	stream.indirect.gather [hbm4b:s5+s28], $0x30, s12, s28, $0xb8;
	[tilespmem:$0xB080] =	vst v63  }
0x16c: {  	s14 =	simm.s32 $0x7840;
	s13 =	simm.s32 $0x9480  }
0x16d: {  	[tilespmem:s13], [sflag:$0x8] =	stream.indirect.gather [hbm4b:s6+s28], $0x10, s14, s28, $0xb8;
	[tilespmem:$0xB080] =	vst v63  }
0x16e: {  	_ =	swait.ge [sflag:s10], $0xC00  }
0x16f: {  	[sflag:s10] =	ssyncset.done $0x0  }
0x170: {  	[sflag:s10] =	ssyncadd.s32 $0xFFFFF400  }
0x171: {  	_ =	swait.ge [sflag:s11], $0x400  }
0x172: {  	[sflag:s11] =	ssyncset.done $0x0  }
0x173: {  	s16 =	simm.s32 $0x78E0;
	[sflag:s11] =	ssyncadd.s32 $0xFFFFFC00  }
0x174: {  	s15 =	simm.s32 $0x90A0;
	v11 =	vld [tilespmem:s16+$0xFFFFFFC0]  }
0x175: {  	v0 =	vld [tilespmem:s15+$0x10]  }
0x176: {  	v14 =	vld [tilespmem:s16+$0x50]  }
0x177: {  	v1 =	vld [tilespmem:s15+$0x0]  }
0x178: {  	v13 =	vld [tilespmem:s16+$0x20]  }
0x179: {  	(v2sf) =	vpush v11, $0x9  }
0x17a: {  	v2 =	vld [tilespmem:s15+$0xFFFFFFF0];
	(v2sf) =	vpush v0, $0x0  }
0x17b: {  	v16 =	vld [tilespmem:s16+$0xFFFFFFF0];
	(v2sf) =	vpush v14, $0x9  }
0x17c: {  	(v2sf) =	vpush v1, $0x0  }
0x17d: {  	(v2sf) =	vpush v13, $0x9;
	_ =	sdelay $0x1  }
0x17e: {  	v0 =	vld [tilespmem:s15+$0xFFFFFFE0];
	(v2sf) =	vpush v2, $0x0  }
0x17f: {  	(v2sf) =	vpush v16, $0x9;
	_ =	sdelay $0x1  }
0x180: {  	s15 =	simm.s32 $0x79A0  }
0x181: {  	s17 =	simm.s32 $0x90E0;
	v8 =	vld [tilespmem:s15+$0xFFFFFFC0]  }
0x182: {  	(v2sf) =	vpush v0, $0x0;
	v0 =	vld [tilespmem:s17+$0x10]  }
0x183: {  	v7 =	vld [tilespmem:s15+$0x50]  }
0x184: {  	v1 =	vld [tilespmem:s17+$0x0]  }
0x185: {  	v6 =	vld [tilespmem:s15+$0x20]  }
0x186: {  	(v2sf) =	vpush v8, $0x9;
	s8 =	spop (v2sf)  }
0x187: {  	v2 =	vld [tilespmem:s17+$0xFFFFFFF0];
	(v2sf) =	vpush v0, $0x0;
	s12 =	spop (v2sf)  }
0x188: {  	v9 =	vld [tilespmem:s15+$0xFFFFFFF0];
	(v2sf) =	vpush v7, $0x9;
	s13 =	spop (v2sf)  }
0x189: {  	v0 =	vld [tilespmem:s17+$0xFFFFFFE0];
	(v2sf) =	vpush v1, $0x0;
	s18 =	spop (v2sf)  }
0x18a: {  	(v2sf) =	vpush v6, $0x9;
	s21 =	spop (v2sf)  }
0x18b: {  	s0 =	sadd.f32 s18, s21  }
0x18c: {  	(v2sf) =	vpush v2, $0x0;
	s22 =	spop (v2sf)  }
0x18d: {  	(v2sf) =	vpush v9, $0x9;
	s25 =	spop (v2sf);
	v1 =	vmov s0  }
0x18e: {  	(v2sf) =	vpush v0, $0x0;
	s17 =	sadd.f32 s22, s25;
	v0 =	vmul.f32 $2.000000030e-01, v1  }
0x18f: {  	s12 =	sadd.f32 s12, s13;
	vm8 =	vgt.f32 v1, $0.0e+00  }
0x190: {  	s14 =	simm.s32 $0x7A60;
	v2 =	vmov s17;
	v0 =	vsel vm8, s0, v0  }
0x191: {  	v3 =	vmov s12;
	s21 =	simm.s32 $0x9120;
	s18 =	spop (v2sf);
	v1 =	vld [tilespmem:s14+$0xFFFFFFC0];
	v4 =	vmul.f32 $2.000000030e-01, v2;
	v0 =	vadd.f32 $-8.000000000e+00, v0  }
0x192: {  	v5 =	vmul.f32 $2.000000030e-01, v3;
	v10 =	vld [tilespmem:s21+$0x10];
	s0 =	sadd.f32 s18, s8;
	vm9 =	vgt.f32 v2, $0.0e+00  }
0x193: {  	vm10 =	vgt.f32 v3, $0.0e+00;
	v2 =	vsel vm9, s17, v4;
	v3 =	vmul.f32 $1.442695020e+00, v0  }
0x194: {  	v5 =	vsel vm10, s12, v5;
	v12 =	vmov s0;
	v0 =	vld [tilespmem:s14+$0x50];
	v15 =	vadd.f32 $-8.000000000e+00, v2  }
0x195: {  	v5 =	vadd.f32 $-8.000000000e+00, v5;
	s8 =	spop (v2sf);
	v4 =	vld [tilespmem:s21+$0x0];
	v17 =	vmul.f32 $2.000000030e-01, v12;
	(erf) = vpow2.f32 v3  }
0x196: {  	s22 =	spop (v2sf);
	v2 =	vld [tilespmem:s14+$0x20];
	vm11 =	vgt.f32 v12, $0.0e+00;
	(v2sf) =	vpush v1, $0x9;
	v3 =	vmul.f32 $1.442695020e+00, v15  }
0x197: {  	s25 =	spop (v2sf);
	(v2sf) =	vpush v10, $0x0;
	v12 =	vsel vm11, s0, v17;
	v17 =	vld [tilespmem:s21+$0xFFFFFFF0]  }
0x198: {  	s17 =	spop (v2sf);
	v15 =	vmul.f32 $1.442695020e+00, v5;
	v5 =	vld [tilespmem:s14+$0xFFFFFFF0];
	v10 =	vadd.f32 $-8.000000000e+00, v12;
	(erf) = vpow2.f32 v3  }
0x199: {  	s0 =	sadd.f32 s22, s25;
	s18 =	spop (v2sf);
	v12 =	vld [tilespmem:s21+$0xFFFFFFE0];
	(v2sf) =	vpush v0, $0x9  }
0x19a: {  	s12 =	sadd.f32 s17, s18;
	(erf) = vpow2.f32 v15;
	v3 =	vmul.f32 $1.442695020e+00, v10;
	(v2sf) =	vpush v4, $0x0;
	v4 =	vld [tilespmem:s16+$0x0]  }
0x19b: {  	v18 =	vld [tilespmem:s16+$0xFFFFFFA0];
	v10 =	vmov s0;
	s21 =	spop (v2sf);
	(v2sf) =	vpush v2, $0x9  }
0x19c: {  	s31 =	simm.s32 $0x7B20;
	v19 =	vld [tilespmem:s16+$0xFFFFFFD0];
	v15 =	vmov s12;
	(erf) = vpow2.f32 v3;
	s22 =	spop (v2sf);
	(v2sf) =	vpush v17, $0x0  }
0x19d: {  	vm12 =	vgt.f32 v10, $0.0e+00;
	v20 =	vmul.f32 $2.000000030e-01, v15;
	v3 =	vld [tilespmem:s31+$0xFFFFFFC0];
	s13 =	sadd.f32 s21, s22;
	(v2sf) =	vpush v5, $0x9  }
0x19e: {  	v10 =	vmul.f32 $2.000000030e-01, v10;
	vm13 =	vgt.f32 v15, $0.0e+00;
	v17 =	vld [tilespmem:s16+$0x30];
	s25 =	spop (v2sf);
	s22 =	simm.s32 $0x9160;
	(v2sf) =	vpush v12, $0x0;
	v23 =	vpop (erf)  }
0x19f: {  	v20 =	vsel vm13, s12, v20;
	s8 =	sadd.f32 s25, s8;
	v56 =	vld [tilespmem:s22+$0x0];
	v21 =	vmov s13;
	v15 =	vmul.f32 v23, v4  }
0x1a0: {  	v20 =	vadd.f32 $-8.000000000e+00, v20;
	v60 =	vld [tilespmem:s22+$0x10];
	v57 =	vmul.f32 $2.000000030e-01, v21  }
0x1a1: {  	v12 =	vld [tilespmem:s22+$0xFFFFFFE0];
	v22 =	vmov s8;
	vm14 =	vgt.f32 v21, $0.0e+00;
	v21 =	vsel vm12, s0, v10;
	v58 =	vpop (erf)  }
0x1a2: {  	s17 =	simm.s32 $0x98E0;
	v20 =	vmul.f32 $1.442695020e+00, v20;
	v4 =	vld [tilespmem:s31+$0x20];
	v10 =	vsel vm14, s13, v57;
	v19 =	vmul.f32 v58, v19  }
0x1a3: {  	vm15 =	vgt.f32 v22, $0.0e+00;
	v22 =	vmul.f32 $2.000000030e-01, v22;
	[tilespmem:s17+$0x0] =	vst v15;
	v61 =	vadd.f32 $-8.000000000e+00, v10;
	v10 =	vld [tilespmem:s31+$0x50];
	v15 =	vpop (erf)  }
0x1a4: {  	v21 =	vadd.f32 $-8.000000000e+00, v21;
	(erf) = vpow2.f32 v20;
	v59 =	vld [tilespmem:s16+$0x10];
	[tilespmem:s17+$0xFFFFFFD0] =	vst v19;
	v17 =	vmul.f32 v15, v17  }
0x1a5: {  	(v2sf) =	vpush v3, $0x9;
	v19 =	vmul.f32 v58, v16;
	v28 =	vmul.f32 $1.442695020e+00, v61;
	v16 =	vpop (erf);
	v20 =	vld [tilespmem:s16+$0xFFFFFFE0]  }
0x1a6: {  	v21 =	vmul.f32 $1.442695020e+00, v21;
	s12 =	spop (v2sf);
	v29 =	vmul.f32 v16, v18;
	[tilespmem:s17+$0x30] =	vst v17;
	v17 =	vsel vm15, s8, v22;
	v22 =	vld [tilespmem:s22+$0xFFFFFFF0]  }
0x1a7: {  	s13 =	spop (v2sf);
	v14 =	vmul.f32 v15, v14;
	(erf) = vpow2.f32 v28;
	v18 =	vld [tilespmem:s16+$0x40];
	v17 =	vadd.f32 $-8.000000000e+00, v17  }
0x1a8: {  	(v2sf) =	vpush v60, $0x0;
	v62 =	vmul.f32 v16, v11;
	v11 =	vld [tilespmem:s31+$0xFFFFFFF0];
	(erf) = vpow2.f32 v21;
	s21 =	spop (v2sf);
	[tilespmem:s17+$0xFFFFFFA0] =	vst v29  }
0x1a9: {  	[tilespmem:s17+$0xFFFFFFF0] =	vst v19;
	(v2sf) =	vpush v10, $0x9;
	v25 =	vmul.f32 v23, v59;
	s18 =	spop (v2sf);
	s21 =	sadd.f32 s13, s21;
	v19 =	vld [tilespmem:s16+$0xFFFFFFB0];
	v63 =	vmul.f32 $1.442695020e+00, v17  }
0x1aa: {  	v21 =	vld [tilespmem:s15+$0x0];
	s8 =	simm.s32 $0x98E0;
	(v2sf) =	vpush v56, $0x0;
	s13 =	simm.s32 $0xC;
	[tilespmem:s17+$0xFFFFFFC0] =	vst v62;
	s25 =	spop (v2sf);
	v17 =	vmul.f32 v58, v20;
	v20 =	vmul.f32 v23, v13  }
0x1ab: {  	(v2sf) =	vpush v4, $0x9;
	s16 =	simm.s32 $0x7B20;
	v13 =	vld [tilespmem:s15+$0xFFFFFFA0];
	[tilespmem:s17+$0x10] =	vst v25;
	s25 =	sadd.f32 s18, s25;
	v23 =	vmov s21;
	s0 =	spop (v2sf);
	(erf) = vpow2.f32 v63  }
.LBB2_7:
0x1ac: {  	s13 =	sadd.s32 $0x4, s13;
	(v2sf) =	vpush v22, $0x0;
	vm0 =	vgt.f32 v23, $0.0e+00;
	s18 =	spop (v2sf);
	v22 =	vld [tilespmem:s15+$0x30];
	[tilespmem:s17+$0x20] =	vst v20;
	v15 =	vmul.f32 v15, v18;
	s8 =	sadd.s32 $0xC0, s8;
	v20 =	vmovc v10  }
0x1ad: {  	s31 =	sadd.s32 $0xC0, s31;
	v18 =	vmul.f32 $2.000000030e-01, v23;
	(v2sf) =	vpush v11, $0x9;
	s0 =	sadd.f32 s0, s18;
	v10 =	vmov s25;
	s18 =	spop (v2sf);
	v23 =	vld [tilespmem:s15+$0xFFFFFFD0];
	[tilespmem:s17+$0xFFFFFFE0] =	vst v17  }
0x1ae: {  	s22 =	sadd.s32 $0x40, s22;
	p1 =	slt.u32 s13, $0x3C;
	v17 =	vld [tilespmem:s31+$0xFFFFFFC0];
	(v2sf) =	vpush v12, $0x0;
	s18 =	sadd.f32 s18, s12;
	v24 =	vmul.f32 $2.000000030e-01, v10;
	v25 =	vpop (erf);
	v16 =	vmul.f32 v16, v19;
	[tilespmem:s17+$0x40] =	vst v15  }
0x1af: {  	vm1 =	vgt.f32 v10, $0.0e+00;
	v12 =	vld [tilespmem:s22+$0xFFFFFFE0];
	v28 =	vmov s0;
	v10 =	vmul.f32 v25, v21;
	[tilespmem:s17+$0x50] =	vst v14  }
0x1b0: {  	v21 =	vld [tilespmem:s22+$0x0];
	v14 =	vmov s18;
	v19 =	vmul.f32 $2.000000030e-01, v28;
	v24 =	vsel vm1, s25, v24;
	v26 =	vpop (erf);
	[tilespmem:s17+$0xFFFFFFB0] =	vst v16;
	s17 =	smov.u32 s8  }
0x1b1: {  	v18 =	vsel vm0, s21, v18;
	vm1 =	vgt.f32 v28, $0.0e+00;
	v27 =	vld [tilespmem:s31+$0x20];
	v30 =	vadd.f32 $-8.000000000e+00, v24;
	[tilespmem:s8+$0x0] =	vst v10;
	v15 =	vpop (erf)  }
0x1b2: {  	vm0 =	vgt.f32 v14, $0.0e+00;
	v10 =	vsel vm1, s0, v19;
	v19 =	vmul.f32 v26, v23;
	v23 =	vld [tilespmem:s15+$0x10]  }
0x1b3: {  	v22 =	vmul.f32 v15, v22;
	v24 =	vld [tilespmem:s22+$0x10];
	v28 =	vadd.f32 $-8.000000000e+00, v10;
	v29 =	vmul.f32 $1.442695020e+00, v30  }
0x1b4: {  	v18 =	vadd.f32 $-8.000000000e+00, v18;
	v14 =	vmul.f32 $2.000000030e-01, v14;
	v10 =	vld [tilespmem:s31+$0x50];
	s12 =	spop (v2sf);
	[tilespmem:s8+$0xFFFFFFD0] =	vst v19;
	v19 =	vmul.f32 v26, v9;
	v16 =	vpop (erf)  }
0x1b5: {  	v9 =	vmovc v5;
	v5 =	vmovc v11;
	(v2sf) =	vpush v17, $0x9;
	v28 =	vmul.f32 $1.442695020e+00, v28;
	(erf) = vpow2.f32 v29;
	v29 =	vld [tilespmem:s15+$0xFFFFFFE0];
	[tilespmem:s8+$0x30] =	vst v22  }
0x1b6: {  	v11 =	vsel vm0, s18, v14;
	v14 =	vmul.f32 $1.442695020e+00, v18;
	v13 =	vmul.f32 v16, v13;
	[tilespmem:s8+$0xFFFFFFF0] =	vst v19;
	v18 =	vld [tilespmem:s15+$0x40]  }
.Ltmp2:
0x1b7: {  	v19 =	vadd.f32 $-8.000000000e+00, v11;
	v22 =	vld [tilespmem:s22+$0xFFFFFFF0];
	s0 =	spop (v2sf);
	(erf) = vpow2.f32 v28;
	v28 =	vmul.f32 v16, v8;
	v8 =	vmovc v1;
	v1 =	vmovc v3;
	(pc) =	sbr.rel @p1 .LBB2_7-.Ltmp2, $4  }
0x1b8: {  	v3 =	vmovc v17;
	v11 =	vld [tilespmem:s31+$0xFFFFFFF0];
	(v2sf) =	vpush v24, $0x0;
	s18 =	spop (v2sf);
	(erf) = vpow2.f32 v14;
	[tilespmem:s8+$0xFFFFFFA0] =	vst v13;
	v24 =	vmul.f32 v25, v23  }
0x1b9: {  	v30 =	vmul.f32 $1.442695020e+00, v19;
	v14 =	vmul.f32 v15, v7;
	v7 =	vmovc v0;
	v0 =	vmovc v20;
	(v2sf) =	vpush v10, $0x9;
	s21 =	sadd.f32 s0, s18;
	s0 =	spop (v2sf);
	v19 =	vld [tilespmem:s15+$0xFFFFFFB0];
	s15 =	smov.u32 s14  }
0x1ba: {  	v20 =	vmul.f32 v25, v6;
	v6 =	vmovc v2;
	s14 =	smov.u32 s16;
	s16 =	smov.u32 s31;
	(v2sf) =	vpush v21, $0x0;
	s18 =	spop (v2sf);
	v21 =	vld [tilespmem:s15+$0x0];
	[tilespmem:s8+$0xFFFFFFC0] =	vst v28;
	v17 =	vmul.f32 v26, v29  }
0x1bb: {  	v2 =	vmovc v4;
	v4 =	vmovc v27;
	(v2sf) =	vpush v27, $0x9;
	s25 =	sadd.f32 s0, s18;
	v23 =	vmov s21;
	s0 =	spop (v2sf);
	v13 =	vld [tilespmem:s15+$0xFFFFFFA0];
	(erf) = vpow2.f32 v30;
	[tilespmem:s8+$0x10] =	vst v24  }
0x1bc: {  	_ = 	snop  }
0x1bd: {  	(v2sf) =	vpush v22, $0x0  }
0x1be: {  	(v2sf) =	vpush v11, $0x9  }
0x1bf: {  	s13 =	spop (v2sf);
	vm0 =	vgt.f32 v23, $0.0e+00  }
0x1c0: {  	v15 =	vmul.f32 v15, v18;
	v22 =	vld [tilespmem:s15+$0xFFFFFFD0];
	s0 =	sadd.f32 s0, s13;
	v18 =	vmov s25;
	s18 =	spop (v2sf);
	(v2sf) =	vpush v12, $0x0;
	v25 =	vpop (erf)  }
0x1c1: {  	v24 =	vld [tilespmem:s15+$0x30];
	v12 =	vmul.f32 $2.000000030e-01, v18;
	s12 =	sadd.f32 s18, s12;
	vm1 =	vgt.f32 v18, $0.0e+00;
	v18 =	vmul.f32 v25, v21  }
0x1c2: {  	v23 =	vmul.f32 $2.000000030e-01, v23;
	v16 =	vmul.f32 v16, v19;
	v19 =	vmov s0  }
0x1c3: {  	v21 =	vmul.f32 $2.000000030e-01, v19;
	v12 =	vsel vm1, s25, v12;
	v26 =	vmov s12  }
0x1c4: {  	s8 =	sadd.s32 $0xC0, s8;
	v27 =	vpop (erf);
	vm14 =	vgt.f32 v19, $0.0e+00;
	v19 =	vsel vm0, s21, v23;
	v12 =	vadd.f32 $-8.000000000e+00, v12  }
0x1c5: {  	[tilespmem:s8+$0x0] =	vst v18;
	v22 =	vmul.f32 v27, v22;
	v28 =	vmul.f32 $2.000000030e-01, v26;
	v21 =	vsel vm14, s0, v21;
	v18 =	vpop (erf)  }
0x1c6: {  	v21 =	vadd.f32 $-8.000000000e+00, v21;
	v12 =	vmul.f32 $1.442695020e+00, v12;
	v24 =	vmul.f32 v18, v24;
	s0 =	spop (v2sf)  }
0x1c7: {  	v6 =	vmul.f32 v25, v6;
	v19 =	vadd.f32 $-8.000000000e+00, v19;
	vm15 =	vgt.f32 v26, $0.0e+00;
	v23 =	vld [tilespmem:s15+$0x10];
	[tilespmem:s8+$0xFFFFFFD0] =	vst v22;
	s21 =	spop (v2sf)  }
0x1c8: {  	v53 =	vsel vm15, s12, v28;
	v21 =	vmul.f32 $1.442695020e+00, v21;
	(erf) = vpow2.f32 v12;
	v12 =	vld [tilespmem:s15+$0xFFFFFFE0];
	[tilespmem:s8+$0x30] =	vst v24;
	s22 =	spop (v2sf)  }
0x1c9: {  	[tilespmem:s17+$0x20] =	vst v20;
	v9 =	vmul.f32 v27, v9;
	v19 =	vmul.f32 $1.442695020e+00, v19;
	v22 =	vpop (erf);
	v24 =	vadd.f32 $-8.000000000e+00, v53;
	v20 =	vld [tilespmem:s15+$0x40];
	s18 =	spop (v2sf)  }
0x1ca: {  	[tilespmem:s17+$0xFFFFFFE0] =	vst v17;
	v13 =	vmul.f32 v22, v13;
	(erf) = vpow2.f32 v21;
	s25 =	spop (v2sf)  }
0x1cb: {  	[tilespmem:s17+$0x50] =	vst v14;
	(erf) = vpow2.f32 v19;
	v17 =	vmul.f32 $1.442695020e+00, v24;
	s13 =	sadd.f32 s18, s25  }
0x1cc: {  	v7 =	vmul.f32 v18, v7;
	[tilespmem:s8+$0xFFFFFFA0] =	vst v13;
	v13 =	vmul.f32 v25, v23;
	s12 =	sadd.f32 s21, s22;
	s21 =	spop (v2sf)  }
0x1cd: {  	[tilespmem:s17+$0x40] =	vst v15;
	v15 =	vld [tilespmem:s14+$0x0];
	v12 =	vmul.f32 v27, v12;
	(erf) = vpow2.f32 v17;
	s22 =	spop (v2sf);
	v17 =	vmov s13  }
0x1ce: {  	[tilespmem:s17+$0xFFFFFFB0] =	vst v16;
	v19 =	vld [tilespmem:s15+$0xFFFFFFB0];
	v14 =	vmov s12;
	v16 =	vmul.f32 v18, v20;
	s15 =	sadd.f32 s21, s22;
	v18 =	vmul.f32 $2.000000030e-01, v17  }
0x1cf: {  	[tilespmem:s8+$0xFFFFFFF0] =	vst v9;
	vm4 =	vgt.f32 v14, $0.0e+00;
	v9 =	vmul.f32 $2.000000030e-01, v14;
	v14 =	vld [tilespmem:s14+$0xFFFFFFD0];
	s25 =	spop (v2sf);
	vm5 =	vgt.f32 v17, $0.0e+00  }
0x1d0: {  	v8 =	vmul.f32 v22, v8;
	[tilespmem:s8+$0x10] =	vst v13;
	v13 =	vld [tilespmem:s14+$0x30];
	s0 =	sadd.f32 s25, s0;
	v20 =	vmov s15;
	v18 =	vsel vm5, s13, v18  }
0x1d1: {  	[tilespmem:s8+$0x20] =	vst v6;
	v9 =	vsel vm4, s12, v9;
	v17 =	vpop (erf);
	v21 =	vmul.f32 $2.000000030e-01, v20;
	v18 =	vadd.f32 $-8.000000000e+00, v18  }
0x1d2: {  	[tilespmem:s8+$0xFFFFFFC0] =	vst v8;
	vm6 =	vgt.f32 v20, $0.0e+00;
	v6 =	vmov s0;
	v15 =	vmul.f32 v17, v15  }
0x1d3: {  	v8 =	vld [tilespmem:s14+$0xFFFFFFA0];
	[tilespmem:s8+$0xFFFFFFE0] =	vst v12;
	v12 =	vpop (erf);
	vm7 =	vgt.f32 v6, $0.0e+00;
	v20 =	vsel vm6, s15, v21;
	v18 =	vmul.f32 $1.442695020e+00, v18  }
0x1d4: {  	[tilespmem:s8+$0x50] =	vst v7;
	s18 =	sadd.s32 $0xC0, s8;
	v21 =	vmul.f32 $2.000000030e-01, v6;
	v6 =	vmul.f32 v12, v14;
	v14 =	vpop (erf);
	v20 =	vadd.f32 $-8.000000000e+00, v20  }
0x1d5: {  	v9 =	vadd.f32 $-8.000000000e+00, v9;
	[tilespmem:s18+$0x0] =	vst v15;
	v13 =	vmul.f32 v14, v13  }
0x1d6: {  	[tilespmem:s8+$0x40] =	vst v16;
	v7 =	vld [tilespmem:s14+$0x10];
	v15 =	vmul.f32 $1.442695020e+00, v20;
	(erf) = vpow2.f32 v18  }
0x1d7: {  	v9 =	vmul.f32 $1.442695020e+00, v9;
	v5 =	vmul.f32 v12, v5;
	v16 =	vsel vm7, s0, v21;
	[tilespmem:s18+$0x30] =	vst v13;
	v18 =	vpop (erf)  }
0x1d8: {  	[tilespmem:s18+$0xFFFFFFD0] =	vst v6;
	v16 =	vadd.f32 $-8.000000000e+00, v16;
	v13 =	vld [tilespmem:s14+$0x40];
	(erf) = vpow2.f32 v15;
	v6 =	vmul.f32 v18, v8  }
0x1d9: {  	v8 =	vld [tilespmem:s14+$0xFFFFFFE0];
	v1 =	vmul.f32 v18, v1;
	[tilespmem:s18+$0xFFFFFFF0] =	vst v5  }
0x1da: {  	(erf) = vpow2.f32 v9;
	v9 =	vmul.f32 $1.442695020e+00, v16;
	[tilespmem:s18+$0xFFFFFFA0] =	vst v6;
	v6 =	vld [tilespmem:s16+$0x0]  }
0x1db: {  	v5 =	vmul.f32 v17, v7;
	v7 =	vld [tilespmem:s14+$0xFFFFFFB0];
	[tilespmem:s18+$0xFFFFFFC0] =	vst v1;
	v1 =	vmul.f32 v17, v2;
	_ =	sdelay $0x1  }
0x1dc: {  	(erf) = vpow2.f32 v9;
	v2 =	vld [tilespmem:s16+$0xFFFFFFD0];
	[tilespmem:s18+$0x20] =	vst v1;
	v1 =	vmul.f32 v14, v13;
	_ =	sdelay $0x1  }
0x1dd: {  	v9 =	vpop (erf)  }
0x1de: {  	v19 =	vmul.f32 v22, v19;
	[tilespmem:s18+$0x10] =	vst v5;
	v5 =	vld [tilespmem:s16+$0x30];
	v6 =	vmul.f32 v9, v6  }
0x1df: {  	v0 =	vmul.f32 v14, v0;
	[tilespmem:s18+$0x40] =	vst v1;
	v1 =	vpop (erf)  }
0x1e0: {  	[tilespmem:s8+$0xFFFFFFB0] =	vst v19;
	v8 =	vmul.f32 v12, v8;
	v12 =	vld [tilespmem:s16+$0xFFFFFFA0];
	v2 =	vmul.f32 v1, v2  }
0x1e1: {  	s21 =	sadd.s32 $0xC0, s18;
	[tilespmem:s18+$0x50] =	vst v0  }
0x1e2: {  	[tilespmem:s21+$0x0] =	vst v6;
	v6 =	vpop (erf)  }
0x1e3: {  	[tilespmem:s18+$0xFFFFFFE0] =	vst v8;
	v0 =	vld [tilespmem:s16+$0x10];
	v5 =	vmul.f32 v6, v5  }
0x1e4: {  	v7 =	vmul.f32 v18, v7;
	[tilespmem:s21+$0xFFFFFFD0] =	vst v2;
	v2 =	vpop (erf)  }
0x1e5: {  	v8 =	vld [tilespmem:s16+$0xFFFFFFE0];
	[tilespmem:s21+$0x30] =	vst v5;
	v5 =	vmul.f32 v2, v12  }
0x1e6: {  	[tilespmem:s18+$0xFFFFFFB0] =	vst v7;
	v7 =	vmul.f32 v1, v11;
	v11 =	vld [tilespmem:s16+$0x40]  }
0x1e7: {  	v3 =	vmul.f32 v2, v3;
	[tilespmem:s21+$0xFFFFFFA0] =	vst v5  }
0x1e8: {  	[tilespmem:s21+$0xFFFFFFF0] =	vst v7;
	v0 =	vmul.f32 v9, v0;
	v5 =	vld [tilespmem:s16+$0xFFFFFFB0]  }
0x1e9: {  	[tilespmem:s21+$0xFFFFFFC0] =	vst v3;
	v3 =	vmul.f32 v9, v4  }
0x1ea: {  	[tilespmem:s21+$0x10] =	vst v0;
	v1 =	vmul.f32 v1, v8  }
0x1eb: {  	[tilespmem:s21+$0x20] =	vst v3;
	v0 =	vmul.f32 v6, v11  }
0x1ec: {  	v3 =	vmul.f32 v6, v10;
	[tilespmem:s21+$0xFFFFFFE0] =	vst v1  }
0x1ed: {  	[tilespmem:s21+$0x40] =	vst v0;
	v1 =	vmul.f32 v2, v5  }
0x1ee: {  	[tilespmem:s21+$0x50] =	vst v3  }
0x1ef: {  	s22 =	simm.s32 $0x7800;
	s25 =	simm.s32 $0x9880;
	[tilespmem:s21+$0xFFFFFFB0] =	vst v1  }
0x1f0: {  	[spmem:s3] =	stream.indirect.scatter.add.f32 [tilespmem:s25], [sflag:$0x9], $0x30, s22, s28, $0xb8;
	[tilespmem:$0xB080] =	vst v63  }
0x1f1: {  	_ =	swait.ge [sflag:s29], $0xC00  }
0x1f2: {  	s0 =	rddreg [dreg:$0xd]  }
0x1f3: {  	s0 =	sadd.s32 @!p0 s23, s0  }
0x1f4: {  	s12 =	simm.s32 @!p0 $0x0;
	[sflag:s29] =	ssyncset.done $0x0;
	s0 =	sshrl.u32 @!p0 s0, $0x3  }
0x1f5: {  	s13 =	simm.s32 @!p0 $0x76C0;
	[sflag:s29] =	ssyncadd.s32 $0xFFFFF400;
	s8 =	sadd.s32 @!p0 s1, s0  }
0x1f6: {  	[tilespmem:s13], [sflag:$0x2] =	stream.linear.gather @!p0 [hbm4b:s8+s12], $0x40, $0x38;
	[tilespmem:$0xB080] =	vst v63  }
0x1f7: {  	s0 =	sadd.s32 @!p0 s7, s0;
	s8 =	simm.s32 @!p0 $0x77C0  }
0x1f8: {  	[tilespmem:s8], [sflag:$0x2] =	stream.linear.gather @!p0 [hbm4b:s0+s12], $0x40, $0x38;
	[tilespmem:$0xB080] =	vst v63  }
0x1f9: {  	s0 =	simm.s32 @!p0 $0x1  }
0x1fa: {  	_ =	swait.ge @!p0 [sflag:s0], $0x40  }
0x1fb: {  	[sflag:s0] =	ssyncset.done @!p0 $0x0  }
0x1fc: {  	[sflag:s0] =	ssyncadd.s32 @!p0 $0xFFFFFFC0  }
0x1fd: {  	_ =	swait.ge @!p0 [sflag:s0], $0x40  }
0x1fe: {  	s8 =	simm.s32 @!p0 $0x7680;
	[sflag:s0] =	ssyncset.done @!p0 $0x0  }
0x1ff: {  	s12 =	simm.s32 @!p0 $0x7880;
	[sflag:s0] =	ssyncadd.s32 @!p0 $0xFFFFFFC0;
	s0 =	simm.s32 @!p0 $0x40  }
0x200: {  	[tilespmem:s12], [sflag:$0x5] =	stream.indirect.gather @!p0 [hbm4b:s5+s0], $0x30, s8, s0, $0xb8;
	[tilespmem:$0xB080] =	vst v63  }
0x201: {  	s8 =	simm.s32 @!p0 $0x7780;
	s12 =	simm.s32 @!p0 $0x9080  }
0x202: {  	[tilespmem:s12], [sflag:$0x7] =	stream.indirect.gather @!p0 [hbm4b:s6+s0], $0x10, s8, s0, $0xb8;
	[tilespmem:$0xB080] =	vst v63  }
0x203: {  	_ =	swait.ge [sflag:s9], $0xC00  }
0x204: {  	[sflag:s9] =	ssyncset.done $0x0  }
0x205: {  	[sflag:s9] =	ssyncadd.s32 $0xFFFFF400  }
0x206: {  	_ =	swait.ge [sflag:s20], $0x400  }
0x207: {  	[sflag:s20] =	ssyncset.done $0x0  }
0x208: {  	s16 =	simm.s32 $0x84E0;
	[sflag:s20] =	ssyncadd.s32 $0xFFFFFC00  }
0x209: {  	s8 =	simm.s32 $0x94A0;
	v11 =	vld [tilespmem:s16+$0xFFFFFFC0]  }
0x20a: {  	v0 =	vld [tilespmem:s8+$0x10]  }
0x20b: {  	v14 =	vld [tilespmem:s16+$0x50]  }
0x20c: {  	v1 =	vld [tilespmem:s8+$0x0]  }
0x20d: {  	v13 =	vld [tilespmem:s16+$0x20]  }
0x20e: {  	(v2sf) =	vpush v11, $0x9  }
0x20f: {  	(v2sf) =	vpush v0, $0x0  }
0x210: {  	v2 =	vld [tilespmem:s8+$0xFFFFFFF0];
	(v2sf) =	vpush v14, $0x9  }
0x211: {  	v16 =	vld [tilespmem:s16+$0xFFFFFFF0];
	(v2sf) =	vpush v1, $0x0  }
0x212: {  	(v2sf) =	vpush v13, $0x9  }
0x213: {  	v0 =	vld [tilespmem:s8+$0xFFFFFFE0];
	_ =	sdelay $0x1  }
0x214: {  	(v2sf) =	vpush v2, $0x0  }
0x215: {  	s15 =	simm.s32 $0x85A0;
	(v2sf) =	vpush v16, $0x9  }
0x216: {  	s12 =	simm.s32 $0x94E0;
	v8 =	vld [tilespmem:s15+$0xFFFFFFC0]  }
0x217: {  	(v2sf) =	vpush v0, $0x0;
	v0 =	vld [tilespmem:s12+$0x10]  }
0x218: {  	v7 =	vld [tilespmem:s15+$0x50]  }
0x219: {  	v1 =	vld [tilespmem:s12+$0x0]  }
0x21a: {  	v6 =	vld [tilespmem:s15+$0x20]  }
0x21b: {  	(v2sf) =	vpush v8, $0x9  }
0x21c: {  	(v2sf) =	vpush v0, $0x0;
	s8 =	spop (v2sf)  }
0x21d: {  	v2 =	vld [tilespmem:s12+$0xFFFFFFF0];
	(v2sf) =	vpush v7, $0x9;
	s13 =	spop (v2sf)  }
0x21e: {  	v9 =	vld [tilespmem:s15+$0xFFFFFFF0];
	(v2sf) =	vpush v1, $0x0;
	s18 =	spop (v2sf)  }
0x21f: {  	v0 =	vld [tilespmem:s12+$0xFFFFFFE0];
	(v2sf) =	vpush v6, $0x9;
	s21 =	spop (v2sf)  }
0x220: {  	s22 =	spop (v2sf)  }
0x221: {  	s0 =	sadd.f32 s21, s22  }
0x222: {  	(v2sf) =	vpush v2, $0x0  }
0x223: {  	s23 =	spop (v2sf);
	(v2sf) =	vpush v9, $0x9;
	v1 =	vmov s0  }
0x224: {  	s12 =	sadd.f32 s13, s18;
	s25 =	spop (v2sf);
	(v2sf) =	vpush v0, $0x0;
	v0 =	vmul.f32 $2.000000030e-01, v1  }
0x225: {  	s17 =	sadd.f32 s23, s25;
	vm8 =	vgt.f32 v1, $0.0e+00  }
0x226: {  	v0 =	vsel vm8, s0, v0  }
0x227: {  	s14 =	simm.s32 $0x8660;
	v3 =	vmov s12;
	s13 =	spop (v2sf);
	v2 =	vmov s17;
	v0 =	vadd.f32 $-8.000000000e+00, v0  }
0x228: {  	s18 =	simm.s32 $0x9520;
	v5 =	vmul.f32 $2.000000030e-01, v3;
	v1 =	vld [tilespmem:s14+$0xFFFFFFC0];
	v4 =	vmul.f32 $2.000000030e-01, v2;
	s0 =	sadd.f32 s13, s8  }
0x229: {  	v10 =	vld [tilespmem:s18+$0x10];
	vm10 =	vgt.f32 v3, $0.0e+00;
	vm9 =	vgt.f32 v2, $0.0e+00;
	v3 =	vmul.f32 $1.442695020e+00, v0  }
0x22a: {  	v5 =	vsel vm10, s12, v5;
	s8 =	spop (v2sf);
	v2 =	vsel vm9, s17, v4;
	v12 =	vmov s0;
	v0 =	vld [tilespmem:s14+$0x50]  }
0x22b: {  	v4 =	vld [tilespmem:s18+$0x0];
	s21 =	spop (v2sf);
	v15 =	vadd.f32 $-8.000000000e+00, v2;
	v17 =	vmul.f32 $2.000000030e-01, v12;
	(erf) = vpow2.f32 v3  }
0x22c: {  	v5 =	vadd.f32 $-8.000000000e+00, v5;
	v2 =	vld [tilespmem:s14+$0x20];
	vm11 =	vgt.f32 v12, $0.0e+00;
	s22 =	spop (v2sf)  }
0x22d: {  	(v2sf) =	vpush v1, $0x9;
	s23 =	spop (v2sf);
	v3 =	vmul.f32 $1.442695020e+00, v15;
	v12 =	vsel vm11, s0, v17;
	v17 =	vld [tilespmem:s18+$0xFFFFFFF0]  }
0x22e: {  	(v2sf) =	vpush v10, $0x0;
	v15 =	vmul.f32 $1.442695020e+00, v5;
	v5 =	vld [tilespmem:s14+$0xFFFFFFF0];
	s0 =	sadd.f32 s21, s22;
	s25 =	spop (v2sf);
	v10 =	vadd.f32 $-8.000000000e+00, v12  }
0x22f: {  	v12 =	vld [tilespmem:s18+$0xFFFFFFE0];
	s12 =	sadd.f32 s23, s25;
	(erf) = vpow2.f32 v3;
	(v2sf) =	vpush v0, $0x9  }
0x230: {  	(erf) = vpow2.f32 v15;
	v3 =	vmul.f32 $1.442695020e+00, v10;
	(v2sf) =	vpush v4, $0x0;
	v4 =	vld [tilespmem:s16+$0x0]  }
0x231: {  	v18 =	vld [tilespmem:s16+$0xFFFFFFA0];
	v10 =	vmov s0;
	v15 =	vmov s12;
	s17 =	spop (v2sf);
	(v2sf) =	vpush v2, $0x9  }
0x232: {  	v19 =	vld [tilespmem:s16+$0xFFFFFFD0];
	s22 =	simm.s32 $0x9560;
	v20 =	vmul.f32 $2.000000030e-01, v15;
	(erf) = vpow2.f32 v3;
	s18 =	spop (v2sf);
	(v2sf) =	vpush v17, $0x0  }
0x233: {  	v23 =	vld [tilespmem:s22+$0x0];
	vm12 =	vgt.f32 v10, $0.0e+00;
	vm13 =	vgt.f32 v15, $0.0e+00;
	s13 =	sadd.f32 s17, s18;
	s21 =	spop (v2sf);
	(v2sf) =	vpush v5, $0x9  }
0x234: {  	v58 =	vld [tilespmem:s22+$0x10];
	v10 =	vmul.f32 $2.000000030e-01, v10;
	v20 =	vsel vm13, s12, v20;
	s25 =	sadd.f32 s21, s8;
	(v2sf) =	vpush v12, $0x0;
	v21 =	vpop (erf)  }
0x235: {  	s23 =	simm.s32 $0x8720;
	v17 =	vld [tilespmem:s16+$0x30];
	v20 =	vadd.f32 $-8.000000000e+00, v20;
	v22 =	vmov s13;
	v15 =	vmul.f32 v21, v4  }
0x236: {  	v3 =	vld [tilespmem:s23+$0xFFFFFFC0];
	v54 =	vmov s25;
	v55 =	vmul.f32 $2.000000030e-01, v22  }
0x237: {  	v12 =	vld [tilespmem:s22+$0xFFFFFFE0];
	vm14 =	vgt.f32 v22, $0.0e+00;
	v22 =	vsel vm12, s0, v10;
	v20 =	vmul.f32 $1.442695020e+00, v20  }
0x238: {  	s17 =	simm.s32 $0xA4E0;
	v4 =	vld [tilespmem:s23+$0x20];
	v24 =	vmul.f32 $2.000000030e-01, v54;
	v22 =	vadd.f32 $-8.000000000e+00, v22;
	v56 =	vpop (erf);
	v10 =	vsel vm14, s13, v55  }
0x239: {  	(erf) = vpow2.f32 v20;
	[tilespmem:s17+$0x0] =	vst v15;
	v19 =	vmul.f32 v56, v19;
	v59 =	vadd.f32 $-8.000000000e+00, v10;
	v10 =	vld [tilespmem:s23+$0x50];
	v15 =	vpop (erf)  }
0x23a: {  	vm15 =	vgt.f32 v54, $0.0e+00;
	v20 =	vmul.f32 $1.442695020e+00, v22;
	v57 =	vld [tilespmem:s16+$0x10];
	v17 =	vmul.f32 v15, v17  }
0x23b: {  	(v2sf) =	vpush v3, $0x9;
	v22 =	vld [tilespmem:s22+$0xFFFFFFF0];
	[tilespmem:s17+$0xFFFFFFD0] =	vst v19;
	v19 =	vmul.f32 v56, v16;
	v28 =	vmul.f32 $1.442695020e+00, v59;
	v16 =	vpop (erf)  }
0x23c: {  	s8 =	spop (v2sf);
	v29 =	vld [tilespmem:s16+$0xFFFFFFE0];
	v60 =	vmul.f32 v16, v18;
	[tilespmem:s17+$0x30] =	vst v17;
	v17 =	vsel vm15, s25, v24  }
0x23d: {  	(v2sf) =	vpush v58, $0x0;
	s13 =	spop (v2sf);
	(erf) = vpow2.f32 v28;
	v18 =	vld [tilespmem:s16+$0x40];
	v17 =	vadd.f32 $-8.000000000e+00, v17  }
0x23e: {  	v61 =	vmul.f32 v16, v11;
	v11 =	vld [tilespmem:s23+$0xFFFFFFF0];
	(erf) = vpow2.f32 v20;
	(v2sf) =	vpush v10, $0x9;
	s18 =	spop (v2sf);
	[tilespmem:s17+$0xFFFFFFA0] =	vst v60  }
0x23f: {  	[tilespmem:s17+$0xFFFFFFF0] =	vst v19;
	v62 =	vmul.f32 v21, v57;
	(v2sf) =	vpush v23, $0x0;
	s21 =	spop (v2sf);
	s13 =	sadd.f32 s13, s18;
	v19 =	vld [tilespmem:s16+$0xFFFFFFB0];
	v63 =	vmul.f32 $1.442695020e+00, v17  }
0x240: {  	s31 =	simm.s32 $0xA4E0;
	s12 =	simm.s32 $0xC;
	v14 =	vmul.f32 v15, v14;
	v20 =	vld [tilespmem:s15+$0x0];
	v21 =	vmul.f32 v21, v13;
	[tilespmem:s17+$0xFFFFFFC0] =	vst v61;
	(v2sf) =	vpush v4, $0x9;
	s25 =	spop (v2sf)  }
0x241: {  	v13 =	vld [tilespmem:s15+$0xFFFFFFA0];
	s16 =	simm.s32 $0x8720;
	v17 =	vmul.f32 v56, v29;
	[tilespmem:s17+$0x10] =	vst v62;
	s21 =	sadd.f32 s21, s25;
	v23 =	vmov s13;
	s0 =	spop (v2sf);
	(erf) = vpow2.f32 v63  }
.LBB2_9:
0x242: {  	s12 =	sadd.s32 $0x4, s12;
	(v2sf) =	vpush v22, $0x0;
	vm0 =	vgt.f32 v23, $0.0e+00;
	s18 =	spop (v2sf);
	v22 =	vld [tilespmem:s15+$0x30];
	[tilespmem:s17+$0x20] =	vst v21;
	v15 =	vmul.f32 v15, v18;
	s31 =	sadd.s32 $0xC0, s31;
	v21 =	vmovc v10  }
0x243: {  	s23 =	sadd.s32 $0xC0, s23;
	v18 =	vmul.f32 $2.000000030e-01, v23;
	(v2sf) =	vpush v11, $0x9;
	s0 =	sadd.f32 s0, s18;
	v10 =	vmov s21;
	s18 =	spop (v2sf);
	v23 =	vld [tilespmem:s15+$0xFFFFFFD0];
	[tilespmem:s17+$0xFFFFFFE0] =	vst v17  }
0x244: {  	s22 =	sadd.s32 $0x40, s22;
	p0 =	slt.u32 s12, $0x3C;
	v17 =	vld [tilespmem:s23+$0xFFFFFFC0];
	(v2sf) =	vpush v12, $0x0;
	s18 =	sadd.f32 s18, s8;
	v24 =	vmul.f32 $2.000000030e-01, v10;
	v25 =	vpop (erf);
	v16 =	vmul.f32 v16, v19;
	[tilespmem:s17+$0x40] =	vst v15  }
0x245: {  	vm1 =	vgt.f32 v10, $0.0e+00;
	v12 =	vld [tilespmem:s22+$0xFFFFFFE0];
	v28 =	vmov s0;
	v10 =	vmul.f32 v25, v20;
	[tilespmem:s17+$0x50] =	vst v14  }
0x246: {  	v20 =	vld [tilespmem:s22+$0x0];
	v14 =	vmov s18;
	v19 =	vmul.f32 $2.000000030e-01, v28;
	v24 =	vsel vm1, s21, v24;
	v26 =	vpop (erf);
	[tilespmem:s17+$0xFFFFFFB0] =	vst v16;
	s17 =	smov.u32 s31  }
0x247: {  	v18 =	vsel vm0, s13, v18;
	vm1 =	vgt.f32 v28, $0.0e+00;
	v27 =	vld [tilespmem:s23+$0x20];
	v30 =	vadd.f32 $-8.000000000e+00, v24;
	[tilespmem:s31+$0x0] =	vst v10;
	v15 =	vpop (erf)  }
0x248: {  	vm0 =	vgt.f32 v14, $0.0e+00;
	v10 =	vsel vm1, s0, v19;
	v19 =	vmul.f32 v26, v23;
	v23 =	vld [tilespmem:s15+$0x10]  }
0x249: {  	v22 =	vmul.f32 v15, v22;
	v24 =	vld [tilespmem:s22+$0x10];
	v28 =	vadd.f32 $-8.000000000e+00, v10;
	v29 =	vmul.f32 $1.442695020e+00, v30  }
0x24a: {  	v18 =	vadd.f32 $-8.000000000e+00, v18;
	v14 =	vmul.f32 $2.000000030e-01, v14;
	v10 =	vld [tilespmem:s23+$0x50];
	s8 =	spop (v2sf);
	[tilespmem:s31+$0xFFFFFFD0] =	vst v19;
	v19 =	vmul.f32 v26, v9;
	v16 =	vpop (erf)  }
0x24b: {  	v9 =	vmovc v5;
	v5 =	vmovc v11;
	(v2sf) =	vpush v17, $0x9;
	v28 =	vmul.f32 $1.442695020e+00, v28;
	(erf) = vpow2.f32 v29;
	v29 =	vld [tilespmem:s15+$0xFFFFFFE0];
	[tilespmem:s31+$0x30] =	vst v22  }
0x24c: {  	v11 =	vsel vm0, s18, v14;
	v14 =	vmul.f32 $1.442695020e+00, v18;
	v13 =	vmul.f32 v16, v13;
	[tilespmem:s31+$0xFFFFFFF0] =	vst v19;
	v18 =	vld [tilespmem:s15+$0x40]  }
.Ltmp3:
0x24d: {  	v19 =	vadd.f32 $-8.000000000e+00, v11;
	v22 =	vld [tilespmem:s22+$0xFFFFFFF0];
	s0 =	spop (v2sf);
	(erf) = vpow2.f32 v28;
	v28 =	vmul.f32 v16, v8;
	v8 =	vmovc v1;
	v1 =	vmovc v3;
	(pc) =	sbr.rel @p0 .LBB2_9-.Ltmp3, $4  }
0x24e: {  	v3 =	vmovc v17;
	v11 =	vld [tilespmem:s23+$0xFFFFFFF0];
	(v2sf) =	vpush v24, $0x0;
	s13 =	spop (v2sf);
	(erf) = vpow2.f32 v14;
	[tilespmem:s31+$0xFFFFFFA0] =	vst v13;
	v24 =	vmul.f32 v25, v23  }
0x24f: {  	v30 =	vmul.f32 $1.442695020e+00, v19;
	v14 =	vmul.f32 v15, v7;
	v7 =	vmovc v0;
	v0 =	vmovc v21;
	(v2sf) =	vpush v10, $0x9;
	s13 =	sadd.f32 s0, s13;
	s0 =	spop (v2sf);
	v19 =	vld [tilespmem:s15+$0xFFFFFFB0];
	s15 =	smov.u32 s14  }
0x250: {  	v21 =	vmul.f32 v25, v6;
	v6 =	vmovc v2;
	s14 =	smov.u32 s16;
	s16 =	smov.u32 s23;
	(v2sf) =	vpush v20, $0x0;
	s18 =	spop (v2sf);
	v20 =	vld [tilespmem:s15+$0x0];
	[tilespmem:s31+$0xFFFFFFC0] =	vst v28;
	v17 =	vmul.f32 v26, v29  }
0x251: {  	v2 =	vmovc v4;
	v4 =	vmovc v27;
	(v2sf) =	vpush v27, $0x9;
	s21 =	sadd.f32 s0, s18;
	v23 =	vmov s13;
	s0 =	spop (v2sf);
	v13 =	vld [tilespmem:s15+$0xFFFFFFA0];
	(erf) = vpow2.f32 v30;
	[tilespmem:s31+$0x10] =	vst v24  }
0x252: {  	(v2sf) =	vpush v22, $0x0;
	s12 =	spop (v2sf)  }
0x253: {  	(v2sf) =	vpush v11, $0x9;
	s0 =	sadd.f32 s0, s12  }
0x254: {  	vm0 =	vgt.f32 v23, $0.0e+00;
	v44 =	vld [tilespmem:s15+$0xFFFFFFD0];
	v42 =	vmov s21  }
0x255: {  	s18 =	spop (v2sf);
	(v2sf) =	vpush v12, $0x0;
	v45 =	vmul.f32 $2.000000030e-01, v42;
	v25 =	vmov s0  }
0x256: {  	v15 =	vmul.f32 v15, v18;
	v24 =	vld [tilespmem:s15+$0x30];
	vm1 =	vgt.f32 v42, $0.0e+00;
	v46 =	vmul.f32 $2.000000030e-01, v25  }
0x257: {  	v43 =	vmul.f32 $2.000000030e-01, v23;
	s12 =	sadd.f32 s18, s8;
	v26 =	vpop (erf);
	v12 =	vsel vm1, s21, v45;
	vm10 =	vgt.f32 v25, $0.0e+00  }
0x258: {  	v47 =	vmul.f32 v26, v20;
	v49 =	vpop (erf);
	v12 =	vadd.f32 $-8.000000000e+00, v12;
	v18 =	vsel vm10, s0, v46  }
0x259: {  	v48 =	vmov s12;
	v23 =	vmul.f32 v49, v44;
	v18 =	vadd.f32 $-8.000000000e+00, v18  }
0x25a: {  	s8 =	sadd.s32 $0xC0, s31;
	v22 =	vsel vm0, s13, v43;
	v50 =	vpop (erf);
	v51 =	vmul.f32 $2.000000030e-01, v48;
	v12 =	vmul.f32 $1.442695020e+00, v12  }
0x25b: {  	v22 =	vadd.f32 $-8.000000000e+00, v22;
	[tilespmem:s8+$0x0] =	vst v47;
	v24 =	vmul.f32 v50, v24;
	v52 =	vpop (erf);
	v18 =	vmul.f32 $1.442695020e+00, v18  }
0x25c: {  	vm11 =	vgt.f32 v48, $0.0e+00;
	v27 =	vld [tilespmem:s15+$0x10];
	[tilespmem:s8+$0xFFFFFFD0] =	vst v23;
	s0 =	spop (v2sf);
	(erf) = vpow2.f32 v12;
	v13 =	vmul.f32 v52, v13  }
0x25d: {  	v16 =	vmul.f32 v16, v19;
	v6 =	vmul.f32 v26, v6;
	v54 =	vsel vm11, s12, v51;
	v53 =	vld [tilespmem:s15+$0xFFFFFFE0];
	[tilespmem:s8+$0x30] =	vst v24;
	s21 =	spop (v2sf)  }
0x25e: {  	v22 =	vmul.f32 $1.442695020e+00, v22;
	v55 =	vld [tilespmem:s15+$0x40];
	(erf) = vpow2.f32 v18;
	v18 =	vadd.f32 $-8.000000000e+00, v54;
	[tilespmem:s8+$0xFFFFFFA0] =	vst v13;
	s22 =	spop (v2sf)  }
0x25f: {  	[tilespmem:s17+$0x20] =	vst v21;
	v9 =	vmul.f32 v49, v9;
	v7 =	vmul.f32 v50, v7;
	v58 =	vld [tilespmem:s15+$0xFFFFFFB0];
	s18 =	spop (v2sf)  }
0x260: {  	[tilespmem:s17+$0xFFFFFFE0] =	vst v17;
	v8 =	vmul.f32 v52, v8;
	s12 =	sadd.f32 s21, s22;
	v57 =	vmul.f32 $1.442695020e+00, v18;
	s23 =	spop (v2sf)  }
0x261: {  	v59 =	vld [tilespmem:s14+$0x0];
	[tilespmem:s17+$0x50] =	vst v14;
	v56 =	vmul.f32 v26, v27;
	(erf) = vpow2.f32 v22;
	s13 =	sadd.f32 s18, s23;
	s25 =	spop (v2sf)  }
0x262: {  	[tilespmem:s17+$0x40] =	vst v15;
	v12 =	vmul.f32 v49, v53;
	v60 =	vmov s12;
	(erf) = vpow2.f32 v57;
	s31 =	spop (v2sf)  }
0x263: {  	[tilespmem:s17+$0xFFFFFFB0] =	vst v16;
	v62 =	vmul.f32 v50, v55;
	v24 =	vmul.f32 $2.000000030e-01, v60;
	s15 =	sadd.f32 s25, s31;
	v61 =	vmov s13  }
0x264: {  	v25 =	vld [tilespmem:s14+$0xFFFFFFD0];
	[tilespmem:s8+$0x20] =	vst v6;
	vm12 =	vgt.f32 v60, $0.0e+00;
	s21 =	spop (v2sf);
	v18 =	vmul.f32 v52, v58;
	v63 =	vmul.f32 $2.000000030e-01, v61  }
0x265: {  	[tilespmem:s8+$0xFFFFFFF0] =	vst v9;
	vm13 =	vgt.f32 v61, $0.0e+00;
	s0 =	sadd.f32 s21, s0;
	v28 =	vpop (erf);
	v9 =	vsel vm12, s12, v24;
	v26 =	vmov s15  }
0x266: {  	v30 =	vld [tilespmem:s14+$0x30];
	[tilespmem:s8+$0x50] =	vst v7;
	v15 =	vmul.f32 v28, v59;
	v9 =	vadd.f32 $-8.000000000e+00, v9;
	v29 =	vmul.f32 $2.000000030e-01, v26  }
0x267: {  	v27 =	vld [tilespmem:s14+$0xFFFFFFA0];
	[tilespmem:s8+$0xFFFFFFC0] =	vst v8;
	v19 =	vsel vm13, s13, v63;
	vm14 =	vgt.f32 v26, $0.0e+00;
	v31 =	vmov s0  }
0x268: {  	[tilespmem:s8+$0x10] =	vst v56;
	v32 =	vpop (erf);
	v19 =	vadd.f32 $-8.000000000e+00, v19;
	v33 =	vmul.f32 $2.000000030e-01, v31;
	v20 =	vsel vm14, s15, v29  }
0x269: {  	[tilespmem:s8+$0xFFFFFFE0] =	vst v12;
	vm15 =	vgt.f32 v31, $0.0e+00;
	v34 =	vmul.f32 v32, v25;
	v20 =	vadd.f32 $-8.000000000e+00, v20  }
0x26a: {  	[tilespmem:s8+$0x40] =	vst v62;
	v35 =	vpop (erf);
	v9 =	vmul.f32 $1.442695020e+00, v9;
	v19 =	vmul.f32 $1.442695020e+00, v19;
	v37 =	vsel vm15, s0, v33  }
0x26b: {  	s22 =	sadd.s32 $0xC0, s8;
	[tilespmem:s8+$0xFFFFFFB0] =	vst v18;
	v13 =	vmul.f32 v35, v30;
	v39 =	vpop (erf);
	v16 =	vadd.f32 $-8.000000000e+00, v37;
	v36 =	vmul.f32 $1.442695020e+00, v20  }
0x26c: {  	[tilespmem:s22+$0x0] =	vst v15;
	(erf) = vpow2.f32 v19;
	v40 =	vmul.f32 v39, v27  }
0x26d: {  	v38 =	vld [tilespmem:s14+$0x10];
	[tilespmem:s22+$0xFFFFFFD0] =	vst v34;
	v42 =	vmul.f32 $1.442695020e+00, v16;
	(erf) = vpow2.f32 v36  }
0x26e: {  	v46 =	vmul.f32 v28, v2;
	v41 =	vld [tilespmem:s14+$0xFFFFFFE0];
	[tilespmem:s22+$0x30] =	vst v13;
	(erf) = vpow2.f32 v9  }
0x26f: {  	v5 =	vmul.f32 v32, v5;
	v13 =	vld [tilespmem:s14+$0x40];
	[tilespmem:s22+$0xFFFFFFA0] =	vst v40;
	(erf) = vpow2.f32 v42  }
0x270: {  	[tilespmem:s22+$0x20] =	vst v46;
	v0 =	vmul.f32 v35, v0;
	v45 =	vld [tilespmem:s14+$0xFFFFFFB0]  }
0x271: {  	v43 =	vld [tilespmem:s16+$0x0];
	[tilespmem:s22+$0xFFFFFFF0] =	vst v5;
	v1 =	vmul.f32 v39, v1  }
0x272: {  	v47 =	vld [tilespmem:s16+$0xFFFFFFD0];
	[tilespmem:s22+$0x50] =	vst v0;
	v44 =	vmul.f32 v28, v38  }
0x273: {  	v48 =	vld [tilespmem:s16+$0x30];
	[tilespmem:s22+$0xFFFFFFC0] =	vst v1;
	v8 =	vmul.f32 v32, v41  }
0x274: {  	v51 =	vld [tilespmem:s16+$0xFFFFFFA0];
	[tilespmem:s22+$0x10] =	vst v44;
	v49 =	vmul.f32 v35, v13  }
0x275: {  	[tilespmem:s22+$0xFFFFFFE0] =	vst v8;
	v7 =	vmul.f32 v39, v45;
	v50 =	vpop (erf)  }
0x276: {  	[tilespmem:s22+$0x40] =	vst v49;
	v6 =	vmul.f32 v50, v43;
	v52 =	vpop (erf)  }
0x277: {  	s23 =	sadd.s32 $0xC0, s22;
	[tilespmem:s22+$0xFFFFFFB0] =	vst v7;
	v53 =	vpop (erf);
	v2 =	vmul.f32 v52, v47  }
0x278: {  	[tilespmem:s23+$0x0] =	vst v6;
	v5 =	vmul.f32 v53, v48;
	v55 =	vpop (erf)  }
0x279: {  	v54 =	vld [tilespmem:s16+$0x10];
	[tilespmem:s23+$0xFFFFFFD0] =	vst v2;
	v57 =	vmul.f32 v55, v51  }
0x27a: {  	v60 =	vmul.f32 v50, v4;
	v56 =	vld [tilespmem:s16+$0xFFFFFFE0];
	[tilespmem:s23+$0x30] =	vst v5  }
0x27b: {  	v58 =	vmul.f32 v52, v11;
	v59 =	vld [tilespmem:s16+$0x40];
	[tilespmem:s23+$0xFFFFFFA0] =	vst v57  }
0x27c: {  	[tilespmem:s23+$0x20] =	vst v60;
	v62 =	vmul.f32 v53, v10;
	v5 =	vld [tilespmem:s16+$0xFFFFFFB0]  }
0x27d: {  	v3 =	vmul.f32 v55, v3;
	[tilespmem:s23+$0xFFFFFFF0] =	vst v58  }
0x27e: {  	s30 =	sadd.s32 $0x1, s30;
	[tilespmem:s23+$0x50] =	vst v62;
	v0 =	vmul.f32 v50, v54  }
0x27f: {  	p0 =	sne.s32 s30, $0x29;
	[tilespmem:s23+$0xFFFFFFC0] =	vst v3;
	v1 =	vmul.f32 v52, v56  }
.Ltmp4:
0x280: {  	[tilespmem:s23+$0x10] =	vst v0;
	v61 =	vmul.f32 v53, v59;
	(pc) =	sbr.rel @p0 .LBB2_2-.Ltmp4, $4  }
0x281: {  	[tilespmem:s23+$0xFFFFFFE0] =	vst v1;
	v63 =	vmul.f32 v55, v5  }
0x282: {  	[tilespmem:s23+$0x40] =	vst v61  }
0x283: {  	s25 =	simm.s32 $0x7840;
	s31 =	simm.s32 $0xA480;
	[tilespmem:s23+$0xFFFFFFB0] =	vst v63  }
0x284: {  	[spmem:s3] =	stream.indirect.scatter.add.f32 [tilespmem:s31], [sflag:$0xA], $0x30, s25, s28, $0xb8;
	[tilespmem:$0xB080] =	vst v63  }
0x285: {  	_ =	swait.ge [sflag:s26], $0xC00  }
0x286: {  	[sflag:s26] =	ssyncset.done $0x0  }
0x287: {  	[sflag:s26] =	ssyncadd.s32 $0xFFFFF400  }
0x288: {  	_ =	swait.ge [sflag:s29], $0xC00  }
0x289: {  	[sflag:s29] =	ssyncset.done $0x0  }
0x28a: {  	[sflag:s29] =	ssyncadd.s32 $0xFFFFF400  }
0x28b: {  	[bflag:$0x0] =	sbarrier.arrive $0xFFFF  }
0x28c: {  	s12 =	rddreg [dreg:$0x5]  }
0x28d: {  	s0 =	rddreg [dreg:$0xe]  }
0x28e: {  	s13 =	simm.s32 $0xB;
	s8 =	rddreg [dreg:$0x10]  }
0x28f: {  	[hbm:s0], [sflag:s12] =	dma.local [spmem:s8], $0xED0  }
0x290: {  	_ =	swait.ge [sflag:s13], $0xED0  }
0x291: {  	s14 =	rddreg [dreg:$0x11]  }
0x292: {  	s31 =	rddreg [dreg:$0xf];
	s14 =	sadd.s32 $0x1, s14  }
0x293: {  	p0 =	sne.s32 s14, s31  }
.Ltmp5:
0x294: {  	_ = 	snop;
	(pc) =	sbr.rel @p0 .LBB2_1-.Ltmp5, $3  }
0x295: {  	_ =	sdelay $0x1  }
0x296: {  	[sflag:s13] =	ssyncset.done $0x0  }
0x297: {  	[sflag:s13] =	ssyncadd.s32 $0xFFFFF130  }
0x298: {  	_ =	sfence.sel $0x180000  }
0x299: {  	[bflag:$0x0] =	sbarrier.arrive $0xFFFF  }
0x29a: {  	_ =	strace $0x9000004A  }
0x29b: {  	s0 =	stileid.u32;
	[bflag:$0x2] =	sbarrier.arrive $0xFFFF  }
0x29c: {  	p0 =	sne.s32 s0, $0x0;
	s0 =	rddreg [dreg:$0x3]  }
0x29d: {  	s0 =	sadd.s32 @!p0 $0x100000, s0  }
0x29e: {  	[sflag:s0] =	ssyncadd.tile.s32 @!p0 $0x1;
	_ =	shalt  }
.Lfunc_end2:
_tile_overlayer_lowered:
.L_overlay_start_2:
0x29f: {  	(tag) =	ssettag $0x2  }
0x2a0: {  	s0 =	rddreg [dreg:$0x0];
	s2 =	stileid.u32  }
0x2a1: {  	s1 =	rddreg [dreg:$0x1];
	p0 =	sne.s32 s2, $0x0  }
0x2a2: {  	s3 =	rddreg [dreg:$0x2];
	[bflag:$0x3] =	sbarrier.arrive $0xFFFF;
	s2 =	simm.s32 @!p0 $0x1C0B  }
0x2a3: {  	[timem:s3], [sflag:s2] =	dma.local @!p0 [hbm:s0], s1  }
0x2a4: {  	s0 =	simm.s32 @!p0 $0xB  }
0x2a5: {  	_ =	swait.ge @!p0 [sflag:s0], s1  }
0x2a6: {  	s1 =	ssub.s32 @!p0 $0x0, s1;
	[sflag:s0] =	ssyncset.done @!p0 $0x0  }
0x2a7: {  	[sflag:s0] =	ssyncadd.s32 @!p0 s1  }
0x2a8: {  	[bflag:$0x3] =	sbarrier.arrive $0xFFFF  }
0x2a9: {  	_ =	shalt  }

// kernel: kernel.7.cloned.1.call-start
scs
__scs_entry_jumppad:
0x0: {  	(pc) =	sbr.rel $0x88, $3  }
0x1: {  	(tag) =	ssettag $0x0;
	lr =	simm.s32 $0x1  }
0x2: {  	[smem:$0x3F97] =	sst lr;
	_ =	strace $0xD0000000  }
0x3: {  	_ = 	snop  }
0x4: {  	_ = 	snop  }
0x5: {  	_ = 	snop  }
0x6: {  	_ = 	snop  }
0x7: {  	_ = 	snop  }
__scs_overlays_trampoline_lowered:
0x8: {  	[smem:$0x3FA6] =	sst s0  }
0x9: {  	[smem:$0x3FA7] =	sst s1  }
0xa: {  	[smem:$0x3FA8] =	sst s2  }
0xb: {  	[smem:$0x3FA9] =	sst s3  }
0xc: {  	[smem:$0x3FAA] =	sst s4  }
0xd: {  	[smem:$0x3FAB] =	sst s5  }
0xe: {  	[smem:$0x3FAC] =	sst s6  }
0xf: {  	[smem:$0x3FAD] =	sst s7  }
0x10: {  	[smem:$0x3FAE] =	sst s8  }
0x11: {  	[smem:$0x3FAF] =	sst s9;
	s0 =	simm.s32 @!p0 $0x0  }
0x12: {  	s1 =	sld [smem:$0x3F95];
	s0 =	simm.s32 @p0 $0x1  }
0x13: {  	[smem:$0x3FB0] =	sst s0;
	s0 =	simm.s32 @!p1 $0x0  }
0x14: {  	s2 =	sld [smem:$0x3F94];
	s0 =	simm.s32 @p1 $0x1  }
0x15: {  	[smem:$0x3FB1] =	sst s0;
	s0 =	simm.s32 @!p2 $0x0  }
0x16: {  	s3 =	sld [smem:$0x3FDB];
	s0 =	simm.s32 @p2 $0x1  }
0x17: {  	s4 =	simm.s32 $0x1BF5;
	[smem:$0x3FB3] =	sst s0  }
0x18: {  	s0 =	sld [smem:$0x3F96];
	_ =	swait.ge [sflag:s4], $0x0  }
0x19: {  	s7 =	sld [smem:$0x3F97]  }
0x1a: {  	s8 =	sadd.s32 $0xFFFFE003, lr  }
0x1b: {  	s9 =	sadd.s32 $0xFFFFFEF7, lr;
	s5 =	simm.s32 $0xFFFFFFFF;
	p2 =	slt.u32 s8, $0xFFFFF086  }
0x1c: {  	p1 =	slt.u32 s9, $0xF7A;
	s5 =	simm.s32 @!p2 $0x0  }
0x1d: {  	s5 =	simm.s32 @p1 $0x1;
	p0 =	seq.s32 s7, s2  }
0x1e: {  	s7 =	smul.u32 @!p0 $0xF7A, s2;
	p2 =	seq.s32 @!p0 s5, $0x0  }
0x1f: {  	s9 =	smul.u32 $0xF7A, s1;
	s8 =	simm.s32 @!p0 $0x1BF5;
	p2 =	por !p2, p0  }
0x20: {  	[sflag:s8] =	ssyncset.s32 @!p0 $0xFFFFF086;
	s6 =	sadd.s32 @!p0 s3, s7;
	s7 =	simm.s32 @!p0 $0x108  }
0x21: {  	s3 =	sadd.s32 s3, s9;
	s6 =	sadd.s32 @!p0 $0x88, s6;
	s7 =	simm.s32 @p2 $0x1082  }
0x22: {  	[simem:s7], [sflag:s8] =	dma.local @!p0 [hbm:s6], $0xF7A  }
0x23: {  	s9 =	sor.u32 $0xD0000000, s2;
	s6 =	simm.s32 $0x108;
	_ =	swait.ge @!p0 [sflag:s8], $0x0  }
0x24: {  	s3 =	sadd.s32 $0x88, s3;
	s6 =	simm.s32 @!p1 $0x1082;
	[sflag:s4] =	ssyncset.s32 $0xFFFFF086  }
0x25: {  	[simem:s6], [sflag:s4] =	dma.local [hbm:s3], $0xF7A  }
0x26: {  	[smem:$0x3F97] =	sst s1;
	(tag) =	ssettag s2;
	_ =	strace s9  }
0x27: {  	s1 =	sld [smem:$0x3FA7]  }
0x28: {  	s2 =	sld [smem:$0x3FA8]  }
0x29: {  	s4 =	sld [smem:$0x3FAA]  }
0x2a: {  	p0 =	seq.s32 s5, $0x0;
	s5 =	sld [smem:$0x3FAB]  }
0x2b: {  	s6 =	sld [smem:$0x3FAC]  }
0x2c: {  	s7 =	sld [smem:$0x3FAD]  }
0x2d: {  	s3 =	simm.s32 $0x108;
	s8 =	sld [smem:$0x3FAE]  }
0x2e: {  	s3 =	simm.s32 @!p0 $0x1082;
	s9 =	sld [smem:$0x3FAF]  }
0x2f: {  	lr =	sadd.s32 s0, s3;
	s0 =	sld [smem:$0x3FA6]  }
0x30: {  	s3 =	sld [smem:$0x3FA9]  }
0x31: {  	[smem:$0x3FB2] =	sst s10  }
0x32: {  	s10 =	sld [smem:$0x3FB0];
	_ =	sdelay $0x3  }
0x33: {  	p0 =	seq.s32 s10, $0x1;
	s10 =	sld [smem:$0x3FB2];
	_ =	sdelay $0x3  }
0x34: {  	[smem:$0x3FB2] =	sst s10  }
0x35: {  	s10 =	sld [smem:$0x3FB1];
	_ =	sdelay $0x3  }
0x36: {  	p1 =	seq.s32 s10, $0x1;
	s10 =	sld [smem:$0x3FB2];
	_ =	sdelay $0x3  }
0x37: {  	[smem:$0x3FB2] =	sst s10  }
0x38: {  	s10 =	sld [smem:$0x3FB3]  }
0x39: {  	_ = 	snop;
	(pc) =	sbr.ind lr, $3  }
0x3a: {  	_ = 	snop  }
0x3b: {  	_ = 	snop  }
0x3c: {  	p2 =	seq.s32 s10, $0x1;
	s10 =	sld [smem:$0x3FB2]  }
0x3d: {  	_ =	shalt  }
0x3e: {  	_ =	shalt  }
0x3f: {  	_ =	shalt  }
0x40: {  	_ =	shalt  }
0x41: {  	_ =	shalt  }
0x42: {  	_ =	shalt  }
0x43: {  	_ =	shalt  }
0x44: {  	_ =	shalt  }
0x45: {  	_ =	shalt  }
0x46: {  	_ =	shalt  }
0x47: {  	_ =	shalt  }
0x48: {  	_ =	shalt  }
0x49: {  	_ =	shalt  }
0x4a: {  	_ =	shalt  }
0x4b: {  	_ =	shalt  }
0x4c: {  	_ =	shalt  }
0x4d: {  	_ =	shalt  }
0x4e: {  	_ =	shalt  }
0x4f: {  	_ =	shalt  }
0x50: {  	_ =	shalt  }
0x51: {  	_ =	shalt  }
0x52: {  	_ =	shalt  }
0x53: {  	_ =	shalt  }
0x54: {  	_ =	shalt  }
0x55: {  	_ =	shalt  }
0x56: {  	_ =	shalt  }
0x57: {  	_ =	shalt  }
0x58: {  	_ =	shalt  }
0x59: {  	_ =	shalt  }
0x5a: {  	_ =	shalt  }
0x5b: {  	_ =	shalt  }
0x5c: {  	_ =	shalt  }
0x5d: {  	_ =	shalt  }
0x5e: {  	_ =	shalt  }
0x5f: {  	_ =	shalt  }
0x60: {  	_ =	shalt  }
0x61: {  	_ =	shalt  }
0x62: {  	_ =	shalt  }
0x63: {  	_ =	shalt  }
0x64: {  	_ =	shalt  }
0x65: {  	_ =	shalt  }
0x66: {  	_ =	shalt  }
0x67: {  	_ =	shalt  }
0x68: {  	_ =	shalt  }
0x69: {  	_ =	shalt  }
0x6a: {  	_ =	shalt  }
0x6b: {  	_ =	shalt  }
0x6c: {  	_ =	shalt  }
0x6d: {  	_ =	shalt  }
0x6e: {  	_ =	shalt  }
0x6f: {  	_ =	shalt  }
0x70: {  	_ =	shalt  }
0x71: {  	_ =	shalt  }
0x72: {  	_ =	shalt  }
0x73: {  	_ =	shalt  }
0x74: {  	_ =	shalt  }
0x75: {  	_ =	shalt  }
0x76: {  	_ =	shalt  }
0x77: {  	_ =	shalt  }
0x78: {  	_ =	shalt  }
0x79: {  	_ =	shalt  }
0x7a: {  	_ =	shalt  }
0x7b: {  	_ =	shalt  }
0x7c: {  	_ =	shalt  }
0x7d: {  	_ =	shalt  }
0x7e: {  	_ =	shalt  }
0x7f: {  	_ =	shalt  }
0x80: {  	_ =	shalt  }
0x81: {  	_ =	shalt  }
0x82: {  	_ =	shalt  }
0x83: {  	_ =	shalt  }
0x84: {  	_ =	shalt  }
0x85: {  	_ =	shalt  }
0x86: {  	_ =	shalt  }
0x87: {  	_ =	shalt  }
.Lfunc_end0:
.L_simem_size_0:
called_computation_lowered:
.L_overlay_start_0:
0x88: {  	s2 =	sld [smem:$0x3FD9]  }
0x89: {  	s3 =	sld [smem:$0x3FFE];
	_ =	sdelay $0x1  }
0x8a: {  	s1 =	srdreg.scid  }
0x8b: {  	s0 =	sand.u32 $0x1, s1  }
0x8c: {  	s17 =	sshll.u32 s0, $0xA;
	s2 =	sadd.s32 s3, s2  }
0x8d: {  	s2 =	sadd.s32 s2, s17  }
0x8e: {  	[smem:$0x3FBE] =	sst s2  }
0x8f: {  	_ = 	snop  }
0x90: {  	s2 =	sld [smem:$0x3FD0];
	(tm) =	ssettm $0x1  }
0x91: {  	s18 =	sld [smem:$0x3FFB];
	_ =	sdelay $0x3  }
0x92: {  	_ =	strace s18  }
0x93: {  	s3 =	sld [smem:$0x3FFC];
	_ =	sdelay $0x3  }
0x94: {  	_ =	strace s3  }
0x95: {  	s3 =	sld [smem:$0x3FFD];
	_ =	sdelay $0x3  }
0x96: {  	_ =	strace s3  }
0x97: {  	_ =	strace $0x8FFFFFFF  }
0x98: {  	s19 =	sld [smem:$0x3FDB];
	_ =	sdelay $0x1  }
0x99: {  	s4 =	simm.s32 $_scs_section_size  }
0x9a: {  	s5 =	simm.s32 $_size__tile_overlayer_lowered;
	s6 =	simm.s32 $_tile_overlayer_lowered  }
0x9b: {  	s22 =	simm.s32 $0x1BFF;
	s21 =	sshll.u32 s6, $0x1;
	s3 =	sadd.s32 s4, s19  }
0x9c: {  	s7 =	simm.s32 $0x0;
	s20 =	sshll.u32 s5, $0x1;
	s5 =	sadd.s32 s21, s3  }
0x9d: {  	[timem:s7], [sflag:s22] =	dma.local [hbm:s5], s20  }
0x9e: {  	_ =	swait.ge [sflag:s22], s20  }
0x9f: {  	s4 =	ssub.s32 $0x0, s20;
	[sflag:s22] =	ssyncset.done $0x0  }
0xa0: {  	[sflag:s22] =	ssyncadd.s32 s4;
	_ =	sdelay $0x1  }
0xa1: {  	s23 =	simm.s32 $0x1B8B  }
0xa2: {  	_ =	swait.ge [sflag:s23], $0x1  }
0xa3: {  	[sflag:s23] =	ssyncset.done $0x0  }
0xa4: {  	s25 =	simm.s32 $0x1B8E;
	s24 =	sld [smem:$0x3FFE];
	[sflag:s23] =	ssyncadd.s32 $0xFFFFFFFF  }
0xa5: {  	s26 =	simm.s32 $execute0_lowered;
	[smem:$0x3FD2] =	sst s25  }
0xa6: {  	s5 =	sshll.u32 s26, $0x1;
	_ =	strace $0x80000046;
	[dreg:$0x1] =	wrdreg $0xFFFFFFFF  }
0xa7: {  	s28 =	simm.s32 $_size_execute0_lowered;
	s3 =	sadd.s32 s3, s5;
	[dreg:$0x0] =	wrdreg $0x0  }
0xa8: {  	s5 =	sshll.u32 s28, $0x1;
	[dreg:$0x2] =	wrdreg s3  }
0xa9: {  	[dreg:$0x3] =	wrdreg s5  }
0xaa: {  	[dreg:$0x4] =	wrdreg $0xC0  }
0xab: {  	_ =	task [dreg:s7], $0x5FFFF  }
0xac: {  	[dreg:$0x1] =	wrdreg $0xFFFFFFFF  }
0xad: {  	[dreg:$0x0] =	wrdreg $0x60  }
0xae: {  	[dreg:$0x2] =	wrdreg s24  }
0xaf: {  	[dreg:$0x3] =	wrdreg s2  }
0xb0: {  	[dreg:$0x4] =	wrdreg $0x0  }
0xb1: {  	[dreg:$0x5] =	wrdreg $0x9  }
0xb2: {  	_ =	task.clear_ibuf [dreg:s7], $0x6FFFF;
	_ =	strace $0x90000046  }
0xb3: {  	s29 =	simm.s32 $0x9;
	_ =	strace $0x80000048  }
0xb4: {  	_ =	swait.ge [sflag:s29], $0x1  }
0xb5: {  	[sflag:s29] =	ssyncadd.s32 $0xFFFFFFFF  }
0xb6: {  	_ =	strace $0x90000048  }
0xb7: {  	_ =	sfence  }
0xb8: {  	s30 =	sld [smem:$0x0];
	_ =	sdelay $0x2  }
0xb9: {  	s31 =	sshll.u32 s1, $0xD;
	s1 =	sshrl.u32 s1, $0x2  }
0xba: {  	s3 =	sand.u32 $0x4000, s31;
	s1 =	sadd.s32 s1, s30  }
0xbb: {  	s0 =	sor.u32 s3, s0;
	s1 =	sshll.u32 s1, $0x11  }
0xbc: {  	s0 =	sor.u32 s1, s0  }
0xbd: {  	s0 =	sadd.s32 $0x8F2B, s0  }
0xbe: {  	[sflag:s0] =	ssyncadd.remote.s32 $0x1  }
0xbf: {  	_ =	sfence.sel $0xFFFF  }
0xc0: {  	[dreg:$0x0] =	wrdreg $0xFFFFFFFF;
	(pc) =	sbr.abs _section_cstart, $3  }
0xc1: {  	[dreg:$0x1] =	wrdreg $0xFFFFFFFF  }
0xc2: {  	_ =	task.clear_ibuf [dreg:s7], $0x2FFFF;
	_ =	strace $0x9FFFFFFF  }
0xc3: {  	(tm) =	ssettm $0x7FFFFFFF  }
tec
execute0_lowered:
.L_overlay_start_1:
0x0: {  	(tag) =	ssettag $0x1  }
0x1: {  	s0 =	rddreg [dreg:$0x0]  }
0x2: {  	s1 =	rddreg [dreg:$0x1]  }
0x3: {  	s2 =	rddreg [dreg:$0x2];
	s4 =	simm.s32 $0x0;
	s3 =	srdreg.scid  }
0x4: {  	s13 =	stileid.u32;
	s28 =	simm.s32 $0x40;
	s31 =	simm.s32 $0x16500  }
0x5: {  	s30 =	simm.s32 $0x2;
	[smem:$0x7FF] =	sst s4;
	s5 =	sadd.s32 $0xD200, s0  }
0x6: {  	s3 =	sand.u32 $0x1, s3;
	s8 =	smul.u32 $0x2C70, s13;
	s6 =	sadd.s32 $0x3400, s0  }
0x7: {  	s7 =	sadd.s32 $0x3E000, s0;
	s10 =	sadd.s32 $0x48400, s0;
	s11 =	smul.u32 $0x58E00, s13  }
0x8: {  	s12 =	smul.u32 $0x5200, s13;
	s18 =	sshll.u32 s13, $0x6;
	s13 =	simm.s32 $0x19680  }
0x9: {  	_ =	strace $0x80000047;
	s9 =	smul.u32 $0x2C700, s3;
	s14 =	ssub.s32 $0x2, s3  }
0xa: {  	[dreg:$0x4] =	wrdreg s10;
	s3 =	smul.u32 $0x2710, s3;
	s15 =	sshrl.u32 s14, $0x1  }
0xb: {  	s17 =	sshrl.u32 s11, $0x2;
	s19 =	sshrl.u32 s12, $0x3;
	s23 =	sor.u32 $0x80, s12  }
0xc: {  	s24 =	sor.u32 $0xC0, s12;
	s25 =	sor.u32 $0x100, s12;
	s26 =	sor.u32 $0x140, s12  }
0xd: {  	s12 =	simm.s32 $0x7;
	s8 =	sadd.s32 s8, s9;
	[dreg:$0xa] =	wrdreg s23  }
0xe: {  	s16 =	ssub.s32 s14, s15;
	s9 =	sadd.s32 s17, s2;
	[dreg:$0xb] =	wrdreg s24  }
0xf: {  	s14 =	sor.u32 $0x1C0B, s18;
	s20 =	sor.u32 $0x8, s19;
	[dreg:$0xc] =	wrdreg s25  }
0x10: {  	s21 =	sadd.s32 s1, s19;
	s11 =	sadd.s32 s7, s19;
	[dreg:$0xd] =	wrdreg s26  }
0x11: {  	s18 =	simm.s32 $0x16440;
	s19 =	simm.s32 $0x16540;
	s26 =	simm.s32 $0x8  }
0x12: {  	s23 =	simm.s32 $0x4;
	s24 =	simm.s32 $0xA;
	[dreg:$0x6] =	wrdreg s21  }
0x13: {  	v0 =	vmov s3;
	s3 =	simm.s32 $0x0;
	s0 =	sadd.s32 s8, s0;
	[dreg:$0x7] =	wrdreg s11  }
0x14: {  	s22 =	sadd.s32 s1, s20;
	s10 =	sadd.s32 s7, s20;
	[dreg:$0x5] =	wrdreg s14  }
0x15: {  	s29 =	smax.u32 s16, $0x1;
	s15 =	sshrl.u32 s9, $0x3;
	[dreg:$0x8] =	wrdreg s22  }
0x16: {  	s16 =	simm.s32 $0xB;
	s11 =	simm.s32 $0x5;
	[dreg:$0x9] =	wrdreg s10  }
0x17: {  	s9 =	simm.s32 $0x3;
	s21 =	simm.s32 $0x6;
	[dreg:$0xf] =	wrdreg s29  }
0x18: {  	s8 =	simm.s32 $0x1BA80;
	s0 =	sadd.s32 $0x4B200, s0;
	[dreg:$0x10] =	wrdreg s15  }
0x19: {  	s20 =	simm.s32 $0x9;
	s10 =	simm.s32 $0x19280;
	[dreg:$0xe] =	wrdreg s0  }
.LBB2_1:
0x1a: {  	[dreg:$0x11] =	wrdreg s3  }
0x1b: {  	s0 =	rddreg [dreg:$0x4]  }
0x1c: {  	[spmem:s15], [sflag:s14] =	dma.local [hbm:s0], $0x2C70  }
0x1d: {  	_ =	swait.ge [sflag:s16], $0x2C70  }
0x1e: {  	[sflag:s16] =	ssyncset.done $0x0  }
0x1f: {  	[sflag:s16] =	ssyncadd.s32 $0xFFFFD390  }
0x20: {  	[bflag:$0x0] =	sbarrier.arrive $0xFFFF  }
0x21: {  	s3 =	simm.s32 $0x16380;
	s16 =	rddreg [dreg:$0x6]  }
0x22: {  	[tilespmem:s3], [sflag:$0x1] =	stream.linear.gather [hbm4b:s16+s4], $0x40, $0x38;
	[tilespmem:$0x1DE80] =	vst v63  }
0x23: {  	s22 =	simm.s32 $0x16480;
	s17 =	rddreg [dreg:$0x7]  }
0x24: {  	[tilespmem:s22], [sflag:$0x1] =	stream.linear.gather [hbm4b:s17+s4], $0x40, $0x38;
	[tilespmem:$0x1DE80] =	vst v63  }
0x25: {  	s29 =	simm.s32 $0x163C0;
	s25 =	rddreg [dreg:$0x8]  }
0x26: {  	[tilespmem:s29], [sflag:$0x2] =	stream.linear.gather [hbm4b:s25+s4], $0x40, $0x38;
	[tilespmem:$0x1DE80] =	vst v63  }
0x27: {  	s15 =	rddreg [dreg:$0x9];
	s16 =	simm.s32 $0x164C0;
	s17 =	simm.s32 $0x1  }
0x28: {  	[tilespmem:s16], [sflag:$0x2] =	stream.linear.gather [hbm4b:s15+s4], $0x40, $0x38;
	[tilespmem:$0x1DE80] =	vst v63  }
0x29: {  	_ =	swait.ge [sflag:s17], $0x40  }
0x2a: {  	[sflag:s17] =	ssyncset.done $0x0  }
0x2b: {  	[sflag:s17] =	ssyncadd.s32 $0xFFFFFFC0  }
0x2c: {  	_ =	swait.ge [sflag:s17], $0x40  }
0x2d: {  	[sflag:s17] =	ssyncset.done $0x0  }
0x2e: {  	[sflag:s17] =	ssyncadd.s32 $0xFFFFFFC0  }
0x2f: {  	v1 =	vld [tilespmem:$0x16380]  }
0x30: {  	v2 =	vld [tilespmem:$0x16480]  }
0x31: {  	v3 =	vld [tilespmem:$0x16390]  }
0x32: {  	v4 =	vld [tilespmem:$0x16490]  }
0x33: {  	v5 =	vld [tilespmem:$0x163A0]  }
0x34: {  	v6 =	vld [tilespmem:$0x164A0];
	v1 =	vadd.s32 v0, v1  }
0x35: {  	[tilespmem:$0x16380] =	vst v1;
	v1 =	vadd.s32 v0, v2;
	v2 =	vld [tilespmem:$0x163B0]  }
0x36: {  	[tilespmem:$0x16580] =	vst v1;
	v1 =	vadd.s32 v0, v3;
	v3 =	vld [tilespmem:$0x164B0]  }
0x37: {  	[tilespmem:$0x16390] =	vst v1;
	v1 =	vadd.s32 v0, v4  }
0x38: {  	[tilespmem:$0x16590] =	vst v1;
	v1 =	vadd.s32 v0, v5  }
0x39: {  	[tilespmem:$0x163A0] =	vst v1;
	v1 =	vadd.s32 v0, v6  }
0x3a: {  	[tilespmem:$0x165A0] =	vst v1;
	v1 =	vadd.s32 v0, v2  }
0x3b: {  	[tilespmem:$0x163B0] =	vst v1;
	v1 =	vadd.s32 v0, v3  }
0x3c: {  	s22 =	simm.s32 $0x16680;
	[tilespmem:$0x165B0] =	vst v1  }
0x3d: {  	[tilespmem:s22], [sflag:$0x5] =	stream.indirect.gather [hbm4b:s5+s28], $0x50, s3, s28, $0xb8;
	[tilespmem:$0x1DE80] =	vst v63  }
0x3e: {  	s25 =	simm.s32 $0x16580;
	s29 =	simm.s32 $0x18E80  }
0x3f: {  	[tilespmem:s29], [sflag:$0x7] =	stream.indirect.gather [hbm4b:s6+s28], $0x10, s25, s28, $0xb8;
	[tilespmem:$0x1DE80] =	vst v63  }
0x40: {  	s25 =	simm.s32 $0x0  }
.LBB2_2:
0x41: {  	p0 =	seq.s32 s25, $0x0  }
0x42: {  	s0 =	simm.s32 @!p0 $0x9  }
0x43: {  	_ =	swait.ge @!p0 [sflag:s0], $0x2400  }
0x44: {  	s29 =	sshll.u32 s25, $0x8;
	s3 =	rddreg [dreg:$0xa]  }
0x45: {  	s3 =	sadd.s32 s29, s3  }
0x46: {  	[sflag:s0] =	ssyncset.done @!p0 $0x0;
	s3 =	sshrl.u32 s3, $0x3  }
0x47: {  	s14 =	simm.s32 $0x16400;
	[sflag:s0] =	ssyncadd.s32 @!p0 $0xFFFFDC00;
	s17 =	sadd.s32 s1, s3  }
0x48: {  	[tilespmem:s14], [sflag:$0x3] =	stream.linear.gather [hbm4b:s17+s4], $0x40, $0x38;
	[tilespmem:$0x1DE80] =	vst v63  }
0x49: {  	s22 =	sadd.s32 s7, s3  }
0x4a: {  	[tilespmem:s31], [sflag:$0x3] =	stream.linear.gather [hbm4b:s22+s4], $0x40, $0x38;
	[tilespmem:$0x1DE80] =	vst v63  }
0x4b: {  	_ =	swait.ge [sflag:s30], $0x40  }
0x4c: {  	[sflag:s30] =	ssyncset.done $0x0  }
0x4d: {  	[sflag:s30] =	ssyncadd.s32 $0xFFFFFFC0  }
0x4e: {  	_ =	swait.ge [sflag:s30], $0x40  }
0x4f: {  	[sflag:s30] =	ssyncset.done $0x0  }
0x50: {  	[sflag:s30] =	ssyncadd.s32 $0xFFFFFFC0  }
0x51: {  	v1 =	vld [tilespmem:$0x163C0]  }
0x52: {  	v2 =	vld [tilespmem:$0x164C0]  }
0x53: {  	v3 =	vld [tilespmem:$0x163D0]  }
0x54: {  	v4 =	vld [tilespmem:$0x164D0]  }
0x55: {  	v5 =	vld [tilespmem:$0x163E0]  }
0x56: {  	v6 =	vld [tilespmem:$0x164E0];
	v1 =	vadd.s32 v0, v1  }
0x57: {  	[tilespmem:$0x163C0] =	vst v1;
	v1 =	vadd.s32 v0, v2;
	v2 =	vld [tilespmem:$0x163F0]  }
0x58: {  	[tilespmem:$0x165C0] =	vst v1;
	v1 =	vadd.s32 v0, v3;
	v3 =	vld [tilespmem:$0x164F0]  }
0x59: {  	[tilespmem:$0x163D0] =	vst v1;
	v1 =	vadd.s32 v0, v4  }
0x5a: {  	[tilespmem:$0x165D0] =	vst v1;
	v1 =	vadd.s32 v0, v5  }
0x5b: {  	[tilespmem:$0x163E0] =	vst v1;
	v1 =	vadd.s32 v0, v6  }
0x5c: {  	[tilespmem:$0x165E0] =	vst v1;
	v1 =	vadd.s32 v0, v2  }
0x5d: {  	[tilespmem:$0x163F0] =	vst v1;
	v1 =	vadd.s32 v0, v3  }
0x5e: {  	s3 =	simm.s32 $0x163C0;
	s14 =	simm.s32 $0x17A80;
	[tilespmem:$0x165F0] =	vst v1  }
0x5f: {  	[tilespmem:s14], [sflag:$0x6] =	stream.indirect.gather [hbm4b:s5+s28], $0x50, s3, s28, $0xb8;
	[tilespmem:$0x1DE80] =	vst v63  }
0x60: {  	s15 =	simm.s32 $0x165C0  }
0x61: {  	[tilespmem:s10], [sflag:$0x8] =	stream.indirect.gather [hbm4b:s6+s28], $0x10, s15, s28, $0xb8;
	[tilespmem:$0x1DE80] =	vst v63  }
0x62: {  	_ =	swait.ge [sflag:s11], $0x1400  }
0x63: {  	[sflag:s11] =	ssyncset.done $0x0  }
0x64: {  	[sflag:s11] =	ssyncadd.s32 $0xFFFFEC00  }
0x65: {  	_ =	swait.ge [sflag:s12], $0x400  }
0x66: {  	[sflag:s12] =	ssyncset.done $0x0  }
0x67: {  	s17 =	simm.s32 $0x16720;
	[sflag:s12] =	ssyncadd.s32 $0xFFFFFC00  }
0x68: {  	s16 =	simm.s32 $0x18EA0;
	v1 =	vld [tilespmem:s17+$0x90]  }
0x69: {  	v2 =	vld [tilespmem:s16+$0x10];
	_ =	sdelay $0x1  }
0x6a: {  	v3 =	vld [tilespmem:s16+$0xFFFFFFE0]  }
0x6b: {  	v4 =	vld [tilespmem:s17+$0xFFFFFFF0]  }
0x6c: {  	v5 =	vld [tilespmem:s16+$0xFFFFFFF0]  }
0x6d: {  	v1 =	vadd.f32 v2, v1;
	v2 =	vld [tilespmem:s17+$0xFFFFFFA0]  }
0x6e: {  	v6 =	vld [tilespmem:s17+$0x40]  }
0x6f: {  	v8 =	vld [tilespmem:s16+$0x0];
	v7 =	vmul.f32 $2.000000030e-01, v1  }
0x70: {  	vm0 =	vgt.f32 v1, $0.0e+00  }
0x71: {  	v1 =	vsel vm0, v1, v7  }
0x72: {  	v1 =	vadd.f32 $-8.000000000e+00, v1;
	v2 =	vadd.f32 v3, v2  }
0x73: {  	v3 =	vadd.f32 v5, v4  }
0x74: {  	v6 =	vadd.f32 v8, v6;
	v1 =	vmul.f32 $1.442695020e+00, v1;
	v4 =	vmul.f32 $2.000000030e-01, v2  }
0x75: {  	v5 =	vmul.f32 $2.000000030e-01, v3;
	vm6 =	vgt.f32 v2, $0.0e+00;
	vm1 =	vgt.f32 v3, $0.0e+00  }
0x76: {  	(erf) = vpow2.f32 v1;
	v1 =	vsel vm6, v2, v4;
	v2 =	vmul.f32 $2.000000030e-01, v6  }
0x77: {  	vm7 =	vgt.f32 v6, $0.0e+00;
	v3 =	vsel vm1, v3, v5;
	v1 =	vadd.f32 $-8.000000000e+00, v1  }
0x78: {  	v3 =	vadd.f32 $-8.000000000e+00, v3;
	v2 =	vsel vm7, v6, v2  }
0x79: {  	v1 =	vmul.f32 $1.442695020e+00, v1;
	v2 =	vadd.f32 $-8.000000000e+00, v2  }
0x7a: {  	v3 =	vmul.f32 $1.442695020e+00, v3  }
0x7b: {  	(erf) = vpow2.f32 v1;
	v1 =	vmul.f32 $1.442695020e+00, v2  }
0x7c: {  	(erf) = vpow2.f32 v3;
	_ =	sdelay $0x1  }
0x7d: {  	(erf) = vpow2.f32 v1  }
0x7e: {  	s14 =	simm.s32 $0x197A0;
	v1 =	vpop (erf)  }
0x7f: {  	[tilespmem:s14+$0x110] =	vst v1  }
0x80: {  	v2 =	vld [tilespmem:s17+$0x50];
	_ =	sdelay $0x2  }
0x81: {  	v3 =	vpop (erf)  }
0x82: {  	v4 =	vbroadcast v1, $0x0;
	[tilespmem:s14+$0xFFFFFF60] =	vst v3;
	v5 =	vpop (erf)  }
0x83: {  	v6 =	vunpack.i.l.bf16.f32 v2;
	v7 =	vld [tilespmem:s17+$0xFFFFFF60];
	[tilespmem:s14+$0xFFFFFFF0] =	vst v5  }
0x84: {  	s31 =	simm.s32 $0x16860;
	v2 =	vunpack.i.u.bf16.f32 v2;
	v8 =	vpop (erf);
	v6 =	vmul.f32 v4, v6;
	v9 =	vld [tilespmem:s17+$0xFFFFFFB0]  }
0x85: {  	[tilespmem:s14+$0x80] =	vst v8;
	v2 =	vmul.f32 v4, v2;
	v4 =	vld [tilespmem:s31+$0x90]  }
0x86: {  	s22 =	simm.s32 $0x18EE0;
	v10 =	vld [tilespmem:s17+$0x0];
	[tilespmem:s14+$0x90] =	vst v6  }
0x87: {  	v6 =	vld [tilespmem:s22+$0x10];
	[tilespmem:s14+$0xA0] =	vst v2  }
0x88: {  	v19 =	vbroadcast v1, $0x1;
	v2 =	vld [tilespmem:s17+$0x60]  }
0x89: {  	v11 =	vbroadcast v3, $0x0;
	v12 =	vbroadcast v3, $0x1  }
0x8a: {  	v13 =	vld [tilespmem:s22+$0xFFFFFFE0];
	v14 =	vbroadcast v5, $0x0;
	v15 =	vbroadcast v8, $0x0;
	v17 =	vunpack.i.u.bf16.f32 v7  }
0x8b: {  	v16 =	vld [tilespmem:s31+$0xFFFFFFF0];
	v7 =	vunpack.i.l.bf16.f32 v7;
	v22 =	vunpack.i.u.bf16.f32 v10;
	v10 =	vunpack.i.l.bf16.f32 v10  }
0x8c: {  	v4 =	vadd.f32 v6, v4;
	v6 =	vmul.f32 v11, v7;
	v11 =	vmul.f32 v11, v17;
	v17 =	vld [tilespmem:s31+$0xFFFFFFA0]  }
0x8d: {  	v18 =	vld [tilespmem:s22+$0xFFFFFFF0];
	v7 =	vunpack.i.u.bf16.f32 v9;
	v9 =	vunpack.i.l.bf16.f32 v9;
	v23 =	vunpack.i.l.bf16.f32 v2  }
0x8e: {  	v20 =	vld [tilespmem:s31+$0x40];
	v2 =	vunpack.i.u.bf16.f32 v2;
	v21 =	vmul.f32 $2.000000030e-01, v4;
	v23 =	vmul.f32 v23, v19  }
0x8f: {  	v24 =	vld [tilespmem:s22+$0x0];
	v9 =	vmul.f32 v14, v9;
	vm8 =	vgt.f32 v4, $0.0e+00;
	v2 =	vmul.f32 v2, v19;
	[tilespmem:s14+$0xFFFFFEF0] =	vst v11  }
0x90: {  	v7 =	vmul.f32 v14, v7;
	v14 =	vmul.f32 v15, v22;
	v4 =	vsel vm8, v4, v21;
	[tilespmem:s14+$0xB0] =	vst v23  }
0x91: {  	v10 =	vmul.f32 v15, v10;
	[tilespmem:s14+$0xC0] =	vst v2;
	v4 =	vadd.f32 $-8.000000000e+00, v4;
	v13 =	vadd.f32 v13, v17  }
0x92: {  	v11 =	vbroadcast v1, $0x2;
	[tilespmem:s14+$0x10] =	vst v14;
	v14 =	vbroadcast v5, $0x2;
	v2 =	vadd.f32 v18, v16;
	v15 =	vld [tilespmem:s17+$0x70]  }
0x93: {  	v4 =	vmul.f32 $1.442695020e+00, v4;
	v17 =	vmul.f32 $2.000000030e-01, v13  }
0x94: {  	v16 =	vadd.f32 v24, v20;
	v18 =	vmul.f32 $2.000000030e-01, v2;
	vm9 =	vgt.f32 v13, $0.0e+00  }
0x95: {  	[tilespmem:s14+$0xFFFFFEE0] =	vst v6;
	vm10 =	vgt.f32 v2, $0.0e+00;
	(erf) = vpow2.f32 v4;
	v13 =	vsel vm9, v13, v17  }
0x96: {  	[tilespmem:s14+$0xFFFFFF70] =	vst v9;
	v9 =	vld [tilespmem:s17+$0xFFFFFF70];
	v2 =	vsel vm10, v2, v18;
	v4 =	vmul.f32 $2.000000030e-01, v16;
	v6 =	vadd.f32 $-8.000000000e+00, v13  }
0x97: {  	vm11 =	vgt.f32 v16, $0.0e+00;
	v2 =	vadd.f32 $-8.000000000e+00, v2;
	v13 =	vunpack.i.l.bf16.f32 v15  }
0x98: {  	[tilespmem:s14+$0xFFFFFF80] =	vst v7;
	v4 =	vsel vm11, v16, v4;
	v7 =	vmul.f32 v13, v11;
	v6 =	vmul.f32 $1.442695020e+00, v6  }
0x99: {  	[tilespmem:s14+$0x0] =	vst v10;
	v10 =	vld [tilespmem:s17+$0xFFFFFFC0];
	v2 =	vmul.f32 $1.442695020e+00, v2;
	v13 =	vunpack.i.u.bf16.f32 v15;
	v4 =	vadd.f32 $-8.000000000e+00, v4  }
0x9a: {  	(erf) = vpow2.f32 v6;
	v6 =	vmul.f32 v13, v11  }
0x9b: {  	v16 =	vbroadcast v8, $0x2;
	[tilespmem:s14+$0xD0] =	vst v7;
	v7 =	vunpack.i.l.bf16.f32 v9;
	v4 =	vmul.f32 $1.442695020e+00, v4  }
0x9c: {  	v9 =	vunpack.i.u.bf16.f32 v9;
	v13 =	vbroadcast v3, $0x2;
	v7 =	vmul.f32 v7, v12  }
0x9d: {  	v11 =	vld [tilespmem:s17+$0x10];
	v12 =	vmul.f32 v9, v12;
	(erf) = vpow2.f32 v2  }
0x9e: {  	s15 =	simm.s32 $0x199E0;
	v17 =	vunpack.i.l.bf16.f32 v10;
	v9 =	vbroadcast v3, $0x3;
	v2 =	vbroadcast v5, $0x1;
	[tilespmem:s14+$0xE0] =	vst v6;
	v6 =	vpop (erf)  }
0x9f: {  	v3 =	vunpack.i.u.bf16.f32 v10;
	v10 =	vbroadcast v5, $0x3;
	(erf) = vpow2.f32 v4;
	v15 =	vld [tilespmem:s17+$0x80];
	[tilespmem:s15+$0x110] =	vst v6  }
0xa0: {  	v4 =	vbroadcast v8, $0x1;
	v17 =	vmul.f32 v17, v2;
	v18 =	vld [tilespmem:s31+$0x50]  }
0xa1: {  	s0 =	simm.s32 $0x18F20;
	[tilespmem:s14+$0xFFFFFF00] =	vst v7;
	v7 =	vbroadcast v8, $0x3;
	v2 =	vmul.f32 v3, v2  }
0xa2: {  	s16 =	simm.s32 $0x169A0;
	v33 =	vld [tilespmem:s0+$0x10];
	v8 =	vbroadcast v1, $0x3;
	[tilespmem:s14+$0xFFFFFF90] =	vst v17;
	v1 =	vunpack.i.u.bf16.f32 v11;
	v11 =	vunpack.i.l.bf16.f32 v11  }
0xa3: {  	v32 =	vld [tilespmem:s16+$0x90];
	[tilespmem:s14+$0xFFFFFFA0] =	vst v2;
	v2 =	vbroadcast v6, $0x0;
	v20 =	vmul.f32 v11, v4  }
0xa4: {  	[tilespmem:s14+$0xFFFFFF10] =	vst v12;
	v36 =	vbroadcast v6, $0x1;
	v22 =	vld [tilespmem:s17+$0xFFFFFFD0];
	v1 =	vmul.f32 v1, v4;
	v3 =	vunpack.i.u.bf16.f32 v15  }
0xa5: {  	v15 =	vunpack.i.l.bf16.f32 v15;
	[tilespmem:s14+$0x20] =	vst v20;
	v17 =	vpop (erf);
	v3 =	vmul.f32 v3, v8;
	v12 =	vunpack.i.l.bf16.f32 v18  }
0xa6: {  	v15 =	vmul.f32 v15, v8;
	[tilespmem:s15+$0xFFFFFF60] =	vst v17;
	v19 =	vpop (erf);
	v11 =	vunpack.i.u.bf16.f32 v18;
	v12 =	vmul.f32 v2, v12  }
0xa7: {  	v5 =	vld [tilespmem:s17+$0xFFFFFF80];
	v24 =	vbroadcast v17, $0x0;
	[tilespmem:s15+$0xFFFFFFF0] =	vst v19;
	v2 =	vmul.f32 v2, v11  }
0xa8: {  	v32 =	vadd.f32 v33, v32;
	v21 =	vbroadcast v17, $0x2;
	v23 =	vld [tilespmem:s31+$0xFFFFFF60];
	v26 =	vbroadcast v19, $0x0;
	[tilespmem:s15+$0x90] =	vst v12  }
0xa9: {  	v18 =	vpop (erf);
	v30 =	vbroadcast v19, $0x1;
	v20 =	vunpack.i.u.bf16.f32 v22;
	v11 =	vbroadcast v17, $0x1;
	v25 =	vld [tilespmem:s31+$0xFFFFFFB0];
	[tilespmem:s15+$0xA0] =	vst v2  }
0xaa: {  	v22 =	vunpack.i.l.bf16.f32 v22;
	v27 =	vbroadcast v18, $0x0;
	v4 =	vbroadcast v18, $0x2;
	v31 =	vld [tilespmem:s31+$0x60]  }
0xab: {  	vm12 =	vgt.f32 v32, $0.0e+00;
	v22 =	vmul.f32 v22, v14;
	v14 =	vmul.f32 v20, v14  }
0xac: {  	v35 =	vld [tilespmem:s0+$0xFFFFFFE0];
	[tilespmem:s15+$0x80] =	vst v18;
	v20 =	vmul.f32 $2.000000030e-01, v32;
	v12 =	vbroadcast v18, $0x1;
	v2 =	vunpack.i.l.bf16.f32 v5  }
0xad: {  	v28 =	vunpack.i.u.bf16.f32 v5;
	[tilespmem:s14+$0x30] =	vst v1;
	v29 =	vld [tilespmem:s31+$0x0];
	v5 =	vbroadcast v19, $0x2;
	v2 =	vmul.f32 v2, v13  }
0xae: {  	v13 =	vmul.f32 v28, v13;
	v28 =	vld [tilespmem:s17+$0x20];
	v1 =	vunpack.i.l.bf16.f32 v23;
	v23 =	vunpack.i.u.bf16.f32 v23  }
0xaf: {  	v55 =	vld [tilespmem:s0+$0xFFFFFFF0];
	v1 =	vmul.f32 v24, v1;
	v34 =	vunpack.i.u.bf16.f32 v25;
	v37 =	vunpack.i.l.bf16.f32 v31  }
0xb0: {  	v58 =	vld [tilespmem:s0+$0x0];
	[tilespmem:s14+$0x100] =	vst v3;
	v23 =	vmul.f32 v24, v23;
	v31 =	vunpack.i.u.bf16.f32 v31;
	v37 =	vmul.f32 v37, v36  }
0xb1: {  	v57 =	vld [tilespmem:s16+$0x40];
	v25 =	vunpack.i.l.bf16.f32 v25;
	[tilespmem:s14+$0xFFFFFF20] =	vst v2;
	v2 =	vbroadcast v17, $0x3;
	v31 =	vmul.f32 v31, v36  }
0xb2: {  	v17 =	vsel vm12, v32, v20;
	v24 =	vmul.f32 v26, v25;
	v25 =	vld [tilespmem:s16+$0xFFFFFFF0];
	v56 =	vunpack.i.l.bf16.f32 v29;
	[tilespmem:s15+$0xB0] =	vst v37  }
0xb3: {  	v29 =	vunpack.i.u.bf16.f32 v29;
	v17 =	vadd.f32 $-8.000000000e+00, v17;
	v3 =	vunpack.i.l.bf16.f32 v28;
	[tilespmem:s15+$0xC0] =	vst v31;
	v31 =	vld [tilespmem:s16+$0xFFFFFFA0]  }
0xb4: {  	[tilespmem:s14+$0xFFFFFFC0] =	vst v14;
	v36 =	vmul.f32 v27, v56;
	v27 =	vmul.f32 v27, v29;
	v29 =	vunpack.i.u.bf16.f32 v28;
	v28 =	vld [tilespmem:s31+$0x70]  }
0xb5: {  	v26 =	vmul.f32 v26, v34;
	[tilespmem:s15+$0xFFFFFEE0] =	vst v1;
	v1 =	vbroadcast v19, $0x3  }
0xb6: {  	v19 =	vadd.f32 v58, v57;
	[tilespmem:s15+$0xFFFFFF70] =	vst v24;
	v24 =	vbroadcast v6, $0x2;
	v17 =	vmul.f32 $1.442695020e+00, v17  }
0xb7: {  	[tilespmem:s15+$0xFFFFFEF0] =	vst v23;
	v38 =	vmul.f32 v3, v16;
	v16 =	vmul.f32 v29, v16;
	v3 =	vadd.f32 v55, v25  }
0xb8: {  	[tilespmem:s14+$0xFFFFFF30] =	vst v13;
	vm15 =	vgt.f32 v19, $0.0e+00;
	v29 =	vld [tilespmem:s31+$0xFFFFFF70];
	(erf) = vpow2.f32 v17;
	v25 =	vmul.f32 $2.000000030e-01, v19  }
0xb9: {  	[tilespmem:s15+$0xFFFFFF80] =	vst v26;
	v20 =	vmul.f32 $2.000000030e-01, v3;
	v23 =	vadd.f32 v35, v31;
	v26 =	vunpack.i.l.bf16.f32 v28  }
0xba: {  	[tilespmem:s15+$0x0] =	vst v36;
	vm14 =	vgt.f32 v3, $0.0e+00;
	v28 =	vunpack.i.u.bf16.f32 v28;
	v26 =	vmul.f32 v26, v24  }
0xbb: {  	[tilespmem:s15+$0x10] =	vst v27;
	v19 =	vsel vm15, v19, v25;
	v31 =	vmul.f32 $2.000000030e-01, v23;
	v17 =	vmul.f32 v28, v24;
	v24 =	vld [tilespmem:s31+$0xFFFFFFC0]  }
0xbc: {  	v20 =	vsel vm14, v3, v20;
	v3 =	vbroadcast v18, $0x3;
	v18 =	vld [tilespmem:s17+$0xFFFFFF90];
	vm13 =	vgt.f32 v23, $0.0e+00;
	[tilespmem:s15+$0xD0] =	vst v26  }
0xbd: {  	v14 =	vunpack.i.l.bf16.f32 v29;
	v13 =	vadd.f32 $-8.000000000e+00, v20;
	v23 =	vsel vm13, v23, v31;
	v26 =	vld [tilespmem:s31+$0x10];
	[tilespmem:s15+$0xE0] =	vst v17  }
0xbe: {  	v20 =	vunpack.i.u.bf16.f32 v29;
	v17 =	vadd.f32 $-8.000000000e+00, v19;
	v23 =	vadd.f32 $-8.000000000e+00, v23;
	v19 =	vld [tilespmem:s31+$0x80]  }
0xbf: {  	[tilespmem:s14+$0xF0] =	vst v15;
	v14 =	vmul.f32 v14, v11;
	v11 =	vmul.f32 v20, v11  }
0xc0: {  	[tilespmem:s14+$0xFFFFFFB0] =	vst v22;
	v13 =	vmul.f32 $1.442695020e+00, v13;
	v8 =	vmul.f32 $1.442695020e+00, v23;
	v23 =	vunpack.i.u.bf16.f32 v24  }
0xc1: {  	v22 =	vld [tilespmem:s17+$0xFFFFFFE0];
	[tilespmem:s14+$0x40] =	vst v38;
	v25 =	vunpack.i.u.bf16.f32 v18;
	v17 =	vmul.f32 $1.442695020e+00, v17;
	v23 =	vmul.f32 v23, v30  }
0xc2: {  	[tilespmem:s14+$0x50] =	vst v16;
	v16 =	vunpack.i.l.bf16.f32 v24;
	(erf) = vpow2.f32 v8;
	v8 =	vbroadcast v6, $0x3  }
0xc3: {  	[tilespmem:s15+$0xFFFFFF00] =	vst v14;
	v24 =	vunpack.i.u.bf16.f32 v26;
	v6 =	vpop (erf);
	(erf) = vpow2.f32 v13;
	v13 =	vld [tilespmem:s17+$0x30];
	v15 =	vunpack.i.u.bf16.f32 v19;
	s17 =	simm.s32 $0x19C20  }
0xc4: {  	v59 =	vmul.f32 v24, v12;
	(erf) = vpow2.f32 v17;
	v17 =	vunpack.i.l.bf16.f32 v26;
	[tilespmem:s17+$0x110] =	vst v6  }
0xc5: {  	[tilespmem:s15+$0xFFFFFF10] =	vst v11;
	v14 =	vmul.f32 v15, v8;
	v15 =	vmul.f32 v16, v30;
	v16 =	vunpack.i.l.bf16.f32 v18;
	v28 =	vld [tilespmem:s16+$0x50]  }
0xc6: {  	v26 =	vunpack.i.u.bf16.f32 v22;
	v17 =	vmul.f32 v17, v12;
	v12 =	vunpack.i.l.bf16.f32 v22;
	v22 =	vld [tilespmem:s31+$0xFFFFFF80]  }
0xc7: {  	v20 =	vmul.f32 v25, v9;
	v60 =	vmul.f32 v16, v9  }
0xc8: {  	[tilespmem:s15+$0xFFFFFFA0] =	vst v23;
	v18 =	vmul.f32 v12, v10;
	v12 =	vbroadcast v6, $0x0  }
0xc9: {  	[tilespmem:s15+$0x100] =	vst v14;
	v11 =	vunpack.i.l.bf16.f32 v13;
	v9 =	vunpack.i.u.bf16.f32 v13;
	v13 =	vmul.f32 v26, v10  }
0xca: {  	[tilespmem:s15+$0xFFFFFF90] =	vst v15;
	v11 =	vmul.f32 v11, v7;
	v9 =	vmul.f32 v9, v7  }
0xcb: {  	v61 =	vld [tilespmem:s31+$0xFFFFFFD0];
	[tilespmem:s15+$0x20] =	vst v17;
	v7 =	vunpack.i.l.bf16.f32 v28;
	v17 =	vunpack.i.u.bf16.f32 v28;
	v63 =	vunpack.i.u.bf16.f32 v22;
	v14 =	vpop (erf)  }
0xcc: {  	v28 =	vunpack.i.l.bf16.f32 v22;
	v7 =	vmul.f32 v12, v7;
	v23 =	vmul.f32 v12, v17;
	[tilespmem:s17+$0xFFFFFF60] =	vst v14;
	v15 =	vpop (erf)  }
0xcd: {  	v32 =	vmul.f32 v28, v21;
	v34 =	vmul.f32 v63, v21;
	v62 =	vld [tilespmem:s16+$0xFFFFFF60];
	[tilespmem:s17+$0xFFFFFFF0] =	vst v15;
	v16 =	vpop (erf)  }
0xce: {  	v27 =	vbroadcast v14, $0x0;
	v10 =	vbroadcast v14, $0x1;
	[tilespmem:s17+$0x80] =	vst v16;
	v31 =	vld [tilespmem:s16+$0xFFFFFFB0]  }
0xcf: {  	v19 =	vunpack.i.l.bf16.f32 v19;
	v26 =	vbroadcast v15, $0x0;
	v17 =	vbroadcast v15, $0x1;
	[tilespmem:s17+$0x90] =	vst v7;
	v29 =	vld [tilespmem:s16+$0x0]  }
0xd0: {  	v25 =	vunpack.i.u.bf16.f32 v61;
	v7 =	vbroadcast v14, $0x2;
	v22 =	vbroadcast v15, $0x2;
	[tilespmem:s17+$0xA0] =	vst v23  }
0xd1: {  	[tilespmem:s15+$0x30] =	vst v59;
	v28 =	vunpack.i.l.bf16.f32 v61;
	v24 =	vbroadcast v16, $0x0;
	v12 =	vbroadcast v16, $0x1;
	v30 =	vld [tilespmem:s16+$0x60]  }
0xd2: {  	s3 =	simm.s32 $0x8;
	s22 =	simm.s32 $0x16AE0;
	[tilespmem:s14+$0xFFFFFF40] =	vst v60;
	v21 =	vld [tilespmem:s31+$0x20];
	v23 =	vbroadcast v16, $0x2;
	v33 =	vunpack.i.u.bf16.f32 v62;
	v35 =	vunpack.i.l.bf16.f32 v62  }
.LBB2_3:
0xd3: {  	v36 =	vld [tilespmem:s22+$0x90];
	v35 =	vmul.f32 v27, v35;
	v37 =	vunpack.i.u.bf16.f32 v31;
	v31 =	vunpack.i.l.bf16.f32 v31;
	s0 =	sadd.s32 $0x40, s0;
	[tilespmem:s15+$0xFFFFFF20] =	vst v32  }
0xd4: {  	v27 =	vmul.f32 v27, v33;
	v32 =	vld [tilespmem:s0+$0x10];
	v33 =	vunpack.i.u.bf16.f32 v29;
	v29 =	vunpack.i.l.bf16.f32 v29;
	[tilespmem:s15+$0xFFFFFF30] =	vst v34  }
0xd5: {  	v31 =	vmul.f32 v26, v31;
	v34 =	vld [tilespmem:s0+$0xFFFFFFE0];
	[tilespmem:s17+$0xFFFFFEE0] =	vst v35;
	v35 =	vbroadcast v6, $0x1  }
0xd6: {  	v26 =	vmul.f32 v26, v37;
	v38 =	vld [tilespmem:s22+$0xFFFFFFF0];
	[tilespmem:s17+$0xFFFFFEF0] =	vst v27;
	v27 =	vmul.f32 v24, v29;
	v29 =	vunpack.i.l.bf16.f32 v30  }
0xd7: {  	s3 =	sadd.s32 $0x4, s3;
	v24 =	vmul.f32 v24, v33;
	v30 =	vunpack.i.u.bf16.f32 v30;
	v37 =	vld [tilespmem:s0+$0xFFFFFFF0];
	[tilespmem:s17+$0xFFFFFF70] =	vst v31;
	v29 =	vmul.f32 v29, v35  }
0xd8: {  	p1 =	slt.u32 s3, $0x3C;
	v31 =	vld [tilespmem:s22+$0x40];
	[tilespmem:s17+$0xFFFFFF80] =	vst v26;
	v26 =	vmul.f32 v30, v35;
	v30 =	vunpack.i.u.bf16.f32 v21;
	v21 =	vunpack.i.l.bf16.f32 v21  }
0xd9: {  	v28 =	vmul.f32 v28, v5;
	v25 =	vmul.f32 v25, v5;
	v33 =	vld [tilespmem:s0+$0x0];
	v32 =	vadd.f32 v32, v36;
	[tilespmem:s17+$0xB0] =	vst v29  }
0xda: {  	v5 =	vmovc v22;
	v21 =	vmul.f32 v21, v4;
	v29 =	vld [tilespmem:s22+$0xFFFFFFA0];
	[tilespmem:s17+$0xC0] =	vst v26;
	v26 =	vmul.f32 v30, v4;
	v4 =	vmov v23  }
0xdb: {  	v14 =	vbroadcast v14, $0x3;
	v22 =	vmul.f32 $2.000000030e-01, v32;
	[tilespmem:s17+$0x0] =	vst v27;
	v23 =	vld [tilespmem:s16+$0x70]  }
0xdc: {  	v15 =	vbroadcast v15, $0x3;
	vm0 =	vgt.f32 v32, $0.0e+00;
	v27 =	vadd.f32 v37, v38;
	v30 =	vld [tilespmem:s16+$0xFFFFFF70];
	[tilespmem:s17+$0x10] =	vst v24  }
0xdd: {  	v16 =	vbroadcast v16, $0x3;
	v8 =	vmul.f32 v19, v8;
	v22 =	vsel vm0, v32, v22;
	v24 =	vld [tilespmem:s16+$0xFFFFFFC0];
	[tilespmem:s15+$0xFFFFFFB0] =	vst v28  }
0xde: {  	v19 =	vmul.f32 $2.000000030e-01, v27;
	v28 =	vadd.f32 v33, v31;
	v22 =	vadd.f32 $-8.000000000e+00, v22;
	v31 =	vld [tilespmem:s16+$0x10];
	[tilespmem:s15+$0xFFFFFFC0] =	vst v25  }
0xdf: {  	vm0 =	vgt.f32 v27, $0.0e+00;
	v25 =	vadd.f32 v34, v29;
	v29 =	vbroadcast v6, $0x2;
	v32 =	vld [tilespmem:s31+$0xFFFFFF90];
	[tilespmem:s15+$0x40] =	vst v21  }
0xe0: {  	v21 =	vmul.f32 $2.000000030e-01, v28;
	v22 =	vmul.f32 $1.442695020e+00, v22;
	v33 =	vunpack.i.l.bf16.f32 v23;
	v34 =	vld [tilespmem:s31+$0xFFFFFFE0];
	[tilespmem:s15+$0x50] =	vst v26  }
0xe1: {  	v23 =	vunpack.i.u.bf16.f32 v23;
	v26 =	vmul.f32 $2.000000030e-01, v25;
	v33 =	vmul.f32 v33, v29;
	v35 =	vld [tilespmem:s31+$0x30];
	[tilespmem:s14+$0xFFFFFF50] =	vst v20;
	s31 =	smov.u32 s16;
	s16 =	smov.u32 s22  }
0xe2: {  	vm1 =	vgt.f32 v25, $0.0e+00;
	v20 =	vmul.f32 v23, v29;
	(erf) = vpow2.f32 v22;
	[tilespmem:s14+$0xFFFFFFD0] =	vst v18  }
0xe3: {  	v19 =	vsel vm0, v27, v19;
	vm0 =	vgt.f32 v28, $0.0e+00;
	v18 =	vsel vm1, v25, v26;
	[tilespmem:s17+$0xD0] =	vst v33  }
0xe4: {  	v19 =	vadd.f32 $-8.000000000e+00, v19;
	v21 =	vsel vm0, v28, v21;
	v18 =	vadd.f32 $-8.000000000e+00, v18;
	[tilespmem:s17+$0xE0] =	vst v20  }
0xe5: {  	v22 =	vunpack.i.l.bf16.f32 v30;
	v20 =	vadd.f32 $-8.000000000e+00, v21;
	v21 =	vunpack.i.u.bf16.f32 v30;
	v23 =	vld [tilespmem:s31+$0x80];
	[tilespmem:s14+$0xFFFFFFE0] =	vst v13  }
0xe6: {  	v13 =	vmul.f32 $1.442695020e+00, v18;
	v18 =	vmul.f32 $1.442695020e+00, v19;
	v19 =	vunpack.i.u.bf16.f32 v24;
	[tilespmem:s14+$0x60] =	vst v11  }
0xe7: {  	v11 =	vmul.f32 $1.442695020e+00, v20;
	v20 =	vunpack.i.l.bf16.f32 v24;
	v24 =	vunpack.i.u.bf16.f32 v31;
	[tilespmem:s14+$0x70] =	vst v9;
	s14 =	smov.u32 s15;
	s15 =	smov.u32 s17  }
0xe8: {  	v9 =	vmul.f32 v22, v10;
	(erf) = vpow2.f32 v13;
	v13 =	vunpack.i.l.bf16.f32 v31;
	[tilespmem:s14+$0xF0] =	vst v8  }
0xe9: {  	v8 =	vbroadcast v6, $0x3;
	(erf) = vpow2.f32 v18;
	v18 =	vunpack.i.u.bf16.f32 v32  }
0xea: {  	(erf) = vpow2.f32 v11;
	[tilespmem:s17+$0xFFFFFF00] =	vst v9;
	v9 =	vmul.f32 v21, v10;
	v10 =	vunpack.i.u.bf16.f32 v23  }
0xeb: {  	v11 =	vmul.f32 v20, v17;
	s17 =	sadd.s32 $0x240, s17;
	v20 =	vunpack.i.l.bf16.f32 v32;
	v6 =	vpop (erf);
	v10 =	vmul.f32 v10, v8  }
0xec: {  	v17 =	vmul.f32 v19, v17;
	v21 =	vmul.f32 v13, v12;
	v13 =	vunpack.i.u.bf16.f32 v34;
	[tilespmem:s17+$0x110] =	vst v6  }
0xed: {  	v33 =	vmul.f32 v24, v12;
	v12 =	vunpack.i.u.bf16.f32 v35;
	v22 =	vld [tilespmem:s22+$0x50];
	[tilespmem:s15+$0x100] =	vst v10;
	v10 =	vunpack.i.l.bf16.f32 v34  }
0xee: {  	v19 =	vunpack.i.l.bf16.f32 v23;
	v36 =	vmul.f32 v20, v2;
	[tilespmem:s15+$0xFFFFFF10] =	vst v9;
	v9 =	vunpack.i.l.bf16.f32 v35  }
0xef: {  	v20 =	vmul.f32 v18, v2;
	v2 =	vmov v14;
	v18 =	vmul.f32 v10, v1;
	v23 =	vld [tilespmem:s31+$0xFFFFFF80];
	[tilespmem:s15+$0xFFFFFF90] =	vst v11  }
0xf0: {  	v13 =	vmul.f32 v13, v1;
	v1 =	vmov v15;
	v11 =	vmul.f32 v9, v3;
	[tilespmem:s15+$0xFFFFFFA0] =	vst v17  }
0xf1: {  	v9 =	vmul.f32 v12, v3;
	v3 =	vmov v16;
	v17 =	vbroadcast v6, $0x0;
	v14 =	vpop (erf);
	v28 =	vld [tilespmem:s31+$0xFFFFFFD0];
	[tilespmem:s15+$0x20] =	vst v21  }
0xf2: {  	[tilespmem:s17+$0xFFFFFF60] =	vst v14;
	v27 =	vbroadcast v14, $0x0;
	v10 =	vbroadcast v14, $0x1;
	v12 =	vunpack.i.l.bf16.f32 v22;
	v15 =	vpop (erf)  }
0xf3: {  	v22 =	vunpack.i.u.bf16.f32 v22;
	v21 =	vld [tilespmem:s22+$0xFFFFFF60];
	[tilespmem:s17+$0xFFFFFFF0] =	vst v15;
	v26 =	vbroadcast v15, $0x0;
	v25 =	vmul.f32 v17, v12;
	v16 =	vpop (erf)  }
.Ltmp0:
0xf4: {  	v30 =	vmul.f32 v17, v22;
	v31 =	vld [tilespmem:s22+$0xFFFFFFB0];
	[tilespmem:s17+$0x80] =	vst v16;
	v24 =	vbroadcast v16, $0x0;
	v34 =	vunpack.i.u.bf16.f32 v23;
	(pc) =	sbr.rel @p1 .LBB2_3-.Ltmp0, $4  }
0xf5: {  	v17 =	vbroadcast v15, $0x1;
	v12 =	vbroadcast v16, $0x1;
	v32 =	vunpack.i.l.bf16.f32 v23;
	v29 =	vld [tilespmem:s22+$0x0];
	[tilespmem:s17+$0x90] =	vst v25  }
0xf6: {  	v37 =	vbroadcast v14, $0x2;
	v22 =	vbroadcast v15, $0x2;
	[tilespmem:s17+$0xA0] =	vst v30;
	v25 =	vunpack.i.u.bf16.f32 v28  }
0xf7: {  	v23 =	vbroadcast v16, $0x2;
	v32 =	vmul.f32 v32, v7;
	v28 =	vunpack.i.l.bf16.f32 v28;
	v30 =	vld [tilespmem:s22+$0x60];
	[tilespmem:s15+$0x30] =	vst v33  }
0xf8: {  	v34 =	vmul.f32 v34, v7;
	v7 =	vmovc v37;
	s22 =	sadd.s32 $0x140, s22;
	v33 =	vunpack.i.u.bf16.f32 v21;
	v35 =	vunpack.i.l.bf16.f32 v21;
	v21 =	vld [tilespmem:s31+$0x20];
	[tilespmem:s14+$0xFFFFFF40] =	vst v36  }
0xf9: {  	[tilespmem:s15+$0xFFFFFF20] =	vst v32  }
0xfa: {  	[tilespmem:s14+$0xFFFFFF50] =	vst v20  }
0xfb: {  	v35 =	vmul.f32 v27, v35;
	v27 =	vmul.f32 v27, v33;
	[tilespmem:s14+$0xFFFFFFD0] =	vst v18  }
0xfc: {  	v49 =	vunpack.i.l.bf16.f32 v31;
	v31 =	vunpack.i.u.bf16.f32 v31;
	v50 =	vbroadcast v6, $0x1;
	[tilespmem:s14+$0xFFFFFFE0] =	vst v13  }
0xfd: {  	v32 =	vmul.f32 v26, v49;
	v26 =	vmul.f32 v26, v31;
	[tilespmem:s17+$0xFFFFFEF0] =	vst v27;
	v27 =	vunpack.i.l.bf16.f32 v30  }
0xfe: {  	[tilespmem:s14+$0x60] =	vst v11;
	v30 =	vunpack.i.u.bf16.f32 v30;
	v27 =	vmul.f32 v27, v50  }
0xff: {  	v31 =	vunpack.i.l.bf16.f32 v29;
	v29 =	vunpack.i.u.bf16.f32 v29;
	[tilespmem:s17+$0xFFFFFF80] =	vst v26;
	v26 =	vmul.f32 v30, v50  }
0x100: {  	v30 =	vmul.f32 v24, v31;
	v24 =	vmul.f32 v24, v29;
	[tilespmem:s17+$0xB0] =	vst v27  }
0x101: {  	[tilespmem:s17+$0xC0] =	vst v26;
	v26 =	vmul.f32 v28, v5;
	v28 =	vunpack.i.l.bf16.f32 v21;
	v21 =	vunpack.i.u.bf16.f32 v21  }
0x102: {  	[tilespmem:s17+$0x10] =	vst v24;
	v27 =	vld [tilespmem:s16+$0x70];
	v24 =	vmul.f32 v28, v4;
	v4 =	vmul.f32 v21, v4  }
0x103: {  	[tilespmem:s17+$0xFFFFFF70] =	vst v32  }
0x104: {  	v5 =	vmul.f32 v25, v5;
	[tilespmem:s15+$0x50] =	vst v4;
	v4 =	vld [tilespmem:s16+$0xFFFFFFC0]  }
0x105: {  	[tilespmem:s17+$0xFFFFFEE0] =	vst v35  }
0x106: {  	v21 =	vbroadcast v6, $0x2;
	[tilespmem:s15+$0xFFFFFFC0] =	vst v5;
	v5 =	vld [tilespmem:s16+$0xFFFFFF70]  }
0x107: {  	[tilespmem:s15+$0x40] =	vst v24;
	v24 =	vunpack.i.l.bf16.f32 v27  }
0x108: {  	[tilespmem:s15+$0xFFFFFF30] =	vst v34;
	v25 =	vunpack.i.u.bf16.f32 v27;
	v24 =	vmul.f32 v24, v21  }
0x109: {  	[tilespmem:s17+$0x0] =	vst v30;
	v20 =	vmul.f32 v25, v21;
	v11 =	vunpack.i.l.bf16.f32 v4  }
0x10a: {  	v18 =	vld [tilespmem:s16+$0x10];
	v4 =	vunpack.i.u.bf16.f32 v4;
	[tilespmem:s17+$0xD0] =	vst v24;
	v11 =	vmul.f32 v11, v17  }
0x10b: {  	[tilespmem:s17+$0xE0] =	vst v20;
	v20 =	vunpack.i.l.bf16.f32 v5;
	v4 =	vmul.f32 v4, v17  }
0x10c: {  	v5 =	vunpack.i.u.bf16.f32 v5;
	v13 =	vmul.f32 v20, v10;
	[tilespmem:s17+$0xFFFFFF90] =	vst v11  }
0x10d: {  	v5 =	vmul.f32 v5, v10;
	v10 =	vld [tilespmem:s16+$0x80];
	[tilespmem:s17+$0xFFFFFFA0] =	vst v4  }
0x10e: {  	[tilespmem:s17+$0xFFFFFF00] =	vst v13;
	v13 =	vld [tilespmem:s31+$0xFFFFFF90]  }
0x10f: {  	v20 =	vunpack.i.l.bf16.f32 v18;
	v4 =	vbroadcast v6, $0x3;
	[tilespmem:s17+$0xFFFFFF10] =	vst v5;
	v6 =	vld [tilespmem:s16+$0xFFFFFFD0]  }
0x110: {  	[tilespmem:s14+$0x70] =	vst v9;
	v17 =	vmul.f32 v20, v12;
	v5 =	vunpack.i.u.bf16.f32 v18;
	v18 =	vld [tilespmem:s16+$0xFFFFFF80]  }
0x111: {  	[tilespmem:s15+$0xFFFFFFB0] =	vst v26;
	v5 =	vmul.f32 v5, v12  }
0x112: {  	v8 =	vmul.f32 v19, v8;
	[tilespmem:s17+$0x20] =	vst v17;
	v11 =	vunpack.i.u.bf16.f32 v10  }
0x113: {  	v12 =	vld [tilespmem:s31+$0xFFFFFFE0];
	[tilespmem:s17+$0x30] =	vst v5;
	v5 =	vmul.f32 v11, v4;
	v9 =	vunpack.i.l.bf16.f32 v13  }
0x114: {  	[tilespmem:s15+$0xF0] =	vst v8;
	v11 =	vld [tilespmem:s16+$0x20];
	v17 =	vunpack.i.l.bf16.f32 v6;
	v6 =	vunpack.i.u.bf16.f32 v6;
	v8 =	vmul.f32 v9, v2  }
0x115: {  	v9 =	vunpack.i.l.bf16.f32 v18;
	[tilespmem:s17+$0x100] =	vst v5;
	v6 =	vmul.f32 v6, v22  }
0x116: {  	v5 =	vunpack.i.u.bf16.f32 v18;
	v9 =	vmul.f32 v9, v7;
	[tilespmem:s15+$0xFFFFFF40] =	vst v8  }
0x117: {  	v5 =	vmul.f32 v5, v7;
	[tilespmem:s17+$0xFFFFFFC0] =	vst v6  }
0x118: {  	v7 =	vmul.f32 v17, v22;
	v8 =	vld [tilespmem:s31+$0x30];
	v6 =	vunpack.i.l.bf16.f32 v12;
	[tilespmem:s17+$0xFFFFFF20] =	vst v9  }
0x119: {  	[tilespmem:s17+$0xFFFFFF30] =	vst v5;
	v5 =	vunpack.i.l.bf16.f32 v11;
	v6 =	vmul.f32 v6, v1  }
0x11a: {  	v9 =	vunpack.i.u.bf16.f32 v11;
	[tilespmem:s17+$0xFFFFFFB0] =	vst v7;
	v7 =	vunpack.i.u.bf16.f32 v13;
	v5 =	vmul.f32 v5, v23  }
0x11b: {  	v9 =	vmul.f32 v9, v23;
	v2 =	vmul.f32 v7, v2;
	v7 =	vld [tilespmem:s16+$0xFFFFFF90];
	[tilespmem:s15+$0xFFFFFFD0] =	vst v6  }
0x11c: {  	[tilespmem:s17+$0x40] =	vst v5;
	v5 =	vunpack.i.u.bf16.f32 v12  }
0x11d: {  	[tilespmem:s17+$0x50] =	vst v9;
	v9 =	vunpack.i.l.bf16.f32 v8;
	v1 =	vmul.f32 v5, v1;
	v5 =	vld [tilespmem:s16+$0xFFFFFFE0]  }
0x11e: {  	[tilespmem:s15+$0xFFFFFF50] =	vst v2;
	v2 =	vunpack.i.u.bf16.f32 v8;
	v8 =	vmul.f32 v9, v3  }
0x11f: {  	v6 =	vbroadcast v14, $0x3;
	v9 =	vunpack.i.l.bf16.f32 v10;
	v2 =	vmul.f32 v2, v3;
	v3 =	vld [tilespmem:s16+$0x30];
	[tilespmem:s15+$0xFFFFFFE0] =	vst v1  }
0x120: {  	v1 =	vmul.f32 v9, v4;
	v4 =	vunpack.i.l.bf16.f32 v7;
	[tilespmem:s15+$0x60] =	vst v8  }
0x121: {  	v8 =	vbroadcast v15, $0x3;
	[tilespmem:s15+$0x70] =	vst v2;
	v2 =	vunpack.i.u.bf16.f32 v7;
	v4 =	vmul.f32 v4, v6  }
0x122: {  	[tilespmem:s17+$0xF0] =	vst v1;
	v2 =	vmul.f32 v2, v6;
	v1 =	vunpack.i.l.bf16.f32 v5  }
0x123: {  	v6 =	vbroadcast v16, $0x3;
	v5 =	vunpack.i.u.bf16.f32 v5;
	[tilespmem:s17+$0xFFFFFF40] =	vst v4;
	v1 =	vmul.f32 v1, v8  }
0x124: {  	v4 =	vunpack.i.l.bf16.f32 v3;
	v5 =	vmul.f32 v5, v8;
	[tilespmem:s17+$0xFFFFFF50] =	vst v2  }
0x125: {  	v2 =	vunpack.i.u.bf16.f32 v3;
	v3 =	vmul.f32 v4, v6;
	[tilespmem:s17+$0xFFFFFFD0] =	vst v1  }
0x126: {  	v1 =	vmul.f32 v2, v6;
	[tilespmem:s17+$0xFFFFFFE0] =	vst v5  }
0x127: {  	[tilespmem:s17+$0x60] =	vst v3  }
0x128: {  	s0 =	simm.s32 $0x16480;
	[tilespmem:s17+$0x70] =	vst v1  }
0x129: {  	[spmem:s2] =	stream.indirect.scatter.add.f32 [tilespmem:s13], [sflag:$0x9], $0x90, s0, s28, $0xb8;
	[tilespmem:$0x1DE80] =	vst v63  }
0x12a: {  	s0 =	simm.s32 @!p0 $0xA  }
0x12b: {  	_ =	swait.ge @!p0 [sflag:s0], $0x2400  }
0x12c: {  	s3 =	rddreg [dreg:$0xb]  }
0x12d: {  	s3 =	sadd.s32 s29, s3  }
0x12e: {  	[sflag:s0] =	ssyncset.done @!p0 $0x0;
	s3 =	sshrl.u32 s3, $0x3  }
0x12f: {  	[sflag:s0] =	ssyncadd.s32 @!p0 $0xFFFFDC00;
	s22 =	sadd.s32 s1, s3  }
0x130: {  	[tilespmem:s18], [sflag:$0x4] =	stream.linear.gather [hbm4b:s22+s4], $0x40, $0x38;
	[tilespmem:$0x1DE80] =	vst v63  }
0x131: {  	s14 =	sadd.s32 s7, s3  }
0x132: {  	[tilespmem:s19], [sflag:$0x4] =	stream.linear.gather [hbm4b:s14+s4], $0x40, $0x38;
	[tilespmem:$0x1DE80] =	vst v63  }
0x133: {  	_ =	swait.ge [sflag:s9], $0x40  }
0x134: {  	[sflag:s9] =	ssyncset.done $0x0  }
0x135: {  	[sflag:s9] =	ssyncadd.s32 $0xFFFFFFC0  }
0x136: {  	_ =	swait.ge [sflag:s9], $0x40  }
0x137: {  	[sflag:s9] =	ssyncset.done $0x0  }
0x138: {  	[sflag:s9] =	ssyncadd.s32 $0xFFFFFFC0  }
0x139: {  	v1 =	vld [tilespmem:$0x16400]  }
0x13a: {  	v2 =	vld [tilespmem:$0x16500]  }
0x13b: {  	v3 =	vld [tilespmem:$0x16410]  }
0x13c: {  	v4 =	vld [tilespmem:$0x16510]  }
0x13d: {  	v5 =	vld [tilespmem:$0x16420]  }
0x13e: {  	v6 =	vld [tilespmem:$0x16520];
	v1 =	vadd.s32 v0, v1  }
0x13f: {  	[tilespmem:$0x16400] =	vst v1;
	v1 =	vadd.s32 v0, v2;
	v2 =	vld [tilespmem:$0x16430]  }
0x140: {  	[tilespmem:$0x16600] =	vst v1;
	v1 =	vadd.s32 v0, v3;
	v3 =	vld [tilespmem:$0x16530]  }
0x141: {  	[tilespmem:$0x16410] =	vst v1;
	v1 =	vadd.s32 v0, v4  }
0x142: {  	[tilespmem:$0x16610] =	vst v1;
	v1 =	vadd.s32 v0, v5  }
0x143: {  	[tilespmem:$0x16420] =	vst v1;
	v1 =	vadd.s32 v0, v6  }
0x144: {  	[tilespmem:$0x16620] =	vst v1;
	v1 =	vadd.s32 v0, v2  }
0x145: {  	[tilespmem:$0x16430] =	vst v1;
	v1 =	vadd.s32 v0, v3  }
0x146: {  	s16 =	simm.s32 $0x16400;
	s15 =	simm.s32 $0x16680;
	[tilespmem:$0x16630] =	vst v1  }
0x147: {  	[tilespmem:s15], [sflag:$0x5] =	stream.indirect.gather [hbm4b:s5+s28], $0x50, s16, s28, $0xb8;
	[tilespmem:$0x1DE80] =	vst v63  }
0x148: {  	s17 =	simm.s32 $0x18E80;
	s22 =	simm.s32 $0x16600  }
0x149: {  	[tilespmem:s17], [sflag:$0x7] =	stream.indirect.gather [hbm4b:s6+s28], $0x10, s22, s28, $0xb8;
	[tilespmem:$0x1DE80] =	vst v63  }
0x14a: {  	_ =	swait.ge [sflag:s21], $0x1400  }
0x14b: {  	[sflag:s21] =	ssyncset.done $0x0  }
0x14c: {  	[sflag:s21] =	ssyncadd.s32 $0xFFFFEC00  }
0x14d: {  	_ =	swait.ge [sflag:s26], $0x400  }
0x14e: {  	[sflag:s26] =	ssyncset.done $0x0  }
0x14f: {  	s3 =	simm.s32 $0x17B20;
	[sflag:s26] =	ssyncadd.s32 $0xFFFFFC00  }
0x150: {  	s16 =	simm.s32 $0x192A0;
	v1 =	vld [tilespmem:s3+$0x90]  }
0x151: {  	v2 =	vld [tilespmem:s16+$0x10];
	_ =	sdelay $0x1  }
0x152: {  	v3 =	vld [tilespmem:s16+$0xFFFFFFE0]  }
0x153: {  	v4 =	vld [tilespmem:s3+$0xFFFFFFF0]  }
0x154: {  	v5 =	vld [tilespmem:s16+$0xFFFFFFF0]  }
0x155: {  	v1 =	vadd.f32 v2, v1;
	v2 =	vld [tilespmem:s3+$0xFFFFFFA0]  }
0x156: {  	v6 =	vld [tilespmem:s3+$0x40]  }
0x157: {  	v8 =	vld [tilespmem:s16+$0x0];
	v7 =	vmul.f32 $2.000000030e-01, v1  }
0x158: {  	vm0 =	vgt.f32 v1, $0.0e+00  }
0x159: {  	v1 =	vsel vm0, v1, v7  }
0x15a: {  	v1 =	vadd.f32 $-8.000000000e+00, v1;
	v2 =	vadd.f32 v3, v2  }
0x15b: {  	v3 =	vadd.f32 v5, v4  }
0x15c: {  	v6 =	vadd.f32 v8, v6;
	v1 =	vmul.f32 $1.442695020e+00, v1;
	v4 =	vmul.f32 $2.000000030e-01, v2  }
0x15d: {  	v5 =	vmul.f32 $2.000000030e-01, v3;
	vm6 =	vgt.f32 v2, $0.0e+00;
	vm1 =	vgt.f32 v3, $0.0e+00  }
0x15e: {  	(erf) = vpow2.f32 v1;
	v1 =	vsel vm6, v2, v4;
	v2 =	vmul.f32 $2.000000030e-01, v6  }
0x15f: {  	vm7 =	vgt.f32 v6, $0.0e+00;
	v3 =	vsel vm1, v3, v5;
	v1 =	vadd.f32 $-8.000000000e+00, v1  }
0x160: {  	v3 =	vadd.f32 $-8.000000000e+00, v3;
	v2 =	vsel vm7, v6, v2  }
0x161: {  	v1 =	vmul.f32 $1.442695020e+00, v1;
	v2 =	vadd.f32 $-8.000000000e+00, v2  }
0x162: {  	v3 =	vmul.f32 $1.442695020e+00, v3  }
0x163: {  	(erf) = vpow2.f32 v1;
	v1 =	vmul.f32 $1.442695020e+00, v2;
	_ =	sdelay $0x1  }
0x164: {  	(erf) = vpow2.f32 v3  }
0x165: {  	(erf) = vpow2.f32 v1  }
0x166: {  	s14 =	simm.s32 $0x1BBA0;
	v1 =	vpop (erf)  }
0x167: {  	[tilespmem:s14+$0x110] =	vst v1  }
0x168: {  	v2 =	vld [tilespmem:s3+$0x50];
	_ =	sdelay $0x3  }
0x169: {  	s22 =	simm.s32 $0x192E0;
	v4 =	vbroadcast v1, $0x0;
	v3 =	vpop (erf)  }
0x16a: {  	v13 =	vld [tilespmem:s22+$0xFFFFFFE0];
	[tilespmem:s14+$0xFFFFFF60] =	vst v3;
	v5 =	vpop (erf);
	v6 =	vunpack.i.l.bf16.f32 v2  }
0x16b: {  	s31 =	simm.s32 $0x17C60;
	v7 =	vld [tilespmem:s3+$0xFFFFFF60];
	v2 =	vunpack.i.u.bf16.f32 v2;
	v8 =	vpop (erf);
	v6 =	vmul.f32 v4, v6  }
0x16c: {  	[tilespmem:s14+$0x80] =	vst v8;
	v2 =	vmul.f32 v4, v2;
	v4 =	vld [tilespmem:s31+$0x90]  }
0x16d: {  	v10 =	vld [tilespmem:s3+$0x0];
	[tilespmem:s14+$0x90] =	vst v6  }
0x16e: {  	v6 =	vld [tilespmem:s22+$0x10];
	[tilespmem:s14+$0xA0] =	vst v2  }
0x16f: {  	[tilespmem:s14+$0xFFFFFFF0] =	vst v5;
	v2 =	vld [tilespmem:s3+$0x60]  }
0x170: {  	v19 =	vbroadcast v1, $0x1;
	v9 =	vld [tilespmem:s3+$0xFFFFFFB0]  }
0x171: {  	v16 =	vld [tilespmem:s31+$0xFFFFFFF0];
	v11 =	vbroadcast v3, $0x0;
	v14 =	vbroadcast v5, $0x0  }
0x172: {  	v18 =	vld [tilespmem:s22+$0xFFFFFFF0];
	v15 =	vbroadcast v8, $0x0;
	v17 =	vunpack.i.u.bf16.f32 v7;
	v7 =	vunpack.i.l.bf16.f32 v7  }
0x173: {  	v20 =	vld [tilespmem:s31+$0x40];
	v22 =	vunpack.i.u.bf16.f32 v10;
	v10 =	vunpack.i.l.bf16.f32 v10;
	v4 =	vadd.f32 v6, v4  }
0x174: {  	v6 =	vmul.f32 v11, v7;
	v11 =	vmul.f32 v11, v17;
	v17 =	vld [tilespmem:s31+$0xFFFFFFA0];
	v23 =	vunpack.i.l.bf16.f32 v2  }
0x175: {  	v24 =	vld [tilespmem:s22+$0x0];
	v7 =	vunpack.i.u.bf16.f32 v9;
	v2 =	vunpack.i.u.bf16.f32 v2;
	v23 =	vmul.f32 v23, v19  }
0x176: {  	v9 =	vunpack.i.l.bf16.f32 v9;
	v21 =	vmul.f32 $2.000000030e-01, v4;
	v2 =	vmul.f32 v2, v19  }
0x177: {  	v10 =	vmul.f32 v15, v10;
	v9 =	vmul.f32 v14, v9;
	vm8 =	vgt.f32 v4, $0.0e+00;
	[tilespmem:s14+$0xB0] =	vst v23  }
0x178: {  	v7 =	vmul.f32 v14, v7;
	v4 =	vsel vm8, v4, v21;
	[tilespmem:s14+$0xC0] =	vst v2;
	v2 =	vadd.f32 v18, v16  }
0x179: {  	v14 =	vmul.f32 v15, v22;
	v4 =	vadd.f32 $-8.000000000e+00, v4;
	v13 =	vadd.f32 v13, v17;
	v15 =	vld [tilespmem:s3+$0x70]  }
0x17a: {  	v12 =	vbroadcast v3, $0x1;
	v16 =	vadd.f32 v24, v20;
	v18 =	vmul.f32 $2.000000030e-01, v2  }
0x17b: {  	[tilespmem:s14+$0xFFFFFEE0] =	vst v6;
	vm10 =	vgt.f32 v2, $0.0e+00;
	v4 =	vmul.f32 $1.442695020e+00, v4;
	v17 =	vmul.f32 $2.000000030e-01, v13  }
0x17c: {  	[tilespmem:s14+$0xFFFFFEF0] =	vst v11;
	v11 =	vbroadcast v1, $0x2;
	vm9 =	vgt.f32 v13, $0.0e+00;
	v2 =	vsel vm10, v2, v18  }
0x17d: {  	[tilespmem:s14+$0xFFFFFF70] =	vst v9;
	v9 =	vld [tilespmem:s3+$0xFFFFFF70];
	(erf) = vpow2.f32 v4;
	v4 =	vmul.f32 $2.000000030e-01, v16;
	v13 =	vsel vm9, v13, v17  }
0x17e: {  	[tilespmem:s14+$0xFFFFFF80] =	vst v7;
	v2 =	vadd.f32 $-8.000000000e+00, v2;
	v6 =	vadd.f32 $-8.000000000e+00, v13;
	v13 =	vunpack.i.l.bf16.f32 v15  }
0x17f: {  	[tilespmem:s14+$0x10] =	vst v14;
	v14 =	vbroadcast v5, $0x2;
	vm11 =	vgt.f32 v16, $0.0e+00;
	v7 =	vmul.f32 v13, v11  }
0x180: {  	[tilespmem:s14+$0x0] =	vst v10;
	v10 =	vld [tilespmem:s3+$0xFFFFFFC0];
	v4 =	vsel vm11, v16, v4;
	v2 =	vmul.f32 $1.442695020e+00, v2;
	v6 =	vmul.f32 $1.442695020e+00, v6  }
0x181: {  	v13 =	vunpack.i.u.bf16.f32 v15;
	v16 =	vbroadcast v8, $0x2;
	v4 =	vadd.f32 $-8.000000000e+00, v4  }
0x182: {  	s0 =	simm.s32 $0x19320;
	[tilespmem:s14+$0xD0] =	vst v7;
	v7 =	vunpack.i.l.bf16.f32 v9;
	(erf) = vpow2.f32 v6;
	v6 =	vmul.f32 v13, v11  }
0x183: {  	s16 =	simm.s32 $0x17DA0;
	v52 =	vld [tilespmem:s0+$0x10];
	v9 =	vunpack.i.u.bf16.f32 v9;
	v4 =	vmul.f32 $1.442695020e+00, v4;
	v13 =	vbroadcast v3, $0x2  }
0x184: {  	v51 =	vld [tilespmem:s16+$0x90];
	v7 =	vmul.f32 v7, v12;
	v12 =	vmul.f32 v9, v12  }
0x185: {  	v17 =	vunpack.i.l.bf16.f32 v10;
	v11 =	vld [tilespmem:s3+$0x10];
	(erf) = vpow2.f32 v2;
	v2 =	vbroadcast v5, $0x1;
	[tilespmem:s14+$0xE0] =	vst v6  }
0x186: {  	s15 =	simm.s32 $0x1BDE0;
	v9 =	vbroadcast v3, $0x3;
	v3 =	vunpack.i.u.bf16.f32 v10;
	v10 =	vbroadcast v5, $0x3;
	v15 =	vld [tilespmem:s3+$0x80];
	v6 =	vpop (erf)  }
0x187: {  	(erf) = vpow2.f32 v4;
	v17 =	vmul.f32 v17, v2;
	[tilespmem:s15+$0x110] =	vst v6  }
0x188: {  	v4 =	vbroadcast v8, $0x1;
	[tilespmem:s14+$0xFFFFFF00] =	vst v7;
	v2 =	vmul.f32 v3, v2;
	v18 =	vld [tilespmem:s31+$0x50]  }
0x189: {  	v32 =	vadd.f32 v52, v51;
	v7 =	vbroadcast v8, $0x3;
	v8 =	vbroadcast v1, $0x3;
	[tilespmem:s14+$0xFFFFFF90] =	vst v17  }
0x18a: {  	v1 =	vunpack.i.u.bf16.f32 v11;
	[tilespmem:s14+$0xFFFFFFA0] =	vst v2;
	v2 =	vbroadcast v6, $0x0;
	v11 =	vunpack.i.l.bf16.f32 v11  }
0x18b: {  	v36 =	vbroadcast v6, $0x1;
	v20 =	vmul.f32 v11, v4;
	v22 =	vld [tilespmem:s3+$0xFFFFFFD0];
	v3 =	vunpack.i.u.bf16.f32 v15  }
0x18c: {  	[tilespmem:s14+$0xFFFFFF10] =	vst v12;
	v1 =	vmul.f32 v1, v4;
	v15 =	vunpack.i.l.bf16.f32 v15;
	v17 =	vpop (erf);
	v3 =	vmul.f32 v3, v8  }
0x18d: {  	v5 =	vld [tilespmem:s3+$0xFFFFFF80];
	[tilespmem:s14+$0x20] =	vst v20;
	v15 =	vmul.f32 v15, v8;
	v24 =	vbroadcast v17, $0x0;
	v12 =	vunpack.i.l.bf16.f32 v18  }
0x18e: {  	[tilespmem:s15+$0xFFFFFF60] =	vst v17;
	v19 =	vpop (erf);
	v21 =	vbroadcast v17, $0x2;
	v11 =	vunpack.i.u.bf16.f32 v18;
	v12 =	vmul.f32 v2, v12  }
0x18f: {  	vm12 =	vgt.f32 v32, $0.0e+00;
	[tilespmem:s15+$0xFFFFFFF0] =	vst v19;
	v23 =	vld [tilespmem:s31+$0xFFFFFF60];
	v26 =	vbroadcast v19, $0x0;
	v2 =	vmul.f32 v2, v11  }
0x190: {  	v18 =	vpop (erf);
	v30 =	vbroadcast v19, $0x1;
	v20 =	vunpack.i.u.bf16.f32 v22;
	v11 =	vbroadcast v17, $0x1;
	[tilespmem:s15+$0x90] =	vst v12  }
0x191: {  	v22 =	vunpack.i.l.bf16.f32 v22;
	v25 =	vld [tilespmem:s31+$0xFFFFFFB0];
	v27 =	vbroadcast v18, $0x0;
	v4 =	vbroadcast v18, $0x2;
	[tilespmem:s15+$0xA0] =	vst v2  }
0x192: {  	v28 =	vunpack.i.u.bf16.f32 v5;
	v22 =	vmul.f32 v22, v14;
	v14 =	vmul.f32 v20, v14;
	v31 =	vld [tilespmem:s31+$0x60]  }
0x193: {  	v55 =	vld [tilespmem:s0+$0xFFFFFFF0];
	[tilespmem:s15+$0x80] =	vst v18;
	v20 =	vmul.f32 $2.000000030e-01, v32;
	v12 =	vbroadcast v18, $0x1;
	v2 =	vunpack.i.l.bf16.f32 v5  }
0x194: {  	[tilespmem:s14+$0x30] =	vst v1;
	v29 =	vld [tilespmem:s31+$0x0];
	v5 =	vbroadcast v19, $0x2;
	v2 =	vmul.f32 v2, v13;
	v1 =	vunpack.i.l.bf16.f32 v23  }
0x195: {  	v58 =	vld [tilespmem:s0+$0x0];
	v13 =	vmul.f32 v28, v13;
	v23 =	vunpack.i.u.bf16.f32 v23;
	v1 =	vmul.f32 v24, v1  }
0x196: {  	v28 =	vld [tilespmem:s3+$0x20];
	v53 =	vunpack.i.u.bf16.f32 v25;
	v25 =	vunpack.i.l.bf16.f32 v25;
	v23 =	vmul.f32 v24, v23  }
0x197: {  	[tilespmem:s14+$0x100] =	vst v3;
	v24 =	vmul.f32 v26, v25;
	v25 =	vld [tilespmem:s16+$0xFFFFFFF0];
	v37 =	vunpack.i.l.bf16.f32 v31;
	v31 =	vunpack.i.u.bf16.f32 v31  }
0x198: {  	v57 =	vld [tilespmem:s16+$0x40];
	[tilespmem:s14+$0xFFFFFF20] =	vst v2;
	v2 =	vbroadcast v17, $0x3;
	v17 =	vsel vm12, v32, v20;
	v31 =	vmul.f32 v31, v36  }
0x199: {  	v54 =	vld [tilespmem:s0+$0xFFFFFFE0];
	v26 =	vmul.f32 v26, v53;
	v56 =	vunpack.i.l.bf16.f32 v29;
	[tilespmem:s15+$0xFFFFFEE0] =	vst v1;
	v37 =	vmul.f32 v37, v36  }
0x19a: {  	v29 =	vunpack.i.u.bf16.f32 v29;
	v17 =	vadd.f32 $-8.000000000e+00, v17;
	v1 =	vbroadcast v19, $0x3;
	[tilespmem:s15+$0xC0] =	vst v31;
	v31 =	vld [tilespmem:s16+$0xFFFFFFA0]  }
0x19b: {  	v3 =	vunpack.i.l.bf16.f32 v28;
	v36 =	vmul.f32 v27, v56;
	v27 =	vmul.f32 v27, v29;
	[tilespmem:s15+$0xB0] =	vst v37  }
0x19c: {  	[tilespmem:s15+$0xFFFFFEF0] =	vst v23;
	v29 =	vunpack.i.u.bf16.f32 v28;
	v38 =	vmul.f32 v3, v16;
	v3 =	vadd.f32 v55, v25;
	v28 =	vld [tilespmem:s31+$0x70]  }
0x19d: {  	v19 =	vadd.f32 v58, v57;
	[tilespmem:s15+$0xFFFFFF70] =	vst v24;
	v24 =	vbroadcast v6, $0x2;
	v17 =	vmul.f32 $1.442695020e+00, v17  }
0x19e: {  	v16 =	vmul.f32 v29, v16;
	v29 =	vld [tilespmem:s31+$0xFFFFFF70];
	v20 =	vmul.f32 $2.000000030e-01, v3  }
0x19f: {  	[tilespmem:s14+$0xFFFFFFC0] =	vst v14;
	vm15 =	vgt.f32 v19, $0.0e+00;
	vm14 =	vgt.f32 v3, $0.0e+00;
	v23 =	vadd.f32 v54, v31  }
0x1a0: {  	[tilespmem:s14+$0xFFFFFF30] =	vst v13;
	(erf) = vpow2.f32 v17;
	v25 =	vmul.f32 $2.000000030e-01, v19;
	v20 =	vsel vm14, v3, v20  }
0x1a1: {  	[tilespmem:s15+$0xFFFFFF80] =	vst v26;
	v3 =	vbroadcast v18, $0x3;
	v18 =	vld [tilespmem:s3+$0xFFFFFF90];
	v26 =	vunpack.i.l.bf16.f32 v28;
	v31 =	vmul.f32 $2.000000030e-01, v23  }
0x1a2: {  	[tilespmem:s15+$0x0] =	vst v36;
	v28 =	vunpack.i.u.bf16.f32 v28;
	v26 =	vmul.f32 v26, v24;
	vm13 =	vgt.f32 v23, $0.0e+00  }
0x1a3: {  	[tilespmem:s15+$0x10] =	vst v27;
	v14 =	vunpack.i.l.bf16.f32 v29;
	v17 =	vmul.f32 v28, v24;
	v24 =	vld [tilespmem:s31+$0xFFFFFFC0];
	v23 =	vsel vm13, v23, v31  }
0x1a4: {  	v13 =	vadd.f32 $-8.000000000e+00, v20;
	v20 =	vunpack.i.u.bf16.f32 v29;
	[tilespmem:s15+$0xD0] =	vst v26;
	v23 =	vadd.f32 $-8.000000000e+00, v23  }
0x1a5: {  	v19 =	vsel vm15, v19, v25;
	v14 =	vmul.f32 v14, v11;
	v11 =	vmul.f32 v20, v11;
	v26 =	vld [tilespmem:s31+$0x10];
	[tilespmem:s15+$0xE0] =	vst v17  }
0x1a6: {  	[tilespmem:s14+$0xF0] =	vst v15;
	v17 =	vadd.f32 $-8.000000000e+00, v19;
	v25 =	vunpack.i.u.bf16.f32 v18;
	v19 =	vld [tilespmem:s31+$0x80];
	v8 =	vmul.f32 $1.442695020e+00, v23  }
0x1a7: {  	[tilespmem:s14+$0xFFFFFFB0] =	vst v22;
	v13 =	vmul.f32 $1.442695020e+00, v13;
	v20 =	vmul.f32 v25, v9  }
0x1a8: {  	v22 =	vld [tilespmem:s3+$0xFFFFFFE0];
	[tilespmem:s14+$0x40] =	vst v38;
	v17 =	vmul.f32 $1.442695020e+00, v17;
	v23 =	vunpack.i.u.bf16.f32 v24;
	(erf) = vpow2.f32 v8  }
0x1a9: {  	s17 =	simm.s32 $0x1C020;
	[tilespmem:s14+$0x50] =	vst v16;
	v16 =	vunpack.i.l.bf16.f32 v24;
	v8 =	vbroadcast v6, $0x3;
	v6 =	vpop (erf);
	(erf) = vpow2.f32 v13  }
0x1aa: {  	v23 =	vmul.f32 v23, v30;
	v24 =	vunpack.i.u.bf16.f32 v26;
	v13 =	vld [tilespmem:s3+$0x30];
	[tilespmem:s17+$0x110] =	vst v6;
	(erf) = vpow2.f32 v17  }
0x1ab: {  	[tilespmem:s15+$0xFFFFFF00] =	vst v14;
	v15 =	vunpack.i.u.bf16.f32 v19;
	v59 =	vmul.f32 v24, v12;
	v17 =	vunpack.i.l.bf16.f32 v26;
	v28 =	vld [tilespmem:s16+$0x50]  }
0x1ac: {  	[tilespmem:s15+$0xFFFFFF10] =	vst v11;
	v14 =	vmul.f32 v15, v8;
	v15 =	vmul.f32 v16, v30;
	v16 =	vunpack.i.l.bf16.f32 v18  }
0x1ad: {  	v26 =	vunpack.i.u.bf16.f32 v22;
	v17 =	vmul.f32 v17, v12;
	v12 =	vunpack.i.l.bf16.f32 v22;
	v22 =	vld [tilespmem:s31+$0xFFFFFF80]  }
0x1ae: {  	[tilespmem:s15+$0xFFFFFFA0] =	vst v23;
	v60 =	vmul.f32 v16, v9;
	v18 =	vmul.f32 v12, v10  }
0x1af: {  	[tilespmem:s15+$0x100] =	vst v14;
	v12 =	vbroadcast v6, $0x0;
	v11 =	vunpack.i.l.bf16.f32 v13;
	v9 =	vunpack.i.u.bf16.f32 v13  }
0x1b0: {  	[tilespmem:s15+$0xFFFFFF90] =	vst v15;
	v11 =	vmul.f32 v11, v7;
	v9 =	vmul.f32 v9, v7;
	v7 =	vunpack.i.l.bf16.f32 v28  }
0x1b1: {  	v61 =	vld [tilespmem:s31+$0xFFFFFFD0];
	[tilespmem:s15+$0x20] =	vst v17;
	v13 =	vmul.f32 v26, v10;
	v17 =	vunpack.i.u.bf16.f32 v28;
	v7 =	vmul.f32 v12, v7;
	v14 =	vpop (erf)  }
0x1b2: {  	v23 =	vmul.f32 v12, v17;
	v63 =	vunpack.i.u.bf16.f32 v22;
	v28 =	vunpack.i.l.bf16.f32 v22;
	[tilespmem:s17+$0xFFFFFF60] =	vst v14;
	v15 =	vpop (erf)  }
0x1b3: {  	v32 =	vmul.f32 v28, v21;
	v34 =	vmul.f32 v63, v21;
	v62 =	vld [tilespmem:s16+$0xFFFFFF60];
	[tilespmem:s17+$0xFFFFFFF0] =	vst v15;
	v16 =	vpop (erf)  }
0x1b4: {  	v27 =	vbroadcast v14, $0x0;
	v10 =	vbroadcast v14, $0x1;
	[tilespmem:s17+$0x80] =	vst v16;
	v31 =	vld [tilespmem:s16+$0xFFFFFFB0]  }
0x1b5: {  	v19 =	vunpack.i.l.bf16.f32 v19;
	[tilespmem:s17+$0x90] =	vst v7;
	v7 =	vbroadcast v14, $0x2;
	v26 =	vbroadcast v15, $0x0;
	v29 =	vld [tilespmem:s16+$0x0]  }
0x1b6: {  	[tilespmem:s17+$0xA0] =	vst v23;
	v25 =	vunpack.i.u.bf16.f32 v61;
	v17 =	vbroadcast v15, $0x1;
	v22 =	vbroadcast v15, $0x2  }
0x1b7: {  	[tilespmem:s15+$0x30] =	vst v59;
	v28 =	vunpack.i.l.bf16.f32 v61;
	v30 =	vld [tilespmem:s16+$0x60];
	v24 =	vbroadcast v16, $0x0;
	v12 =	vbroadcast v16, $0x1  }
0x1b8: {  	s22 =	simm.s32 $0x17EE0;
	s3 =	simm.s32 $0x8;
	[tilespmem:s14+$0xFFFFFF40] =	vst v60;
	v21 =	vld [tilespmem:s31+$0x20];
	v23 =	vbroadcast v16, $0x2;
	v33 =	vunpack.i.u.bf16.f32 v62;
	v35 =	vunpack.i.l.bf16.f32 v62  }
.LBB2_5:
0x1b9: {  	v36 =	vld [tilespmem:s22+$0x90];
	v35 =	vmul.f32 v27, v35;
	v37 =	vunpack.i.u.bf16.f32 v31;
	v31 =	vunpack.i.l.bf16.f32 v31;
	s0 =	sadd.s32 $0x40, s0;
	[tilespmem:s15+$0xFFFFFF20] =	vst v32  }
0x1ba: {  	v27 =	vmul.f32 v27, v33;
	v32 =	vld [tilespmem:s0+$0x10];
	v33 =	vunpack.i.u.bf16.f32 v29;
	v29 =	vunpack.i.l.bf16.f32 v29;
	[tilespmem:s15+$0xFFFFFF30] =	vst v34  }
0x1bb: {  	v31 =	vmul.f32 v26, v31;
	v34 =	vld [tilespmem:s0+$0xFFFFFFE0];
	[tilespmem:s17+$0xFFFFFEE0] =	vst v35;
	v35 =	vbroadcast v6, $0x1  }
0x1bc: {  	v26 =	vmul.f32 v26, v37;
	v38 =	vld [tilespmem:s22+$0xFFFFFFF0];
	[tilespmem:s17+$0xFFFFFEF0] =	vst v27;
	v27 =	vmul.f32 v24, v29;
	v29 =	vunpack.i.l.bf16.f32 v30  }
0x1bd: {  	s3 =	sadd.s32 $0x4, s3;
	v24 =	vmul.f32 v24, v33;
	v30 =	vunpack.i.u.bf16.f32 v30;
	v37 =	vld [tilespmem:s0+$0xFFFFFFF0];
	[tilespmem:s17+$0xFFFFFF70] =	vst v31;
	v29 =	vmul.f32 v29, v35  }
0x1be: {  	p0 =	slt.u32 s3, $0x3C;
	v31 =	vld [tilespmem:s22+$0x40];
	[tilespmem:s17+$0xFFFFFF80] =	vst v26;
	v26 =	vmul.f32 v30, v35;
	v30 =	vunpack.i.u.bf16.f32 v21;
	v21 =	vunpack.i.l.bf16.f32 v21  }
0x1bf: {  	v28 =	vmul.f32 v28, v5;
	v25 =	vmul.f32 v25, v5;
	v33 =	vld [tilespmem:s0+$0x0];
	v32 =	vadd.f32 v32, v36;
	[tilespmem:s17+$0xB0] =	vst v29  }
0x1c0: {  	v5 =	vmovc v22;
	v21 =	vmul.f32 v21, v4;
	v29 =	vld [tilespmem:s22+$0xFFFFFFA0];
	[tilespmem:s17+$0xC0] =	vst v26;
	v26 =	vmul.f32 v30, v4;
	v4 =	vmov v23  }
0x1c1: {  	v14 =	vbroadcast v14, $0x3;
	v22 =	vmul.f32 $2.000000030e-01, v32;
	[tilespmem:s17+$0x0] =	vst v27;
	v23 =	vld [tilespmem:s16+$0x70]  }
0x1c2: {  	v15 =	vbroadcast v15, $0x3;
	vm0 =	vgt.f32 v32, $0.0e+00;
	v27 =	vadd.f32 v37, v38;
	v30 =	vld [tilespmem:s16+$0xFFFFFF70];
	[tilespmem:s17+$0x10] =	vst v24  }
0x1c3: {  	v16 =	vbroadcast v16, $0x3;
	v8 =	vmul.f32 v19, v8;
	v22 =	vsel vm0, v32, v22;
	v24 =	vld [tilespmem:s16+$0xFFFFFFC0];
	[tilespmem:s15+$0xFFFFFFB0] =	vst v28  }
0x1c4: {  	v19 =	vmul.f32 $2.000000030e-01, v27;
	v28 =	vadd.f32 v33, v31;
	v22 =	vadd.f32 $-8.000000000e+00, v22;
	v31 =	vld [tilespmem:s16+$0x10];
	[tilespmem:s15+$0xFFFFFFC0] =	vst v25  }
0x1c5: {  	vm0 =	vgt.f32 v27, $0.0e+00;
	v25 =	vadd.f32 v34, v29;
	v29 =	vbroadcast v6, $0x2;
	v32 =	vld [tilespmem:s31+$0xFFFFFF90];
	[tilespmem:s15+$0x40] =	vst v21  }
0x1c6: {  	v21 =	vmul.f32 $2.000000030e-01, v28;
	v22 =	vmul.f32 $1.442695020e+00, v22;
	v33 =	vunpack.i.l.bf16.f32 v23;
	v34 =	vld [tilespmem:s31+$0xFFFFFFE0];
	[tilespmem:s15+$0x50] =	vst v26  }
0x1c7: {  	v23 =	vunpack.i.u.bf16.f32 v23;
	v26 =	vmul.f32 $2.000000030e-01, v25;
	v33 =	vmul.f32 v33, v29;
	v35 =	vld [tilespmem:s31+$0x30];
	[tilespmem:s14+$0xFFFFFF50] =	vst v20;
	s31 =	smov.u32 s16;
	s16 =	smov.u32 s22  }
0x1c8: {  	vm1 =	vgt.f32 v25, $0.0e+00;
	v20 =	vmul.f32 v23, v29;
	(erf) = vpow2.f32 v22;
	[tilespmem:s14+$0xFFFFFFD0] =	vst v18  }
0x1c9: {  	v19 =	vsel vm0, v27, v19;
	vm0 =	vgt.f32 v28, $0.0e+00;
	v18 =	vsel vm1, v25, v26;
	[tilespmem:s17+$0xD0] =	vst v33  }
0x1ca: {  	v19 =	vadd.f32 $-8.000000000e+00, v19;
	v21 =	vsel vm0, v28, v21;
	v18 =	vadd.f32 $-8.000000000e+00, v18;
	[tilespmem:s17+$0xE0] =	vst v20  }
0x1cb: {  	v22 =	vunpack.i.l.bf16.f32 v30;
	v20 =	vadd.f32 $-8.000000000e+00, v21;
	v21 =	vunpack.i.u.bf16.f32 v30;
	v23 =	vld [tilespmem:s31+$0x80];
	[tilespmem:s14+$0xFFFFFFE0] =	vst v13  }
0x1cc: {  	v13 =	vmul.f32 $1.442695020e+00, v18;
	v18 =	vmul.f32 $1.442695020e+00, v19;
	v19 =	vunpack.i.u.bf16.f32 v24;
	[tilespmem:s14+$0x60] =	vst v11  }
0x1cd: {  	v11 =	vmul.f32 $1.442695020e+00, v20;
	v20 =	vunpack.i.l.bf16.f32 v24;
	v24 =	vunpack.i.u.bf16.f32 v31;
	[tilespmem:s14+$0x70] =	vst v9;
	s14 =	smov.u32 s15;
	s15 =	smov.u32 s17  }
0x1ce: {  	v9 =	vmul.f32 v22, v10;
	(erf) = vpow2.f32 v13;
	v13 =	vunpack.i.l.bf16.f32 v31;
	[tilespmem:s14+$0xF0] =	vst v8  }
0x1cf: {  	v8 =	vbroadcast v6, $0x3;
	(erf) = vpow2.f32 v18;
	v18 =	vunpack.i.u.bf16.f32 v32  }
0x1d0: {  	(erf) = vpow2.f32 v11;
	[tilespmem:s17+$0xFFFFFF00] =	vst v9;
	v9 =	vmul.f32 v21, v10;
	v10 =	vunpack.i.u.bf16.f32 v23  }
0x1d1: {  	v11 =	vmul.f32 v20, v17;
	s17 =	sadd.s32 $0x240, s17;
	v20 =	vunpack.i.l.bf16.f32 v32;
	v6 =	vpop (erf);
	v10 =	vmul.f32 v10, v8  }
0x1d2: {  	v17 =	vmul.f32 v19, v17;
	v21 =	vmul.f32 v13, v12;
	v13 =	vunpack.i.u.bf16.f32 v34;
	[tilespmem:s17+$0x110] =	vst v6  }
0x1d3: {  	v33 =	vmul.f32 v24, v12;
	v12 =	vunpack.i.u.bf16.f32 v35;
	v22 =	vld [tilespmem:s22+$0x50];
	[tilespmem:s15+$0x100] =	vst v10;
	v10 =	vunpack.i.l.bf16.f32 v34  }
0x1d4: {  	v19 =	vunpack.i.l.bf16.f32 v23;
	v36 =	vmul.f32 v20, v2;
	[tilespmem:s15+$0xFFFFFF10] =	vst v9;
	v9 =	vunpack.i.l.bf16.f32 v35  }
0x1d5: {  	v20 =	vmul.f32 v18, v2;
	v2 =	vmov v14;
	v18 =	vmul.f32 v10, v1;
	v23 =	vld [tilespmem:s31+$0xFFFFFF80];
	[tilespmem:s15+$0xFFFFFF90] =	vst v11  }
0x1d6: {  	v13 =	vmul.f32 v13, v1;
	v1 =	vmov v15;
	v11 =	vmul.f32 v9, v3;
	[tilespmem:s15+$0xFFFFFFA0] =	vst v17  }
0x1d7: {  	v9 =	vmul.f32 v12, v3;
	v3 =	vmov v16;
	v17 =	vbroadcast v6, $0x0;
	v14 =	vpop (erf);
	v28 =	vld [tilespmem:s31+$0xFFFFFFD0];
	[tilespmem:s15+$0x20] =	vst v21  }
0x1d8: {  	[tilespmem:s17+$0xFFFFFF60] =	vst v14;
	v27 =	vbroadcast v14, $0x0;
	v10 =	vbroadcast v14, $0x1;
	v12 =	vunpack.i.l.bf16.f32 v22;
	v15 =	vpop (erf)  }
0x1d9: {  	v22 =	vunpack.i.u.bf16.f32 v22;
	v21 =	vld [tilespmem:s22+$0xFFFFFF60];
	[tilespmem:s17+$0xFFFFFFF0] =	vst v15;
	v26 =	vbroadcast v15, $0x0;
	v25 =	vmul.f32 v17, v12;
	v16 =	vpop (erf)  }
.Ltmp1:
0x1da: {  	v30 =	vmul.f32 v17, v22;
	v31 =	vld [tilespmem:s22+$0xFFFFFFB0];
	[tilespmem:s17+$0x80] =	vst v16;
	v24 =	vbroadcast v16, $0x0;
	v34 =	vunpack.i.u.bf16.f32 v23;
	(pc) =	sbr.rel @p0 .LBB2_5-.Ltmp1, $4  }
0x1db: {  	v17 =	vbroadcast v15, $0x1;
	v12 =	vbroadcast v16, $0x1;
	v32 =	vunpack.i.l.bf16.f32 v23;
	v29 =	vld [tilespmem:s22+$0x0];
	[tilespmem:s17+$0x90] =	vst v25  }
0x1dc: {  	v37 =	vbroadcast v14, $0x2;
	v22 =	vbroadcast v15, $0x2;
	[tilespmem:s17+$0xA0] =	vst v30;
	v25 =	vunpack.i.u.bf16.f32 v28  }
0x1dd: {  	v23 =	vbroadcast v16, $0x2;
	v32 =	vmul.f32 v32, v7;
	v28 =	vunpack.i.l.bf16.f32 v28;
	v30 =	vld [tilespmem:s22+$0x60];
	[tilespmem:s15+$0x30] =	vst v33  }
0x1de: {  	v34 =	vmul.f32 v34, v7;
	v7 =	vmovc v37;
	s22 =	sadd.s32 $0x140, s22;
	v33 =	vunpack.i.u.bf16.f32 v21;
	v35 =	vunpack.i.l.bf16.f32 v21;
	v21 =	vld [tilespmem:s31+$0x20];
	[tilespmem:s14+$0xFFFFFF40] =	vst v36  }
0x1df: {  	[tilespmem:s15+$0xFFFFFF20] =	vst v32  }
0x1e0: {  	[tilespmem:s14+$0xFFFFFF50] =	vst v20  }
0x1e1: {  	v35 =	vmul.f32 v27, v35;
	v27 =	vmul.f32 v27, v33;
	[tilespmem:s14+$0xFFFFFFD0] =	vst v18  }
0x1e2: {  	v49 =	vunpack.i.l.bf16.f32 v31;
	v31 =	vunpack.i.u.bf16.f32 v31;
	v50 =	vbroadcast v6, $0x1;
	[tilespmem:s14+$0xFFFFFFE0] =	vst v13  }
0x1e3: {  	v32 =	vmul.f32 v26, v49;
	v26 =	vmul.f32 v26, v31;
	[tilespmem:s17+$0xFFFFFEF0] =	vst v27;
	v27 =	vunpack.i.l.bf16.f32 v30  }
0x1e4: {  	[tilespmem:s14+$0x60] =	vst v11;
	v30 =	vunpack.i.u.bf16.f32 v30;
	v27 =	vmul.f32 v27, v50  }
0x1e5: {  	v31 =	vunpack.i.l.bf16.f32 v29;
	v29 =	vunpack.i.u.bf16.f32 v29;
	[tilespmem:s17+$0xFFFFFF80] =	vst v26;
	v26 =	vmul.f32 v30, v50  }
0x1e6: {  	v30 =	vmul.f32 v24, v31;
	v24 =	vmul.f32 v24, v29;
	[tilespmem:s17+$0xB0] =	vst v27  }
0x1e7: {  	[tilespmem:s17+$0xC0] =	vst v26;
	v26 =	vmul.f32 v28, v5;
	v28 =	vunpack.i.l.bf16.f32 v21;
	v21 =	vunpack.i.u.bf16.f32 v21  }
0x1e8: {  	[tilespmem:s17+$0x10] =	vst v24;
	v27 =	vld [tilespmem:s16+$0x70];
	v24 =	vmul.f32 v28, v4;
	v4 =	vmul.f32 v21, v4  }
0x1e9: {  	[tilespmem:s17+$0xFFFFFF70] =	vst v32  }
0x1ea: {  	v5 =	vmul.f32 v25, v5;
	[tilespmem:s15+$0x50] =	vst v4;
	v4 =	vld [tilespmem:s16+$0xFFFFFFC0]  }
0x1eb: {  	[tilespmem:s17+$0xFFFFFEE0] =	vst v35  }
0x1ec: {  	v21 =	vbroadcast v6, $0x2;
	[tilespmem:s15+$0xFFFFFFC0] =	vst v5;
	v5 =	vld [tilespmem:s16+$0xFFFFFF70]  }
0x1ed: {  	[tilespmem:s15+$0x40] =	vst v24;
	v24 =	vunpack.i.l.bf16.f32 v27  }
0x1ee: {  	[tilespmem:s15+$0xFFFFFF30] =	vst v34;
	v25 =	vunpack.i.u.bf16.f32 v27;
	v24 =	vmul.f32 v24, v21  }
0x1ef: {  	[tilespmem:s17+$0x0] =	vst v30;
	v20 =	vmul.f32 v25, v21;
	v11 =	vunpack.i.l.bf16.f32 v4  }
0x1f0: {  	v18 =	vld [tilespmem:s16+$0x10];
	v4 =	vunpack.i.u.bf16.f32 v4;
	[tilespmem:s17+$0xD0] =	vst v24;
	v11 =	vmul.f32 v11, v17  }
0x1f1: {  	[tilespmem:s17+$0xE0] =	vst v20;
	v20 =	vunpack.i.l.bf16.f32 v5;
	v4 =	vmul.f32 v4, v17  }
0x1f2: {  	v5 =	vunpack.i.u.bf16.f32 v5;
	v13 =	vmul.f32 v20, v10;
	[tilespmem:s17+$0xFFFFFF90] =	vst v11  }
0x1f3: {  	v5 =	vmul.f32 v5, v10;
	v10 =	vld [tilespmem:s16+$0x80];
	[tilespmem:s17+$0xFFFFFFA0] =	vst v4  }
0x1f4: {  	[tilespmem:s17+$0xFFFFFF00] =	vst v13;
	v13 =	vld [tilespmem:s31+$0xFFFFFF90]  }
0x1f5: {  	v20 =	vunpack.i.l.bf16.f32 v18;
	v4 =	vbroadcast v6, $0x3;
	[tilespmem:s17+$0xFFFFFF10] =	vst v5;
	v6 =	vld [tilespmem:s16+$0xFFFFFFD0]  }
0x1f6: {  	[tilespmem:s14+$0x70] =	vst v9;
	v17 =	vmul.f32 v20, v12;
	v5 =	vunpack.i.u.bf16.f32 v18;
	v18 =	vld [tilespmem:s16+$0xFFFFFF80]  }
0x1f7: {  	[tilespmem:s15+$0xFFFFFFB0] =	vst v26;
	v5 =	vmul.f32 v5, v12  }
0x1f8: {  	v8 =	vmul.f32 v19, v8;
	[tilespmem:s17+$0x20] =	vst v17;
	v11 =	vunpack.i.u.bf16.f32 v10  }
0x1f9: {  	v12 =	vld [tilespmem:s31+$0xFFFFFFE0];
	[tilespmem:s17+$0x30] =	vst v5;
	v5 =	vmul.f32 v11, v4;
	v9 =	vunpack.i.l.bf16.f32 v13  }
0x1fa: {  	[tilespmem:s15+$0xF0] =	vst v8;
	v11 =	vld [tilespmem:s16+$0x20];
	v17 =	vunpack.i.l.bf16.f32 v6;
	v6 =	vunpack.i.u.bf16.f32 v6;
	v8 =	vmul.f32 v9, v2  }
0x1fb: {  	v9 =	vunpack.i.l.bf16.f32 v18;
	[tilespmem:s17+$0x100] =	vst v5;
	v6 =	vmul.f32 v6, v22  }
0x1fc: {  	v5 =	vunpack.i.u.bf16.f32 v18;
	v9 =	vmul.f32 v9, v7;
	[tilespmem:s15+$0xFFFFFF40] =	vst v8  }
0x1fd: {  	v5 =	vmul.f32 v5, v7;
	[tilespmem:s17+$0xFFFFFFC0] =	vst v6  }
0x1fe: {  	v7 =	vmul.f32 v17, v22;
	v8 =	vld [tilespmem:s31+$0x30];
	v6 =	vunpack.i.l.bf16.f32 v12;
	[tilespmem:s17+$0xFFFFFF20] =	vst v9  }
0x1ff: {  	[tilespmem:s17+$0xFFFFFF30] =	vst v5;
	v5 =	vunpack.i.l.bf16.f32 v11;
	v6 =	vmul.f32 v6, v1  }
0x200: {  	v9 =	vunpack.i.u.bf16.f32 v11;
	[tilespmem:s17+$0xFFFFFFB0] =	vst v7;
	v7 =	vunpack.i.u.bf16.f32 v13;
	v5 =	vmul.f32 v5, v23  }
0x201: {  	v9 =	vmul.f32 v9, v23;
	v2 =	vmul.f32 v7, v2;
	v7 =	vld [tilespmem:s16+$0xFFFFFF90];
	[tilespmem:s15+$0xFFFFFFD0] =	vst v6  }
0x202: {  	[tilespmem:s17+$0x40] =	vst v5;
	v5 =	vunpack.i.u.bf16.f32 v12  }
0x203: {  	[tilespmem:s17+$0x50] =	vst v9;
	v9 =	vunpack.i.l.bf16.f32 v8;
	v1 =	vmul.f32 v5, v1;
	v5 =	vld [tilespmem:s16+$0xFFFFFFE0]  }
0x204: {  	[tilespmem:s15+$0xFFFFFF50] =	vst v2;
	v2 =	vunpack.i.u.bf16.f32 v8;
	v8 =	vmul.f32 v9, v3  }
0x205: {  	v6 =	vbroadcast v14, $0x3;
	v9 =	vunpack.i.l.bf16.f32 v10;
	v2 =	vmul.f32 v2, v3;
	v3 =	vld [tilespmem:s16+$0x30];
	[tilespmem:s15+$0xFFFFFFE0] =	vst v1  }
0x206: {  	v1 =	vmul.f32 v9, v4;
	v4 =	vunpack.i.l.bf16.f32 v7;
	[tilespmem:s15+$0x60] =	vst v8  }
0x207: {  	v8 =	vbroadcast v15, $0x3;
	[tilespmem:s15+$0x70] =	vst v2;
	v2 =	vunpack.i.u.bf16.f32 v7;
	v4 =	vmul.f32 v4, v6  }
0x208: {  	[tilespmem:s17+$0xF0] =	vst v1;
	v2 =	vmul.f32 v2, v6;
	v1 =	vunpack.i.l.bf16.f32 v5  }
0x209: {  	v6 =	vbroadcast v16, $0x3;
	v5 =	vunpack.i.u.bf16.f32 v5;
	[tilespmem:s17+$0xFFFFFF40] =	vst v4;
	v1 =	vmul.f32 v1, v8  }
0x20a: {  	v4 =	vunpack.i.l.bf16.f32 v3;
	v5 =	vmul.f32 v5, v8;
	[tilespmem:s17+$0xFFFFFF50] =	vst v2  }
0x20b: {  	v2 =	vunpack.i.u.bf16.f32 v3;
	v3 =	vmul.f32 v4, v6;
	[tilespmem:s17+$0xFFFFFFD0] =	vst v1  }
0x20c: {  	v1 =	vmul.f32 v2, v6;
	[tilespmem:s17+$0xFFFFFFE0] =	vst v5  }
0x20d: {  	[tilespmem:s17+$0x60] =	vst v3  }
0x20e: {  	s0 =	simm.s32 $0x164C0;
	[tilespmem:s17+$0x70] =	vst v1  }
0x20f: {  	[spmem:s2] =	stream.indirect.scatter.add.f32 [tilespmem:s8], [sflag:$0xA], $0x90, s0, s28, $0xb8;
	[tilespmem:$0x1DE80] =	vst v63  }
0x210: {  	_ =	swait.ge [sflag:s20], $0x2400  }
0x211: {  	p0 =	seq.s32 s25, $0x51;
	s0 =	rddreg [dreg:$0xc]  }
0x212: {  	s0 =	sadd.s32 @!p0 s29, s0  }
0x213: {  	s14 =	simm.s32 @!p0 $0x0;
	[sflag:s20] =	ssyncset.done $0x0;
	s0 =	sshrl.u32 @!p0 s0, $0x3  }
0x214: {  	s15 =	simm.s32 @!p0 $0x16380;
	[sflag:s20] =	ssyncadd.s32 $0xFFFFDC00;
	s3 =	sadd.s32 @!p0 s1, s0  }
0x215: {  	[tilespmem:s15], [sflag:$0x1] =	stream.linear.gather @!p0 [hbm4b:s3+s14], $0x40, $0x38;
	[tilespmem:$0x1DE80] =	vst v63  }
0x216: {  	s0 =	sadd.s32 @!p0 s7, s0;
	s3 =	simm.s32 @!p0 $0x16480  }
0x217: {  	[tilespmem:s3], [sflag:$0x1] =	stream.linear.gather @!p0 [hbm4b:s0+s14], $0x40, $0x38;
	[tilespmem:$0x1DE80] =	vst v63  }
0x218: {  	_ =	swait.ge [sflag:s23], $0x40  }
0x219: {  	[sflag:s23] =	ssyncset.done $0x0  }
0x21a: {  	[sflag:s23] =	ssyncadd.s32 $0xFFFFFFC0  }
0x21b: {  	_ =	swait.ge [sflag:s23], $0x40  }
0x21c: {  	[sflag:s23] =	ssyncset.done $0x0  }
0x21d: {  	[sflag:s23] =	ssyncadd.s32 $0xFFFFFFC0  }
0x21e: {  	v1 =	vld [tilespmem:$0x16440]  }
0x21f: {  	v2 =	vld [tilespmem:$0x16540]  }
0x220: {  	v3 =	vld [tilespmem:$0x16450]  }
0x221: {  	v4 =	vld [tilespmem:$0x16550]  }
0x222: {  	v5 =	vld [tilespmem:$0x16460]  }
0x223: {  	v6 =	vld [tilespmem:$0x16560];
	v1 =	vadd.s32 v0, v1  }
0x224: {  	[tilespmem:$0x16440] =	vst v1;
	v1 =	vadd.s32 v0, v2;
	v2 =	vld [tilespmem:$0x16470]  }
0x225: {  	[tilespmem:$0x16640] =	vst v1;
	v1 =	vadd.s32 v0, v3;
	v3 =	vld [tilespmem:$0x16570]  }
0x226: {  	[tilespmem:$0x16450] =	vst v1;
	v1 =	vadd.s32 v0, v4  }
0x227: {  	[tilespmem:$0x16650] =	vst v1;
	v1 =	vadd.s32 v0, v5  }
0x228: {  	[tilespmem:$0x16460] =	vst v1;
	v1 =	vadd.s32 v0, v6  }
0x229: {  	[tilespmem:$0x16660] =	vst v1;
	v1 =	vadd.s32 v0, v2  }
0x22a: {  	[tilespmem:$0x16470] =	vst v1;
	v1 =	vadd.s32 v0, v3  }
0x22b: {  	s17 =	simm.s32 $0x17A80;
	[tilespmem:$0x16670] =	vst v1  }
0x22c: {  	[tilespmem:s17], [sflag:$0x6] =	stream.indirect.gather [hbm4b:s5+s28], $0x50, s18, s28, $0xb8;
	[tilespmem:$0x1DE80] =	vst v63  }
0x22d: {  	s22 =	simm.s32 $0x16640  }
0x22e: {  	[tilespmem:s10], [sflag:$0x8] =	stream.indirect.gather [hbm4b:s6+s28], $0x10, s22, s28, $0xb8;
	[tilespmem:$0x1DE80] =	vst v63  }
0x22f: {  	_ =	swait.ge [sflag:s11], $0x1400  }
0x230: {  	[sflag:s11] =	ssyncset.done $0x0  }
0x231: {  	[sflag:s11] =	ssyncadd.s32 $0xFFFFEC00  }
0x232: {  	_ =	swait.ge [sflag:s12], $0x400  }
0x233: {  	[sflag:s12] =	ssyncset.done $0x0  }
0x234: {  	s3 =	simm.s32 $0x16720;
	[sflag:s12] =	ssyncadd.s32 $0xFFFFFC00  }
0x235: {  	s16 =	simm.s32 $0x18EA0;
	v1 =	vld [tilespmem:s3+$0x90]  }
0x236: {  	v2 =	vld [tilespmem:s16+$0x10];
	_ =	sdelay $0x1  }
0x237: {  	v3 =	vld [tilespmem:s16+$0xFFFFFFE0]  }
0x238: {  	v4 =	vld [tilespmem:s3+$0xFFFFFFF0]  }
0x239: {  	v5 =	vld [tilespmem:s16+$0xFFFFFFF0]  }
0x23a: {  	v1 =	vadd.f32 v2, v1;
	v2 =	vld [tilespmem:s3+$0xFFFFFFA0]  }
0x23b: {  	v6 =	vld [tilespmem:s3+$0x40]  }
0x23c: {  	v8 =	vld [tilespmem:s16+$0x0];
	v7 =	vmul.f32 $2.000000030e-01, v1  }
0x23d: {  	vm0 =	vgt.f32 v1, $0.0e+00  }
0x23e: {  	v1 =	vsel vm0, v1, v7  }
0x23f: {  	v1 =	vadd.f32 $-8.000000000e+00, v1;
	v2 =	vadd.f32 v3, v2  }
0x240: {  	v3 =	vadd.f32 v5, v4  }
0x241: {  	v6 =	vadd.f32 v8, v6;
	v1 =	vmul.f32 $1.442695020e+00, v1;
	v4 =	vmul.f32 $2.000000030e-01, v2  }
0x242: {  	v5 =	vmul.f32 $2.000000030e-01, v3;
	vm6 =	vgt.f32 v2, $0.0e+00;
	vm1 =	vgt.f32 v3, $0.0e+00  }
0x243: {  	(erf) = vpow2.f32 v1;
	v1 =	vsel vm6, v2, v4;
	v2 =	vmul.f32 $2.000000030e-01, v6  }
0x244: {  	vm7 =	vgt.f32 v6, $0.0e+00;
	v3 =	vsel vm1, v3, v5;
	v1 =	vadd.f32 $-8.000000000e+00, v1  }
0x245: {  	v3 =	vadd.f32 $-8.000000000e+00, v3;
	v2 =	vsel vm7, v6, v2  }
0x246: {  	v1 =	vmul.f32 $1.442695020e+00, v1;
	v2 =	vadd.f32 $-8.000000000e+00, v2  }
0x247: {  	v3 =	vmul.f32 $1.442695020e+00, v3  }
0x248: {  	(erf) = vpow2.f32 v1;
	v1 =	vmul.f32 $1.442695020e+00, v2;
	_ =	sdelay $0x1  }
0x249: {  	(erf) = vpow2.f32 v3  }
0x24a: {  	(erf) = vpow2.f32 v1  }
0x24b: {  	s14 =	simm.s32 $0x197A0;
	v1 =	vpop (erf)  }
0x24c: {  	[tilespmem:s14+$0x110] =	vst v1  }
0x24d: {  	v2 =	vld [tilespmem:s3+$0x50];
	_ =	sdelay $0x3  }
0x24e: {  	s22 =	simm.s32 $0x18EE0;
	v4 =	vbroadcast v1, $0x0;
	v3 =	vpop (erf)  }
0x24f: {  	v13 =	vld [tilespmem:s22+$0xFFFFFFE0];
	[tilespmem:s14+$0xFFFFFF60] =	vst v3;
	v5 =	vpop (erf);
	v6 =	vunpack.i.l.bf16.f32 v2  }
0x250: {  	s31 =	simm.s32 $0x16860;
	v7 =	vld [tilespmem:s3+$0xFFFFFF60];
	v2 =	vunpack.i.u.bf16.f32 v2;
	v8 =	vpop (erf);
	v6 =	vmul.f32 v4, v6  }
0x251: {  	[tilespmem:s14+$0x80] =	vst v8;
	v2 =	vmul.f32 v4, v2;
	v4 =	vld [tilespmem:s31+$0x90]  }
0x252: {  	v10 =	vld [tilespmem:s3+$0x0];
	[tilespmem:s14+$0x90] =	vst v6  }
0x253: {  	v6 =	vld [tilespmem:s22+$0x10];
	[tilespmem:s14+$0xA0] =	vst v2  }
0x254: {  	[tilespmem:s14+$0xFFFFFFF0] =	vst v5;
	v2 =	vld [tilespmem:s3+$0x60]  }
0x255: {  	v19 =	vbroadcast v1, $0x1;
	v9 =	vld [tilespmem:s3+$0xFFFFFFB0]  }
0x256: {  	v16 =	vld [tilespmem:s31+$0xFFFFFFF0];
	v11 =	vbroadcast v3, $0x0;
	v14 =	vbroadcast v5, $0x0  }
0x257: {  	v18 =	vld [tilespmem:s22+$0xFFFFFFF0];
	v15 =	vbroadcast v8, $0x0;
	v17 =	vunpack.i.u.bf16.f32 v7;
	v7 =	vunpack.i.l.bf16.f32 v7  }
0x258: {  	v20 =	vld [tilespmem:s31+$0x40];
	v22 =	vunpack.i.u.bf16.f32 v10;
	v10 =	vunpack.i.l.bf16.f32 v10;
	v4 =	vadd.f32 v6, v4  }
0x259: {  	v6 =	vmul.f32 v11, v7;
	v11 =	vmul.f32 v11, v17;
	v17 =	vld [tilespmem:s31+$0xFFFFFFA0];
	v23 =	vunpack.i.l.bf16.f32 v2  }
0x25a: {  	v24 =	vld [tilespmem:s22+$0x0];
	v7 =	vunpack.i.u.bf16.f32 v9;
	v2 =	vunpack.i.u.bf16.f32 v2;
	v23 =	vmul.f32 v23, v19  }
0x25b: {  	v9 =	vunpack.i.l.bf16.f32 v9;
	v21 =	vmul.f32 $2.000000030e-01, v4;
	v2 =	vmul.f32 v2, v19  }
0x25c: {  	v10 =	vmul.f32 v15, v10;
	v9 =	vmul.f32 v14, v9;
	vm8 =	vgt.f32 v4, $0.0e+00;
	[tilespmem:s14+$0xB0] =	vst v23  }
0x25d: {  	v7 =	vmul.f32 v14, v7;
	v4 =	vsel vm8, v4, v21;
	[tilespmem:s14+$0xC0] =	vst v2;
	v2 =	vadd.f32 v18, v16  }
0x25e: {  	v14 =	vmul.f32 v15, v22;
	v4 =	vadd.f32 $-8.000000000e+00, v4;
	v13 =	vadd.f32 v13, v17;
	v15 =	vld [tilespmem:s3+$0x70]  }
0x25f: {  	v12 =	vbroadcast v3, $0x1;
	v16 =	vadd.f32 v24, v20;
	v18 =	vmul.f32 $2.000000030e-01, v2  }
0x260: {  	[tilespmem:s14+$0xFFFFFEE0] =	vst v6;
	vm10 =	vgt.f32 v2, $0.0e+00;
	v4 =	vmul.f32 $1.442695020e+00, v4;
	v17 =	vmul.f32 $2.000000030e-01, v13  }
0x261: {  	[tilespmem:s14+$0xFFFFFEF0] =	vst v11;
	v11 =	vbroadcast v1, $0x2;
	vm9 =	vgt.f32 v13, $0.0e+00;
	v2 =	vsel vm10, v2, v18  }
0x262: {  	[tilespmem:s14+$0xFFFFFF70] =	vst v9;
	v9 =	vld [tilespmem:s3+$0xFFFFFF70];
	(erf) = vpow2.f32 v4;
	v4 =	vmul.f32 $2.000000030e-01, v16;
	v13 =	vsel vm9, v13, v17  }
0x263: {  	[tilespmem:s14+$0xFFFFFF80] =	vst v7;
	v2 =	vadd.f32 $-8.000000000e+00, v2;
	v6 =	vadd.f32 $-8.000000000e+00, v13;
	v13 =	vunpack.i.l.bf16.f32 v15  }
0x264: {  	[tilespmem:s14+$0x10] =	vst v14;
	v14 =	vbroadcast v5, $0x2;
	vm11 =	vgt.f32 v16, $0.0e+00;
	v7 =	vmul.f32 v13, v11  }
0x265: {  	[tilespmem:s14+$0x0] =	vst v10;
	v10 =	vld [tilespmem:s3+$0xFFFFFFC0];
	v4 =	vsel vm11, v16, v4;
	v2 =	vmul.f32 $1.442695020e+00, v2;
	v6 =	vmul.f32 $1.442695020e+00, v6  }
0x266: {  	v13 =	vunpack.i.u.bf16.f32 v15;
	v16 =	vbroadcast v8, $0x2;
	v4 =	vadd.f32 $-8.000000000e+00, v4  }
0x267: {  	s0 =	simm.s32 $0x18F20;
	[tilespmem:s14+$0xD0] =	vst v7;
	v7 =	vunpack.i.l.bf16.f32 v9;
	(erf) = vpow2.f32 v6;
	v6 =	vmul.f32 v13, v11  }
0x268: {  	s16 =	simm.s32 $0x169A0;
	v52 =	vld [tilespmem:s0+$0x10];
	v9 =	vunpack.i.u.bf16.f32 v9;
	v4 =	vmul.f32 $1.442695020e+00, v4;
	v13 =	vbroadcast v3, $0x2  }
0x269: {  	v51 =	vld [tilespmem:s16+$0x90];
	v7 =	vmul.f32 v7, v12;
	v12 =	vmul.f32 v9, v12  }
0x26a: {  	v17 =	vunpack.i.l.bf16.f32 v10;
	v11 =	vld [tilespmem:s3+$0x10];
	(erf) = vpow2.f32 v2;
	v2 =	vbroadcast v5, $0x1;
	[tilespmem:s14+$0xE0] =	vst v6  }
0x26b: {  	s15 =	simm.s32 $0x199E0;
	v9 =	vbroadcast v3, $0x3;
	v3 =	vunpack.i.u.bf16.f32 v10;
	v10 =	vbroadcast v5, $0x3;
	v15 =	vld [tilespmem:s3+$0x80];
	v6 =	vpop (erf)  }
0x26c: {  	(erf) = vpow2.f32 v4;
	v17 =	vmul.f32 v17, v2;
	[tilespmem:s15+$0x110] =	vst v6  }
0x26d: {  	v4 =	vbroadcast v8, $0x1;
	[tilespmem:s14+$0xFFFFFF00] =	vst v7;
	v2 =	vmul.f32 v3, v2;
	v18 =	vld [tilespmem:s31+$0x50]  }
0x26e: {  	v32 =	vadd.f32 v52, v51;
	v7 =	vbroadcast v8, $0x3;
	v8 =	vbroadcast v1, $0x3;
	[tilespmem:s14+$0xFFFFFF90] =	vst v17  }
0x26f: {  	v1 =	vunpack.i.u.bf16.f32 v11;
	[tilespmem:s14+$0xFFFFFFA0] =	vst v2;
	v2 =	vbroadcast v6, $0x0;
	v11 =	vunpack.i.l.bf16.f32 v11  }
0x270: {  	v36 =	vbroadcast v6, $0x1;
	v20 =	vmul.f32 v11, v4;
	v22 =	vld [tilespmem:s3+$0xFFFFFFD0];
	v3 =	vunpack.i.u.bf16.f32 v15  }
0x271: {  	[tilespmem:s14+$0xFFFFFF10] =	vst v12;
	v1 =	vmul.f32 v1, v4;
	v15 =	vunpack.i.l.bf16.f32 v15;
	v17 =	vpop (erf);
	v3 =	vmul.f32 v3, v8  }
0x272: {  	v5 =	vld [tilespmem:s3+$0xFFFFFF80];
	[tilespmem:s14+$0x20] =	vst v20;
	v15 =	vmul.f32 v15, v8;
	v24 =	vbroadcast v17, $0x0;
	v12 =	vunpack.i.l.bf16.f32 v18  }
0x273: {  	[tilespmem:s15+$0xFFFFFF60] =	vst v17;
	v19 =	vpop (erf);
	v21 =	vbroadcast v17, $0x2;
	v11 =	vunpack.i.u.bf16.f32 v18;
	v12 =	vmul.f32 v2, v12  }
0x274: {  	vm12 =	vgt.f32 v32, $0.0e+00;
	[tilespmem:s15+$0xFFFFFFF0] =	vst v19;
	v23 =	vld [tilespmem:s31+$0xFFFFFF60];
	v26 =	vbroadcast v19, $0x0;
	v2 =	vmul.f32 v2, v11  }
0x275: {  	v18 =	vpop (erf);
	v30 =	vbroadcast v19, $0x1;
	v20 =	vunpack.i.u.bf16.f32 v22;
	v11 =	vbroadcast v17, $0x1;
	[tilespmem:s15+$0x90] =	vst v12  }
0x276: {  	v22 =	vunpack.i.l.bf16.f32 v22;
	v25 =	vld [tilespmem:s31+$0xFFFFFFB0];
	v27 =	vbroadcast v18, $0x0;
	v4 =	vbroadcast v18, $0x2;
	[tilespmem:s15+$0xA0] =	vst v2  }
0x277: {  	v28 =	vunpack.i.u.bf16.f32 v5;
	v22 =	vmul.f32 v22, v14;
	v14 =	vmul.f32 v20, v14;
	v31 =	vld [tilespmem:s31+$0x60]  }
0x278: {  	v55 =	vld [tilespmem:s0+$0xFFFFFFF0];
	[tilespmem:s15+$0x80] =	vst v18;
	v20 =	vmul.f32 $2.000000030e-01, v32;
	v12 =	vbroadcast v18, $0x1;
	v2 =	vunpack.i.l.bf16.f32 v5  }
0x279: {  	[tilespmem:s14+$0x30] =	vst v1;
	v29 =	vld [tilespmem:s31+$0x0];
	v5 =	vbroadcast v19, $0x2;
	v2 =	vmul.f32 v2, v13;
	v1 =	vunpack.i.l.bf16.f32 v23  }
0x27a: {  	v58 =	vld [tilespmem:s0+$0x0];
	v13 =	vmul.f32 v28, v13;
	v23 =	vunpack.i.u.bf16.f32 v23;
	v1 =	vmul.f32 v24, v1  }
0x27b: {  	v28 =	vld [tilespmem:s3+$0x20];
	v53 =	vunpack.i.u.bf16.f32 v25;
	v25 =	vunpack.i.l.bf16.f32 v25;
	v23 =	vmul.f32 v24, v23  }
0x27c: {  	[tilespmem:s14+$0x100] =	vst v3;
	v24 =	vmul.f32 v26, v25;
	v25 =	vld [tilespmem:s16+$0xFFFFFFF0];
	v37 =	vunpack.i.l.bf16.f32 v31;
	v31 =	vunpack.i.u.bf16.f32 v31  }
0x27d: {  	v57 =	vld [tilespmem:s16+$0x40];
	[tilespmem:s14+$0xFFFFFF20] =	vst v2;
	v2 =	vbroadcast v17, $0x3;
	v17 =	vsel vm12, v32, v20;
	v31 =	vmul.f32 v31, v36  }
0x27e: {  	v54 =	vld [tilespmem:s0+$0xFFFFFFE0];
	v26 =	vmul.f32 v26, v53;
	v56 =	vunpack.i.l.bf16.f32 v29;
	[tilespmem:s15+$0xFFFFFEE0] =	vst v1;
	v37 =	vmul.f32 v37, v36  }
0x27f: {  	v29 =	vunpack.i.u.bf16.f32 v29;
	v17 =	vadd.f32 $-8.000000000e+00, v17;
	v1 =	vbroadcast v19, $0x3;
	[tilespmem:s15+$0xC0] =	vst v31;
	v31 =	vld [tilespmem:s16+$0xFFFFFFA0]  }
0x280: {  	v3 =	vunpack.i.l.bf16.f32 v28;
	v36 =	vmul.f32 v27, v56;
	v27 =	vmul.f32 v27, v29;
	[tilespmem:s15+$0xB0] =	vst v37  }
0x281: {  	[tilespmem:s15+$0xFFFFFEF0] =	vst v23;
	v29 =	vunpack.i.u.bf16.f32 v28;
	v38 =	vmul.f32 v3, v16;
	v3 =	vadd.f32 v55, v25;
	v28 =	vld [tilespmem:s31+$0x70]  }
0x282: {  	v19 =	vadd.f32 v58, v57;
	[tilespmem:s15+$0xFFFFFF70] =	vst v24;
	v24 =	vbroadcast v6, $0x2;
	v17 =	vmul.f32 $1.442695020e+00, v17  }
0x283: {  	v16 =	vmul.f32 v29, v16;
	v29 =	vld [tilespmem:s31+$0xFFFFFF70];
	v20 =	vmul.f32 $2.000000030e-01, v3  }
0x284: {  	[tilespmem:s14+$0xFFFFFFC0] =	vst v14;
	vm15 =	vgt.f32 v19, $0.0e+00;
	vm14 =	vgt.f32 v3, $0.0e+00;
	v23 =	vadd.f32 v54, v31  }
0x285: {  	[tilespmem:s14+$0xFFFFFF30] =	vst v13;
	(erf) = vpow2.f32 v17;
	v25 =	vmul.f32 $2.000000030e-01, v19;
	v20 =	vsel vm14, v3, v20  }
0x286: {  	[tilespmem:s15+$0xFFFFFF80] =	vst v26;
	v3 =	vbroadcast v18, $0x3;
	v18 =	vld [tilespmem:s3+$0xFFFFFF90];
	v26 =	vunpack.i.l.bf16.f32 v28;
	v31 =	vmul.f32 $2.000000030e-01, v23  }
0x287: {  	[tilespmem:s15+$0x0] =	vst v36;
	v28 =	vunpack.i.u.bf16.f32 v28;
	v26 =	vmul.f32 v26, v24;
	vm13 =	vgt.f32 v23, $0.0e+00  }
0x288: {  	[tilespmem:s15+$0x10] =	vst v27;
	v14 =	vunpack.i.l.bf16.f32 v29;
	v17 =	vmul.f32 v28, v24;
	v24 =	vld [tilespmem:s31+$0xFFFFFFC0];
	v23 =	vsel vm13, v23, v31  }
0x289: {  	v13 =	vadd.f32 $-8.000000000e+00, v20;
	v20 =	vunpack.i.u.bf16.f32 v29;
	[tilespmem:s15+$0xD0] =	vst v26;
	v23 =	vadd.f32 $-8.000000000e+00, v23  }
0x28a: {  	v19 =	vsel vm15, v19, v25;
	v14 =	vmul.f32 v14, v11;
	v11 =	vmul.f32 v20, v11;
	v26 =	vld [tilespmem:s31+$0x10];
	[tilespmem:s15+$0xE0] =	vst v17  }
0x28b: {  	[tilespmem:s14+$0xF0] =	vst v15;
	v17 =	vadd.f32 $-8.000000000e+00, v19;
	v25 =	vunpack.i.u.bf16.f32 v18;
	v19 =	vld [tilespmem:s31+$0x80];
	v8 =	vmul.f32 $1.442695020e+00, v23  }
0x28c: {  	[tilespmem:s14+$0xFFFFFFB0] =	vst v22;
	v13 =	vmul.f32 $1.442695020e+00, v13;
	v20 =	vmul.f32 v25, v9  }
0x28d: {  	v22 =	vld [tilespmem:s3+$0xFFFFFFE0];
	[tilespmem:s14+$0x40] =	vst v38;
	v17 =	vmul.f32 $1.442695020e+00, v17;
	v23 =	vunpack.i.u.bf16.f32 v24;
	(erf) = vpow2.f32 v8  }
0x28e: {  	s17 =	simm.s32 $0x19C20;
	[tilespmem:s14+$0x50] =	vst v16;
	v16 =	vunpack.i.l.bf16.f32 v24;
	v8 =	vbroadcast v6, $0x3;
	v6 =	vpop (erf);
	(erf) = vpow2.f32 v13  }
0x28f: {  	v23 =	vmul.f32 v23, v30;
	v24 =	vunpack.i.u.bf16.f32 v26;
	v13 =	vld [tilespmem:s3+$0x30];
	[tilespmem:s17+$0x110] =	vst v6;
	(erf) = vpow2.f32 v17  }
0x290: {  	[tilespmem:s15+$0xFFFFFF00] =	vst v14;
	v15 =	vunpack.i.u.bf16.f32 v19;
	v59 =	vmul.f32 v24, v12;
	v17 =	vunpack.i.l.bf16.f32 v26;
	v28 =	vld [tilespmem:s16+$0x50]  }
0x291: {  	[tilespmem:s15+$0xFFFFFF10] =	vst v11;
	v14 =	vmul.f32 v15, v8;
	v15 =	vmul.f32 v16, v30;
	v16 =	vunpack.i.l.bf16.f32 v18  }
0x292: {  	v26 =	vunpack.i.u.bf16.f32 v22;
	v17 =	vmul.f32 v17, v12;
	v12 =	vunpack.i.l.bf16.f32 v22;
	v22 =	vld [tilespmem:s31+$0xFFFFFF80]  }
0x293: {  	[tilespmem:s15+$0xFFFFFFA0] =	vst v23;
	v60 =	vmul.f32 v16, v9;
	v18 =	vmul.f32 v12, v10  }
0x294: {  	[tilespmem:s15+$0x100] =	vst v14;
	v12 =	vbroadcast v6, $0x0;
	v11 =	vunpack.i.l.bf16.f32 v13;
	v9 =	vunpack.i.u.bf16.f32 v13  }
0x295: {  	[tilespmem:s15+$0xFFFFFF90] =	vst v15;
	v11 =	vmul.f32 v11, v7;
	v9 =	vmul.f32 v9, v7;
	v7 =	vunpack.i.l.bf16.f32 v28  }
0x296: {  	v61 =	vld [tilespmem:s31+$0xFFFFFFD0];
	[tilespmem:s15+$0x20] =	vst v17;
	v13 =	vmul.f32 v26, v10;
	v17 =	vunpack.i.u.bf16.f32 v28;
	v7 =	vmul.f32 v12, v7;
	v14 =	vpop (erf)  }
0x297: {  	v23 =	vmul.f32 v12, v17;
	v63 =	vunpack.i.u.bf16.f32 v22;
	v28 =	vunpack.i.l.bf16.f32 v22;
	[tilespmem:s17+$0xFFFFFF60] =	vst v14;
	v15 =	vpop (erf)  }
0x298: {  	v32 =	vmul.f32 v28, v21;
	v34 =	vmul.f32 v63, v21;
	v62 =	vld [tilespmem:s16+$0xFFFFFF60];
	[tilespmem:s17+$0xFFFFFFF0] =	vst v15;
	v16 =	vpop (erf)  }
0x299: {  	v27 =	vbroadcast v14, $0x0;
	v10 =	vbroadcast v14, $0x1;
	[tilespmem:s17+$0x80] =	vst v16;
	v31 =	vld [tilespmem:s16+$0xFFFFFFB0]  }
0x29a: {  	v19 =	vunpack.i.l.bf16.f32 v19;
	[tilespmem:s17+$0x90] =	vst v7;
	v7 =	vbroadcast v14, $0x2;
	v26 =	vbroadcast v15, $0x0;
	v29 =	vld [tilespmem:s16+$0x0]  }
0x29b: {  	[tilespmem:s17+$0xA0] =	vst v23;
	v25 =	vunpack.i.u.bf16.f32 v61;
	v17 =	vbroadcast v15, $0x1;
	v22 =	vbroadcast v15, $0x2  }
0x29c: {  	[tilespmem:s15+$0x30] =	vst v59;
	v28 =	vunpack.i.l.bf16.f32 v61;
	v30 =	vld [tilespmem:s16+$0x60];
	v24 =	vbroadcast v16, $0x0;
	v12 =	vbroadcast v16, $0x1  }
0x29d: {  	s22 =	simm.s32 $0x16AE0;
	s3 =	simm.s32 $0x8;
	[tilespmem:s14+$0xFFFFFF40] =	vst v60;
	v21 =	vld [tilespmem:s31+$0x20];
	v23 =	vbroadcast v16, $0x2;
	v33 =	vunpack.i.u.bf16.f32 v62;
	v35 =	vunpack.i.l.bf16.f32 v62  }
.LBB2_7:
0x29e: {  	v36 =	vld [tilespmem:s22+$0x90];
	v35 =	vmul.f32 v27, v35;
	v37 =	vunpack.i.u.bf16.f32 v31;
	v31 =	vunpack.i.l.bf16.f32 v31;
	s0 =	sadd.s32 $0x40, s0;
	[tilespmem:s15+$0xFFFFFF20] =	vst v32  }
0x29f: {  	v27 =	vmul.f32 v27, v33;
	v32 =	vld [tilespmem:s0+$0x10];
	v33 =	vunpack.i.u.bf16.f32 v29;
	v29 =	vunpack.i.l.bf16.f32 v29;
	[tilespmem:s15+$0xFFFFFF30] =	vst v34  }
0x2a0: {  	v31 =	vmul.f32 v26, v31;
	v34 =	vld [tilespmem:s0+$0xFFFFFFE0];
	[tilespmem:s17+$0xFFFFFEE0] =	vst v35;
	v35 =	vbroadcast v6, $0x1  }
0x2a1: {  	v26 =	vmul.f32 v26, v37;
	v38 =	vld [tilespmem:s22+$0xFFFFFFF0];
	[tilespmem:s17+$0xFFFFFEF0] =	vst v27;
	v27 =	vmul.f32 v24, v29;
	v29 =	vunpack.i.l.bf16.f32 v30  }
0x2a2: {  	s3 =	sadd.s32 $0x4, s3;
	v24 =	vmul.f32 v24, v33;
	v30 =	vunpack.i.u.bf16.f32 v30;
	v37 =	vld [tilespmem:s0+$0xFFFFFFF0];
	[tilespmem:s17+$0xFFFFFF70] =	vst v31;
	v29 =	vmul.f32 v29, v35  }
0x2a3: {  	p1 =	slt.u32 s3, $0x3C;
	v31 =	vld [tilespmem:s22+$0x40];
	[tilespmem:s17+$0xFFFFFF80] =	vst v26;
	v26 =	vmul.f32 v30, v35;
	v30 =	vunpack.i.u.bf16.f32 v21;
	v21 =	vunpack.i.l.bf16.f32 v21  }
0x2a4: {  	v28 =	vmul.f32 v28, v5;
	v25 =	vmul.f32 v25, v5;
	v33 =	vld [tilespmem:s0+$0x0];
	v32 =	vadd.f32 v32, v36;
	[tilespmem:s17+$0xB0] =	vst v29  }
0x2a5: {  	v5 =	vmovc v22;
	v21 =	vmul.f32 v21, v4;
	v29 =	vld [tilespmem:s22+$0xFFFFFFA0];
	[tilespmem:s17+$0xC0] =	vst v26;
	v26 =	vmul.f32 v30, v4;
	v4 =	vmov v23  }
0x2a6: {  	v14 =	vbroadcast v14, $0x3;
	v22 =	vmul.f32 $2.000000030e-01, v32;
	[tilespmem:s17+$0x0] =	vst v27;
	v23 =	vld [tilespmem:s16+$0x70]  }
0x2a7: {  	v15 =	vbroadcast v15, $0x3;
	vm0 =	vgt.f32 v32, $0.0e+00;
	v27 =	vadd.f32 v37, v38;
	v30 =	vld [tilespmem:s16+$0xFFFFFF70];
	[tilespmem:s17+$0x10] =	vst v24  }
0x2a8: {  	v16 =	vbroadcast v16, $0x3;
	v8 =	vmul.f32 v19, v8;
	v22 =	vsel vm0, v32, v22;
	v24 =	vld [tilespmem:s16+$0xFFFFFFC0];
	[tilespmem:s15+$0xFFFFFFB0] =	vst v28  }
0x2a9: {  	v19 =	vmul.f32 $2.000000030e-01, v27;
	v28 =	vadd.f32 v33, v31;
	v22 =	vadd.f32 $-8.000000000e+00, v22;
	v31 =	vld [tilespmem:s16+$0x10];
	[tilespmem:s15+$0xFFFFFFC0] =	vst v25  }
0x2aa: {  	vm0 =	vgt.f32 v27, $0.0e+00;
	v25 =	vadd.f32 v34, v29;
	v29 =	vbroadcast v6, $0x2;
	v32 =	vld [tilespmem:s31+$0xFFFFFF90];
	[tilespmem:s15+$0x40] =	vst v21  }
0x2ab: {  	v21 =	vmul.f32 $2.000000030e-01, v28;
	v22 =	vmul.f32 $1.442695020e+00, v22;
	v33 =	vunpack.i.l.bf16.f32 v23;
	v34 =	vld [tilespmem:s31+$0xFFFFFFE0];
	[tilespmem:s15+$0x50] =	vst v26  }
0x2ac: {  	v23 =	vunpack.i.u.bf16.f32 v23;
	v26 =	vmul.f32 $2.000000030e-01, v25;
	v33 =	vmul.f32 v33, v29;
	v35 =	vld [tilespmem:s31+$0x30];
	[tilespmem:s14+$0xFFFFFF50] =	vst v20;
	s31 =	smov.u32 s16;
	s16 =	smov.u32 s22  }
0x2ad: {  	vm1 =	vgt.f32 v25, $0.0e+00;
	v20 =	vmul.f32 v23, v29;
	(erf) = vpow2.f32 v22;
	[tilespmem:s14+$0xFFFFFFD0] =	vst v18  }
0x2ae: {  	v19 =	vsel vm0, v27, v19;
	vm0 =	vgt.f32 v28, $0.0e+00;
	v18 =	vsel vm1, v25, v26;
	[tilespmem:s17+$0xD0] =	vst v33  }
0x2af: {  	v19 =	vadd.f32 $-8.000000000e+00, v19;
	v21 =	vsel vm0, v28, v21;
	v18 =	vadd.f32 $-8.000000000e+00, v18;
	[tilespmem:s17+$0xE0] =	vst v20  }
0x2b0: {  	v22 =	vunpack.i.l.bf16.f32 v30;
	v20 =	vadd.f32 $-8.000000000e+00, v21;
	v21 =	vunpack.i.u.bf16.f32 v30;
	v23 =	vld [tilespmem:s31+$0x80];
	[tilespmem:s14+$0xFFFFFFE0] =	vst v13  }
0x2b1: {  	v13 =	vmul.f32 $1.442695020e+00, v18;
	v18 =	vmul.f32 $1.442695020e+00, v19;
	v19 =	vunpack.i.u.bf16.f32 v24;
	[tilespmem:s14+$0x60] =	vst v11  }
0x2b2: {  	v11 =	vmul.f32 $1.442695020e+00, v20;
	v20 =	vunpack.i.l.bf16.f32 v24;
	v24 =	vunpack.i.u.bf16.f32 v31;
	[tilespmem:s14+$0x70] =	vst v9;
	s14 =	smov.u32 s15;
	s15 =	smov.u32 s17  }
0x2b3: {  	v9 =	vmul.f32 v22, v10;
	(erf) = vpow2.f32 v13;
	v13 =	vunpack.i.l.bf16.f32 v31;
	[tilespmem:s14+$0xF0] =	vst v8  }
0x2b4: {  	v8 =	vbroadcast v6, $0x3;
	(erf) = vpow2.f32 v18;
	v18 =	vunpack.i.u.bf16.f32 v32  }
0x2b5: {  	(erf) = vpow2.f32 v11;
	[tilespmem:s17+$0xFFFFFF00] =	vst v9;
	v9 =	vmul.f32 v21, v10;
	v10 =	vunpack.i.u.bf16.f32 v23  }
0x2b6: {  	v11 =	vmul.f32 v20, v17;
	s17 =	sadd.s32 $0x240, s17;
	v20 =	vunpack.i.l.bf16.f32 v32;
	v6 =	vpop (erf);
	v10 =	vmul.f32 v10, v8  }
0x2b7: {  	v17 =	vmul.f32 v19, v17;
	v21 =	vmul.f32 v13, v12;
	v13 =	vunpack.i.u.bf16.f32 v34;
	[tilespmem:s17+$0x110] =	vst v6  }
0x2b8: {  	v33 =	vmul.f32 v24, v12;
	v12 =	vunpack.i.u.bf16.f32 v35;
	v22 =	vld [tilespmem:s22+$0x50];
	[tilespmem:s15+$0x100] =	vst v10;
	v10 =	vunpack.i.l.bf16.f32 v34  }
0x2b9: {  	v19 =	vunpack.i.l.bf16.f32 v23;
	v36 =	vmul.f32 v20, v2;
	[tilespmem:s15+$0xFFFFFF10] =	vst v9;
	v9 =	vunpack.i.l.bf16.f32 v35  }
0x2ba: {  	v20 =	vmul.f32 v18, v2;
	v2 =	vmov v14;
	v18 =	vmul.f32 v10, v1;
	v23 =	vld [tilespmem:s31+$0xFFFFFF80];
	[tilespmem:s15+$0xFFFFFF90] =	vst v11  }
0x2bb: {  	v13 =	vmul.f32 v13, v1;
	v1 =	vmov v15;
	v11 =	vmul.f32 v9, v3;
	[tilespmem:s15+$0xFFFFFFA0] =	vst v17  }
0x2bc: {  	v9 =	vmul.f32 v12, v3;
	v3 =	vmov v16;
	v17 =	vbroadcast v6, $0x0;
	v14 =	vpop (erf);
	v28 =	vld [tilespmem:s31+$0xFFFFFFD0];
	[tilespmem:s15+$0x20] =	vst v21  }
0x2bd: {  	[tilespmem:s17+$0xFFFFFF60] =	vst v14;
	v27 =	vbroadcast v14, $0x0;
	v10 =	vbroadcast v14, $0x1;
	v12 =	vunpack.i.l.bf16.f32 v22;
	v15 =	vpop (erf)  }
0x2be: {  	v22 =	vunpack.i.u.bf16.f32 v22;
	v21 =	vld [tilespmem:s22+$0xFFFFFF60];
	[tilespmem:s17+$0xFFFFFFF0] =	vst v15;
	v26 =	vbroadcast v15, $0x0;
	v25 =	vmul.f32 v17, v12;
	v16 =	vpop (erf)  }
.Ltmp2:
0x2bf: {  	v30 =	vmul.f32 v17, v22;
	v31 =	vld [tilespmem:s22+$0xFFFFFFB0];
	[tilespmem:s17+$0x80] =	vst v16;
	v24 =	vbroadcast v16, $0x0;
	v34 =	vunpack.i.u.bf16.f32 v23;
	(pc) =	sbr.rel @p1 .LBB2_7-.Ltmp2, $4  }
0x2c0: {  	v17 =	vbroadcast v15, $0x1;
	v12 =	vbroadcast v16, $0x1;
	v32 =	vunpack.i.l.bf16.f32 v23;
	v29 =	vld [tilespmem:s22+$0x0];
	[tilespmem:s17+$0x90] =	vst v25  }
0x2c1: {  	v37 =	vbroadcast v14, $0x2;
	v22 =	vbroadcast v15, $0x2;
	[tilespmem:s17+$0xA0] =	vst v30;
	v25 =	vunpack.i.u.bf16.f32 v28  }
0x2c2: {  	v23 =	vbroadcast v16, $0x2;
	v32 =	vmul.f32 v32, v7;
	v28 =	vunpack.i.l.bf16.f32 v28;
	v30 =	vld [tilespmem:s22+$0x60];
	[tilespmem:s15+$0x30] =	vst v33  }
0x2c3: {  	v34 =	vmul.f32 v34, v7;
	v7 =	vmovc v37;
	s22 =	sadd.s32 $0x140, s22;
	v33 =	vunpack.i.u.bf16.f32 v21;
	v35 =	vunpack.i.l.bf16.f32 v21;
	v21 =	vld [tilespmem:s31+$0x20];
	[tilespmem:s14+$0xFFFFFF40] =	vst v36  }
0x2c4: {  	[tilespmem:s15+$0xFFFFFF20] =	vst v32  }
0x2c5: {  	[tilespmem:s14+$0xFFFFFF50] =	vst v20  }
0x2c6: {  	v35 =	vmul.f32 v27, v35;
	v27 =	vmul.f32 v27, v33;
	[tilespmem:s14+$0xFFFFFFD0] =	vst v18  }
0x2c7: {  	v49 =	vunpack.i.l.bf16.f32 v31;
	v31 =	vunpack.i.u.bf16.f32 v31;
	v50 =	vbroadcast v6, $0x1;
	[tilespmem:s14+$0xFFFFFFE0] =	vst v13  }
0x2c8: {  	v32 =	vmul.f32 v26, v49;
	v26 =	vmul.f32 v26, v31;
	[tilespmem:s17+$0xFFFFFEF0] =	vst v27;
	v27 =	vunpack.i.l.bf16.f32 v30  }
0x2c9: {  	[tilespmem:s14+$0x60] =	vst v11;
	v30 =	vunpack.i.u.bf16.f32 v30;
	v27 =	vmul.f32 v27, v50  }
0x2ca: {  	v31 =	vunpack.i.l.bf16.f32 v29;
	v29 =	vunpack.i.u.bf16.f32 v29;
	[tilespmem:s17+$0xFFFFFF80] =	vst v26;
	v26 =	vmul.f32 v30, v50  }
0x2cb: {  	v30 =	vmul.f32 v24, v31;
	v24 =	vmul.f32 v24, v29;
	[tilespmem:s17+$0xB0] =	vst v27  }
0x2cc: {  	[tilespmem:s17+$0xC0] =	vst v26;
	v26 =	vmul.f32 v28, v5;
	v28 =	vunpack.i.l.bf16.f32 v21;
	v21 =	vunpack.i.u.bf16.f32 v21  }
0x2cd: {  	[tilespmem:s17+$0x10] =	vst v24;
	v27 =	vld [tilespmem:s16+$0x70];
	v24 =	vmul.f32 v28, v4;
	v4 =	vmul.f32 v21, v4  }
0x2ce: {  	[tilespmem:s17+$0xFFFFFF70] =	vst v32  }
0x2cf: {  	v5 =	vmul.f32 v25, v5;
	[tilespmem:s15+$0x50] =	vst v4;
	v4 =	vld [tilespmem:s16+$0xFFFFFFC0]  }
0x2d0: {  	[tilespmem:s17+$0xFFFFFEE0] =	vst v35  }
0x2d1: {  	v21 =	vbroadcast v6, $0x2;
	[tilespmem:s15+$0xFFFFFFC0] =	vst v5;
	v5 =	vld [tilespmem:s16+$0xFFFFFF70]  }
0x2d2: {  	[tilespmem:s15+$0x40] =	vst v24;
	v24 =	vunpack.i.l.bf16.f32 v27  }
0x2d3: {  	[tilespmem:s15+$0xFFFFFF30] =	vst v34;
	v25 =	vunpack.i.u.bf16.f32 v27;
	v24 =	vmul.f32 v24, v21  }
0x2d4: {  	[tilespmem:s17+$0x0] =	vst v30;
	v20 =	vmul.f32 v25, v21;
	v11 =	vunpack.i.l.bf16.f32 v4  }
0x2d5: {  	v18 =	vld [tilespmem:s16+$0x10];
	v4 =	vunpack.i.u.bf16.f32 v4;
	[tilespmem:s17+$0xD0] =	vst v24;
	v11 =	vmul.f32 v11, v17  }
0x2d6: {  	[tilespmem:s17+$0xE0] =	vst v20;
	v20 =	vunpack.i.l.bf16.f32 v5;
	v4 =	vmul.f32 v4, v17  }
0x2d7: {  	v5 =	vunpack.i.u.bf16.f32 v5;
	v13 =	vmul.f32 v20, v10;
	[tilespmem:s17+$0xFFFFFF90] =	vst v11  }
0x2d8: {  	v5 =	vmul.f32 v5, v10;
	v10 =	vld [tilespmem:s16+$0x80];
	[tilespmem:s17+$0xFFFFFFA0] =	vst v4  }
0x2d9: {  	[tilespmem:s17+$0xFFFFFF00] =	vst v13;
	v13 =	vld [tilespmem:s31+$0xFFFFFF90]  }
0x2da: {  	v20 =	vunpack.i.l.bf16.f32 v18;
	v4 =	vbroadcast v6, $0x3;
	[tilespmem:s17+$0xFFFFFF10] =	vst v5;
	v6 =	vld [tilespmem:s16+$0xFFFFFFD0]  }
0x2db: {  	[tilespmem:s14+$0x70] =	vst v9;
	v17 =	vmul.f32 v20, v12;
	v5 =	vunpack.i.u.bf16.f32 v18;
	v18 =	vld [tilespmem:s16+$0xFFFFFF80]  }
0x2dc: {  	[tilespmem:s15+$0xFFFFFFB0] =	vst v26;
	v5 =	vmul.f32 v5, v12  }
0x2dd: {  	v8 =	vmul.f32 v19, v8;
	[tilespmem:s17+$0x20] =	vst v17;
	v11 =	vunpack.i.u.bf16.f32 v10  }
0x2de: {  	v12 =	vld [tilespmem:s31+$0xFFFFFFE0];
	[tilespmem:s17+$0x30] =	vst v5;
	v5 =	vmul.f32 v11, v4;
	v9 =	vunpack.i.l.bf16.f32 v13  }
0x2df: {  	[tilespmem:s15+$0xF0] =	vst v8;
	v11 =	vld [tilespmem:s16+$0x20];
	v17 =	vunpack.i.l.bf16.f32 v6;
	v6 =	vunpack.i.u.bf16.f32 v6;
	v8 =	vmul.f32 v9, v2  }
0x2e0: {  	v9 =	vunpack.i.l.bf16.f32 v18;
	[tilespmem:s17+$0x100] =	vst v5;
	v6 =	vmul.f32 v6, v22  }
0x2e1: {  	v5 =	vunpack.i.u.bf16.f32 v18;
	v9 =	vmul.f32 v9, v7;
	[tilespmem:s15+$0xFFFFFF40] =	vst v8  }
0x2e2: {  	v5 =	vmul.f32 v5, v7;
	[tilespmem:s17+$0xFFFFFFC0] =	vst v6  }
0x2e3: {  	v7 =	vmul.f32 v17, v22;
	v8 =	vld [tilespmem:s31+$0x30];
	v6 =	vunpack.i.l.bf16.f32 v12;
	[tilespmem:s17+$0xFFFFFF20] =	vst v9  }
0x2e4: {  	[tilespmem:s17+$0xFFFFFF30] =	vst v5;
	v5 =	vunpack.i.l.bf16.f32 v11;
	v6 =	vmul.f32 v6, v1  }
0x2e5: {  	v9 =	vunpack.i.u.bf16.f32 v11;
	[tilespmem:s17+$0xFFFFFFB0] =	vst v7;
	v7 =	vunpack.i.u.bf16.f32 v13;
	v5 =	vmul.f32 v5, v23  }
0x2e6: {  	v9 =	vmul.f32 v9, v23;
	v2 =	vmul.f32 v7, v2;
	v7 =	vld [tilespmem:s16+$0xFFFFFF90];
	[tilespmem:s15+$0xFFFFFFD0] =	vst v6  }
0x2e7: {  	[tilespmem:s17+$0x40] =	vst v5;
	v5 =	vunpack.i.u.bf16.f32 v12  }
0x2e8: {  	[tilespmem:s17+$0x50] =	vst v9;
	v9 =	vunpack.i.l.bf16.f32 v8;
	v1 =	vmul.f32 v5, v1;
	v5 =	vld [tilespmem:s16+$0xFFFFFFE0]  }
0x2e9: {  	[tilespmem:s15+$0xFFFFFF50] =	vst v2;
	v2 =	vunpack.i.u.bf16.f32 v8;
	v8 =	vmul.f32 v9, v3  }
0x2ea: {  	v6 =	vbroadcast v14, $0x3;
	v9 =	vunpack.i.l.bf16.f32 v10;
	v2 =	vmul.f32 v2, v3;
	v3 =	vld [tilespmem:s16+$0x30];
	[tilespmem:s15+$0xFFFFFFE0] =	vst v1  }
0x2eb: {  	v1 =	vmul.f32 v9, v4;
	v4 =	vunpack.i.l.bf16.f32 v7;
	[tilespmem:s15+$0x60] =	vst v8  }
0x2ec: {  	v8 =	vbroadcast v15, $0x3;
	[tilespmem:s15+$0x70] =	vst v2;
	v2 =	vunpack.i.u.bf16.f32 v7;
	v4 =	vmul.f32 v4, v6  }
0x2ed: {  	[tilespmem:s17+$0xF0] =	vst v1;
	v2 =	vmul.f32 v2, v6;
	v1 =	vunpack.i.l.bf16.f32 v5  }
0x2ee: {  	v6 =	vbroadcast v16, $0x3;
	v5 =	vunpack.i.u.bf16.f32 v5;
	[tilespmem:s17+$0xFFFFFF40] =	vst v4;
	v1 =	vmul.f32 v1, v8  }
0x2ef: {  	v4 =	vunpack.i.l.bf16.f32 v3;
	v5 =	vmul.f32 v5, v8;
	[tilespmem:s17+$0xFFFFFF50] =	vst v2  }
0x2f0: {  	v2 =	vunpack.i.u.bf16.f32 v3;
	v3 =	vmul.f32 v4, v6;
	[tilespmem:s17+$0xFFFFFFD0] =	vst v1  }
0x2f1: {  	v1 =	vmul.f32 v2, v6;
	[tilespmem:s17+$0xFFFFFFE0] =	vst v5  }
0x2f2: {  	[tilespmem:s17+$0x60] =	vst v3  }
0x2f3: {  	s31 =	simm.s32 $0x16500;
	[tilespmem:s17+$0x70] =	vst v1  }
0x2f4: {  	[spmem:s2] =	stream.indirect.scatter.add.f32 [tilespmem:s13], [sflag:$0x9], $0x90, s31, s28, $0xb8;
	[tilespmem:$0x1DE80] =	vst v63  }
0x2f5: {  	_ =	swait.ge [sflag:s24], $0x2400  }
0x2f6: {  	s0 =	rddreg [dreg:$0xd]  }
0x2f7: {  	s0 =	sadd.s32 @!p0 s29, s0  }
0x2f8: {  	s14 =	simm.s32 @!p0 $0x0;
	[sflag:s24] =	ssyncset.done $0x0;
	s0 =	sshrl.u32 @!p0 s0, $0x3  }
0x2f9: {  	s15 =	simm.s32 @!p0 $0x163C0;
	[sflag:s24] =	ssyncadd.s32 $0xFFFFDC00;
	s3 =	sadd.s32 @!p0 s1, s0  }
0x2fa: {  	[tilespmem:s15], [sflag:$0x2] =	stream.linear.gather @!p0 [hbm4b:s3+s14], $0x40, $0x38;
	[tilespmem:$0x1DE80] =	vst v63  }
0x2fb: {  	s0 =	sadd.s32 @!p0 s7, s0;
	s3 =	simm.s32 @!p0 $0x164C0  }
0x2fc: {  	[tilespmem:s3], [sflag:$0x2] =	stream.linear.gather @!p0 [hbm4b:s0+s14], $0x40, $0x38;
	[tilespmem:$0x1DE80] =	vst v63  }
0x2fd: {  	s0 =	simm.s32 @!p0 $0x1  }
0x2fe: {  	_ =	swait.ge @!p0 [sflag:s0], $0x40  }
0x2ff: {  	[sflag:s0] =	ssyncset.done @!p0 $0x0  }
0x300: {  	[sflag:s0] =	ssyncadd.s32 @!p0 $0xFFFFFFC0  }
0x301: {  	_ =	swait.ge @!p0 [sflag:s0], $0x40  }
0x302: {  	[sflag:s0] =	ssyncset.done @!p0 $0x0  }
0x303: {  	[sflag:s0] =	ssyncadd.s32 @!p0 $0xFFFFFFC0  }
0x304: {  	v1 =	vld @!p0 [tilespmem:$0x16380]  }
0x305: {  	v2 =	vld @!p0 [tilespmem:$0x16480]  }
0x306: {  	v3 =	vld @!p0 [tilespmem:$0x16390]  }
0x307: {  	v4 =	vld @!p0 [tilespmem:$0x16490]  }
0x308: {  	v5 =	vld @!p0 [tilespmem:$0x163A0]  }
0x309: {  	v6 =	vld @!p0 [tilespmem:$0x164A0];
	v1 =	vadd.s32 @!p0 v0, v1  }
0x30a: {  	[tilespmem:$0x16380] =	vst @!p0 v1;
	v1 =	vadd.s32 @!p0 v0, v2;
	v2 =	vld @!p0 [tilespmem:$0x163B0]  }
0x30b: {  	[tilespmem:$0x16580] =	vst @!p0 v1;
	v1 =	vadd.s32 @!p0 v0, v3;
	v3 =	vld @!p0 [tilespmem:$0x164B0]  }
0x30c: {  	[tilespmem:$0x16390] =	vst @!p0 v1;
	v1 =	vadd.s32 @!p0 v0, v4  }
0x30d: {  	[tilespmem:$0x16590] =	vst @!p0 v1;
	v1 =	vadd.s32 @!p0 v0, v5  }
0x30e: {  	[tilespmem:$0x163A0] =	vst @!p0 v1;
	v1 =	vadd.s32 @!p0 v0, v6  }
0x30f: {  	[tilespmem:$0x165A0] =	vst @!p0 v1;
	v1 =	vadd.s32 @!p0 v0, v2  }
0x310: {  	[tilespmem:$0x163B0] =	vst @!p0 v1;
	v1 =	vadd.s32 @!p0 v0, v3  }
0x311: {  	s3 =	simm.s32 @!p0 $0x16380;
	s14 =	simm.s32 @!p0 $0x16680;
	s0 =	simm.s32 @!p0 $0x40;
	[tilespmem:$0x165B0] =	vst @!p0 v1  }
0x312: {  	[tilespmem:s14], [sflag:$0x5] =	stream.indirect.gather @!p0 [hbm4b:s5+s0], $0x50, s3, s0, $0xb8;
	[tilespmem:$0x1DE80] =	vst v63  }
0x313: {  	s3 =	simm.s32 @!p0 $0x16580;
	s14 =	simm.s32 @!p0 $0x18E80  }
0x314: {  	[tilespmem:s14], [sflag:$0x7] =	stream.indirect.gather @!p0 [hbm4b:s6+s0], $0x10, s3, s0, $0xb8;
	[tilespmem:$0x1DE80] =	vst v63  }
0x315: {  	_ =	swait.ge [sflag:s21], $0x1400  }
0x316: {  	[sflag:s21] =	ssyncset.done $0x0  }
0x317: {  	[sflag:s21] =	ssyncadd.s32 $0xFFFFEC00  }
0x318: {  	_ =	swait.ge [sflag:s26], $0x400  }
0x319: {  	[sflag:s26] =	ssyncset.done $0x0  }
0x31a: {  	s3 =	simm.s32 $0x17B20;
	[sflag:s26] =	ssyncadd.s32 $0xFFFFFC00  }
0x31b: {  	s16 =	simm.s32 $0x192A0;
	v1 =	vld [tilespmem:s3+$0x90]  }
0x31c: {  	v2 =	vld [tilespmem:s16+$0x10];
	_ =	sdelay $0x1  }
0x31d: {  	v3 =	vld [tilespmem:s16+$0xFFFFFFE0]  }
0x31e: {  	v4 =	vld [tilespmem:s3+$0xFFFFFFF0]  }
0x31f: {  	v5 =	vld [tilespmem:s16+$0xFFFFFFF0]  }
0x320: {  	v1 =	vadd.f32 v2, v1;
	v2 =	vld [tilespmem:s3+$0xFFFFFFA0]  }
0x321: {  	v6 =	vld [tilespmem:s3+$0x40]  }
0x322: {  	v8 =	vld [tilespmem:s16+$0x0];
	v7 =	vmul.f32 $2.000000030e-01, v1  }
0x323: {  	vm0 =	vgt.f32 v1, $0.0e+00  }
0x324: {  	v1 =	vsel vm0, v1, v7  }
0x325: {  	v1 =	vadd.f32 $-8.000000000e+00, v1;
	v2 =	vadd.f32 v3, v2  }
0x326: {  	v3 =	vadd.f32 v5, v4  }
0x327: {  	v6 =	vadd.f32 v8, v6;
	v1 =	vmul.f32 $1.442695020e+00, v1;
	v4 =	vmul.f32 $2.000000030e-01, v2  }
0x328: {  	v5 =	vmul.f32 $2.000000030e-01, v3;
	vm6 =	vgt.f32 v2, $0.0e+00;
	vm1 =	vgt.f32 v3, $0.0e+00  }
0x329: {  	(erf) = vpow2.f32 v1;
	v1 =	vsel vm6, v2, v4;
	v2 =	vmul.f32 $2.000000030e-01, v6  }
0x32a: {  	vm7 =	vgt.f32 v6, $0.0e+00;
	v3 =	vsel vm1, v3, v5;
	v1 =	vadd.f32 $-8.000000000e+00, v1  }
0x32b: {  	v3 =	vadd.f32 $-8.000000000e+00, v3;
	v2 =	vsel vm7, v6, v2  }
0x32c: {  	v1 =	vmul.f32 $1.442695020e+00, v1;
	v2 =	vadd.f32 $-8.000000000e+00, v2  }
0x32d: {  	v3 =	vmul.f32 $1.442695020e+00, v3  }
0x32e: {  	(erf) = vpow2.f32 v1;
	v1 =	vmul.f32 $1.442695020e+00, v2;
	_ =	sdelay $0x1  }
0x32f: {  	(erf) = vpow2.f32 v3  }
0x330: {  	(erf) = vpow2.f32 v1  }
0x331: {  	s14 =	simm.s32 $0x1BBA0;
	v1 =	vpop (erf)  }
0x332: {  	[tilespmem:s14+$0x110] =	vst v1  }
0x333: {  	v2 =	vld [tilespmem:s3+$0x50];
	_ =	sdelay $0x3  }
0x334: {  	s22 =	simm.s32 $0x192E0;
	v4 =	vbroadcast v1, $0x0;
	v3 =	vpop (erf)  }
0x335: {  	v13 =	vld [tilespmem:s22+$0xFFFFFFE0];
	[tilespmem:s14+$0xFFFFFF60] =	vst v3;
	v5 =	vpop (erf);
	v6 =	vunpack.i.l.bf16.f32 v2  }
0x336: {  	s29 =	simm.s32 $0x17C60;
	v7 =	vld [tilespmem:s3+$0xFFFFFF60];
	v2 =	vunpack.i.u.bf16.f32 v2;
	v8 =	vpop (erf);
	v6 =	vmul.f32 v4, v6  }
0x337: {  	[tilespmem:s14+$0x80] =	vst v8;
	v2 =	vmul.f32 v4, v2;
	v4 =	vld [tilespmem:s29+$0x90]  }
0x338: {  	v10 =	vld [tilespmem:s3+$0x0];
	[tilespmem:s14+$0x90] =	vst v6  }
0x339: {  	v6 =	vld [tilespmem:s22+$0x10];
	[tilespmem:s14+$0xA0] =	vst v2  }
0x33a: {  	[tilespmem:s14+$0xFFFFFFF0] =	vst v5;
	v2 =	vld [tilespmem:s3+$0x60]  }
0x33b: {  	v19 =	vbroadcast v1, $0x1;
	v9 =	vld [tilespmem:s3+$0xFFFFFFB0]  }
0x33c: {  	v16 =	vld [tilespmem:s29+$0xFFFFFFF0];
	v11 =	vbroadcast v3, $0x0;
	v14 =	vbroadcast v5, $0x0  }
0x33d: {  	v18 =	vld [tilespmem:s22+$0xFFFFFFF0];
	v15 =	vbroadcast v8, $0x0;
	v17 =	vunpack.i.u.bf16.f32 v7;
	v7 =	vunpack.i.l.bf16.f32 v7  }
0x33e: {  	v20 =	vld [tilespmem:s29+$0x40];
	v22 =	vunpack.i.u.bf16.f32 v10;
	v10 =	vunpack.i.l.bf16.f32 v10;
	v4 =	vadd.f32 v6, v4  }
0x33f: {  	v6 =	vmul.f32 v11, v7;
	v11 =	vmul.f32 v11, v17;
	v17 =	vld [tilespmem:s29+$0xFFFFFFA0];
	v23 =	vunpack.i.l.bf16.f32 v2  }
0x340: {  	v24 =	vld [tilespmem:s22+$0x0];
	v7 =	vunpack.i.u.bf16.f32 v9;
	v2 =	vunpack.i.u.bf16.f32 v2;
	v23 =	vmul.f32 v23, v19  }
0x341: {  	v9 =	vunpack.i.l.bf16.f32 v9;
	v21 =	vmul.f32 $2.000000030e-01, v4;
	v2 =	vmul.f32 v2, v19  }
0x342: {  	v10 =	vmul.f32 v15, v10;
	v9 =	vmul.f32 v14, v9;
	vm8 =	vgt.f32 v4, $0.0e+00;
	[tilespmem:s14+$0xB0] =	vst v23  }
0x343: {  	v7 =	vmul.f32 v14, v7;
	v4 =	vsel vm8, v4, v21;
	[tilespmem:s14+$0xC0] =	vst v2;
	v2 =	vadd.f32 v18, v16  }
0x344: {  	v14 =	vmul.f32 v15, v22;
	v4 =	vadd.f32 $-8.000000000e+00, v4;
	v13 =	vadd.f32 v13, v17;
	v15 =	vld [tilespmem:s3+$0x70]  }
0x345: {  	v12 =	vbroadcast v3, $0x1;
	v16 =	vadd.f32 v24, v20;
	v18 =	vmul.f32 $2.000000030e-01, v2  }
0x346: {  	[tilespmem:s14+$0xFFFFFEE0] =	vst v6;
	vm10 =	vgt.f32 v2, $0.0e+00;
	v4 =	vmul.f32 $1.442695020e+00, v4;
	v17 =	vmul.f32 $2.000000030e-01, v13  }
0x347: {  	[tilespmem:s14+$0xFFFFFEF0] =	vst v11;
	v11 =	vbroadcast v1, $0x2;
	vm9 =	vgt.f32 v13, $0.0e+00;
	v2 =	vsel vm10, v2, v18  }
0x348: {  	[tilespmem:s14+$0xFFFFFF70] =	vst v9;
	v9 =	vld [tilespmem:s3+$0xFFFFFF70];
	(erf) = vpow2.f32 v4;
	v4 =	vmul.f32 $2.000000030e-01, v16;
	v13 =	vsel vm9, v13, v17  }
0x349: {  	[tilespmem:s14+$0xFFFFFF80] =	vst v7;
	v2 =	vadd.f32 $-8.000000000e+00, v2;
	v6 =	vadd.f32 $-8.000000000e+00, v13;
	v13 =	vunpack.i.l.bf16.f32 v15  }
0x34a: {  	[tilespmem:s14+$0x10] =	vst v14;
	v14 =	vbroadcast v5, $0x2;
	vm11 =	vgt.f32 v16, $0.0e+00;
	v7 =	vmul.f32 v13, v11  }
0x34b: {  	[tilespmem:s14+$0x0] =	vst v10;
	v10 =	vld [tilespmem:s3+$0xFFFFFFC0];
	v4 =	vsel vm11, v16, v4;
	v2 =	vmul.f32 $1.442695020e+00, v2;
	v6 =	vmul.f32 $1.442695020e+00, v6  }
0x34c: {  	v13 =	vunpack.i.u.bf16.f32 v15;
	v16 =	vbroadcast v8, $0x2;
	v4 =	vadd.f32 $-8.000000000e+00, v4  }
0x34d: {  	s0 =	simm.s32 $0x19320;
	[tilespmem:s14+$0xD0] =	vst v7;
	v7 =	vunpack.i.l.bf16.f32 v9;
	(erf) = vpow2.f32 v6;
	v6 =	vmul.f32 v13, v11  }
0x34e: {  	s16 =	simm.s32 $0x17DA0;
	v52 =	vld [tilespmem:s0+$0x10];
	v9 =	vunpack.i.u.bf16.f32 v9;
	v4 =	vmul.f32 $1.442695020e+00, v4;
	v13 =	vbroadcast v3, $0x2  }
0x34f: {  	v51 =	vld [tilespmem:s16+$0x90];
	v7 =	vmul.f32 v7, v12;
	v12 =	vmul.f32 v9, v12  }
0x350: {  	v17 =	vunpack.i.l.bf16.f32 v10;
	v11 =	vld [tilespmem:s3+$0x10];
	(erf) = vpow2.f32 v2;
	v2 =	vbroadcast v5, $0x1;
	[tilespmem:s14+$0xE0] =	vst v6  }
0x351: {  	s15 =	simm.s32 $0x1BDE0;
	v9 =	vbroadcast v3, $0x3;
	v3 =	vunpack.i.u.bf16.f32 v10;
	v10 =	vbroadcast v5, $0x3;
	v15 =	vld [tilespmem:s3+$0x80];
	v6 =	vpop (erf)  }
0x352: {  	(erf) = vpow2.f32 v4;
	v17 =	vmul.f32 v17, v2;
	[tilespmem:s15+$0x110] =	vst v6  }
0x353: {  	v4 =	vbroadcast v8, $0x1;
	[tilespmem:s14+$0xFFFFFF00] =	vst v7;
	v2 =	vmul.f32 v3, v2;
	v18 =	vld [tilespmem:s29+$0x50]  }
0x354: {  	v32 =	vadd.f32 v52, v51;
	v7 =	vbroadcast v8, $0x3;
	v8 =	vbroadcast v1, $0x3;
	[tilespmem:s14+$0xFFFFFF90] =	vst v17  }
0x355: {  	v1 =	vunpack.i.u.bf16.f32 v11;
	[tilespmem:s14+$0xFFFFFFA0] =	vst v2;
	v2 =	vbroadcast v6, $0x0;
	v11 =	vunpack.i.l.bf16.f32 v11  }
0x356: {  	v36 =	vbroadcast v6, $0x1;
	v20 =	vmul.f32 v11, v4;
	v22 =	vld [tilespmem:s3+$0xFFFFFFD0];
	v3 =	vunpack.i.u.bf16.f32 v15  }
0x357: {  	[tilespmem:s14+$0xFFFFFF10] =	vst v12;
	v1 =	vmul.f32 v1, v4;
	v15 =	vunpack.i.l.bf16.f32 v15;
	v17 =	vpop (erf);
	v3 =	vmul.f32 v3, v8  }
0x358: {  	v5 =	vld [tilespmem:s3+$0xFFFFFF80];
	[tilespmem:s14+$0x20] =	vst v20;
	v15 =	vmul.f32 v15, v8;
	v24 =	vbroadcast v17, $0x0;
	v12 =	vunpack.i.l.bf16.f32 v18  }
0x359: {  	[tilespmem:s15+$0xFFFFFF60] =	vst v17;
	v19 =	vpop (erf);
	v21 =	vbroadcast v17, $0x2;
	v11 =	vunpack.i.u.bf16.f32 v18;
	v12 =	vmul.f32 v2, v12  }
0x35a: {  	vm12 =	vgt.f32 v32, $0.0e+00;
	[tilespmem:s15+$0xFFFFFFF0] =	vst v19;
	v23 =	vld [tilespmem:s29+$0xFFFFFF60];
	v26 =	vbroadcast v19, $0x0;
	v2 =	vmul.f32 v2, v11  }
0x35b: {  	v18 =	vpop (erf);
	v30 =	vbroadcast v19, $0x1;
	v20 =	vunpack.i.u.bf16.f32 v22;
	v11 =	vbroadcast v17, $0x1;
	[tilespmem:s15+$0x90] =	vst v12  }
0x35c: {  	v22 =	vunpack.i.l.bf16.f32 v22;
	v25 =	vld [tilespmem:s29+$0xFFFFFFB0];
	v27 =	vbroadcast v18, $0x0;
	v4 =	vbroadcast v18, $0x2;
	[tilespmem:s15+$0xA0] =	vst v2  }
0x35d: {  	v28 =	vunpack.i.u.bf16.f32 v5;
	v22 =	vmul.f32 v22, v14;
	v14 =	vmul.f32 v20, v14;
	v31 =	vld [tilespmem:s29+$0x60]  }
0x35e: {  	v55 =	vld [tilespmem:s0+$0xFFFFFFF0];
	[tilespmem:s15+$0x80] =	vst v18;
	v20 =	vmul.f32 $2.000000030e-01, v32;
	v12 =	vbroadcast v18, $0x1;
	v2 =	vunpack.i.l.bf16.f32 v5  }
0x35f: {  	[tilespmem:s14+$0x30] =	vst v1;
	v29 =	vld [tilespmem:s29+$0x0];
	v5 =	vbroadcast v19, $0x2;
	v2 =	vmul.f32 v2, v13;
	v1 =	vunpack.i.l.bf16.f32 v23  }
0x360: {  	v58 =	vld [tilespmem:s0+$0x0];
	v13 =	vmul.f32 v28, v13;
	v23 =	vunpack.i.u.bf16.f32 v23;
	v1 =	vmul.f32 v24, v1  }
0x361: {  	v28 =	vld [tilespmem:s3+$0x20];
	v53 =	vunpack.i.u.bf16.f32 v25;
	v25 =	vunpack.i.l.bf16.f32 v25;
	v23 =	vmul.f32 v24, v23  }
0x362: {  	[tilespmem:s14+$0x100] =	vst v3;
	v24 =	vmul.f32 v26, v25;
	v25 =	vld [tilespmem:s16+$0xFFFFFFF0];
	v37 =	vunpack.i.l.bf16.f32 v31;
	v31 =	vunpack.i.u.bf16.f32 v31  }
0x363: {  	v57 =	vld [tilespmem:s16+$0x40];
	[tilespmem:s14+$0xFFFFFF20] =	vst v2;
	v2 =	vbroadcast v17, $0x3;
	v17 =	vsel vm12, v32, v20;
	v31 =	vmul.f32 v31, v36  }
0x364: {  	v54 =	vld [tilespmem:s0+$0xFFFFFFE0];
	v26 =	vmul.f32 v26, v53;
	v56 =	vunpack.i.l.bf16.f32 v29;
	[tilespmem:s15+$0xFFFFFEE0] =	vst v1;
	v37 =	vmul.f32 v37, v36  }
0x365: {  	v29 =	vunpack.i.u.bf16.f32 v29;
	v17 =	vadd.f32 $-8.000000000e+00, v17;
	v1 =	vbroadcast v19, $0x3;
	[tilespmem:s15+$0xC0] =	vst v31;
	v31 =	vld [tilespmem:s16+$0xFFFFFFA0]  }
0x366: {  	v3 =	vunpack.i.l.bf16.f32 v28;
	v36 =	vmul.f32 v27, v56;
	v27 =	vmul.f32 v27, v29;
	[tilespmem:s15+$0xB0] =	vst v37  }
0x367: {  	[tilespmem:s15+$0xFFFFFEF0] =	vst v23;
	v29 =	vunpack.i.u.bf16.f32 v28;
	v38 =	vmul.f32 v3, v16;
	v3 =	vadd.f32 v55, v25;
	v28 =	vld [tilespmem:s29+$0x70]  }
0x368: {  	v19 =	vadd.f32 v58, v57;
	[tilespmem:s15+$0xFFFFFF70] =	vst v24;
	v24 =	vbroadcast v6, $0x2;
	v17 =	vmul.f32 $1.442695020e+00, v17  }
0x369: {  	v16 =	vmul.f32 v29, v16;
	v29 =	vld [tilespmem:s29+$0xFFFFFF70];
	v20 =	vmul.f32 $2.000000030e-01, v3  }
0x36a: {  	[tilespmem:s14+$0xFFFFFFC0] =	vst v14;
	vm15 =	vgt.f32 v19, $0.0e+00;
	vm14 =	vgt.f32 v3, $0.0e+00;
	v23 =	vadd.f32 v54, v31  }
0x36b: {  	[tilespmem:s14+$0xFFFFFF30] =	vst v13;
	(erf) = vpow2.f32 v17;
	v25 =	vmul.f32 $2.000000030e-01, v19;
	v20 =	vsel vm14, v3, v20  }
0x36c: {  	[tilespmem:s15+$0xFFFFFF80] =	vst v26;
	v3 =	vbroadcast v18, $0x3;
	v18 =	vld [tilespmem:s3+$0xFFFFFF90];
	v26 =	vunpack.i.l.bf16.f32 v28;
	v31 =	vmul.f32 $2.000000030e-01, v23  }
0x36d: {  	[tilespmem:s15+$0x0] =	vst v36;
	v28 =	vunpack.i.u.bf16.f32 v28;
	v26 =	vmul.f32 v26, v24;
	vm13 =	vgt.f32 v23, $0.0e+00  }
0x36e: {  	[tilespmem:s15+$0x10] =	vst v27;
	v14 =	vunpack.i.l.bf16.f32 v29;
	v17 =	vmul.f32 v28, v24;
	v24 =	vld [tilespmem:s29+$0xFFFFFFC0];
	v23 =	vsel vm13, v23, v31  }
0x36f: {  	v13 =	vadd.f32 $-8.000000000e+00, v20;
	v20 =	vunpack.i.u.bf16.f32 v29;
	[tilespmem:s15+$0xD0] =	vst v26;
	v23 =	vadd.f32 $-8.000000000e+00, v23  }
0x370: {  	v19 =	vsel vm15, v19, v25;
	v14 =	vmul.f32 v14, v11;
	v11 =	vmul.f32 v20, v11;
	v26 =	vld [tilespmem:s29+$0x10];
	[tilespmem:s15+$0xE0] =	vst v17  }
0x371: {  	[tilespmem:s14+$0xF0] =	vst v15;
	v17 =	vadd.f32 $-8.000000000e+00, v19;
	v25 =	vunpack.i.u.bf16.f32 v18;
	v19 =	vld [tilespmem:s29+$0x80];
	v8 =	vmul.f32 $1.442695020e+00, v23  }
0x372: {  	[tilespmem:s14+$0xFFFFFFB0] =	vst v22;
	v13 =	vmul.f32 $1.442695020e+00, v13;
	v20 =	vmul.f32 v25, v9  }
0x373: {  	v22 =	vld [tilespmem:s3+$0xFFFFFFE0];
	[tilespmem:s14+$0x40] =	vst v38;
	v17 =	vmul.f32 $1.442695020e+00, v17;
	v23 =	vunpack.i.u.bf16.f32 v24;
	(erf) = vpow2.f32 v8  }
0x374: {  	s17 =	simm.s32 $0x1C020;
	[tilespmem:s14+$0x50] =	vst v16;
	v16 =	vunpack.i.l.bf16.f32 v24;
	v8 =	vbroadcast v6, $0x3;
	v6 =	vpop (erf);
	(erf) = vpow2.f32 v13  }
0x375: {  	v23 =	vmul.f32 v23, v30;
	v24 =	vunpack.i.u.bf16.f32 v26;
	v13 =	vld [tilespmem:s3+$0x30];
	[tilespmem:s17+$0x110] =	vst v6;
	(erf) = vpow2.f32 v17  }
0x376: {  	[tilespmem:s15+$0xFFFFFF00] =	vst v14;
	v15 =	vunpack.i.u.bf16.f32 v19;
	v59 =	vmul.f32 v24, v12;
	v17 =	vunpack.i.l.bf16.f32 v26;
	v28 =	vld [tilespmem:s16+$0x50]  }
0x377: {  	[tilespmem:s15+$0xFFFFFF10] =	vst v11;
	v14 =	vmul.f32 v15, v8;
	v15 =	vmul.f32 v16, v30;
	v16 =	vunpack.i.l.bf16.f32 v18  }
0x378: {  	v26 =	vunpack.i.u.bf16.f32 v22;
	v17 =	vmul.f32 v17, v12;
	v12 =	vunpack.i.l.bf16.f32 v22;
	v22 =	vld [tilespmem:s29+$0xFFFFFF80]  }
0x379: {  	[tilespmem:s15+$0xFFFFFFA0] =	vst v23;
	v60 =	vmul.f32 v16, v9;
	v18 =	vmul.f32 v12, v10  }
0x37a: {  	[tilespmem:s15+$0x100] =	vst v14;
	v12 =	vbroadcast v6, $0x0;
	v11 =	vunpack.i.l.bf16.f32 v13;
	v9 =	vunpack.i.u.bf16.f32 v13  }
0x37b: {  	[tilespmem:s15+$0xFFFFFF90] =	vst v15;
	v11 =	vmul.f32 v11, v7;
	v9 =	vmul.f32 v9, v7;
	v7 =	vunpack.i.l.bf16.f32 v28  }
0x37c: {  	v61 =	vld [tilespmem:s29+$0xFFFFFFD0];
	[tilespmem:s15+$0x20] =	vst v17;
	v13 =	vmul.f32 v26, v10;
	v17 =	vunpack.i.u.bf16.f32 v28;
	v7 =	vmul.f32 v12, v7;
	v14 =	vpop (erf)  }
0x37d: {  	v23 =	vmul.f32 v12, v17;
	v63 =	vunpack.i.u.bf16.f32 v22;
	v28 =	vunpack.i.l.bf16.f32 v22;
	[tilespmem:s17+$0xFFFFFF60] =	vst v14;
	v15 =	vpop (erf)  }
0x37e: {  	v32 =	vmul.f32 v28, v21;
	v34 =	vmul.f32 v63, v21;
	v62 =	vld [tilespmem:s16+$0xFFFFFF60];
	[tilespmem:s17+$0xFFFFFFF0] =	vst v15;
	v16 =	vpop (erf)  }
0x37f: {  	v27 =	vbroadcast v14, $0x0;
	v10 =	vbroadcast v14, $0x1;
	[tilespmem:s17+$0x80] =	vst v16;
	v31 =	vld [tilespmem:s16+$0xFFFFFFB0]  }
0x380: {  	v19 =	vunpack.i.l.bf16.f32 v19;
	[tilespmem:s17+$0x90] =	vst v7;
	v7 =	vbroadcast v14, $0x2;
	v26 =	vbroadcast v15, $0x0;
	v29 =	vld [tilespmem:s16+$0x0]  }
0x381: {  	[tilespmem:s17+$0xA0] =	vst v23;
	v25 =	vunpack.i.u.bf16.f32 v61;
	v17 =	vbroadcast v15, $0x1;
	v22 =	vbroadcast v15, $0x2  }
0x382: {  	[tilespmem:s15+$0x30] =	vst v59;
	v28 =	vunpack.i.l.bf16.f32 v61;
	v30 =	vld [tilespmem:s16+$0x60];
	v24 =	vbroadcast v16, $0x0;
	v12 =	vbroadcast v16, $0x1  }
0x383: {  	s22 =	simm.s32 $0x17EE0;
	s3 =	simm.s32 $0x8;
	[tilespmem:s14+$0xFFFFFF40] =	vst v60;
	v21 =	vld [tilespmem:s29+$0x20];
	v23 =	vbroadcast v16, $0x2;
	v33 =	vunpack.i.u.bf16.f32 v62;
	v35 =	vunpack.i.l.bf16.f32 v62  }
.LBB2_9:
0x384: {  	v36 =	vld [tilespmem:s22+$0x90];
	v35 =	vmul.f32 v27, v35;
	v37 =	vunpack.i.u.bf16.f32 v31;
	v31 =	vunpack.i.l.bf16.f32 v31;
	s0 =	sadd.s32 $0x40, s0;
	[tilespmem:s15+$0xFFFFFF20] =	vst v32  }
0x385: {  	v27 =	vmul.f32 v27, v33;
	v32 =	vld [tilespmem:s0+$0x10];
	v33 =	vunpack.i.u.bf16.f32 v29;
	v29 =	vunpack.i.l.bf16.f32 v29;
	[tilespmem:s15+$0xFFFFFF30] =	vst v34  }
0x386: {  	v31 =	vmul.f32 v26, v31;
	v34 =	vld [tilespmem:s0+$0xFFFFFFE0];
	[tilespmem:s17+$0xFFFFFEE0] =	vst v35;
	v35 =	vbroadcast v6, $0x1  }
0x387: {  	v26 =	vmul.f32 v26, v37;
	v38 =	vld [tilespmem:s22+$0xFFFFFFF0];
	[tilespmem:s17+$0xFFFFFEF0] =	vst v27;
	v27 =	vmul.f32 v24, v29;
	v29 =	vunpack.i.l.bf16.f32 v30  }
0x388: {  	s3 =	sadd.s32 $0x4, s3;
	v24 =	vmul.f32 v24, v33;
	v30 =	vunpack.i.u.bf16.f32 v30;
	v37 =	vld [tilespmem:s0+$0xFFFFFFF0];
	[tilespmem:s17+$0xFFFFFF70] =	vst v31;
	v29 =	vmul.f32 v29, v35  }
0x389: {  	p0 =	slt.u32 s3, $0x3C;
	v31 =	vld [tilespmem:s22+$0x40];
	[tilespmem:s17+$0xFFFFFF80] =	vst v26;
	v26 =	vmul.f32 v30, v35;
	v30 =	vunpack.i.u.bf16.f32 v21;
	v21 =	vunpack.i.l.bf16.f32 v21  }
0x38a: {  	v28 =	vmul.f32 v28, v5;
	v25 =	vmul.f32 v25, v5;
	v33 =	vld [tilespmem:s0+$0x0];
	v32 =	vadd.f32 v32, v36;
	[tilespmem:s17+$0xB0] =	vst v29  }
0x38b: {  	v5 =	vmovc v22;
	v21 =	vmul.f32 v21, v4;
	v29 =	vld [tilespmem:s22+$0xFFFFFFA0];
	[tilespmem:s17+$0xC0] =	vst v26;
	v26 =	vmul.f32 v30, v4;
	v4 =	vmov v23  }
0x38c: {  	v14 =	vbroadcast v14, $0x3;
	v22 =	vmul.f32 $2.000000030e-01, v32;
	[tilespmem:s17+$0x0] =	vst v27;
	v23 =	vld [tilespmem:s16+$0x70]  }
0x38d: {  	v15 =	vbroadcast v15, $0x3;
	vm0 =	vgt.f32 v32, $0.0e+00;
	v27 =	vadd.f32 v37, v38;
	v30 =	vld [tilespmem:s16+$0xFFFFFF70];
	[tilespmem:s17+$0x10] =	vst v24  }
0x38e: {  	v16 =	vbroadcast v16, $0x3;
	v8 =	vmul.f32 v19, v8;
	v22 =	vsel vm0, v32, v22;
	v24 =	vld [tilespmem:s16+$0xFFFFFFC0];
	[tilespmem:s15+$0xFFFFFFB0] =	vst v28  }
0x38f: {  	v19 =	vmul.f32 $2.000000030e-01, v27;
	v28 =	vadd.f32 v33, v31;
	v22 =	vadd.f32 $-8.000000000e+00, v22;
	v31 =	vld [tilespmem:s16+$0x10];
	[tilespmem:s15+$0xFFFFFFC0] =	vst v25  }
0x390: {  	vm0 =	vgt.f32 v27, $0.0e+00;
	v25 =	vadd.f32 v34, v29;
	v29 =	vbroadcast v6, $0x2;
	v32 =	vld [tilespmem:s29+$0xFFFFFF90];
	[tilespmem:s15+$0x40] =	vst v21  }
0x391: {  	v21 =	vmul.f32 $2.000000030e-01, v28;
	v22 =	vmul.f32 $1.442695020e+00, v22;
	v33 =	vunpack.i.l.bf16.f32 v23;
	v34 =	vld [tilespmem:s29+$0xFFFFFFE0];
	[tilespmem:s15+$0x50] =	vst v26  }
0x392: {  	v23 =	vunpack.i.u.bf16.f32 v23;
	v26 =	vmul.f32 $2.000000030e-01, v25;
	v33 =	vmul.f32 v33, v29;
	v35 =	vld [tilespmem:s29+$0x30];
	[tilespmem:s14+$0xFFFFFF50] =	vst v20;
	s29 =	smov.u32 s16;
	s16 =	smov.u32 s22  }
0x393: {  	vm1 =	vgt.f32 v25, $0.0e+00;
	v20 =	vmul.f32 v23, v29;
	(erf) = vpow2.f32 v22;
	[tilespmem:s14+$0xFFFFFFD0] =	vst v18  }
0x394: {  	v19 =	vsel vm0, v27, v19;
	vm0 =	vgt.f32 v28, $0.0e+00;
	v18 =	vsel vm1, v25, v26;
	[tilespmem:s17+$0xD0] =	vst v33  }
0x395: {  	v19 =	vadd.f32 $-8.000000000e+00, v19;
	v21 =	vsel vm0, v28, v21;
	v18 =	vadd.f32 $-8.000000000e+00, v18;
	[tilespmem:s17+$0xE0] =	vst v20  }
0x396: {  	v22 =	vunpack.i.l.bf16.f32 v30;
	v20 =	vadd.f32 $-8.000000000e+00, v21;
	v21 =	vunpack.i.u.bf16.f32 v30;
	v23 =	vld [tilespmem:s29+$0x80];
	[tilespmem:s14+$0xFFFFFFE0] =	vst v13  }
0x397: {  	v13 =	vmul.f32 $1.442695020e+00, v18;
	v18 =	vmul.f32 $1.442695020e+00, v19;
	v19 =	vunpack.i.u.bf16.f32 v24;
	[tilespmem:s14+$0x60] =	vst v11  }
0x398: {  	v11 =	vmul.f32 $1.442695020e+00, v20;
	v20 =	vunpack.i.l.bf16.f32 v24;
	v24 =	vunpack.i.u.bf16.f32 v31;
	[tilespmem:s14+$0x70] =	vst v9;
	s14 =	smov.u32 s15;
	s15 =	smov.u32 s17  }
0x399: {  	v9 =	vmul.f32 v22, v10;
	(erf) = vpow2.f32 v13;
	v13 =	vunpack.i.l.bf16.f32 v31;
	[tilespmem:s14+$0xF0] =	vst v8  }
0x39a: {  	v8 =	vbroadcast v6, $0x3;
	(erf) = vpow2.f32 v18;
	v18 =	vunpack.i.u.bf16.f32 v32  }
0x39b: {  	(erf) = vpow2.f32 v11;
	[tilespmem:s17+$0xFFFFFF00] =	vst v9;
	v9 =	vmul.f32 v21, v10;
	v10 =	vunpack.i.u.bf16.f32 v23  }
0x39c: {  	v11 =	vmul.f32 v20, v17;
	s17 =	sadd.s32 $0x240, s17;
	v20 =	vunpack.i.l.bf16.f32 v32;
	v6 =	vpop (erf);
	v10 =	vmul.f32 v10, v8  }
0x39d: {  	v17 =	vmul.f32 v19, v17;
	v21 =	vmul.f32 v13, v12;
	v13 =	vunpack.i.u.bf16.f32 v34;
	[tilespmem:s17+$0x110] =	vst v6  }
0x39e: {  	v33 =	vmul.f32 v24, v12;
	v12 =	vunpack.i.u.bf16.f32 v35;
	v22 =	vld [tilespmem:s22+$0x50];
	[tilespmem:s15+$0x100] =	vst v10;
	v10 =	vunpack.i.l.bf16.f32 v34  }
0x39f: {  	v19 =	vunpack.i.l.bf16.f32 v23;
	v36 =	vmul.f32 v20, v2;
	[tilespmem:s15+$0xFFFFFF10] =	vst v9;
	v9 =	vunpack.i.l.bf16.f32 v35  }
0x3a0: {  	v20 =	vmul.f32 v18, v2;
	v2 =	vmov v14;
	v18 =	vmul.f32 v10, v1;
	v23 =	vld [tilespmem:s29+$0xFFFFFF80];
	[tilespmem:s15+$0xFFFFFF90] =	vst v11  }
0x3a1: {  	v13 =	vmul.f32 v13, v1;
	v1 =	vmov v15;
	v11 =	vmul.f32 v9, v3;
	[tilespmem:s15+$0xFFFFFFA0] =	vst v17  }
0x3a2: {  	v9 =	vmul.f32 v12, v3;
	v3 =	vmov v16;
	v17 =	vbroadcast v6, $0x0;
	v14 =	vpop (erf);
	v28 =	vld [tilespmem:s29+$0xFFFFFFD0];
	[tilespmem:s15+$0x20] =	vst v21  }
0x3a3: {  	[tilespmem:s17+$0xFFFFFF60] =	vst v14;
	v27 =	vbroadcast v14, $0x0;
	v10 =	vbroadcast v14, $0x1;
	v12 =	vunpack.i.l.bf16.f32 v22;
	v15 =	vpop (erf)  }
0x3a4: {  	v22 =	vunpack.i.u.bf16.f32 v22;
	v21 =	vld [tilespmem:s22+$0xFFFFFF60];
	[tilespmem:s17+$0xFFFFFFF0] =	vst v15;
	v26 =	vbroadcast v15, $0x0;
	v25 =	vmul.f32 v17, v12;
	v16 =	vpop (erf)  }
.Ltmp3:
0x3a5: {  	v30 =	vmul.f32 v17, v22;
	v31 =	vld [tilespmem:s22+$0xFFFFFFB0];
	[tilespmem:s17+$0x80] =	vst v16;
	v24 =	vbroadcast v16, $0x0;
	v34 =	vunpack.i.u.bf16.f32 v23;
	(pc) =	sbr.rel @p0 .LBB2_9-.Ltmp3, $4  }
0x3a6: {  	v17 =	vbroadcast v15, $0x1;
	v12 =	vbroadcast v16, $0x1;
	v32 =	vunpack.i.l.bf16.f32 v23;
	v29 =	vld [tilespmem:s22+$0x0];
	[tilespmem:s17+$0x90] =	vst v25  }
0x3a7: {  	v37 =	vbroadcast v14, $0x2;
	v22 =	vbroadcast v15, $0x2;
	[tilespmem:s17+$0xA0] =	vst v30;
	v25 =	vunpack.i.u.bf16.f32 v28  }
0x3a8: {  	v23 =	vbroadcast v16, $0x2;
	v32 =	vmul.f32 v32, v7;
	v28 =	vunpack.i.l.bf16.f32 v28;
	v30 =	vld [tilespmem:s22+$0x60];
	[tilespmem:s15+$0x30] =	vst v33  }
0x3a9: {  	v34 =	vmul.f32 v34, v7;
	v7 =	vmovc v37;
	s22 =	sadd.s32 $0x140, s22;
	v33 =	vunpack.i.u.bf16.f32 v21;
	v35 =	vunpack.i.l.bf16.f32 v21;
	v21 =	vld [tilespmem:s29+$0x20];
	[tilespmem:s14+$0xFFFFFF40] =	vst v36  }
0x3aa: {  	[tilespmem:s15+$0xFFFFFF20] =	vst v32  }
0x3ab: {  	[tilespmem:s14+$0xFFFFFF50] =	vst v20  }
0x3ac: {  	[tilespmem:s14+$0xFFFFFFD0] =	vst v18  }
0x3ad: {  	[tilespmem:s14+$0xFFFFFFE0] =	vst v13  }
0x3ae: {  	[tilespmem:s14+$0x60] =	vst v11  }
0x3af: {  	v35 =	vmul.f32 v27, v35;
	[tilespmem:s14+$0x70] =	vst v9  }
0x3b0: {  	v42 =	vmul.f32 v27, v33;
	[tilespmem:s15+$0xFFFFFF30] =	vst v34  }
0x3b1: {  	v53 =	vmul.f32 v28, v5;
	[tilespmem:s17+$0xFFFFFEE0] =	vst v35  }
0x3b2: {  	v41 =	vunpack.i.l.bf16.f32 v31;
	v55 =	vmul.f32 v25, v5;
	[tilespmem:s17+$0xFFFFFEF0] =	vst v42  }
0x3b3: {  	v43 =	vunpack.i.u.bf16.f32 v31;
	v32 =	vmul.f32 v26, v41;
	[tilespmem:s15+$0xFFFFFFB0] =	vst v53  }
0x3b4: {  	v45 =	vmul.f32 v26, v43;
	[tilespmem:s15+$0xFFFFFFC0] =	vst v55  }
0x3b5: {  	v44 =	vbroadcast v6, $0x1;
	v8 =	vmul.f32 v19, v8;
	v48 =	vunpack.i.l.bf16.f32 v29;
	[tilespmem:s17+$0xFFFFFF70] =	vst v32  }
0x3b6: {  	v51 =	vmul.f32 v24, v48;
	v31 =	vld [tilespmem:s29+$0xFFFFFF90];
	v46 =	vunpack.i.l.bf16.f32 v30;
	[tilespmem:s17+$0xFFFFFF80] =	vst v45  }
0x3b7: {  	[tilespmem:s15+$0xF0] =	vst v8;
	v47 =	vunpack.i.u.bf16.f32 v30;
	v27 =	vmul.f32 v46, v44;
	v62 =	vld [tilespmem:s16+$0xFFFFFFC0]  }
0x3b8: {  	v50 =	vunpack.i.u.bf16.f32 v29;
	v49 =	vmul.f32 v47, v44;
	[tilespmem:s17+$0x0] =	vst v51  }
0x3b9: {  	v52 =	vmul.f32 v24, v50;
	v59 =	vld [tilespmem:s16+$0xFFFFFF70];
	v54 =	vunpack.i.l.bf16.f32 v21;
	[tilespmem:s17+$0xB0] =	vst v27  }
0x3ba: {  	v56 =	vunpack.i.u.bf16.f32 v21;
	v57 =	vmul.f32 v54, v4;
	[tilespmem:s17+$0xC0] =	vst v49  }
0x3bb: {  	[tilespmem:s17+$0x10] =	vst v52;
	v58 =	vmul.f32 v56, v4;
	v27 =	vld [tilespmem:s16+$0x70];
	v40 =	vunpack.i.l.bf16.f32 v31  }
0x3bc: {  	v26 =	vld [tilespmem:s16+$0x10];
	[tilespmem:s15+$0x40] =	vst v57;
	v42 =	vmul.f32 v40, v2;
	v29 =	vunpack.i.l.bf16.f32 v62  }
0x3bd: {  	[tilespmem:s15+$0x50] =	vst v58;
	v4 =	vunpack.i.u.bf16.f32 v62;
	v11 =	vmul.f32 v29, v17  }
0x3be: {  	v51 =	vunpack.i.u.bf16.f32 v31;
	v5 =	vunpack.i.u.bf16.f32 v59;
	v4 =	vmul.f32 v4, v17;
	[tilespmem:s15+$0xFFFFFF40] =	vst v42  }
0x3bf: {  	v2 =	vmul.f32 v51, v2;
	v5 =	vmul.f32 v5, v10;
	[tilespmem:s17+$0xFFFFFF90] =	vst v11  }
0x3c0: {  	v48 =	vld [tilespmem:s29+$0x30];
	v61 =	vunpack.i.l.bf16.f32 v27;
	v63 =	vunpack.i.u.bf16.f32 v27;
	v27 =	vunpack.i.l.bf16.f32 v59;
	[tilespmem:s17+$0xFFFFFFA0] =	vst v4  }
0x3c1: {  	v32 =	vunpack.i.l.bf16.f32 v26;
	[tilespmem:s15+$0xFFFFFF50] =	vst v2;
	v28 =	vmul.f32 v27, v10;
	v37 =	vld [tilespmem:s16+$0xFFFFFFD0]  }
0x3c2: {  	v60 =	vbroadcast v6, $0x2;
	v33 =	vunpack.i.u.bf16.f32 v26;
	[tilespmem:s17+$0xFFFFFF10] =	vst v5;
	v34 =	vmul.f32 v32, v12  }
0x3c3: {  	v45 =	vld [tilespmem:s29+$0xFFFFFFE0];
	v5 =	vmul.f32 v33, v12;
	[tilespmem:s17+$0xFFFFFF00] =	vst v28  }
0x3c4: {  	v24 =	vmul.f32 v61, v60;
	[tilespmem:s17+$0x20] =	vst v34;
	v35 =	vld [tilespmem:s16+$0xFFFFFF80]  }
0x3c5: {  	v25 =	vmul.f32 v63, v60;
	[tilespmem:s17+$0x30] =	vst v5;
	v55 =	vunpack.i.l.bf16.f32 v48  }
0x3c6: {  	v36 =	vbroadcast v6, $0x3;
	v41 =	vld [tilespmem:s16+$0x20];
	v57 =	vmul.f32 v55, v3;
	[tilespmem:s17+$0xD0] =	vst v24;
	v6 =	vunpack.i.u.bf16.f32 v37  }
0x3c7: {  	[tilespmem:s17+$0xE0] =	vst v25;
	v46 =	vunpack.i.l.bf16.f32 v37;
	v6 =	vmul.f32 v6, v22  }
0x3c8: {  	v52 =	vunpack.i.l.bf16.f32 v45;
	v54 =	vunpack.i.u.bf16.f32 v45;
	[tilespmem:s15+$0x60] =	vst v57;
	v47 =	vmul.f32 v46, v22  }
0x3c9: {  	v30 =	vld [tilespmem:s16+$0x80];
	v44 =	vunpack.i.u.bf16.f32 v35;
	[tilespmem:s17+$0xFFFFFFC0] =	vst v6;
	v6 =	vmul.f32 v52, v1;
	v1 =	vmul.f32 v54, v1  }
0x3ca: {  	v43 =	vunpack.i.l.bf16.f32 v35;
	[tilespmem:s17+$0xFFFFFFB0] =	vst v47;
	v5 =	vmul.f32 v44, v7  }
0x3cb: {  	v49 =	vunpack.i.l.bf16.f32 v41;
	v9 =	vmul.f32 v43, v7;
	[tilespmem:s15+$0xFFFFFFE0] =	vst v1  }
0x3cc: {  	v50 =	vunpack.i.u.bf16.f32 v41;
	v56 =	vld [tilespmem:s16+$0xFFFFFFE0];
	[tilespmem:s17+$0xFFFFFF30] =	vst v5;
	v5 =	vmul.f32 v49, v23  }
0x3cd: {  	v2 =	vunpack.i.u.bf16.f32 v48;
	[tilespmem:s17+$0xFFFFFF20] =	vst v9;
	v9 =	vmul.f32 v50, v23  }
0x3ce: {  	v2 =	vmul.f32 v2, v3;
	v59 =	vunpack.i.l.bf16.f32 v30;
	v53 =	vld [tilespmem:s16+$0xFFFFFF90];
	[tilespmem:s17+$0x40] =	vst v5  }
0x3cf: {  	v1 =	vmul.f32 v59, v36;
	[tilespmem:s17+$0x50] =	vst v9  }
0x3d0: {  	v61 =	vbroadcast v15, $0x3;
	[tilespmem:s15+$0x70] =	vst v2;
	v38 =	vunpack.i.u.bf16.f32 v30;
	v3 =	vld [tilespmem:s16+$0x30]  }
0x3d1: {  	v39 =	vmul.f32 v38, v36;
	[tilespmem:s17+$0xF0] =	vst v1;
	v1 =	vunpack.i.l.bf16.f32 v56  }
0x3d2: {  	v58 =	vbroadcast v14, $0x3;
	[tilespmem:s15+$0xFFFFFFD0] =	vst v6;
	v5 =	vunpack.i.u.bf16.f32 v56;
	v1 =	vmul.f32 v1, v61  }
0x3d3: {  	[tilespmem:s17+$0x100] =	vst v39;
	v5 =	vmul.f32 v5, v61;
	v2 =	vunpack.i.u.bf16.f32 v53  }
0x3d4: {  	s25 =	sadd.s32 $0x1, s25;
	v62 =	vbroadcast v16, $0x3;
	v60 =	vunpack.i.l.bf16.f32 v53;
	[tilespmem:s17+$0xFFFFFFD0] =	vst v1;
	v2 =	vmul.f32 v2, v58  }
0x3d5: {  	p0 =	sne.s32 s25, $0x52;
	[tilespmem:s17+$0xFFFFFFE0] =	vst v5;
	v4 =	vmul.f32 v60, v58;
	v63 =	vunpack.i.l.bf16.f32 v3  }
.Ltmp4:
0x3d6: {  	[tilespmem:s17+$0xFFFFFF50] =	vst v2;
	v2 =	vunpack.i.u.bf16.f32 v3;
	v3 =	vmul.f32 v63, v62;
	(pc) =	sbr.rel @p0 .LBB2_2-.Ltmp4, $4  }
0x3d7: {  	[tilespmem:s17+$0xFFFFFF40] =	vst v4;
	v1 =	vmul.f32 v2, v62  }
0x3d8: {  	[tilespmem:s17+$0x60] =	vst v3  }
0x3d9: {  	[tilespmem:s17+$0x70] =	vst v1  }
0x3da: {  	[spmem:s2] =	stream.indirect.scatter.add.f32 [tilespmem:s8], [sflag:$0xA], $0x90, s19, s28, $0xb8;
	[tilespmem:$0x1DE80] =	vst v63  }
0x3db: {  	_ =	swait.ge [sflag:s20], $0x2400  }
0x3dc: {  	[sflag:s20] =	ssyncset.done $0x0  }
0x3dd: {  	[sflag:s20] =	ssyncadd.s32 $0xFFFFDC00  }
0x3de: {  	_ =	swait.ge [sflag:s24], $0x2400  }
0x3df: {  	[sflag:s24] =	ssyncset.done $0x0  }
0x3e0: {  	[sflag:s24] =	ssyncadd.s32 $0xFFFFDC00  }
0x3e1: {  	[bflag:$0x0] =	sbarrier.arrive $0xFFFF  }
0x3e2: {  	s14 =	rddreg [dreg:$0x5]  }
0x3e3: {  	s0 =	rddreg [dreg:$0xe]  }
0x3e4: {  	s16 =	simm.s32 $0xB;
	s15 =	rddreg [dreg:$0x10]  }
0x3e5: {  	[hbm:s0], [sflag:s14] =	dma.local [spmem:s15], $0x2C70  }
0x3e6: {  	_ =	swait.ge [sflag:s16], $0x2C70  }
0x3e7: {  	s3 =	rddreg [dreg:$0x11]  }
0x3e8: {  	s29 =	rddreg [dreg:$0xf];
	s3 =	sadd.s32 $0x1, s3  }
0x3e9: {  	p0 =	sne.s32 s3, s29  }
.Ltmp5:
0x3ea: {  	_ = 	snop;
	(pc) =	sbr.rel @p0 .LBB2_1-.Ltmp5, $3  }
0x3eb: {  	_ =	sdelay $0x1  }
0x3ec: {  	[sflag:s16] =	ssyncset.done $0x0  }
0x3ed: {  	[sflag:s16] =	ssyncadd.s32 $0xFFFFD390  }
0x3ee: {  	_ =	sfence.sel $0x180000  }
0x3ef: {  	[bflag:$0x0] =	sbarrier.arrive $0xFFFF  }
0x3f0: {  	_ =	strace $0x90000047  }
0x3f1: {  	s0 =	stileid.u32;
	[bflag:$0x2] =	sbarrier.arrive $0xFFFF  }
0x3f2: {  	p0 =	sne.s32 s0, $0x0;
	s0 =	rddreg [dreg:$0x3]  }
0x3f3: {  	s0 =	sadd.s32 @!p0 $0x100000, s0  }
0x3f4: {  	[sflag:s0] =	ssyncadd.tile.s32 @!p0 $0x1;
	_ =	shalt  }
.Lfunc_end2:
_tile_overlayer_lowered:
.L_overlay_start_2:
0x3f5: {  	(tag) =	ssettag $0x2  }
0x3f6: {  	s0 =	rddreg [dreg:$0x0];
	s2 =	stileid.u32  }
0x3f7: {  	s1 =	rddreg [dreg:$0x1];
	p0 =	sne.s32 s2, $0x0  }
0x3f8: {  	s3 =	rddreg [dreg:$0x2];
	[bflag:$0x3] =	sbarrier.arrive $0xFFFF;
	s2 =	simm.s32 @!p0 $0x1C0B  }
0x3f9: {  	[timem:s3], [sflag:s2] =	dma.local @!p0 [hbm:s0], s1  }
0x3fa: {  	s0 =	simm.s32 @!p0 $0xB  }
0x3fb: {  	_ =	swait.ge @!p0 [sflag:s0], s1  }
0x3fc: {  	s1 =	ssub.s32 @!p0 $0x0, s1;
	[sflag:s0] =	ssyncset.done @!p0 $0x0  }
0x3fd: {  	[sflag:s0] =	ssyncadd.s32 @!p0 s1  }
0x3fe: {  	[bflag:$0x3] =	sbarrier.arrive $0xFFFF  }
0x3ff: {  	_ =	shalt  }

</sc_bundles>
